<compile_context>
chip_gen: v7x
topology: tpu7x:2x2x1
jax: 0.10.2.dev20260603
libtpu: 0.0.44.dev20260713+nightly
codegen_flags: <defaults>
</compile_context>

<pallas_src>
import functools

import jax
import jax.numpy as jnp
from jax import lax
from jax.experimental import pallas as pl
from jax.experimental.pallas import tpu as pltpu
from jax.experimental.pallas import tpu_sc as plsc



def _fold_sumsq(v, axis):
    s = v * v
    n = s.shape[axis]
    while n > 1:
        n //= 2
        if axis == 0:
            s = s[:n, :] + s[n:2 * n, :]
        else:
            s = s[:, :n] + s[:, n:2 * n]
    return s


def _argmax_reduce(s, io_ref, K):
    R = s.shape[0]
    TW = 128
    T = K // TW
    RC = 64
    outs = []
    for r0 in range(0, R, RC):
        m = s[r0:r0 + RC, 0:TW]
        tt = jnp.zeros((RC, TW), jnp.float32)
        for t in range(1, T):
            st = s[r0:r0 + RC, t * TW:(t + 1) * TW]
            upd = st > m
            m = jnp.where(upd, st, m)
            tt = jnp.where(upd, float(t), tt)
        g = tt * float(TW) + io_ref[:, :TW]
        mm = jnp.max(m, axis=1, keepdims=True)
        idxf = jnp.min(jnp.where(m == mm, g, float(K)), axis=1)
        outs.append(jnp.minimum(idxf, K - 1).astype(jnp.int32))
    return jnp.concatenate(outs, axis=0)


def _argmax_body(x_ref, cbT_ref, xn_ref, idx_ref, bs_ref, io_ref):
    K = cbT_ref.shape[1]

    @pl.when(pl.program_id(0) == 0)
    def _prep():
        c = cbT_ref[...]
        cn = c / (jnp.sqrt(_fold_sumsq(c, 0)) + 1e-8)
        bs_ref[...] = cn.astype(jnp.bfloat16)
        io_ref[...] = lax.broadcasted_iota(jnp.int32, (1, K),
                                           1).astype(jnp.float32)

    x = x_ref[...]
    xn = x / (jnp.sqrt(_fold_sumsq(x, 1)) + 1e-8)
    xn_ref[...] = xn

    s = lax.dot_general(xn.astype(jnp.bfloat16), bs_ref[...],
                        (((1,), (0,)), ((), ())),
                        preferred_element_type=jnp.float32)
    idx_ref[...] = _argmax_reduce(s, io_ref, K)


def _tc_argmax(x_DL, codebook_KL, block_d):
    D, L = x_DL.shape
    K = codebook_KL.shape[0]
    return pl.pallas_call(
        _argmax_body,
        grid=(D // block_d,),
        in_specs=[
            pl.BlockSpec((block_d, L), lambda i: (i, 0)),
            pl.BlockSpec((L, K), lambda i: (0, 0)),
        ],
        out_specs=[
            pl.BlockSpec((block_d, L), lambda i: (i, 0)),
            pl.BlockSpec((block_d,), lambda i: (i,)),
        ],
        out_shape=[
            jax.ShapeDtypeStruct((D, L), jnp.float32),
            jax.ShapeDtypeStruct((D,), jnp.int32),
        ],
        scratch_shapes=[pltpu.VMEM((L, K), jnp.bfloat16),
                        pltpu.VMEM((1, K), jnp.float32)],
    )(x_DL, codebook_KL.T)



_SC_CHUNK = 128


def _sc_gather(codebook_KL, indices_D):
    D = indices_D.shape[0]
    L = codebook_KL.shape[1]
    info = plsc.get_sparse_core_info()
    nw = info.num_cores * info.num_subcores
    b_per_w = D // nw
    n_chunks = b_per_w // _SC_CHUNK
    mesh = plsc.VectorSubcoreMesh(core_axis_name="c", subcore_axis_name="s")

    @functools.partial(
        pl.kernel,
        mesh=mesh,
        compiler_params=pltpu.CompilerParams(use_tc_tiling_on_sc=False),
        out_type=jax.ShapeDtypeStruct((D, L), jnp.float32),
        scratch_types=[
            pltpu.VMEM((b_per_w,), jnp.int32),
            pltpu.VMEM((b_per_w, L), jnp.float32),
            pltpu.SemaphoreType.DMA,
        ],
    )
    def gather_kernel(table_hbm, idx_hbm, out_hbm, idx_v, rows_v, sem):
        wid = lax.axis_index("s") * info.num_cores + lax.axis_index("c")
        base = wid * b_per_w
        pltpu.sync_copy(idx_hbm.at[pl.ds(base, b_per_w)], idx_v)
        copies = [
            pltpu.async_copy(
                table_hbm.at[idx_v.at[pl.ds(c * _SC_CHUNK, _SC_CHUNK)]],
                rows_v.at[pl.ds(c * _SC_CHUNK, _SC_CHUNK)],
                sem,
            )
            for c in range(n_chunks)
        ]
        for cp in copies:
            cp.wait()
        pltpu.sync_copy(rows_v, out_hbm.at[pl.ds(base, b_per_w)])

    return gather_kernel(codebook_KL, indices_D)


def kernel(x_DL, codebook_KL, training):
    xn_DL, indices_D = _tc_argmax(x_DL, codebook_KL, block_d=512)
    z_DL = _sc_gather(codebook_KL, indices_D)
    return (z_DL, z_DL, xn_DL, indices_D)

# --- scband reference (transcript-rebuilt; emitter-appended) ---
"""Pipeline reference for scband-vector-quantizer-28698971472261 (READ-ONLY COPY).

The authoritative reference and input builder live on the scoring server;
editing this copy changes nothing except your own understanding.
"""

import jax, jax.numpy as jnp
import numpy as np


def normalize(x):
    return x / (jnp.linalg.norm(x, ord=2, axis=-1, keepdims=True) + 1e-08)


def setup_inputs(seed: int = 0) -> dict:
    key = jax.random.key(seed)
    k1, k2 = jax.random.split(key)
    D, L, K = 32768, 32, 8192
    x_DL = jax.random.normal(k1, (D, L), dtype=jnp.float32)
    # lecun_uniform init for codebook: uniform(-limit, limit), limit = sqrt(3 / fan_in)
    limit = float(np.sqrt(3.0 / L))
    codebook_KL = jax.random.uniform(k2, (K, L), minval=-limit, maxval=limit, dtype=jnp.float32)
    codebook_KL = normalize(codebook_KL)
    return {"x_DL": x_DL, "codebook_KL": codebook_KL, "training": False}


def reference(x_DL, codebook_KL, training=False):
    # Faithful translation of VectorQuantizer.__call__ (dropout is identity at
    # training=False, matching eval-mode nnx.Dropout).
    x_DL = normalize(x_DL)
    normalized_codebook_KL = normalize(codebook_KL)
    distance_DK = -jnp.matmul(x_DL, normalized_codebook_KL.T)
    indices_D = jnp.argmin(distance_DK, axis=-1)
    z_DL = jnp.take(codebook_KL, indices_D, axis=0)
    z_q_DL = x_DL + jax.lax.stop_gradient(z_DL - x_DL)
    return (z_q_DL, z_DL, x_DL, indices_D)

if __name__ == "__main__":
    import jax
    _d = setup_inputs()
    print(jax.jit(kernel)(*tuple(_d.values())))

</pallas_src>

<mosaic_0001>
#map = affine_map<(d0, d1) -> (0, 0)>
#map1 = affine_map<(d0, d1) -> (0)>
module attributes {stable_mosaic.version = 14 : i64} {
  func.func @gather_kernel(%arg0: i32, %arg1: i32, %arg2: memref<8192x32xf32, #tpu.memory_space<hbm>>, %arg3: memref<32768xi32, #tpu.memory_space<hbm>>, %arg4: memref<32768x32xf32, #tpu.memory_space<hbm>>, %arg5: memref<1024xi32, #tpu.memory_space<vmem>>, %arg6: memref<1024x32xf32, #tpu.memory_space<vmem>>, %arg7: memref<!tpu.dma_semaphore, #tpu.memory_space<semaphore_mem>>) attributes {dimension_semantics = [#tpu.dimension_semantics<core_parallel>, #tpu.dimension_semantics<subcore_parallel>], iteration_bounds = array<i64: 2, 16>, scalar_prefetch = 0 : i64, scratch_operands = 3 : i64, tpu.core_type = #tpu.core_type<sc_vector_subcore>, window_params = [{transform_indices = #map}, {transform_indices = #map1}, {transform_indices = #map}]} {
    %mul3A = arith.constant 2 : i32
    %mul3A_0 = arith.muli %arg1, %mul3A : i32
    %add3A = arith.addi %mul3A_0, %arg0 : i32
    %mul3A_1 = arith.constant 1024 : i32
    %mul3A_2 = arith.muli %add3A, %mul3A_1 : i32
    "tpu.region"() ({
      %run_scoped3A = tpu.sem_alloc : memref<!tpu.dma_semaphore, #tpu.memory_space<semaphore_mem>>
      %dma_start3A_129 = tpu.memref_slice %arg3[%mul3A_2] : memref<32768xi32, #tpu.memory_space<hbm>> -> memref<1024xi32, #tpu.memory_space<hbm>>
      %dma_start3A_130 = tpu.memref_slice %arg3[%mul3A_2] : memref<32768xi32, #tpu.memory_space<hbm>> -> memref<1024xi32, #tpu.memory_space<hbm>>
      tpu.enqueue_dma source(%dma_start3A_130 : memref<1024xi32, #tpu.memory_space<hbm>>) target(%arg5 : memref<1024xi32, #tpu.memory_space<vmem>>) target_semaphore(%run_scoped3A : memref<!tpu.dma_semaphore, #tpu.memory_space<semaphore_mem>>)
      %dma_wait3A_131 = tpu.memref_slice %arg3[%mul3A_2] : memref<32768xi32, #tpu.memory_space<hbm>> -> memref<1024xi32, #tpu.memory_space<hbm>>
      %dma_wait3A_132 = tpu.memref_slice %arg3[%mul3A_2] : memref<32768xi32, #tpu.memory_space<hbm>> -> memref<1024xi32, #tpu.memory_space<hbm>>
      tpu.wait_dma2 semaphore(%run_scoped3A : memref<!tpu.dma_semaphore, #tpu.memory_space<semaphore_mem>>) src(%dma_wait3A_132 : memref<1024xi32, #tpu.memory_space<hbm>>) dst(%arg5 : memref<1024xi32, #tpu.memory_space<vmem>>)
      tpu.yield
    }) : () -> ()
    %dma_start3A = arith.constant 0 : i32
    %dma_start3A_3 = arith.constant 0 : i32
    %dma_start3A_4 = tpu.memref_slice %arg6[%dma_start3A, %dma_start3A_3] : memref<1024x32xf32, #tpu.memory_space<vmem>> -> memref<128x32xf32, #tpu.memory_space<vmem>>
    %dma_start3A_5 = arith.constant 0 : i32
    %dma_start3A_6 = tpu.memref_slice %arg5[%dma_start3A_5] : memref<1024xi32, #tpu.memory_space<vmem>> -> memref<128xi32, #tpu.memory_space<vmem>>
    %dma_start3A_7 = arith.constant 0 : i32
    %dma_start3A_8 = arith.constant 0 : i32
    %dma_start3A_9 = tpu.memref_slice %arg2[%dma_start3A_7, %dma_start3A_8] : memref<8192x32xf32, #tpu.memory_space<hbm>> -> memref<8192x32xf32, #tpu.memory_space<hbm>>
    tpu.enqueue_indirect_dma source(%dma_start3A_9 : memref<8192x32xf32, #tpu.memory_space<hbm>>) target(%dma_start3A_4 : memref<128x32xf32, #tpu.memory_space<vmem>>) offsets(%dma_start3A_6 : memref<128xi32, #tpu.memory_space<vmem>>) semaphore(%arg7 : memref<!tpu.dma_semaphore, #tpu.memory_space<semaphore_mem>>)
    %dma_start3A_10 = arith.constant 128 : i32
    %dma_start3A_11 = arith.constant 0 : i32
    %dma_start3A_12 = tpu.memref_slice %arg6[%dma_start3A_10, %dma_start3A_11] : memref<1024x32xf32, #tpu.memory_space<vmem>> -> memref<128x32xf32, #tpu.memory_space<vmem>>
    %dma_start3A_13 = arith.constant 128 : i32
    %dma_start3A_14 = tpu.memref_slice %arg5[%dma_start3A_13] : memref<1024xi32, #tpu.memory_space<vmem>> -> memref<128xi32, #tpu.memory_space<vmem>>
    %dma_start3A_15 = arith.constant 0 : i32
    %dma_start3A_16 = arith.constant 0 : i32
    %dma_start3A_17 = tpu.memref_slice %arg2[%dma_start3A_15, %dma_start3A_16] : memref<8192x32xf32, #tpu.memory_space<hbm>> -> memref<8192x32xf32, #tpu.memory_space<hbm>>
    tpu.enqueue_indirect_dma source(%dma_start3A_17 : memref<8192x32xf32, #tpu.memory_space<hbm>>) target(%dma_start3A_12 : memref<128x32xf32, #tpu.memory_space<vmem>>) offsets(%dma_start3A_14 : memref<128xi32, #tpu.memory_space<vmem>>) semaphore(%arg7 : memref<!tpu.dma_semaphore, #tpu.memory_space<semaphore_mem>>)
    %dma_start3A_18 = arith.constant 256 : i32
    %dma_start3A_19 = arith.constant 0 : i32
    %dma_start3A_20 = tpu.memref_slice %arg6[%dma_start3A_18, %dma_start3A_19] : memref<1024x32xf32, #tpu.memory_space<vmem>> -> memref<128x32xf32, #tpu.memory_space<vmem>>
    %dma_start3A_21 = arith.constant 256 : i32
    %dma_start3A_22 = tpu.memref_slice %arg5[%dma_start3A_21] : memref<1024xi32, #tpu.memory_space<vmem>> -> memref<128xi32, #tpu.memory_space<vmem>>
    %dma_start3A_23 = arith.constant 0 : i32
    %dma_start3A_24 = arith.constant 0 : i32
    %dma_start3A_25 = tpu.memref_slice %arg2[%dma_start3A_23, %dma_start3A_24] : memref<8192x32xf32, #tpu.memory_space<hbm>> -> memref<8192x32xf32, #tpu.memory_space<hbm>>
    tpu.enqueue_indirect_dma source(%dma_start3A_25 : memref<8192x32xf32, #tpu.memory_space<hbm>>) target(%dma_start3A_20 : memref<128x32xf32, #tpu.memory_space<vmem>>) offsets(%dma_start3A_22 : memref<128xi32, #tpu.memory_space<vmem>>) semaphore(%arg7 : memref<!tpu.dma_semaphore, #tpu.memory_space<semaphore_mem>>)
    %dma_start3A_26 = arith.constant 384 : i32
    %dma_start3A_27 = arith.constant 0 : i32
    %dma_start3A_28 = tpu.memref_slice %arg6[%dma_start3A_26, %dma_start3A_27] : memref<1024x32xf32, #tpu.memory_space<vmem>> -> memref<128x32xf32, #tpu.memory_space<vmem>>
    %dma_start3A_29 = arith.constant 384 : i32
    %dma_start3A_30 = tpu.memref_slice %arg5[%dma_start3A_29] : memref<1024xi32, #tpu.memory_space<vmem>> -> memref<128xi32, #tpu.memory_space<vmem>>
    %dma_start3A_31 = arith.constant 0 : i32
    %dma_start3A_32 = arith.constant 0 : i32
    %dma_start3A_33 = tpu.memref_slice %arg2[%dma_start3A_31, %dma_start3A_32] : memref<8192x32xf32, #tpu.memory_space<hbm>> -> memref<8192x32xf32, #tpu.memory_space<hbm>>
    tpu.enqueue_indirect_dma source(%dma_start3A_33 : memref<8192x32xf32, #tpu.memory_space<hbm>>) target(%dma_start3A_28 : memref<128x32xf32, #tpu.memory_space<vmem>>) offsets(%dma_start3A_30 : memref<128xi32, #tpu.memory_space<vmem>>) semaphore(%arg7 : memref<!tpu.dma_semaphore, #tpu.memory_space<semaphore_mem>>)
    %dma_start3A_34 = arith.constant 512 : i32
    %dma_start3A_35 = arith.constant 0 : i32
    %dma_start3A_36 = tpu.memref_slice %arg6[%dma_start3A_34, %dma_start3A_35] : memref<1024x32xf32, #tpu.memory_space<vmem>> -> memref<128x32xf32, #tpu.memory_space<vmem>>
    %dma_start3A_37 = arith.constant 512 : i32
    %dma_start3A_38 = tpu.memref_slice %arg5[%dma_start3A_37] : memref<1024xi32, #tpu.memory_space<vmem>> -> memref<128xi32, #tpu.memory_space<vmem>>
    %dma_start3A_39 = arith.constant 0 : i32
    %dma_start3A_40 = arith.constant 0 : i32
    %dma_start3A_41 = tpu.memref_slice %arg2[%dma_start3A_39, %dma_start3A_40] : memref<8192x32xf32, #tpu.memory_space<hbm>> -> memref<8192x32xf32, #tpu.memory_space<hbm>>
    tpu.enqueue_indirect_dma source(%dma_start3A_41 : memref<8192x32xf32, #tpu.memory_space<hbm>>) target(%dma_start3A_36 : memref<128x32xf32, #tpu.memory_space<vmem>>) offsets(%dma_start3A_38 : memref<128xi32, #tpu.memory_space<vmem>>) semaphore(%arg7 : memref<!tpu.dma_semaphore, #tpu.memory_space<semaphore_mem>>)
    %dma_start3A_42 = arith.constant 640 : i32
    %dma_start3A_43 = arith.constant 0 : i32
    %dma_start3A_44 = tpu.memref_slice %arg6[%dma_start3A_42, %dma_start3A_43] : memref<1024x32xf32, #tpu.memory_space<vmem>> -> memref<128x32xf32, #tpu.memory_space<vmem>>
    %dma_start3A_45 = arith.constant 640 : i32
    %dma_start3A_46 = tpu.memref_slice %arg5[%dma_start3A_45] : memref<1024xi32, #tpu.memory_space<vmem>> -> memref<128xi32, #tpu.memory_space<vmem>>
    %dma_start3A_47 = arith.constant 0 : i32
    %dma_start3A_48 = arith.constant 0 : i32
    %dma_start3A_49 = tpu.memref_slice %arg2[%dma_start3A_47, %dma_start3A_48] : memref<8192x32xf32, #tpu.memory_space<hbm>> -> memref<8192x32xf32, #tpu.memory_space<hbm>>
    tpu.enqueue_indirect_dma source(%dma_start3A_49 : memref<8192x32xf32, #tpu.memory_space<hbm>>) target(%dma_start3A_44 : memref<128x32xf32, #tpu.memory_space<vmem>>) offsets(%dma_start3A_46 : memref<128xi32, #tpu.memory_space<vmem>>) semaphore(%arg7 : memref<!tpu.dma_semaphore, #tpu.memory_space<semaphore_mem>>)
    %dma_start3A_50 = arith.constant 768 : i32
    %dma_start3A_51 = arith.constant 0 : i32
    %dma_start3A_52 = tpu.memref_slice %arg6[%dma_start3A_50, %dma_start3A_51] : memref<1024x32xf32, #tpu.memory_space<vmem>> -> memref<128x32xf32, #tpu.memory_space<vmem>>
    %dma_start3A_53 = arith.constant 768 : i32
    %dma_start3A_54 = tpu.memref_slice %arg5[%dma_start3A_53] : memref<1024xi32, #tpu.memory_space<vmem>> -> memref<128xi32, #tpu.memory_space<vmem>>
    %dma_start3A_55 = arith.constant 0 : i32
    %dma_start3A_56 = arith.constant 0 : i32
    %dma_start3A_57 = tpu.memref_slice %arg2[%dma_start3A_55, %dma_start3A_56] : memref<8192x32xf32, #tpu.memory_space<hbm>> -> memref<8192x32xf32, #tpu.memory_space<hbm>>
    tpu.enqueue_indirect_dma source(%dma_start3A_57 : memref<8192x32xf32, #tpu.memory_space<hbm>>) target(%dma_start3A_52 : memref<128x32xf32, #tpu.memory_space<vmem>>) offsets(%dma_start3A_54 : memref<128xi32, #tpu.memory_space<vmem>>) semaphore(%arg7 : memref<!tpu.dma_semaphore, #tpu.memory_space<semaphore_mem>>)
    %dma_start3A_58 = arith.constant 896 : i32
    %dma_start3A_59 = arith.constant 0 : i32
    %dma_start3A_60 = tpu.memref_slice %arg6[%dma_start3A_58, %dma_start3A_59] : memref<1024x32xf32, #tpu.memory_space<vmem>> -> memref<128x32xf32, #tpu.memory_space<vmem>>
    %dma_start3A_61 = arith.constant 896 : i32
    %dma_start3A_62 = tpu.memref_slice %arg5[%dma_start3A_61] : memref<1024xi32, #tpu.memory_space<vmem>> -> memref<128xi32, #tpu.memory_space<vmem>>
    %dma_start3A_63 = arith.constant 0 : i32
    %dma_start3A_64 = arith.constant 0 : i32
    %dma_start3A_65 = tpu.memref_slice %arg2[%dma_start3A_63, %dma_start3A_64] : memref<8192x32xf32, #tpu.memory_space<hbm>> -> memref<8192x32xf32, #tpu.memory_space<hbm>>
    tpu.enqueue_indirect_dma source(%dma_start3A_65 : memref<8192x32xf32, #tpu.memory_space<hbm>>) target(%dma_start3A_60 : memref<128x32xf32, #tpu.memory_space<vmem>>) offsets(%dma_start3A_62 : memref<128xi32, #tpu.memory_space<vmem>>) semaphore(%arg7 : memref<!tpu.dma_semaphore, #tpu.memory_space<semaphore_mem>>)
    %dma_wait3A = arith.constant 0 : i32
    %dma_wait3A_66 = arith.constant 0 : i32
    %dma_wait3A_67 = tpu.memref_slice %arg6[%dma_wait3A, %dma_wait3A_66] : memref<1024x32xf32, #tpu.memory_space<vmem>> -> memref<128x32xf32, #tpu.memory_space<vmem>>
    %dma_wait3A_68 = arith.constant 0 : i32
    %dma_wait3A_69 = tpu.memref_slice %arg5[%dma_wait3A_68] : memref<1024xi32, #tpu.memory_space<vmem>> -> memref<128xi32, #tpu.memory_space<vmem>>
    %dma_wait3A_70 = arith.constant 0 : i32
    %dma_wait3A_71 = arith.constant 0 : i32
    %dma_wait3A_72 = tpu.memref_slice %arg2[%dma_wait3A_70, %dma_wait3A_71] : memref<8192x32xf32, #tpu.memory_space<hbm>> -> memref<8192x32xf32, #tpu.memory_space<hbm>>
    tpu.wait_indirect_dma semaphore(%arg7 : memref<!tpu.dma_semaphore, #tpu.memory_space<semaphore_mem>>) src(%dma_wait3A_72 : memref<8192x32xf32, #tpu.memory_space<hbm>>) dst(%dma_wait3A_67 : memref<128x32xf32, #tpu.memory_space<vmem>>)
    %dma_wait3A_73 = arith.constant 128 : i32
    %dma_wait3A_74 = arith.constant 0 : i32
    %dma_wait3A_75 = tpu.memref_slice %arg6[%dma_wait3A_73, %dma_wait3A_74] : memref<1024x32xf32, #tpu.memory_space<vmem>> -> memref<128x32xf32, #tpu.memory_space<vmem>>
    %dma_wait3A_76 = arith.constant 128 : i32
    %dma_wait3A_77 = tpu.memref_slice %arg5[%dma_wait3A_76] : memref<1024xi32, #tpu.memory_space<vmem>> -> memref<128xi32, #tpu.memory_space<vmem>>
    %dma_wait3A_78 = arith.constant 0 : i32
    %dma_wait3A_79 = arith.constant 0 : i32
    %dma_wait3A_80 = tpu.memref_slice %arg2[%dma_wait3A_78, %dma_wait3A_79] : memref<8192x32xf32, #tpu.memory_space<hbm>> -> memref<8192x32xf32, #tpu.memory_space<hbm>>
    tpu.wait_indirect_dma semaphore(%arg7 : memref<!tpu.dma_semaphore, #tpu.memory_space<semaphore_mem>>) src(%dma_wait3A_80 : memref<8192x32xf32, #tpu.memory_space<hbm>>) dst(%dma_wait3A_75 : memref<128x32xf32, #tpu.memory_space<vmem>>)
    %dma_wait3A_81 = arith.constant 256 : i32
    %dma_wait3A_82 = arith.constant 0 : i32
    %dma_wait3A_83 = tpu.memref_slice %arg6[%dma_wait3A_81, %dma_wait3A_82] : memref<1024x32xf32, #tpu.memory_space<vmem>> -> memref<128x32xf32, #tpu.memory_space<vmem>>
    %dma_wait3A_84 = arith.constant 256 : i32
    %dma_wait3A_85 = tpu.memref_slice %arg5[%dma_wait3A_84] : memref<1024xi32, #tpu.memory_space<vmem>> -> memref<128xi32, #tpu.memory_space<vmem>>
    %dma_wait3A_86 = arith.constant 0 : i32
    %dma_wait3A_87 = arith.constant 0 : i32
    %dma_wait3A_88 = tpu.memref_slice %arg2[%dma_wait3A_86, %dma_wait3A_87] : memref<8192x32xf32, #tpu.memory_space<hbm>> -> memref<8192x32xf32, #tpu.memory_space<hbm>>
    tpu.wait_indirect_dma semaphore(%arg7 : memref<!tpu.dma_semaphore, #tpu.memory_space<semaphore_mem>>) src(%dma_wait3A_88 : memref<8192x32xf32, #tpu.memory_space<hbm>>) dst(%dma_wait3A_83 : memref<128x32xf32, #tpu.memory_space<vmem>>)
    %dma_wait3A_89 = arith.constant 384 : i32
    %dma_wait3A_90 = arith.constant 0 : i32
    %dma_wait3A_91 = tpu.memref_slice %arg6[%dma_wait3A_89, %dma_wait3A_90] : memref<1024x32xf32, #tpu.memory_space<vmem>> -> memref<128x32xf32, #tpu.memory_space<vmem>>
    %dma_wait3A_92 = arith.constant 384 : i32
    %dma_wait3A_93 = tpu.memref_slice %arg5[%dma_wait3A_92] : memref<1024xi32, #tpu.memory_space<vmem>> -> memref<128xi32, #tpu.memory_space<vmem>>
    %dma_wait3A_94 = arith.constant 0 : i32
    %dma_wait3A_95 = arith.constant 0 : i32
    %dma_wait3A_96 = tpu.memref_slice %arg2[%dma_wait3A_94, %dma_wait3A_95] : memref<8192x32xf32, #tpu.memory_space<hbm>> -> memref<8192x32xf32, #tpu.memory_space<hbm>>
    tpu.wait_indirect_dma semaphore(%arg7 : memref<!tpu.dma_semaphore, #tpu.memory_space<semaphore_mem>>) src(%dma_wait3A_96 : memref<8192x32xf32, #tpu.memory_space<hbm>>) dst(%dma_wait3A_91 : memref<128x32xf32, #tpu.memory_space<vmem>>)
    %dma_wait3A_97 = arith.constant 512 : i32
    %dma_wait3A_98 = arith.constant 0 : i32
    %dma_wait3A_99 = tpu.memref_slice %arg6[%dma_wait3A_97, %dma_wait3A_98] : memref<1024x32xf32, #tpu.memory_space<vmem>> -> memref<128x32xf32, #tpu.memory_space<vmem>>
    %dma_wait3A_100 = arith.constant 512 : i32
    %dma_wait3A_101 = tpu.memref_slice %arg5[%dma_wait3A_100] : memref<1024xi32, #tpu.memory_space<vmem>> -> memref<128xi32, #tpu.memory_space<vmem>>
    %dma_wait3A_102 = arith.constant 0 : i32
    %dma_wait3A_103 = arith.constant 0 : i32
    %dma_wait3A_104 = tpu.memref_slice %arg2[%dma_wait3A_102, %dma_wait3A_103] : memref<8192x32xf32, #tpu.memory_space<hbm>> -> memref<8192x32xf32, #tpu.memory_space<hbm>>
    tpu.wait_indirect_dma semaphore(%arg7 : memref<!tpu.dma_semaphore, #tpu.memory_space<semaphore_mem>>) src(%dma_wait3A_104 : memref<8192x32xf32, #tpu.memory_space<hbm>>) dst(%dma_wait3A_99 : memref<128x32xf32, #tpu.memory_space<vmem>>)
    %dma_wait3A_105 = arith.constant 640 : i32
    %dma_wait3A_106 = arith.constant 0 : i32
    %dma_wait3A_107 = tpu.memref_slice %arg6[%dma_wait3A_105, %dma_wait3A_106] : memref<1024x32xf32, #tpu.memory_space<vmem>> -> memref<128x32xf32, #tpu.memory_space<vmem>>
    %dma_wait3A_108 = arith.constant 640 : i32
    %dma_wait3A_109 = tpu.memref_slice %arg5[%dma_wait3A_108] : memref<1024xi32, #tpu.memory_space<vmem>> -> memref<128xi32, #tpu.memory_space<vmem>>
    %dma_wait3A_110 = arith.constant 0 : i32
    %dma_wait3A_111 = arith.constant 0 : i32
    %dma_wait3A_112 = tpu.memref_slice %arg2[%dma_wait3A_110, %dma_wait3A_111] : memref<8192x32xf32, #tpu.memory_space<hbm>> -> memref<8192x32xf32, #tpu.memory_space<hbm>>
    tpu.wait_indirect_dma semaphore(%arg7 : memref<!tpu.dma_semaphore, #tpu.memory_space<semaphore_mem>>) src(%dma_wait3A_112 : memref<8192x32xf32, #tpu.memory_space<hbm>>) dst(%dma_wait3A_107 : memref<128x32xf32, #tpu.memory_space<vmem>>)
    %dma_wait3A_113 = arith.constant 768 : i32
    %dma_wait3A_114 = arith.constant 0 : i32
    %dma_wait3A_115 = tpu.memref_slice %arg6[%dma_wait3A_113, %dma_wait3A_114] : memref<1024x32xf32, #tpu.memory_space<vmem>> -> memref<128x32xf32, #tpu.memory_space<vmem>>
    %dma_wait3A_116 = arith.constant 768 : i32
    %dma_wait3A_117 = tpu.memref_slice %arg5[%dma_wait3A_116] : memref<1024xi32, #tpu.memory_space<vmem>> -> memref<128xi32, #tpu.memory_space<vmem>>
    %dma_wait3A_118 = arith.constant 0 : i32
    %dma_wait3A_119 = arith.constant 0 : i32
    %dma_wait3A_120 = tpu.memref_slice %arg2[%dma_wait3A_118, %dma_wait3A_119] : memref<8192x32xf32, #tpu.memory_space<hbm>> -> memref<8192x32xf32, #tpu.memory_space<hbm>>
    tpu.wait_indirect_dma semaphore(%arg7 : memref<!tpu.dma_semaphore, #tpu.memory_space<semaphore_mem>>) src(%dma_wait3A_120 : memref<8192x32xf32, #tpu.memory_space<hbm>>) dst(%dma_wait3A_115 : memref<128x32xf32, #tpu.memory_space<vmem>>)
    %dma_wait3A_121 = arith.constant 896 : i32
    %dma_wait3A_122 = arith.constant 0 : i32
    %dma_wait3A_123 = tpu.memref_slice %arg6[%dma_wait3A_121, %dma_wait3A_122] : memref<1024x32xf32, #tpu.memory_space<vmem>> -> memref<128x32xf32, #tpu.memory_space<vmem>>
    %dma_wait3A_124 = arith.constant 896 : i32
    %dma_wait3A_125 = tpu.memref_slice %arg5[%dma_wait3A_124] : memref<1024xi32, #tpu.memory_space<vmem>> -> memref<128xi32, #tpu.memory_space<vmem>>
    %dma_wait3A_126 = arith.constant 0 : i32
    %dma_wait3A_127 = arith.constant 0 : i32
    %dma_wait3A_128 = tpu.memref_slice %arg2[%dma_wait3A_126, %dma_wait3A_127] : memref<8192x32xf32, #tpu.memory_space<hbm>> -> memref<8192x32xf32, #tpu.memory_space<hbm>>
    tpu.wait_indirect_dma semaphore(%arg7 : memref<!tpu.dma_semaphore, #tpu.memory_space<semaphore_mem>>) src(%dma_wait3A_128 : memref<8192x32xf32, #tpu.memory_space<hbm>>) dst(%dma_wait3A_123 : memref<128x32xf32, #tpu.memory_space<vmem>>)
    "tpu.region"() ({
      %run_scoped3A = tpu.sem_alloc : memref<!tpu.dma_semaphore, #tpu.memory_space<semaphore_mem>>
      %dma_start3A_129 = arith.constant 0 : i32
      %dma_start3A_130 = tpu.memref_slice %arg4[%mul3A_2, %dma_start3A_129] : memref<32768x32xf32, #tpu.memory_space<hbm>> -> memref<1024x32xf32, #tpu.memory_space<hbm>>
      %dma_start3A_131 = arith.constant 0 : i32
      %dma_start3A_132 = tpu.memref_slice %arg4[%mul3A_2, %dma_start3A_131] : memref<32768x32xf32, #tpu.memory_space<hbm>> -> memref<1024x32xf32, #tpu.memory_space<hbm>>
      tpu.enqueue_dma source(%arg6 : memref<1024x32xf32, #tpu.memory_space<vmem>>) target(%dma_start3A_132 : memref<1024x32xf32, #tpu.memory_space<hbm>>) target_semaphore(%run_scoped3A : memref<!tpu.dma_semaphore, #tpu.memory_space<semaphore_mem>>)
      %dma_wait3A_133 = arith.constant 0 : i32
      %dma_wait3A_134 = tpu.memref_slice %arg4[%mul3A_2, %dma_wait3A_133] : memref<32768x32xf32, #tpu.memory_space<hbm>> -> memref<1024x32xf32, #tpu.memory_space<hbm>>
      %dma_wait3A_135 = arith.constant 0 : i32
      %dma_wait3A_136 = tpu.memref_slice %arg4[%mul3A_2, %dma_wait3A_135] : memref<32768x32xf32, #tpu.memory_space<hbm>> -> memref<1024x32xf32, #tpu.memory_space<hbm>>
      tpu.wait_dma2 semaphore(%run_scoped3A : memref<!tpu.dma_semaphore, #tpu.memory_space<semaphore_mem>>) src(%arg6 : memref<1024x32xf32, #tpu.memory_space<vmem>>) dst(%dma_wait3A_136 : memref<1024x32xf32, #tpu.memory_space<hbm>>)
      tpu.yield
    }) : () -> ()
    return
  }
}

module attributes {stable_mosaic.version = 14 : i64} {
  func.func @_argmax_body(%arg0: i32, %arg1: memref<512x32xf32, #tpu.memory_space<vmem>>, %arg2: memref<32x8192xf32, #tpu.memory_space<vmem>>, %arg3: memref<512x32xf32, #tpu.memory_space<vmem>>, %arg4: memref<512xi32, #tpu.memory_space<vmem>>, %arg5: memref<32x8192xbf16, #tpu.memory_space<vmem>>, %arg6: memref<1x8192xf32, #tpu.memory_space<vmem>>) attributes {dimension_semantics = [#tpu.dimension_semantics<arbitrary>], iteration_bounds = array<i64: 64>, scalar_prefetch = 0 : i64, scratch_operands = 2 : i64, tpu.core_type = #tpu.core_type<tc>, window_params = [{transform_indices = @transform_0, window_bounds = array<i64: 512, 32>}, {pipeline_mode = #tpu.pipeline_mode<synchronous>, transform_indices = @transform_1, window_bounds = array<i64: 32, 8192>}, {transform_indices = @transform_2, window_bounds = array<i64: 512, 32>}, {transform_indices = @transform_3, window_bounds = array<i64: 512>}]} {
    %eq3A = arith.constant 0 : i32
    %eq3A_0 = arith.cmpi eq, %arg0, %eq3A : i32
    %convert_element_type3A = arith.extui %eq3A_0 : i1 to i32
    %cond3A = arith.constant 0 : i32
    %cond3A_1 = arith.cmpi ne, %convert_element_type3A, %cond3A : i32
    scf.if %cond3A_1 {
      %get3A_3247 = arith.constant 0 : index
      %get3A_3248 = arith.constant 0 : index
      %get3A_3249 = vector.load %arg2[%get3A_3247, %get3A_3248] : memref<32x8192xf32, #tpu.memory_space<vmem>>, vector<32x8192xf32>
      %mul3A_3250 = arith.mulf %get3A_3249, %get3A_3249 : vector<32x8192xf32>
      %slice3A_3251 = vector.extract_strided_slice %mul3A_3250 {offsets = [0, 0], sizes = [16, 8192], strides = [1, 1]} : vector<32x8192xf32> to vector<16x8192xf32>
      %slice3A_3252 = vector.extract_strided_slice %mul3A_3250 {offsets = [16, 0], sizes = [16, 8192], strides = [1, 1]} : vector<32x8192xf32> to vector<16x8192xf32>
      %add3A_3253 = arith.addf %slice3A_3251, %slice3A_3252 : vector<16x8192xf32>
      %slice3A_3254 = vector.extract_strided_slice %add3A_3253 {offsets = [0, 0], sizes = [8, 8192], strides = [1, 1]} : vector<16x8192xf32> to vector<8x8192xf32>
      %slice3A_3255 = vector.extract_strided_slice %add3A_3253 {offsets = [8, 0], sizes = [8, 8192], strides = [1, 1]} : vector<16x8192xf32> to vector<8x8192xf32>
      %add3A_3256 = arith.addf %slice3A_3254, %slice3A_3255 : vector<8x8192xf32>
      %slice3A_3257 = vector.extract_strided_slice %add3A_3256 {offsets = [0, 0], sizes = [4, 8192], strides = [1, 1]} : vector<8x8192xf32> to vector<4x8192xf32>
      %slice3A_3258 = vector.extract_strided_slice %add3A_3256 {offsets = [4, 0], sizes = [4, 8192], strides = [1, 1]} : vector<8x8192xf32> to vector<4x8192xf32>
      %add3A_3259 = arith.addf %slice3A_3257, %slice3A_3258 : vector<4x8192xf32>
      %slice3A_3260 = vector.extract_strided_slice %add3A_3259 {offsets = [0, 0], sizes = [2, 8192], strides = [1, 1]} : vector<4x8192xf32> to vector<2x8192xf32>
      %slice3A_3261 = vector.extract_strided_slice %add3A_3259 {offsets = [2, 0], sizes = [2, 8192], strides = [1, 1]} : vector<4x8192xf32> to vector<2x8192xf32>
      %add3A_3262 = arith.addf %slice3A_3260, %slice3A_3261 : vector<2x8192xf32>
      %slice3A_3263 = vector.extract_strided_slice %add3A_3262 {offsets = [0, 0], sizes = [1, 8192], strides = [1, 1]} : vector<2x8192xf32> to vector<1x8192xf32>
      %slice3A_3264 = vector.extract_strided_slice %add3A_3262 {offsets = [1, 0], sizes = [1, 8192], strides = [1, 1]} : vector<2x8192xf32> to vector<1x8192xf32>
      %add3A_3265 = arith.addf %slice3A_3263, %slice3A_3264 : vector<1x8192xf32>
      %sqrt3A_3266 = math.sqrt %add3A_3265 : vector<1x8192xf32>
      %add3A_3267 = arith.constant 9.99999993E-9 : f32
      %add3A_3268 = vector.broadcast %add3A_3267 : f32 to vector<1x8192xf32>
      %add3A_3269 = arith.addf %sqrt3A_3266, %add3A_3268 : vector<1x8192xf32>
      %div3A_3270 = vector.broadcast %add3A_3269 : vector<1x8192xf32> to vector<32x8192xf32>
      %div3A_3271 = arith.divf %get3A_3249, %div3A_3270 : vector<32x8192xf32>
      %convert_element_type3A_3272 = arith.truncf %div3A_3271 : vector<32x8192xf32> to vector<32x8192xbf16>
      %swap3A_3273 = arith.constant 0 : index
      %swap3A_3274 = arith.constant 0 : index
      %swap3A_3275 = vector.load %arg5[%swap3A_3273, %swap3A_3274] : memref<32x8192xbf16, #tpu.memory_space<vmem>>, vector<32x8192xbf16>
      tpu.vector_store %arg5[%swap3A_3273, %swap3A_3274], %convert_element_type3A_3272 {strides = array<i32>} : memref<32x8192xbf16, #tpu.memory_space<vmem>>, vector<32x8192xbf16>,
      %iota3A = tpu.iota {dimensions = array<i32: 1>} : vector<1x8192xi32>
      %convert_element_type3A_3276 = arith.sitofp %iota3A : vector<1x8192xi32> to vector<1x8192xf32>
      %swap3A_3277 = arith.constant 0 : index
      %swap3A_3278 = arith.constant 0 : index
      %swap3A_3279 = vector.load %arg6[%swap3A_3277, %swap3A_3278] : memref<1x8192xf32, #tpu.memory_space<vmem>>, vector<1x8192xf32>
      tpu.vector_store %arg6[%swap3A_3277, %swap3A_3278], %convert_element_type3A_3276 {strides = array<i32>} : memref<1x8192xf32, #tpu.memory_space<vmem>>, vector<1x8192xf32>,
    } else {
    }
    %get3A = arith.constant 0 : index
    %get3A_2 = arith.constant 0 : index
    %get3A_3 = vector.load %arg1[%get3A, %get3A_2] : memref<512x32xf32, #tpu.memory_space<vmem>>, vector<512x32xf32>
    %mul3A = arith.mulf %get3A_3, %get3A_3 : vector<512x32xf32>
    %slice3A = vector.extract_strided_slice %mul3A {offsets = [0, 0], sizes = [512, 16], strides = [1, 1]} : vector<512x32xf32> to vector<512x16xf32>
    %slice3A_4 = vector.extract_strided_slice %mul3A {offsets = [0, 16], sizes = [512, 16], strides = [1, 1]} : vector<512x32xf32> to vector<512x16xf32>
    %add3A = arith.addf %slice3A, %slice3A_4 : vector<512x16xf32>
    %slice3A_5 = vector.extract_strided_slice %add3A {offsets = [0, 0], sizes = [512, 8], strides = [1, 1]} : vector<512x16xf32> to vector<512x8xf32>
    %slice3A_6 = vector.extract_strided_slice %add3A {offsets = [0, 8], sizes = [512, 8], strides = [1, 1]} : vector<512x16xf32> to vector<512x8xf32>
    %add3A_7 = arith.addf %slice3A_5, %slice3A_6 : vector<512x8xf32>
    %slice3A_8 = vector.extract_strided_slice %add3A_7 {offsets = [0, 0], sizes = [512, 4], strides = [1, 1]} : vector<512x8xf32> to vector<512x4xf32>
    %slice3A_9 = vector.extract_strided_slice %add3A_7 {offsets = [0, 4], sizes = [512, 4], strides = [1, 1]} : vector<512x8xf32> to vector<512x4xf32>
    %add3A_10 = arith.addf %slice3A_8, %slice3A_9 : vector<512x4xf32>
    %slice3A_11 = vector.extract_strided_slice %add3A_10 {offsets = [0, 0], sizes = [512, 2], strides = [1, 1]} : vector<512x4xf32> to vector<512x2xf32>
    %slice3A_12 = vector.extract_strided_slice %add3A_10 {offsets = [0, 2], sizes = [512, 2], strides = [1, 1]} : vector<512x4xf32> to vector<512x2xf32>
    %add3A_13 = arith.addf %slice3A_11, %slice3A_12 : vector<512x2xf32>
    %slice3A_14 = vector.extract_strided_slice %add3A_13 {offsets = [0, 0], sizes = [512, 1], strides = [1, 1]} : vector<512x2xf32> to vector<512x1xf32>
    %slice3A_15 = vector.extract_strided_slice %add3A_13 {offsets = [0, 1], sizes = [512, 1], strides = [1, 1]} : vector<512x2xf32> to vector<512x1xf32>
    %add3A_16 = arith.addf %slice3A_14, %slice3A_15 : vector<512x1xf32>
    %sqrt3A = math.sqrt %add3A_16 : vector<512x1xf32>
    %add3A_17 = arith.constant 9.99999993E-9 : f32
    %add3A_18 = vector.broadcast %add3A_17 : f32 to vector<512x1xf32>
    %add3A_19 = arith.addf %sqrt3A, %add3A_18 : vector<512x1xf32>
    %div3A = vector.broadcast %add3A_19 : vector<512x1xf32> to vector<512x32xf32>
    %div3A_20 = arith.divf %get3A_3, %div3A : vector<512x32xf32>
    %swap3A = arith.constant 0 : index
    %swap3A_21 = arith.constant 0 : index
    %swap3A_22 = vector.load %arg3[%swap3A, %swap3A_21] : memref<512x32xf32, #tpu.memory_space<vmem>>, vector<512x32xf32>
    tpu.vector_store %arg3[%swap3A, %swap3A_21], %div3A_20 {strides = array<i32>} : memref<512x32xf32, #tpu.memory_space<vmem>>, vector<512x32xf32>,
    %convert_element_type3A_23 = arith.truncf %div3A_20 : vector<512x32xf32> to vector<512x32xbf16>
    %get3A_24 = arith.constant 0 : index
    %get3A_25 = arith.constant 0 : index
    %get3A_26 = vector.load %arg5[%get3A_24, %get3A_25] : memref<32x8192xbf16, #tpu.memory_space<vmem>>, vector<32x8192xbf16>
    %dot_general3A = arith.constant dense<0.000000e+00> : vector<512x8192xf32>
    %dot_general3A_27 = tpu.matmul %convert_element_type3A_23, %get3A_26, %dot_general3A {dimension_numbers = #tpu.dot_dimension_numbers<[1], [0], [0], [1], [0, 0, 1, 1], [], []>, transpose_lhs_hint = false} : vector<512x32xbf16>, vector<32x8192xbf16>, vector<512x8192xf32> -> vector<512x8192xf32>
    %slice3A_28 = vector.extract_strided_slice %dot_general3A_27 {offsets = [0, 0], sizes = [64, 128], strides = [1, 1]} : vector<512x8192xf32> to vector<64x128xf32>
    %broadcast_in_dim3A = arith.constant 0.000000e+00 : f32
    %broadcast_in_dim3A_29 = vector.broadcast %broadcast_in_dim3A : f32 to vector<64x128xf32>
    %slice3A_30 = vector.extract_strided_slice %dot_general3A_27 {offsets = [0, 128], sizes = [64, 128], strides = [1, 1]} : vector<512x8192xf32> to vector<64x128xf32>
    %gt3A = arith.cmpf ogt, %slice3A_30, %slice3A_28 : vector<64x128xf32>
    %select_n3A = arith.select %gt3A, %slice3A_30, %slice3A_28 : vector<64x128xi1>, vector<64x128xf32>
    %jit3A = arith.constant 1.000000e+00 : f32
    %broadcast_in_dim3A_31 = vector.broadcast %jit3A : f32 to vector<64x128xf32>
    %select_n3A_32 = arith.select %gt3A, %broadcast_in_dim3A_31, %broadcast_in_dim3A_29 : vector<64x128xi1>, vector<64x128xf32>
    %slice3A_33 = vector.extract_strided_slice %dot_general3A_27 {offsets = [0, 256], sizes = [64, 128], strides = [1, 1]} : vector<512x8192xf32> to vector<64x128xf32>
    %gt3A_34 = arith.cmpf ogt, %slice3A_33, %select_n3A : vector<64x128xf32>
    %select_n3A_35 = arith.select %gt3A_34, %slice3A_33, %select_n3A : vector<64x128xi1>, vector<64x128xf32>
    %jit3A_36 = arith.constant 2.000000e+00 : f32
    %broadcast_in_dim3A_37 = vector.broadcast %jit3A_36 : f32 to vector<64x128xf32>
    %select_n3A_38 = arith.select %gt3A_34, %broadcast_in_dim3A_37, %select_n3A_32 : vector<64x128xi1>, vector<64x128xf32>
    %slice3A_39 = vector.extract_strided_slice %dot_general3A_27 {offsets = [0, 384], sizes = [64, 128], strides = [1, 1]} : vector<512x8192xf32> to vector<64x128xf32>
    %gt3A_40 = arith.cmpf ogt, %slice3A_39, %select_n3A_35 : vector<64x128xf32>
    %select_n3A_41 = arith.select %gt3A_40, %slice3A_39, %select_n3A_35 : vector<64x128xi1>, vector<64x128xf32>
    %jit3A_42 = arith.constant 3.000000e+00 : f32
    %broadcast_in_dim3A_43 = vector.broadcast %jit3A_42 : f32 to vector<64x128xf32>
    %select_n3A_44 = arith.select %gt3A_40, %broadcast_in_dim3A_43, %select_n3A_38 : vector<64x128xi1>, vector<64x128xf32>
    %slice3A_45 = vector.extract_strided_slice %dot_general3A_27 {offsets = [0, 512], sizes = [64, 128], strides = [1, 1]} : vector<512x8192xf32> to vector<64x128xf32>
    %gt3A_46 = arith.cmpf ogt, %slice3A_45, %select_n3A_41 : vector<64x128xf32>
    %select_n3A_47 = arith.select %gt3A_46, %slice3A_45, %select_n3A_41 : vector<64x128xi1>, vector<64x128xf32>
    %jit3A_48 = arith.constant 4.000000e+00 : f32
    %broadcast_in_dim3A_49 = vector.broadcast %jit3A_48 : f32 to vector<64x128xf32>
    %select_n3A_50 = arith.select %gt3A_46, %broadcast_in_dim3A_49, %select_n3A_44 : vector<64x128xi1>, vector<64x128xf32>
    %slice3A_51 = vector.extract_strided_slice %dot_general3A_27 {offsets = [0, 640], sizes = [64, 128], strides = [1, 1]} : vector<512x8192xf32> to vector<64x128xf32>
    %gt3A_52 = arith.cmpf ogt, %slice3A_51, %select_n3A_47 : vector<64x128xf32>
    %select_n3A_53 = arith.select %gt3A_52, %slice3A_51, %select_n3A_47 : vector<64x128xi1>, vector<64x128xf32>
    %jit3A_54 = arith.constant 5.000000e+00 : f32
    %broadcast_in_dim3A_55 = vector.broadcast %jit3A_54 : f32 to vector<64x128xf32>
    %select_n3A_56 = arith.select %gt3A_52, %broadcast_in_dim3A_55, %select_n3A_50 : vector<64x128xi1>, vector<64x128xf32>
    %slice3A_57 = vector.extract_strided_slice %dot_general3A_27 {offsets = [0, 768], sizes = [64, 128], strides = [1, 1]} : vector<512x8192xf32> to vector<64x128xf32>
    %gt3A_58 = arith.cmpf ogt, %slice3A_57, %select_n3A_53 : vector<64x128xf32>
    %select_n3A_59 = arith.select %gt3A_58, %slice3A_57, %select_n3A_53 : vector<64x128xi1>, vector<64x128xf32>
    %jit3A_60 = arith.constant 6.000000e+00 : f32
    %broadcast_in_dim3A_61 = vector.broadcast %jit3A_60 : f32 to vector<64x128xf32>
    %select_n3A_62 = arith.select %gt3A_58, %broadcast_in_dim3A_61, %select_n3A_56 : vector<64x128xi1>, vector<64x128xf32>
    %slice3A_63 = vector.extract_strided_slice %dot_general3A_27 {offsets = [0, 896], sizes = [64, 128], strides = [1, 1]} : vector<512x8192xf32> to vector<64x128xf32>
    %gt3A_64 = arith.cmpf ogt, %slice3A_63, %select_n3A_59 : vector<64x128xf32>
    %select_n3A_65 = arith.select %gt3A_64, %slice3A_63, %select_n3A_59 : vector<64x128xi1>, vector<64x128xf32>
    %jit3A_66 = arith.constant 7.000000e+00 : f32
    %broadcast_in_dim3A_67 = vector.broadcast %jit3A_66 : f32 to vector<64x128xf32>
    %select_n3A_68 = arith.select %gt3A_64, %broadcast_in_dim3A_67, %select_n3A_62 : vector<64x128xi1>, vector<64x128xf32>
    %slice3A_69 = vector.extract_strided_slice %dot_general3A_27 {offsets = [0, 1024], sizes = [64, 128], strides = [1, 1]} : vector<512x8192xf32> to vector<64x128xf32>
    %gt3A_70 = arith.cmpf ogt, %slice3A_69, %select_n3A_65 : vector<64x128xf32>
    %select_n3A_71 = arith.select %gt3A_70, %slice3A_69, %select_n3A_65 : vector<64x128xi1>, vector<64x128xf32>
    %jit3A_72 = arith.constant 8.000000e+00 : f32
    %broadcast_in_dim3A_73 = vector.broadcast %jit3A_72 : f32 to vector<64x128xf32>
    %select_n3A_74 = arith.select %gt3A_70, %broadcast_in_dim3A_73, %select_n3A_68 : vector<64x128xi1>, vector<64x128xf32>
    %slice3A_75 = vector.extract_strided_slice %dot_general3A_27 {offsets = [0, 1152], sizes = [64, 128], strides = [1, 1]} : vector<512x8192xf32> to vector<64x128xf32>
    %gt3A_76 = arith.cmpf ogt, %slice3A_75, %select_n3A_71 : vector<64x128xf32>
    %select_n3A_77 = arith.select %gt3A_76, %slice3A_75, %select_n3A_71 : vector<64x128xi1>, vector<64x128xf32>
    %jit3A_78 = arith.constant 9.000000e+00 : f32
    %broadcast_in_dim3A_79 = vector.broadcast %jit3A_78 : f32 to vector<64x128xf32>
    %select_n3A_80 = arith.select %gt3A_76, %broadcast_in_dim3A_79, %select_n3A_74 : vector<64x128xi1>, vector<64x128xf32>
    %slice3A_81 = vector.extract_strided_slice %dot_general3A_27 {offsets = [0, 1280], sizes = [64, 128], strides = [1, 1]} : vector<512x8192xf32> to vector<64x128xf32>
    %gt3A_82 = arith.cmpf ogt, %slice3A_81, %select_n3A_77 : vector<64x128xf32>
    %select_n3A_83 = arith.select %gt3A_82, %slice3A_81, %select_n3A_77 : vector<64x128xi1>, vector<64x128xf32>
    %jit3A_84 = arith.constant 1.000000e+01 : f32
    %broadcast_in_dim3A_85 = vector.broadcast %jit3A_84 : f32 to vector<64x128xf32>
    %select_n3A_86 = arith.select %gt3A_82, %broadcast_in_dim3A_85, %select_n3A_80 : vector<64x128xi1>, vector<64x128xf32>
    %slice3A_87 = vector.extract_strided_slice %dot_general3A_27 {offsets = [0, 1408], sizes = [64, 128], strides = [1, 1]} : vector<512x8192xf32> to vector<64x128xf32>
    %gt3A_88 = arith.cmpf ogt, %slice3A_87, %select_n3A_83 : vector<64x128xf32>
    %select_n3A_89 = arith.select %gt3A_88, %slice3A_87, %select_n3A_83 : vector<64x128xi1>, vector<64x128xf32>
    %jit3A_90 = arith.constant 1.100000e+01 : f32
    %broadcast_in_dim3A_91 = vector.broadcast %jit3A_90 : f32 to vector<64x128xf32>
    %select_n3A_92 = arith.select %gt3A_88, %broadcast_in_dim3A_91, %select_n3A_86 : vector<64x128xi1>, vector<64x128xf32>
    %slice3A_93 = vector.extract_strided_slice %dot_general3A_27 {offsets = [0, 1536], sizes = [64, 128], strides = [1, 1]} : vector<512x8192xf32> to vector<64x128xf32>
    %gt3A_94 = arith.cmpf ogt, %slice3A_93, %select_n3A_89 : vector<64x128xf32>
    %select_n3A_95 = arith.select %gt3A_94, %slice3A_93, %select_n3A_89 : vector<64x128xi1>, vector<64x128xf32>
    %jit3A_96 = arith.constant 1.200000e+01 : f32
    %broadcast_in_dim3A_97 = vector.broadcast %jit3A_96 : f32 to vector<64x128xf32>
    %select_n3A_98 = arith.select %gt3A_94, %broadcast_in_dim3A_97, %select_n3A_92 : vector<64x128xi1>, vector<64x128xf32>
    %slice3A_99 = vector.extract_strided_slice %dot_general3A_27 {offsets = [0, 1664], sizes = [64, 128], strides = [1, 1]} : vector<512x8192xf32> to vector<64x128xf32>
    %gt3A_100 = arith.cmpf ogt, %slice3A_99, %select_n3A_95 : vector<64x128xf32>
    %select_n3A_101 = arith.select %gt3A_100, %slice3A_99, %select_n3A_95 : vector<64x128xi1>, vector<64x128xf32>
    %jit3A_102 = arith.constant 1.300000e+01 : f32
    %broadcast_in_dim3A_103 = vector.broadcast %jit3A_102 : f32 to vector<64x128xf32>
    %select_n3A_104 = arith.select %gt3A_100, %broadcast_in_dim3A_103, %select_n3A_98 : vector<64x128xi1>, vector<64x128xf32>
    %slice3A_105 = vector.extract_strided_slice %dot_general3A_27 {offsets = [0, 1792], sizes = [64, 128], strides = [1, 1]} : vector<512x8192xf32> to vector<64x128xf32>
    %gt3A_106 = arith.cmpf ogt, %slice3A_105, %select_n3A_101 : vector<64x128xf32>
    %select_n3A_107 = arith.select %gt3A_106, %slice3A_105, %select_n3A_101 : vector<64x128xi1>, vector<64x128xf32>
    %jit3A_108 = arith.constant 1.400000e+01 : f32
    %broadcast_in_dim3A_109 = vector.broadcast %jit3A_108 : f32 to vector<64x128xf32>
    %select_n3A_110 = arith.select %gt3A_106, %broadcast_in_dim3A_109, %select_n3A_104 : vector<64x128xi1>, vector<64x128xf32>
    %slice3A_111 = vector.extract_strided_slice %dot_general3A_27 {offsets = [0, 1920], sizes = [64, 128], strides = [1, 1]} : vector<512x8192xf32> to vector<64x128xf32>
    %gt3A_112 = arith.cmpf ogt, %slice3A_111, %select_n3A_107 : vector<64x128xf32>
    %select_n3A_113 = arith.select %gt3A_112, %slice3A_111, %select_n3A_107 : vector<64x128xi1>, vector<64x128xf32>
    %jit3A_114 = arith.constant 1.500000e+01 : f32
    %broadcast_in_dim3A_115 = vector.broadcast %jit3A_114 : f32 to vector<64x128xf32>
    %select_n3A_116 = arith.select %gt3A_112, %broadcast_in_dim3A_115, %select_n3A_110 : vector<64x128xi1>, vector<64x128xf32>
    %slice3A_117 = vector.extract_strided_slice %dot_general3A_27 {offsets = [0, 2048], sizes = [64, 128], strides = [1, 1]} : vector<512x8192xf32> to vector<64x128xf32>
    %gt3A_118 = arith.cmpf ogt, %slice3A_117, %select_n3A_113 : vector<64x128xf32>
    %select_n3A_119 = arith.select %gt3A_118, %slice3A_117, %select_n3A_113 : vector<64x128xi1>, vector<64x128xf32>
    %jit3A_120 = arith.constant 1.600000e+01 : f32
    %broadcast_in_dim3A_121 = vector.broadcast %jit3A_120 : f32 to vector<64x128xf32>
    %select_n3A_122 = arith.select %gt3A_118, %broadcast_in_dim3A_121, %select_n3A_116 : vector<64x128xi1>, vector<64x128xf32>
    %slice3A_123 = vector.extract_strided_slice %dot_general3A_27 {offsets = [0, 2176], sizes = [64, 128], strides = [1, 1]} : vector<512x8192xf32> to vector<64x128xf32>
    %gt3A_124 = arith.cmpf ogt, %slice3A_123, %select_n3A_119 : vector<64x128xf32>
    %select_n3A_125 = arith.select %gt3A_124, %slice3A_123, %select_n3A_119 : vector<64x128xi1>, vector<64x128xf32>
    %jit3A_126 = arith.constant 1.700000e+01 : f32
    %broadcast_in_dim3A_127 = vector.broadcast %jit3A_126 : f32 to vector<64x128xf32>
    %select_n3A_128 = arith.select %gt3A_124, %broadcast_in_dim3A_127, %select_n3A_122 : vector<64x128xi1>, vector<64x128xf32>
    %slice3A_129 = vector.extract_strided_slice %dot_general3A_27 {offsets = [0, 2304], sizes = [64, 128], strides = [1, 1]} : vector<512x8192xf32> to vector<64x128xf32>
    %gt3A_130 = arith.cmpf ogt, %slice3A_129, %select_n3A_125 : vector<64x128xf32>
    %select_n3A_131 = arith.select %gt3A_130, %slice3A_129, %select_n3A_125 : vector<64x128xi1>, vector<64x128xf32>
    %jit3A_132 = arith.constant 1.800000e+01 : f32
    %broadcast_in_dim3A_133 = vector.broadcast %jit3A_132 : f32 to vector<64x128xf32>
    %select_n3A_134 = arith.select %gt3A_130, %broadcast_in_dim3A_133, %select_n3A_128 : vector<64x128xi1>, vector<64x128xf32>
    %slice3A_135 = vector.extract_strided_slice %dot_general3A_27 {offsets = [0, 2432], sizes = [64, 128], strides = [1, 1]} : vector<512x8192xf32> to vector<64x128xf32>
    %gt3A_136 = arith.cmpf ogt, %slice3A_135, %select_n3A_131 : vector<64x128xf32>
    %select_n3A_137 = arith.select %gt3A_136, %slice3A_135, %select_n3A_131 : vector<64x128xi1>, vector<64x128xf32>
    %jit3A_138 = arith.constant 1.900000e+01 : f32
    %broadcast_in_dim3A_139 = vector.broadcast %jit3A_138 : f32 to vector<64x128xf32>
    %select_n3A_140 = arith.select %gt3A_136, %broadcast_in_dim3A_139, %select_n3A_134 : vector<64x128xi1>, vector<64x128xf32>
    %slice3A_141 = vector.extract_strided_slice %dot_general3A_27 {offsets = [0, 2560], sizes = [64, 128], strides = [1, 1]} : vector<512x8192xf32> to vector<64x128xf32>
    %gt3A_142 = arith.cmpf ogt, %slice3A_141, %select_n3A_137 : vector<64x128xf32>
    %select_n3A_143 = arith.select %gt3A_142, %slice3A_141, %select_n3A_137 : vector<64x128xi1>, vector<64x128xf32>
    %jit3A_144 = arith.constant 2.000000e+01 : f32
    %broadcast_in_dim3A_145 = vector.broadcast %jit3A_144 : f32 to vector<64x128xf32>
    %select_n3A_146 = arith.select %gt3A_142, %broadcast_in_dim3A_145, %select_n3A_140 : vector<64x128xi1>, vector<64x128xf32>
    %slice3A_147 = vector.extract_strided_slice %dot_general3A_27 {offsets = [0, 2688], sizes = [64, 128], strides = [1, 1]} : vector<512x8192xf32> to vector<64x128xf32>
    %gt3A_148 = arith.cmpf ogt, %slice3A_147, %select_n3A_143 : vector<64x128xf32>
    %select_n3A_149 = arith.select %gt3A_148, %slice3A_147, %select_n3A_143 : vector<64x128xi1>, vector<64x128xf32>
    %jit3A_150 = arith.constant 2.100000e+01 : f32
    %broadcast_in_dim3A_151 = vector.broadcast %jit3A_150 : f32 to vector<64x128xf32>
    %select_n3A_152 = arith.select %gt3A_148, %broadcast_in_dim3A_151, %select_n3A_146 : vector<64x128xi1>, vector<64x128xf32>
    %slice3A_153 = vector.extract_strided_slice %dot_general3A_27 {offsets = [0, 2816], sizes = [64, 128], strides = [1, 1]} : vector<512x8192xf32> to vector<64x128xf32>
    %gt3A_154 = arith.cmpf ogt, %slice3A_153, %select_n3A_149 : vector<64x128xf32>
    %select_n3A_155 = arith.select %gt3A_154, %slice3A_153, %select_n3A_149 : vector<64x128xi1>, vector<64x128xf32>
    %jit3A_156 = arith.constant 2.200000e+01 : f32
    %broadcast_in_dim3A_157 = vector.broadcast %jit3A_156 : f32 to vector<64x128xf32>
    %select_n3A_158 = arith.select %gt3A_154, %broadcast_in_dim3A_157, %select_n3A_152 : vector<64x128xi1>, vector<64x128xf32>
    %slice3A_159 = vector.extract_strided_slice %dot_general3A_27 {offsets = [0, 2944], sizes = [64, 128], strides = [1, 1]} : vector<512x8192xf32> to vector<64x128xf32>
    %gt3A_160 = arith.cmpf ogt, %slice3A_159, %select_n3A_155 : vector<64x128xf32>
    %select_n3A_161 = arith.select %gt3A_160, %slice3A_159, %select_n3A_155 : vector<64x128xi1>, vector<64x128xf32>
    %jit3A_162 = arith.constant 2.300000e+01 : f32
    %broadcast_in_dim3A_163 = vector.broadcast %jit3A_162 : f32 to vector<64x128xf32>
    %select_n3A_164 = arith.select %gt3A_160, %broadcast_in_dim3A_163, %select_n3A_158 : vector<64x128xi1>, vector<64x128xf32>
    %slice3A_165 = vector.extract_strided_slice %dot_general3A_27 {offsets = [0, 3072], sizes = [64, 128], strides = [1, 1]} : vector<512x8192xf32> to vector<64x128xf32>
    %gt3A_166 = arith.cmpf ogt, %slice3A_165, %select_n3A_161 : vector<64x128xf32>
    %select_n3A_167 = arith.select %gt3A_166, %slice3A_165, %select_n3A_161 : vector<64x128xi1>, vector<64x128xf32>
    %jit3A_168 = arith.constant 2.400000e+01 : f32
    %broadcast_in_dim3A_169 = vector.broadcast %jit3A_168 : f32 to vector<64x128xf32>
    %select_n3A_170 = arith.select %gt3A_166, %broadcast_in_dim3A_169, %select_n3A_164 : vector<64x128xi1>, vector<64x128xf32>
    %slice3A_171 = vector.extract_strided_slice %dot_general3A_27 {offsets = [0, 3200], sizes = [64, 128], strides = [1, 1]} : vector<512x8192xf32> to vector<64x128xf32>
    %gt3A_172 = arith.cmpf ogt, %slice3A_171, %select_n3A_167 : vector<64x128xf32>
    %select_n3A_173 = arith.select %gt3A_172, %slice3A_171, %select_n3A_167 : vector<64x128xi1>, vector<64x128xf32>
    %jit3A_174 = arith.constant 2.500000e+01 : f32
    %broadcast_in_dim3A_175 = vector.broadcast %jit3A_174 : f32 to vector<64x128xf32>
    %select_n3A_176 = arith.select %gt3A_172, %broadcast_in_dim3A_175, %select_n3A_170 : vector<64x128xi1>, vector<64x128xf32>
    %slice3A_177 = vector.extract_strided_slice %dot_general3A_27 {offsets = [0, 3328], sizes = [64, 128], strides = [1, 1]} : vector<512x8192xf32> to vector<64x128xf32>
    %gt3A_178 = arith.cmpf ogt, %slice3A_177, %select_n3A_173 : vector<64x128xf32>
    %select_n3A_179 = arith.select %gt3A_178, %slice3A_177, %select_n3A_173 : vector<64x128xi1>, vector<64x128xf32>
    %jit3A_180 = arith.constant 2.600000e+01 : f32
    %broadcast_in_dim3A_181 = vector.broadcast %jit3A_180 : f32 to vector<64x128xf32>
    %select_n3A_182 = arith.select %gt3A_178, %broadcast_in_dim3A_181, %select_n3A_176 : vector<64x128xi1>, vector<64x128xf32>
    %slice3A_183 = vector.extract_strided_slice %dot_general3A_27 {offsets = [0, 3456], sizes = [64, 128], strides = [1, 1]} : vector<512x8192xf32> to vector<64x128xf32>
    %gt3A_184 = arith.cmpf ogt, %slice3A_183, %select_n3A_179 : vector<64x128xf32>
    %select_n3A_185 = arith.select %gt3A_184, %slice3A_183, %select_n3A_179 : vector<64x128xi1>, vector<64x128xf32>
    %jit3A_186 = arith.constant 2.700000e+01 : f32
    %broadcast_in_dim3A_187 = vector.broadcast %jit3A_186 : f32 to vector<64x128xf32>
    %select_n3A_188 = arith.select %gt3A_184, %broadcast_in_dim3A_187, %select_n3A_182 : vector<64x128xi1>, vector<64x128xf32>
    %slice3A_189 = vector.extract_strided_slice %dot_general3A_27 {offsets = [0, 3584], sizes = [64, 128], strides = [1, 1]} : vector<512x8192xf32> to vector<64x128xf32>
    %gt3A_190 = arith.cmpf ogt, %slice3A_189, %select_n3A_185 : vector<64x128xf32>
    %select_n3A_191 = arith.select %gt3A_190, %slice3A_189, %select_n3A_185 : vector<64x128xi1>, vector<64x128xf32>
    %jit3A_192 = arith.constant 2.800000e+01 : f32
    %broadcast_in_dim3A_193 = vector.broadcast %jit3A_192 : f32 to vector<64x128xf32>
    %select_n3A_194 = arith.select %gt3A_190, %broadcast_in_dim3A_193, %select_n3A_188 : vector<64x128xi1>, vector<64x128xf32>
    %slice3A_195 = vector.extract_strided_slice %dot_general3A_27 {offsets = [0, 3712], sizes = [64, 128], strides = [1, 1]} : vector<512x8192xf32> to vector<64x128xf32>
    %gt3A_196 = arith.cmpf ogt, %slice3A_195, %select_n3A_191 : vector<64x128xf32>
    %select_n3A_197 = arith.select %gt3A_196, %slice3A_195, %select_n3A_191 : vector<64x128xi1>, vector<64x128xf32>
    %jit3A_198 = arith.constant 2.900000e+01 : f32
    %broadcast_in_dim3A_199 = vector.broadcast %jit3A_198 : f32 to vector<64x128xf32>
    %select_n3A_200 = arith.select %gt3A_196, %broadcast_in_dim3A_199, %select_n3A_194 : vector<64x128xi1>, vector<64x128xf32>
    %slice3A_201 = vector.extract_strided_slice %dot_general3A_27 {offsets = [0, 3840], sizes = [64, 128], strides = [1, 1]} : vector<512x8192xf32> to vector<64x128xf32>
    %gt3A_202 = arith.cmpf ogt, %slice3A_201, %select_n3A_197 : vector<64x128xf32>
    %select_n3A_203 = arith.select %gt3A_202, %slice3A_201, %select_n3A_197 : vector<64x128xi1>, vector<64x128xf32>
    %jit3A_204 = arith.constant 3.000000e+01 : f32
    %broadcast_in_dim3A_205 = vector.broadcast %jit3A_204 : f32 to vector<64x128xf32>
    %select_n3A_206 = arith.select %gt3A_202, %broadcast_in_dim3A_205, %select_n3A_200 : vector<64x128xi1>, vector<64x128xf32>
    %slice3A_207 = vector.extract_strided_slice %dot_general3A_27 {offsets = [0, 3968], sizes = [64, 128], strides = [1, 1]} : vector<512x8192xf32> to vector<64x128xf32>
    %gt3A_208 = arith.cmpf ogt, %slice3A_207, %select_n3A_203 : vector<64x128xf32>
    %select_n3A_209 = arith.select %gt3A_208, %slice3A_207, %select_n3A_203 : vector<64x128xi1>, vector<64x128xf32>
    %jit3A_210 = arith.constant 3.100000e+01 : f32
    %broadcast_in_dim3A_211 = vector.broadcast %jit3A_210 : f32 to vector<64x128xf32>
    %select_n3A_212 = arith.select %gt3A_208, %broadcast_in_dim3A_211, %select_n3A_206 : vector<64x128xi1>, vector<64x128xf32>
    %slice3A_213 = vector.extract_strided_slice %dot_general3A_27 {offsets = [0, 4096], sizes = [64, 128], strides = [1, 1]} : vector<512x8192xf32> to vector<64x128xf32>
    %gt3A_214 = arith.cmpf ogt, %slice3A_213, %select_n3A_209 : vector<64x128xf32>
    %select_n3A_215 = arith.select %gt3A_214, %slice3A_213, %select_n3A_209 : vector<64x128xi1>, vector<64x128xf32>
    %jit3A_216 = arith.constant 3.200000e+01 : f32
    %broadcast_in_dim3A_217 = vector.broadcast %jit3A_216 : f32 to vector<64x128xf32>
    %select_n3A_218 = arith.select %gt3A_214, %broadcast_in_dim3A_217, %select_n3A_212 : vector<64x128xi1>, vector<64x128xf32>
    %slice3A_219 = vector.extract_strided_slice %dot_general3A_27 {offsets = [0, 4224], sizes = [64, 128], strides = [1, 1]} : vector<512x8192xf32> to vector<64x128xf32>
    %gt3A_220 = arith.cmpf ogt, %slice3A_219, %select_n3A_215 : vector<64x128xf32>
    %select_n3A_221 = arith.select %gt3A_220, %slice3A_219, %select_n3A_215 : vector<64x128xi1>, vector<64x128xf32>
    %jit3A_222 = arith.constant 3.300000e+01 : f32
    %broadcast_in_dim3A_223 = vector.broadcast %jit3A_222 : f32 to vector<64x128xf32>
    %select_n3A_224 = arith.select %gt3A_220, %broadcast_in_dim3A_223, %select_n3A_218 : vector<64x128xi1>, vector<64x128xf32>
    %slice3A_225 = vector.extract_strided_slice %dot_general3A_27 {offsets = [0, 4352], sizes = [64, 128], strides = [1, 1]} : vector<512x8192xf32> to vector<64x128xf32>
    %gt3A_226 = arith.cmpf ogt, %slice3A_225, %select_n3A_221 : vector<64x128xf32>
    %select_n3A_227 = arith.select %gt3A_226, %slice3A_225, %select_n3A_221 : vector<64x128xi1>, vector<64x128xf32>
    %jit3A_228 = arith.constant 3.400000e+01 : f32
    %broadcast_in_dim3A_229 = vector.broadcast %jit3A_228 : f32 to vector<64x128xf32>
    %select_n3A_230 = arith.select %gt3A_226, %broadcast_in_dim3A_229, %select_n3A_224 : vector<64x128xi1>, vector<64x128xf32>
    %slice3A_231 = vector.extract_strided_slice %dot_general3A_27 {offsets = [0, 4480], sizes = [64, 128], strides = [1, 1]} : vector<512x8192xf32> to vector<64x128xf32>
    %gt3A_232 = arith.cmpf ogt, %slice3A_231, %select_n3A_227 : vector<64x128xf32>
    %select_n3A_233 = arith.select %gt3A_232, %slice3A_231, %select_n3A_227 : vector<64x128xi1>, vector<64x128xf32>
    %jit3A_234 = arith.constant 3.500000e+01 : f32
    %broadcast_in_dim3A_235 = vector.broadcast %jit3A_234 : f32 to vector<64x128xf32>
    %select_n3A_236 = arith.select %gt3A_232, %broadcast_in_dim3A_235, %select_n3A_230 : vector<64x128xi1>, vector<64x128xf32>
    %slice3A_237 = vector.extract_strided_slice %dot_general3A_27 {offsets = [0, 4608], sizes = [64, 128], strides = [1, 1]} : vector<512x8192xf32> to vector<64x128xf32>
    %gt3A_238 = arith.cmpf ogt, %slice3A_237, %select_n3A_233 : vector<64x128xf32>
    %select_n3A_239 = arith.select %gt3A_238, %slice3A_237, %select_n3A_233 : vector<64x128xi1>, vector<64x128xf32>
    %jit3A_240 = arith.constant 3.600000e+01 : f32
    %broadcast_in_dim3A_241 = vector.broadcast %jit3A_240 : f32 to vector<64x128xf32>
    %select_n3A_242 = arith.select %gt3A_238, %broadcast_in_dim3A_241, %select_n3A_236 : vector<64x128xi1>, vector<64x128xf32>
    %slice3A_243 = vector.extract_strided_slice %dot_general3A_27 {offsets = [0, 4736], sizes = [64, 128], strides = [1, 1]} : vector<512x8192xf32> to vector<64x128xf32>
    %gt3A_244 = arith.cmpf ogt, %slice3A_243, %select_n3A_239 : vector<64x128xf32>
    %select_n3A_245 = arith.select %gt3A_244, %slice3A_243, %select_n3A_239 : vector<64x128xi1>, vector<64x128xf32>
    %jit3A_246 = arith.constant 3.700000e+01 : f32
    %broadcast_in_dim3A_247 = vector.broadcast %jit3A_246 : f32 to vector<64x128xf32>
    %select_n3A_248 = arith.select %gt3A_244, %broadcast_in_dim3A_247, %select_n3A_242 : vector<64x128xi1>, vector<64x128xf32>
    %slice3A_249 = vector.extract_strided_slice %dot_general3A_27 {offsets = [0, 4864], sizes = [64, 128], strides = [1, 1]} : vector<512x8192xf32> to vector<64x128xf32>
    %gt3A_250 = arith.cmpf ogt, %slice3A_249, %select_n3A_245 : vector<64x128xf32>
    %select_n3A_251 = arith.select %gt3A_250, %slice3A_249, %select_n3A_245 : vector<64x128xi1>, vector<64x128xf32>
    %jit3A_252 = arith.constant 3.800000e+01 : f32
    %broadcast_in_dim3A_253 = vector.broadcast %jit3A_252 : f32 to vector<64x128xf32>
    %select_n3A_254 = arith.select %gt3A_250, %broadcast_in_dim3A_253, %select_n3A_248 : vector<64x128xi1>, vector<64x128xf32>
    %slice3A_255 = vector.extract_strided_slice %dot_general3A_27 {offsets = [0, 4992], sizes = [64, 128], strides = [1, 1]} : vector<512x8192xf32> to vector<64x128xf32>
    %gt3A_256 = arith.cmpf ogt, %slice3A_255, %select_n3A_251 : vector<64x128xf32>
    %select_n3A_257 = arith.select %gt3A_256, %slice3A_255, %select_n3A_251 : vector<64x128xi1>, vector<64x128xf32>
    %jit3A_258 = arith.constant 3.900000e+01 : f32
    %broadcast_in_dim3A_259 = vector.broadcast %jit3A_258 : f32 to vector<64x128xf32>
    %select_n3A_260 = arith.select %gt3A_256, %broadcast_in_dim3A_259, %select_n3A_254 : vector<64x128xi1>, vector<64x128xf32>
    %slice3A_261 = vector.extract_strided_slice %dot_general3A_27 {offsets = [0, 5120], sizes = [64, 128], strides = [1, 1]} : vector<512x8192xf32> to vector<64x128xf32>
    %gt3A_262 = arith.cmpf ogt, %slice3A_261, %select_n3A_257 : vector<64x128xf32>
    %select_n3A_263 = arith.select %gt3A_262, %slice3A_261, %select_n3A_257 : vector<64x128xi1>, vector<64x128xf32>
    %jit3A_264 = arith.constant 4.000000e+01 : f32
    %broadcast_in_dim3A_265 = vector.broadcast %jit3A_264 : f32 to vector<64x128xf32>
    %select_n3A_266 = arith.select %gt3A_262, %broadcast_in_dim3A_265, %select_n3A_260 : vector<64x128xi1>, vector<64x128xf32>
    %slice3A_267 = vector.extract_strided_slice %dot_general3A_27 {offsets = [0, 5248], sizes = [64, 128], strides = [1, 1]} : vector<512x8192xf32> to vector<64x128xf32>
    %gt3A_268 = arith.cmpf ogt, %slice3A_267, %select_n3A_263 : vector<64x128xf32>
    %select_n3A_269 = arith.select %gt3A_268, %slice3A_267, %select_n3A_263 : vector<64x128xi1>, vector<64x128xf32>
    %jit3A_270 = arith.constant 4.100000e+01 : f32
    %broadcast_in_dim3A_271 = vector.broadcast %jit3A_270 : f32 to vector<64x128xf32>
    %select_n3A_272 = arith.select %gt3A_268, %broadcast_in_dim3A_271, %select_n3A_266 : vector<64x128xi1>, vector<64x128xf32>
    %slice3A_273 = vector.extract_strided_slice %dot_general3A_27 {offsets = [0, 5376], sizes = [64, 128], strides = [1, 1]} : vector<512x8192xf32> to vector<64x128xf32>
    %gt3A_274 = arith.cmpf ogt, %slice3A_273, %select_n3A_269 : vector<64x128xf32>
    %select_n3A_275 = arith.select %gt3A_274, %slice3A_273, %select_n3A_269 : vector<64x128xi1>, vector<64x128xf32>
    %jit3A_276 = arith.constant 4.200000e+01 : f32
    %broadcast_in_dim3A_277 = vector.broadcast %jit3A_276 : f32 to vector<64x128xf32>
    %select_n3A_278 = arith.select %gt3A_274, %broadcast_in_dim3A_277, %select_n3A_272 : vector<64x128xi1>, vector<64x128xf32>
    %slice3A_279 = vector.extract_strided_slice %dot_general3A_27 {offsets = [0, 5504], sizes = [64, 128], strides = [1, 1]} : vector<512x8192xf32> to vector<64x128xf32>
    %gt3A_280 = arith.cmpf ogt, %slice3A_279, %select_n3A_275 : vector<64x128xf32>
    %select_n3A_281 = arith.select %gt3A_280, %slice3A_279, %select_n3A_275 : vector<64x128xi1>, vector<64x128xf32>
    %jit3A_282 = arith.constant 4.300000e+01 : f32
    %broadcast_in_dim3A_283 = vector.broadcast %jit3A_282 : f32 to vector<64x128xf32>
    %select_n3A_284 = arith.select %gt3A_280, %broadcast_in_dim3A_283, %select_n3A_278 : vector<64x128xi1>, vector<64x128xf32>
    %slice3A_285 = vector.extract_strided_slice %dot_general3A_27 {offsets = [0, 5632], sizes = [64, 128], strides = [1, 1]} : vector<512x8192xf32> to vector<64x128xf32>
    %gt3A_286 = arith.cmpf ogt, %slice3A_285, %select_n3A_281 : vector<64x128xf32>
    %select_n3A_287 = arith.select %gt3A_286, %slice3A_285, %select_n3A_281 : vector<64x128xi1>, vector<64x128xf32>
    %jit3A_288 = arith.constant 4.400000e+01 : f32
    %broadcast_in_dim3A_289 = vector.broadcast %jit3A_288 : f32 to vector<64x128xf32>
    %select_n3A_290 = arith.select %gt3A_286, %broadcast_in_dim3A_289, %select_n3A_284 : vector<64x128xi1>, vector<64x128xf32>
    %slice3A_291 = vector.extract_strided_slice %dot_general3A_27 {offsets = [0, 5760], sizes = [64, 128], strides = [1, 1]} : vector<512x8192xf32> to vector<64x128xf32>
    %gt3A_292 = arith.cmpf ogt, %slice3A_291, %select_n3A_287 : vector<64x128xf32>
    %select_n3A_293 = arith.select %gt3A_292, %slice3A_291, %select_n3A_287 : vector<64x128xi1>, vector<64x128xf32>
    %jit3A_294 = arith.constant 4.500000e+01 : f32
    %broadcast_in_dim3A_295 = vector.broadcast %jit3A_294 : f32 to vector<64x128xf32>
    %select_n3A_296 = arith.select %gt3A_292, %broadcast_in_dim3A_295, %select_n3A_290 : vector<64x128xi1>, vector<64x128xf32>
    %slice3A_297 = vector.extract_strided_slice %dot_general3A_27 {offsets = [0, 5888], sizes = [64, 128], strides = [1, 1]} : vector<512x8192xf32> to vector<64x128xf32>
    %gt3A_298 = arith.cmpf ogt, %slice3A_297, %select_n3A_293 : vector<64x128xf32>
    %select_n3A_299 = arith.select %gt3A_298, %slice3A_297, %select_n3A_293 : vector<64x128xi1>, vector<64x128xf32>
    %jit3A_300 = arith.constant 4.600000e+01 : f32
    %broadcast_in_dim3A_301 = vector.broadcast %jit3A_300 : f32 to vector<64x128xf32>
    %select_n3A_302 = arith.select %gt3A_298, %broadcast_in_dim3A_301, %select_n3A_296 : vector<64x128xi1>, vector<64x128xf32>
    %slice3A_303 = vector.extract_strided_slice %dot_general3A_27 {offsets = [0, 6016], sizes = [64, 128], strides = [1, 1]} : vector<512x8192xf32> to vector<64x128xf32>
    %gt3A_304 = arith.cmpf ogt, %slice3A_303, %select_n3A_299 : vector<64x128xf32>
    %select_n3A_305 = arith.select %gt3A_304, %slice3A_303, %select_n3A_299 : vector<64x128xi1>, vector<64x128xf32>
    %jit3A_306 = arith.constant 4.700000e+01 : f32
    %broadcast_in_dim3A_307 = vector.broadcast %jit3A_306 : f32 to vector<64x128xf32>
    %select_n3A_308 = arith.select %gt3A_304, %broadcast_in_dim3A_307, %select_n3A_302 : vector<64x128xi1>, vector<64x128xf32>
    %slice3A_309 = vector.extract_strided_slice %dot_general3A_27 {offsets = [0, 6144], sizes = [64, 128], strides = [1, 1]} : vector<512x8192xf32> to vector<64x128xf32>
    %gt3A_310 = arith.cmpf ogt, %slice3A_309, %select_n3A_305 : vector<64x128xf32>
    %select_n3A_311 = arith.select %gt3A_310, %slice3A_309, %select_n3A_305 : vector<64x128xi1>, vector<64x128xf32>
    %jit3A_312 = arith.constant 4.800000e+01 : f32
    %broadcast_in_dim3A_313 = vector.broadcast %jit3A_312 : f32 to vector<64x128xf32>
    %select_n3A_314 = arith.select %gt3A_310, %broadcast_in_dim3A_313, %select_n3A_308 : vector<64x128xi1>, vector<64x128xf32>
    %slice3A_315 = vector.extract_strided_slice %dot_general3A_27 {offsets = [0, 6272], sizes = [64, 128], strides = [1, 1]} : vector<512x8192xf32> to vector<64x128xf32>
    %gt3A_316 = arith.cmpf ogt, %slice3A_315, %select_n3A_311 : vector<64x128xf32>
    %select_n3A_317 = arith.select %gt3A_316, %slice3A_315, %select_n3A_311 : vector<64x128xi1>, vector<64x128xf32>
    %jit3A_318 = arith.constant 4.900000e+01 : f32
    %broadcast_in_dim3A_319 = vector.broadcast %jit3A_318 : f32 to vector<64x128xf32>
    %select_n3A_320 = arith.select %gt3A_316, %broadcast_in_dim3A_319, %select_n3A_314 : vector<64x128xi1>, vector<64x128xf32>
    %slice3A_321 = vector.extract_strided_slice %dot_general3A_27 {offsets = [0, 6400], sizes = [64, 128], strides = [1, 1]} : vector<512x8192xf32> to vector<64x128xf32>
    %gt3A_322 = arith.cmpf ogt, %slice3A_321, %select_n3A_317 : vector<64x128xf32>
    %select_n3A_323 = arith.select %gt3A_322, %slice3A_321, %select_n3A_317 : vector<64x128xi1>, vector<64x128xf32>
    %jit3A_324 = arith.constant 5.000000e+01 : f32
    %broadcast_in_dim3A_325 = vector.broadcast %jit3A_324 : f32 to vector<64x128xf32>
    %select_n3A_326 = arith.select %gt3A_322, %broadcast_in_dim3A_325, %select_n3A_320 : vector<64x128xi1>, vector<64x128xf32>
    %slice3A_327 = vector.extract_strided_slice %dot_general3A_27 {offsets = [0, 6528], sizes = [64, 128], strides = [1, 1]} : vector<512x8192xf32> to vector<64x128xf32>
    %gt3A_328 = arith.cmpf ogt, %slice3A_327, %select_n3A_323 : vector<64x128xf32>
    %select_n3A_329 = arith.select %gt3A_328, %slice3A_327, %select_n3A_323 : vector<64x128xi1>, vector<64x128xf32>
    %jit3A_330 = arith.constant 5.100000e+01 : f32
    %broadcast_in_dim3A_331 = vector.broadcast %jit3A_330 : f32 to vector<64x128xf32>
    %select_n3A_332 = arith.select %gt3A_328, %broadcast_in_dim3A_331, %select_n3A_326 : vector<64x128xi1>, vector<64x128xf32>
    %slice3A_333 = vector.extract_strided_slice %dot_general3A_27 {offsets = [0, 6656], sizes = [64, 128], strides = [1, 1]} : vector<512x8192xf32> to vector<64x128xf32>
    %gt3A_334 = arith.cmpf ogt, %slice3A_333, %select_n3A_329 : vector<64x128xf32>
    %select_n3A_335 = arith.select %gt3A_334, %slice3A_333, %select_n3A_329 : vector<64x128xi1>, vector<64x128xf32>
    %jit3A_336 = arith.constant 5.200000e+01 : f32
    %broadcast_in_dim3A_337 = vector.broadcast %jit3A_336 : f32 to vector<64x128xf32>
    %select_n3A_338 = arith.select %gt3A_334, %broadcast_in_dim3A_337, %select_n3A_332 : vector<64x128xi1>, vector<64x128xf32>
    %slice3A_339 = vector.extract_strided_slice %dot_general3A_27 {offsets = [0, 6784], sizes = [64, 128], strides = [1, 1]} : vector<512x8192xf32> to vector<64x128xf32>
    %gt3A_340 = arith.cmpf ogt, %slice3A_339, %select_n3A_335 : vector<64x128xf32>
    %select_n3A_341 = arith.select %gt3A_340, %slice3A_339, %select_n3A_335 : vector<64x128xi1>, vector<64x128xf32>
    %jit3A_342 = arith.constant 5.300000e+01 : f32
    %broadcast_in_dim3A_343 = vector.broadcast %jit3A_342 : f32 to vector<64x128xf32>
    %select_n3A_344 = arith.select %gt3A_340, %broadcast_in_dim3A_343, %select_n3A_338 : vector<64x128xi1>, vector<64x128xf32>
    %slice3A_345 = vector.extract_strided_slice %dot_general3A_27 {offsets = [0, 6912], sizes = [64, 128], strides = [1, 1]} : vector<512x8192xf32> to vector<64x128xf32>
    %gt3A_346 = arith.cmpf ogt, %slice3A_345, %select_n3A_341 : vector<64x128xf32>
    %select_n3A_347 = arith.select %gt3A_346, %slice3A_345, %select_n3A_341 : vector<64x128xi1>, vector<64x128xf32>
    %jit3A_348 = arith.constant 5.400000e+01 : f32
    %broadcast_in_dim3A_349 = vector.broadcast %jit3A_348 : f32 to vector<64x128xf32>
    %select_n3A_350 = arith.select %gt3A_346, %broadcast_in_dim3A_349, %select_n3A_344 : vector<64x128xi1>, vector<64x128xf32>
    %slice3A_351 = vector.extract_strided_slice %dot_general3A_27 {offsets = [0, 7040], sizes = [64, 128], strides = [1, 1]} : vector<512x8192xf32> to vector<64x128xf32>
    %gt3A_352 = arith.cmpf ogt, %slice3A_351, %select_n3A_347 : vector<64x128xf32>
    %select_n3A_353 = arith.select %gt3A_352, %slice3A_351, %select_n3A_347 : vector<64x128xi1>, vector<64x128xf32>
    %jit3A_354 = arith.constant 5.500000e+01 : f32
    %broadcast_in_dim3A_355 = vector.broadcast %jit3A_354 : f32 to vector<64x128xf32>
    %select_n3A_356 = arith.select %gt3A_352, %broadcast_in_dim3A_355, %select_n3A_350 : vector<64x128xi1>, vector<64x128xf32>
    %slice3A_357 = vector.extract_strided_slice %dot_general3A_27 {offsets = [0, 7168], sizes = [64, 128], strides = [1, 1]} : vector<512x8192xf32> to vector<64x128xf32>
    %gt3A_358 = arith.cmpf ogt, %slice3A_357, %select_n3A_353 : vector<64x128xf32>
    %select_n3A_359 = arith.select %gt3A_358, %slice3A_357, %select_n3A_353 : vector<64x128xi1>, vector<64x128xf32>
    %jit3A_360 = arith.constant 5.600000e+01 : f32
    %broadcast_in_dim3A_361 = vector.broadcast %jit3A_360 : f32 to vector<64x128xf32>
    %select_n3A_362 = arith.select %gt3A_358, %broadcast_in_dim3A_361, %select_n3A_356 : vector<64x128xi1>, vector<64x128xf32>
    %slice3A_363 = vector.extract_strided_slice %dot_general3A_27 {offsets = [0, 7296], sizes = [64, 128], strides = [1, 1]} : vector<512x8192xf32> to vector<64x128xf32>
    %gt3A_364 = arith.cmpf ogt, %slice3A_363, %select_n3A_359 : vector<64x128xf32>
    %select_n3A_365 = arith.select %gt3A_364, %slice3A_363, %select_n3A_359 : vector<64x128xi1>, vector<64x128xf32>
    %jit3A_366 = arith.constant 5.700000e+01 : f32
    %broadcast_in_dim3A_367 = vector.broadcast %jit3A_366 : f32 to vector<64x128xf32>
    %select_n3A_368 = arith.select %gt3A_364, %broadcast_in_dim3A_367, %select_n3A_362 : vector<64x128xi1>, vector<64x128xf32>
    %slice3A_369 = vector.extract_strided_slice %dot_general3A_27 {offsets = [0, 7424], sizes = [64, 128], strides = [1, 1]} : vector<512x8192xf32> to vector<64x128xf32>
    %gt3A_370 = arith.cmpf ogt, %slice3A_369, %select_n3A_365 : vector<64x128xf32>
    %select_n3A_371 = arith.select %gt3A_370, %slice3A_369, %select_n3A_365 : vector<64x128xi1>, vector<64x128xf32>
    %jit3A_372 = arith.constant 5.800000e+01 : f32
    %broadcast_in_dim3A_373 = vector.broadcast %jit3A_372 : f32 to vector<64x128xf32>
    %select_n3A_374 = arith.select %gt3A_370, %broadcast_in_dim3A_373, %select_n3A_368 : vector<64x128xi1>, vector<64x128xf32>
    %slice3A_375 = vector.extract_strided_slice %dot_general3A_27 {offsets = [0, 7552], sizes = [64, 128], strides = [1, 1]} : vector<512x8192xf32> to vector<64x128xf32>
    %gt3A_376 = arith.cmpf ogt, %slice3A_375, %select_n3A_371 : vector<64x128xf32>
    %select_n3A_377 = arith.select %gt3A_376, %slice3A_375, %select_n3A_371 : vector<64x128xi1>, vector<64x128xf32>
    %jit3A_378 = arith.constant 5.900000e+01 : f32
    %broadcast_in_dim3A_379 = vector.broadcast %jit3A_378 : f32 to vector<64x128xf32>
    %select_n3A_380 = arith.select %gt3A_376, %broadcast_in_dim3A_379, %select_n3A_374 : vector<64x128xi1>, vector<64x128xf32>
    %slice3A_381 = vector.extract_strided_slice %dot_general3A_27 {offsets = [0, 7680], sizes = [64, 128], strides = [1, 1]} : vector<512x8192xf32> to vector<64x128xf32>
    %gt3A_382 = arith.cmpf ogt, %slice3A_381, %select_n3A_377 : vector<64x128xf32>
    %select_n3A_383 = arith.select %gt3A_382, %slice3A_381, %select_n3A_377 : vector<64x128xi1>, vector<64x128xf32>
    %jit3A_384 = arith.constant 6.000000e+01 : f32
    %broadcast_in_dim3A_385 = vector.broadcast %jit3A_384 : f32 to vector<64x128xf32>
    %select_n3A_386 = arith.select %gt3A_382, %broadcast_in_dim3A_385, %select_n3A_380 : vector<64x128xi1>, vector<64x128xf32>
    %slice3A_387 = vector.extract_strided_slice %dot_general3A_27 {offsets = [0, 7808], sizes = [64, 128], strides = [1, 1]} : vector<512x8192xf32> to vector<64x128xf32>
    %gt3A_388 = arith.cmpf ogt, %slice3A_387, %select_n3A_383 : vector<64x128xf32>
    %select_n3A_389 = arith.select %gt3A_388, %slice3A_387, %select_n3A_383 : vector<64x128xi1>, vector<64x128xf32>
    %jit3A_390 = arith.constant 6.100000e+01 : f32
    %broadcast_in_dim3A_391 = vector.broadcast %jit3A_390 : f32 to vector<64x128xf32>
    %select_n3A_392 = arith.select %gt3A_388, %broadcast_in_dim3A_391, %select_n3A_386 : vector<64x128xi1>, vector<64x128xf32>
    %slice3A_393 = vector.extract_strided_slice %dot_general3A_27 {offsets = [0, 7936], sizes = [64, 128], strides = [1, 1]} : vector<512x8192xf32> to vector<64x128xf32>
    %gt3A_394 = arith.cmpf ogt, %slice3A_393, %select_n3A_389 : vector<64x128xf32>
    %select_n3A_395 = arith.select %gt3A_394, %slice3A_393, %select_n3A_389 : vector<64x128xi1>, vector<64x128xf32>
    %jit3A_396 = arith.constant 6.200000e+01 : f32
    %broadcast_in_dim3A_397 = vector.broadcast %jit3A_396 : f32 to vector<64x128xf32>
    %select_n3A_398 = arith.select %gt3A_394, %broadcast_in_dim3A_397, %select_n3A_392 : vector<64x128xi1>, vector<64x128xf32>
    %slice3A_399 = vector.extract_strided_slice %dot_general3A_27 {offsets = [0, 8064], sizes = [64, 128], strides = [1, 1]} : vector<512x8192xf32> to vector<64x128xf32>
    %gt3A_400 = arith.cmpf ogt, %slice3A_399, %select_n3A_395 : vector<64x128xf32>
    %select_n3A_401 = arith.select %gt3A_400, %slice3A_399, %select_n3A_395 : vector<64x128xi1>, vector<64x128xf32>
    %jit3A_402 = arith.constant 6.300000e+01 : f32
    %broadcast_in_dim3A_403 = vector.broadcast %jit3A_402 : f32 to vector<64x128xf32>
    %select_n3A_404 = arith.select %gt3A_400, %broadcast_in_dim3A_403, %select_n3A_398 : vector<64x128xi1>, vector<64x128xf32>
    %mul3A_405 = arith.constant 1.280000e+02 : f32
    %mul3A_406 = vector.broadcast %mul3A_405 : f32 to vector<64x128xf32>
    %mul3A_407 = arith.mulf %select_n3A_404, %mul3A_406 : vector<64x128xf32>
    %get3A_408 = arith.constant 0 : index
    %get3A_409 = arith.constant 0 : index
    %get3A_410 = vector.load %arg6[%get3A_408, %get3A_409] : memref<1x8192xf32, #tpu.memory_space<vmem>>, vector<1x128xf32>
    %add3A_411 = vector.broadcast %get3A_410 : vector<1x128xf32> to vector<64x128xf32>
    %add3A_412 = arith.addf %mul3A_407, %add3A_411 : vector<64x128xf32>
    %reduce_max3A = arith.constant dense<0xFF800000> : vector<64xf32>
    %reduce_max3A_413 = vector.multi_reduction <maximumf>, %select_n3A_401, %reduce_max3A [1] : vector<64x128xf32> to vector<64xf32>
    %broadcast_in_dim3A_414 = vector.shape_cast %reduce_max3A_413 : vector<64xf32> to vector<64x1xf32>
    %eq3A_415 = vector.broadcast %broadcast_in_dim3A_414 : vector<64x1xf32> to vector<64x128xf32>
    %eq3A_416 = arith.cmpf oeq, %select_n3A_401, %eq3A_415 : vector<64x128xf32>
    %jit3A_417 = arith.constant 8.192000e+03 : f32
    %broadcast_in_dim3A_418 = vector.broadcast %jit3A_417 : f32 to vector<64x128xf32>
    %select_n3A_419 = arith.select %eq3A_416, %add3A_412, %broadcast_in_dim3A_418 : vector<64x128xi1>, vector<64x128xf32>
    %reduce_min3A = arith.constant dense<0x7F800000> : vector<64xf32>
    %reduce_min3A_420 = vector.multi_reduction <minimumf>, %select_n3A_419, %reduce_min3A [1] : vector<64x128xf32> to vector<64xf32>
    %min3A = arith.constant 8.191000e+03 : f32
    %min3A_421 = vector.broadcast %min3A : f32 to vector<64xf32>
    %min3A_422 = arith.minimumf %reduce_min3A_420, %min3A_421 : vector<64xf32>
    %convert_element_type3A_423 = arith.fptosi %min3A_422 : vector<64xf32> to vector<64xi32>
    %slice3A_424 = vector.extract_strided_slice %dot_general3A_27 {offsets = [64, 0], sizes = [64, 128], strides = [1, 1]} : vector<512x8192xf32> to vector<64x128xf32>
    %broadcast_in_dim3A_425 = arith.constant 0.000000e+00 : f32
    %broadcast_in_dim3A_426 = vector.broadcast %broadcast_in_dim3A_425 : f32 to vector<64x128xf32>
    %slice3A_427 = vector.extract_strided_slice %dot_general3A_27 {offsets = [64, 128], sizes = [64, 128], strides = [1, 1]} : vector<512x8192xf32> to vector<64x128xf32>
    %gt3A_428 = arith.cmpf ogt, %slice3A_427, %slice3A_424 : vector<64x128xf32>
    %select_n3A_429 = arith.select %gt3A_428, %slice3A_427, %slice3A_424 : vector<64x128xi1>, vector<64x128xf32>
    %jit3A_430 = arith.constant 1.000000e+00 : f32
    %broadcast_in_dim3A_431 = vector.broadcast %jit3A_430 : f32 to vector<64x128xf32>
    %select_n3A_432 = arith.select %gt3A_428, %broadcast_in_dim3A_431, %broadcast_in_dim3A_426 : vector<64x128xi1>, vector<64x128xf32>
    %slice3A_433 = vector.extract_strided_slice %dot_general3A_27 {offsets = [64, 256], sizes = [64, 128], strides = [1, 1]} : vector<512x8192xf32> to vector<64x128xf32>
    %gt3A_434 = arith.cmpf ogt, %slice3A_433, %select_n3A_429 : vector<64x128xf32>
    %select_n3A_435 = arith.select %gt3A_434, %slice3A_433, %select_n3A_429 : vector<64x128xi1>, vector<64x128xf32>
    %jit3A_436 = arith.constant 2.000000e+00 : f32
    %broadcast_in_dim3A_437 = vector.broadcast %jit3A_436 : f32 to vector<64x128xf32>
    %select_n3A_438 = arith.select %gt3A_434, %broadcast_in_dim3A_437, %select_n3A_432 : vector<64x128xi1>, vector<64x128xf32>
    %slice3A_439 = vector.extract_strided_slice %dot_general3A_27 {offsets = [64, 384], sizes = [64, 128], strides = [1, 1]} : vector<512x8192xf32> to vector<64x128xf32>
    %gt3A_440 = arith.cmpf ogt, %slice3A_439, %select_n3A_435 : vector<64x128xf32>
    %select_n3A_441 = arith.select %gt3A_440, %slice3A_439, %select_n3A_435 : vector<64x128xi1>, vector<64x128xf32>
    %jit3A_442 = arith.constant 3.000000e+00 : f32
    %broadcast_in_dim3A_443 = vector.broadcast %jit3A_442 : f32 to vector<64x128xf32>
    %select_n3A_444 = arith.select %gt3A_440, %broadcast_in_dim3A_443, %select_n3A_438 : vector<64x128xi1>, vector<64x128xf32>
    %slice3A_445 = vector.extract_strided_slice %dot_general3A_27 {offsets = [64, 512], sizes = [64, 128], strides = [1, 1]} : vector<512x8192xf32> to vector<64x128xf32>
    %gt3A_446 = arith.cmpf ogt, %slice3A_445, %select_n3A_441 : vector<64x128xf32>
    %select_n3A_447 = arith.select %gt3A_446, %slice3A_445, %select_n3A_441 : vector<64x128xi1>, vector<64x128xf32>
    %jit3A_448 = arith.constant 4.000000e+00 : f32
    %broadcast_in_dim3A_449 = vector.broadcast %jit3A_448 : f32 to vector<64x128xf32>
    %select_n3A_450 = arith.select %gt3A_446, %broadcast_in_dim3A_449, %select_n3A_444 : vector<64x128xi1>, vector<64x128xf32>
    %slice3A_451 = vector.extract_strided_slice %dot_general3A_27 {offsets = [64, 640], sizes = [64, 128], strides = [1, 1]} : vector<512x8192xf32> to vector<64x128xf32>
    %gt3A_452 = arith.cmpf ogt, %slice3A_451, %select_n3A_447 : vector<64x128xf32>
    %select_n3A_453 = arith.select %gt3A_452, %slice3A_451, %select_n3A_447 : vector<64x128xi1>, vector<64x128xf32>
    %jit3A_454 = arith.constant 5.000000e+00 : f32
    %broadcast_in_dim3A_455 = vector.broadcast %jit3A_454 : f32 to vector<64x128xf32>
    %select_n3A_456 = arith.select %gt3A_452, %broadcast_in_dim3A_455, %select_n3A_450 : vector<64x128xi1>, vector<64x128xf32>
    %slice3A_457 = vector.extract_strided_slice %dot_general3A_27 {offsets = [64, 768], sizes = [64, 128], strides = [1, 1]} : vector<512x8192xf32> to vector<64x128xf32>
    %gt3A_458 = arith.cmpf ogt, %slice3A_457, %select_n3A_453 : vector<64x128xf32>
    %select_n3A_459 = arith.select %gt3A_458, %slice3A_457, %select_n3A_453 : vector<64x128xi1>, vector<64x128xf32>
    %jit3A_460 = arith.constant 6.000000e+00 : f32
    %broadcast_in_dim3A_461 = vector.broadcast %jit3A_460 : f32 to vector<64x128xf32>
    %select_n3A_462 = arith.select %gt3A_458, %broadcast_in_dim3A_461, %select_n3A_456 : vector<64x128xi1>, vector<64x128xf32>
    %slice3A_463 = vector.extract_strided_slice %dot_general3A_27 {offsets = [64, 896], sizes = [64, 128], strides = [1, 1]} : vector<512x8192xf32> to vector<64x128xf32>
    %gt3A_464 = arith.cmpf ogt, %slice3A_463, %select_n3A_459 : vector<64x128xf32>
    %select_n3A_465 = arith.select %gt3A_464, %slice3A_463, %select_n3A_459 : vector<64x128xi1>, vector<64x128xf32>
    %jit3A_466 = arith.constant 7.000000e+00 : f32
    %broadcast_in_dim3A_467 = vector.broadcast %jit3A_466 : f32 to vector<64x128xf32>
    %select_n3A_468 = arith.select %gt3A_464, %broadcast_in_dim3A_467, %select_n3A_462 : vector<64x128xi1>, vector<64x128xf32>
    %slice3A_469 = vector.extract_strided_slice %dot_general3A_27 {offsets = [64, 1024], sizes = [64, 128], strides = [1, 1]} : vector<512x8192xf32> to vector<64x128xf32>
    %gt3A_470 = arith.cmpf ogt, %slice3A_469, %select_n3A_465 : vector<64x128xf32>
    %select_n3A_471 = arith.select %gt3A_470, %slice3A_469, %select_n3A_465 : vector<64x128xi1>, vector<64x128xf32>
    %jit3A_472 = arith.constant 8.000000e+00 : f32
    %broadcast_in_dim3A_473 = vector.broadcast %jit3A_472 : f32 to vector<64x128xf32>
    %select_n3A_474 = arith.select %gt3A_470, %broadcast_in_dim3A_473, %select_n3A_468 : vector<64x128xi1>, vector<64x128xf32>
    %slice3A_475 = vector.extract_strided_slice %dot_general3A_27 {offsets = [64, 1152], sizes = [64, 128], strides = [1, 1]} : vector<512x8192xf32> to vector<64x128xf32>
    %gt3A_476 = arith.cmpf ogt, %slice3A_475, %select_n3A_471 : vector<64x128xf32>
    %select_n3A_477 = arith.select %gt3A_476, %slice3A_475, %select_n3A_471 : vector<64x128xi1>, vector<64x128xf32>
    %jit3A_478 = arith.constant 9.000000e+00 : f32
    %broadcast_in_dim3A_479 = vector.broadcast %jit3A_478 : f32 to vector<64x128xf32>
    %select_n3A_480 = arith.select %gt3A_476, %broadcast_in_dim3A_479, %select_n3A_474 : vector<64x128xi1>, vector<64x128xf32>
    %slice3A_481 = vector.extract_strided_slice %dot_general3A_27 {offsets = [64, 1280], sizes = [64, 128], strides = [1, 1]} : vector<512x8192xf32> to vector<64x128xf32>
    %gt3A_482 = arith.cmpf ogt, %slice3A_481, %select_n3A_477 : vector<64x128xf32>
    %select_n3A_483 = arith.select %gt3A_482, %slice3A_481, %select_n3A_477 : vector<64x128xi1>, vector<64x128xf32>
    %jit3A_484 = arith.constant 1.000000e+01 : f32
    %broadcast_in_dim3A_485 = vector.broadcast %jit3A_484 : f32 to vector<64x128xf32>
    %select_n3A_486 = arith.select %gt3A_482, %broadcast_in_dim3A_485, %select_n3A_480 : vector<64x128xi1>, vector<64x128xf32>
    %slice3A_487 = vector.extract_strided_slice %dot_general3A_27 {offsets = [64, 1408], sizes = [64, 128], strides = [1, 1]} : vector<512x8192xf32> to vector<64x128xf32>
    %gt3A_488 = arith.cmpf ogt, %slice3A_487, %select_n3A_483 : vector<64x128xf32>
    %select_n3A_489 = arith.select %gt3A_488, %slice3A_487, %select_n3A_483 : vector<64x128xi1>, vector<64x128xf32>
    %jit3A_490 = arith.constant 1.100000e+01 : f32
    %broadcast_in_dim3A_491 = vector.broadcast %jit3A_490 : f32 to vector<64x128xf32>
    %select_n3A_492 = arith.select %gt3A_488, %broadcast_in_dim3A_491, %select_n3A_486 : vector<64x128xi1>, vector<64x128xf32>
    %slice3A_493 = vector.extract_strided_slice %dot_general3A_27 {offsets = [64, 1536], sizes = [64, 128], strides = [1, 1]} : vector<512x8192xf32> to vector<64x128xf32>
    %gt3A_494 = arith.cmpf ogt, %slice3A_493, %select_n3A_489 : vector<64x128xf32>
    %select_n3A_495 = arith.select %gt3A_494, %slice3A_493, %select_n3A_489 : vector<64x128xi1>, vector<64x128xf32>
    %jit3A_496 = arith.constant 1.200000e+01 : f32
    %broadcast_in_dim3A_497 = vector.broadcast %jit3A_496 : f32 to vector<64x128xf32>
    %select_n3A_498 = arith.select %gt3A_494, %broadcast_in_dim3A_497, %select_n3A_492 : vector<64x128xi1>, vector<64x128xf32>
    %slice3A_499 = vector.extract_strided_slice %dot_general3A_27 {offsets = [64, 1664], sizes = [64, 128], strides = [1, 1]} : vector<512x8192xf32> to vector<64x128xf32>
    %gt3A_500 = arith.cmpf ogt, %slice3A_499, %select_n3A_495 : vector<64x128xf32>
    %select_n3A_501 = arith.select %gt3A_500, %slice3A_499, %select_n3A_495 : vector<64x128xi1>, vector<64x128xf32>
    %jit3A_502 = arith.constant 1.300000e+01 : f32
    %broadcast_in_dim3A_503 = vector.broadcast %jit3A_502 : f32 to vector<64x128xf32>
    %select_n3A_504 = arith.select %gt3A_500, %broadcast_in_dim3A_503, %select_n3A_498 : vector<64x128xi1>, vector<64x128xf32>
    %slice3A_505 = vector.extract_strided_slice %dot_general3A_27 {offsets = [64, 1792], sizes = [64, 128], strides = [1, 1]} : vector<512x8192xf32> to vector<64x128xf32>
    %gt3A_506 = arith.cmpf ogt, %slice3A_505, %select_n3A_501 : vector<64x128xf32>
    %select_n3A_507 = arith.select %gt3A_506, %slice3A_505, %select_n3A_501 : vector<64x128xi1>, vector<64x128xf32>
    %jit3A_508 = arith.constant 1.400000e+01 : f32
    %broadcast_in_dim3A_509 = vector.broadcast %jit3A_508 : f32 to vector<64x128xf32>
    %select_n3A_510 = arith.select %gt3A_506, %broadcast_in_dim3A_509, %select_n3A_504 : vector<64x128xi1>, vector<64x128xf32>
    %slice3A_511 = vector.extract_strided_slice %dot_general3A_27 {offsets = [64, 1920], sizes = [64, 128], strides = [1, 1]} : vector<512x8192xf32> to vector<64x128xf32>
    %gt3A_512 = arith.cmpf ogt, %slice3A_511, %select_n3A_507 : vector<64x128xf32>
    %select_n3A_513 = arith.select %gt3A_512, %slice3A_511, %select_n3A_507 : vector<64x128xi1>, vector<64x128xf32>
    %jit3A_514 = arith.constant 1.500000e+01 : f32
    %broadcast_in_dim3A_515 = vector.broadcast %jit3A_514 : f32 to vector<64x128xf32>
    %select_n3A_516 = arith.select %gt3A_512, %broadcast_in_dim3A_515, %select_n3A_510 : vector<64x128xi1>, vector<64x128xf32>
    %slice3A_517 = vector.extract_strided_slice %dot_general3A_27 {offsets = [64, 2048], sizes = [64, 128], strides = [1, 1]} : vector<512x8192xf32> to vector<64x128xf32>
    %gt3A_518 = arith.cmpf ogt, %slice3A_517, %select_n3A_513 : vector<64x128xf32>
    %select_n3A_519 = arith.select %gt3A_518, %slice3A_517, %select_n3A_513 : vector<64x128xi1>, vector<64x128xf32>
    %jit3A_520 = arith.constant 1.600000e+01 : f32
    %broadcast_in_dim3A_521 = vector.broadcast %jit3A_520 : f32 to vector<64x128xf32>
    %select_n3A_522 = arith.select %gt3A_518, %broadcast_in_dim3A_521, %select_n3A_516 : vector<64x128xi1>, vector<64x128xf32>
    %slice3A_523 = vector.extract_strided_slice %dot_general3A_27 {offsets = [64, 2176], sizes = [64, 128], strides = [1, 1]} : vector<512x8192xf32> to vector<64x128xf32>
    %gt3A_524 = arith.cmpf ogt, %slice3A_523, %select_n3A_519 : vector<64x128xf32>
    %select_n3A_525 = arith.select %gt3A_524, %slice3A_523, %select_n3A_519 : vector<64x128xi1>, vector<64x128xf32>
    %jit3A_526 = arith.constant 1.700000e+01 : f32
    %broadcast_in_dim3A_527 = vector.broadcast %jit3A_526 : f32 to vector<64x128xf32>
    %select_n3A_528 = arith.select %gt3A_524, %broadcast_in_dim3A_527, %select_n3A_522 : vector<64x128xi1>, vector<64x128xf32>
    %slice3A_529 = vector.extract_strided_slice %dot_general3A_27 {offsets = [64, 2304], sizes = [64, 128], strides = [1, 1]} : vector<512x8192xf32> to vector<64x128xf32>
    %gt3A_530 = arith.cmpf ogt, %slice3A_529, %select_n3A_525 : vector<64x128xf32>
    %select_n3A_531 = arith.select %gt3A_530, %slice3A_529, %select_n3A_525 : vector<64x128xi1>, vector<64x128xf32>
    %jit3A_532 = arith.constant 1.800000e+01 : f32
    %broadcast_in_dim3A_533 = vector.broadcast %jit3A_532 : f32 to vector<64x128xf32>
    %select_n3A_534 = arith.select %gt3A_530, %broadcast_in_dim3A_533, %select_n3A_528 : vector<64x128xi1>, vector<64x128xf32>
    %slice3A_535 = vector.extract_strided_slice %dot_general3A_27 {offsets = [64, 2432], sizes = [64, 128], strides = [1, 1]} : vector<512x8192xf32> to vector<64x128xf32>
    %gt3A_536 = arith.cmpf ogt, %slice3A_535, %select_n3A_531 : vector<64x128xf32>
    %select_n3A_537 = arith.select %gt3A_536, %slice3A_535, %select_n3A_531 : vector<64x128xi1>, vector<64x128xf32>
    %jit3A_538 = arith.constant 1.900000e+01 : f32
    %broadcast_in_dim3A_539 = vector.broadcast %jit3A_538 : f32 to vector<64x128xf32>
    %select_n3A_540 = arith.select %gt3A_536, %broadcast_in_dim3A_539, %select_n3A_534 : vector<64x128xi1>, vector<64x128xf32>
    %slice3A_541 = vector.extract_strided_slice %dot_general3A_27 {offsets = [64, 2560], sizes = [64, 128], strides = [1, 1]} : vector<512x8192xf32> to vector<64x128xf32>
    %gt3A_542 = arith.cmpf ogt, %slice3A_541, %select_n3A_537 : vector<64x128xf32>
    %select_n3A_543 = arith.select %gt3A_542, %slice3A_541, %select_n3A_537 : vector<64x128xi1>, vector<64x128xf32>
    %jit3A_544 = arith.constant 2.000000e+01 : f32
    %broadcast_in_dim3A_545 = vector.broadcast %jit3A_544 : f32 to vector<64x128xf32>
    %select_n3A_546 = arith.select %gt3A_542, %broadcast_in_dim3A_545, %select_n3A_540 : vector<64x128xi1>, vector<64x128xf32>
    %slice3A_547 = vector.extract_strided_slice %dot_general3A_27 {offsets = [64, 2688], sizes = [64, 128], strides = [1, 1]} : vector<512x8192xf32> to vector<64x128xf32>
    %gt3A_548 = arith.cmpf ogt, %slice3A_547, %select_n3A_543 : vector<64x128xf32>
    %select_n3A_549 = arith.select %gt3A_548, %slice3A_547, %select_n3A_543 : vector<64x128xi1>, vector<64x128xf32>
    %jit3A_550 = arith.constant 2.100000e+01 : f32
    %broadcast_in_dim3A_551 = vector.broadcast %jit3A_550 : f32 to vector<64x128xf32>
    %select_n3A_552 = arith.select %gt3A_548, %broadcast_in_dim3A_551, %select_n3A_546 : vector<64x128xi1>, vector<64x128xf32>
    %slice3A_553 = vector.extract_strided_slice %dot_general3A_27 {offsets = [64, 2816], sizes = [64, 128], strides = [1, 1]} : vector<512x8192xf32> to vector<64x128xf32>
    %gt3A_554 = arith.cmpf ogt, %slice3A_553, %select_n3A_549 : vector<64x128xf32>
    %select_n3A_555 = arith.select %gt3A_554, %slice3A_553, %select_n3A_549 : vector<64x128xi1>, vector<64x128xf32>
    %jit3A_556 = arith.constant 2.200000e+01 : f32
    %broadcast_in_dim3A_557 = vector.broadcast %jit3A_556 : f32 to vector<64x128xf32>
    %select_n3A_558 = arith.select %gt3A_554, %broadcast_in_dim3A_557, %select_n3A_552 : vector<64x128xi1>, vector<64x128xf32>
    %slice3A_559 = vector.extract_strided_slice %dot_general3A_27 {offsets = [64, 2944], sizes = [64, 128], strides = [1, 1]} : vector<512x8192xf32> to vector<64x128xf32>
    %gt3A_560 = arith.cmpf ogt, %slice3A_559, %select_n3A_555 : vector<64x128xf32>
    %select_n3A_561 = arith.select %gt3A_560, %slice3A_559, %select_n3A_555 : vector<64x128xi1>, vector<64x128xf32>
    %jit3A_562 = arith.constant 2.300000e+01 : f32
    %broadcast_in_dim3A_563 = vector.broadcast %jit3A_562 : f32 to vector<64x128xf32>
    %select_n3A_564 = arith.select %gt3A_560, %broadcast_in_dim3A_563, %select_n3A_558 : vector<64x128xi1>, vector<64x128xf32>
    %slice3A_565 = vector.extract_strided_slice %dot_general3A_27 {offsets = [64, 3072], sizes = [64, 128], strides = [1, 1]} : vector<512x8192xf32> to vector<64x128xf32>
    %gt3A_566 = arith.cmpf ogt, %slice3A_565, %select_n3A_561 : vector<64x128xf32>
    %select_n3A_567 = arith.select %gt3A_566, %slice3A_565, %select_n3A_561 : vector<64x128xi1>, vector<64x128xf32>
    %jit3A_568 = arith.constant 2.400000e+01 : f32
    %broadcast_in_dim3A_569 = vector.broadcast %jit3A_568 : f32 to vector<64x128xf32>
    %select_n3A_570 = arith.select %gt3A_566, %broadcast_in_dim3A_569, %select_n3A_564 : vector<64x128xi1>, vector<64x128xf32>
    %slice3A_571 = vector.extract_strided_slice %dot_general3A_27 {offsets = [64, 3200], sizes = [64, 128], strides = [1, 1]} : vector<512x8192xf32> to vector<64x128xf32>
    %gt3A_572 = arith.cmpf ogt, %slice3A_571, %select_n3A_567 : vector<64x128xf32>
    %select_n3A_573 = arith.select %gt3A_572, %slice3A_571, %select_n3A_567 : vector<64x128xi1>, vector<64x128xf32>
    %jit3A_574 = arith.constant 2.500000e+01 : f32
    %broadcast_in_dim3A_575 = vector.broadcast %jit3A_574 : f32 to vector<64x128xf32>
    %select_n3A_576 = arith.select %gt3A_572, %broadcast_in_dim3A_575, %select_n3A_570 : vector<64x128xi1>, vector<64x128xf32>
    %slice3A_577 = vector.extract_strided_slice %dot_general3A_27 {offsets = [64, 3328], sizes = [64, 128], strides = [1, 1]} : vector<512x8192xf32> to vector<64x128xf32>
    %gt3A_578 = arith.cmpf ogt, %slice3A_577, %select_n3A_573 : vector<64x128xf32>
    %select_n3A_579 = arith.select %gt3A_578, %slice3A_577, %select_n3A_573 : vector<64x128xi1>, vector<64x128xf32>
    %jit3A_580 = arith.constant 2.600000e+01 : f32
    %broadcast_in_dim3A_581 = vector.broadcast %jit3A_580 : f32 to vector<64x128xf32>
    %select_n3A_582 = arith.select %gt3A_578, %broadcast_in_dim3A_581, %select_n3A_576 : vector<64x128xi1>, vector<64x128xf32>
    %slice3A_583 = vector.extract_strided_slice %dot_general3A_27 {offsets = [64, 3456], sizes = [64, 128], strides = [1, 1]} : vector<512x8192xf32> to vector<64x128xf32>
    %gt3A_584 = arith.cmpf ogt, %slice3A_583, %select_n3A_579 : vector<64x128xf32>
    %select_n3A_585 = arith.select %gt3A_584, %slice3A_583, %select_n3A_579 : vector<64x128xi1>, vector<64x128xf32>
    %jit3A_586 = arith.constant 2.700000e+01 : f32
    %broadcast_in_dim3A_587 = vector.broadcast %jit3A_586 : f32 to vector<64x128xf32>
    %select_n3A_588 = arith.select %gt3A_584, %broadcast_in_dim3A_587, %select_n3A_582 : vector<64x128xi1>, vector<64x128xf32>
    %slice3A_589 = vector.extract_strided_slice %dot_general3A_27 {offsets = [64, 3584], sizes = [64, 128], strides = [1, 1]} : vector<512x8192xf32> to vector<64x128xf32>
    %gt3A_590 = arith.cmpf ogt, %slice3A_589, %select_n3A_585 : vector<64x128xf32>
    %select_n3A_591 = arith.select %gt3A_590, %slice3A_589, %select_n3A_585 : vector<64x128xi1>, vector<64x128xf32>
    %jit3A_592 = arith.constant 2.800000e+01 : f32
    %broadcast_in_dim3A_593 = vector.broadcast %jit3A_592 : f32 to vector<64x128xf32>
    %select_n3A_594 = arith.select %gt3A_590, %broadcast_in_dim3A_593, %select_n3A_588 : vector<64x128xi1>, vector<64x128xf32>
    %slice3A_595 = vector.extract_strided_slice %dot_general3A_27 {offsets = [64, 3712], sizes = [64, 128], strides = [1, 1]} : vector<512x8192xf32> to vector<64x128xf32>
    %gt3A_596 = arith.cmpf ogt, %slice3A_595, %select_n3A_591 : vector<64x128xf32>
    %select_n3A_597 = arith.select %gt3A_596, %slice3A_595, %select_n3A_591 : vector<64x128xi1>, vector<64x128xf32>
    %jit3A_598 = arith.constant 2.900000e+01 : f32
    %broadcast_in_dim3A_599 = vector.broadcast %jit3A_598 : f32 to vector<64x128xf32>
    %select_n3A_600 = arith.select %gt3A_596, %broadcast_in_dim3A_599, %select_n3A_594 : vector<64x128xi1>, vector<64x128xf32>
    %slice3A_601 = vector.extract_strided_slice %dot_general3A_27 {offsets = [64, 3840], sizes = [64, 128], strides = [1, 1]} : vector<512x8192xf32> to vector<64x128xf32>
    %gt3A_602 = arith.cmpf ogt, %slice3A_601, %select_n3A_597 : vector<64x128xf32>
    %select_n3A_603 = arith.select %gt3A_602, %slice3A_601, %select_n3A_597 : vector<64x128xi1>, vector<64x128xf32>
    %jit3A_604 = arith.constant 3.000000e+01 : f32
    %broadcast_in_dim3A_605 = vector.broadcast %jit3A_604 : f32 to vector<64x128xf32>
    %select_n3A_606 = arith.select %gt3A_602, %broadcast_in_dim3A_605, %select_n3A_600 : vector<64x128xi1>, vector<64x128xf32>
    %slice3A_607 = vector.extract_strided_slice %dot_general3A_27 {offsets = [64, 3968], sizes = [64, 128], strides = [1, 1]} : vector<512x8192xf32> to vector<64x128xf32>
    %gt3A_608 = arith.cmpf ogt, %slice3A_607, %select_n3A_603 : vector<64x128xf32>
    %select_n3A_609 = arith.select %gt3A_608, %slice3A_607, %select_n3A_603 : vector<64x128xi1>, vector<64x128xf32>
    %jit3A_610 = arith.constant 3.100000e+01 : f32
    %broadcast_in_dim3A_611 = vector.broadcast %jit3A_610 : f32 to vector<64x128xf32>
    %select_n3A_612 = arith.select %gt3A_608, %broadcast_in_dim3A_611, %select_n3A_606 : vector<64x128xi1>, vector<64x128xf32>
    %slice3A_613 = vector.extract_strided_slice %dot_general3A_27 {offsets = [64, 4096], sizes = [64, 128], strides = [1, 1]} : vector<512x8192xf32> to vector<64x128xf32>
    %gt3A_614 = arith.cmpf ogt, %slice3A_613, %select_n3A_609 : vector<64x128xf32>
    %select_n3A_615 = arith.select %gt3A_614, %slice3A_613, %select_n3A_609 : vector<64x128xi1>, vector<64x128xf32>
    %jit3A_616 = arith.constant 3.200000e+01 : f32
    %broadcast_in_dim3A_617 = vector.broadcast %jit3A_616 : f32 to vector<64x128xf32>
    %select_n3A_618 = arith.select %gt3A_614, %broadcast_in_dim3A_617, %select_n3A_612 : vector<64x128xi1>, vector<64x128xf32>
    %slice3A_619 = vector.extract_strided_slice %dot_general3A_27 {offsets = [64, 4224], sizes = [64, 128], strides = [1, 1]} : vector<512x8192xf32> to vector<64x128xf32>
    %gt3A_620 = arith.cmpf ogt, %slice3A_619, %select_n3A_615 : vector<64x128xf32>
    %select_n3A_621 = arith.select %gt3A_620, %slice3A_619, %select_n3A_615 : vector<64x128xi1>, vector<64x128xf32>
    %jit3A_622 = arith.constant 3.300000e+01 : f32
    %broadcast_in_dim3A_623 = vector.broadcast %jit3A_622 : f32 to vector<64x128xf32>
    %select_n3A_624 = arith.select %gt3A_620, %broadcast_in_dim3A_623, %select_n3A_618 : vector<64x128xi1>, vector<64x128xf32>
    %slice3A_625 = vector.extract_strided_slice %dot_general3A_27 {offsets = [64, 4352], sizes = [64, 128], strides = [1, 1]} : vector<512x8192xf32> to vector<64x128xf32>
    %gt3A_626 = arith.cmpf ogt, %slice3A_625, %select_n3A_621 : vector<64x128xf32>
    %select_n3A_627 = arith.select %gt3A_626, %slice3A_625, %select_n3A_621 : vector<64x128xi1>, vector<64x128xf32>
    %jit3A_628 = arith.constant 3.400000e+01 : f32
    %broadcast_in_dim3A_629 = vector.broadcast %jit3A_628 : f32 to vector<64x128xf32>
    %select_n3A_630 = arith.select %gt3A_626, %broadcast_in_dim3A_629, %select_n3A_624 : vector<64x128xi1>, vector<64x128xf32>
    %slice3A_631 = vector.extract_strided_slice %dot_general3A_27 {offsets = [64, 4480], sizes = [64, 128], strides = [1, 1]} : vector<512x8192xf32> to vector<64x128xf32>
    %gt3A_632 = arith.cmpf ogt, %slice3A_631, %select_n3A_627 : vector<64x128xf32>
    %select_n3A_633 = arith.select %gt3A_632, %slice3A_631, %select_n3A_627 : vector<64x128xi1>, vector<64x128xf32>
    %jit3A_634 = arith.constant 3.500000e+01 : f32
    %broadcast_in_dim3A_635 = vector.broadcast %jit3A_634 : f32 to vector<64x128xf32>
    %select_n3A_636 = arith.select %gt3A_632, %broadcast_in_dim3A_635, %select_n3A_630 : vector<64x128xi1>, vector<64x128xf32>
    %slice3A_637 = vector.extract_strided_slice %dot_general3A_27 {offsets = [64, 4608], sizes = [64, 128], strides = [1, 1]} : vector<512x8192xf32> to vector<64x128xf32>
    %gt3A_638 = arith.cmpf ogt, %slice3A_637, %select_n3A_633 : vector<64x128xf32>
    %select_n3A_639 = arith.select %gt3A_638, %slice3A_637, %select_n3A_633 : vector<64x128xi1>, vector<64x128xf32>
    %jit3A_640 = arith.constant 3.600000e+01 : f32
    %broadcast_in_dim3A_641 = vector.broadcast %jit3A_640 : f32 to vector<64x128xf32>
    %select_n3A_642 = arith.select %gt3A_638, %broadcast_in_dim3A_641, %select_n3A_636 : vector<64x128xi1>, vector<64x128xf32>
    %slice3A_643 = vector.extract_strided_slice %dot_general3A_27 {offsets = [64, 4736], sizes = [64, 128], strides = [1, 1]} : vector<512x8192xf32> to vector<64x128xf32>
    %gt3A_644 = arith.cmpf ogt, %slice3A_643, %select_n3A_639 : vector<64x128xf32>
    %select_n3A_645 = arith.select %gt3A_644, %slice3A_643, %select_n3A_639 : vector<64x128xi1>, vector<64x128xf32>
    %jit3A_646 = arith.constant 3.700000e+01 : f32
    %broadcast_in_dim3A_647 = vector.broadcast %jit3A_646 : f32 to vector<64x128xf32>
    %select_n3A_648 = arith.select %gt3A_644, %broadcast_in_dim3A_647, %select_n3A_642 : vector<64x128xi1>, vector<64x128xf32>
    %slice3A_649 = vector.extract_strided_slice %dot_general3A_27 {offsets = [64, 4864], sizes = [64, 128], strides = [1, 1]} : vector<512x8192xf32> to vector<64x128xf32>
    %gt3A_650 = arith.cmpf ogt, %slice3A_649, %select_n3A_645 : vector<64x128xf32>
    %select_n3A_651 = arith.select %gt3A_650, %slice3A_649, %select_n3A_645 : vector<64x128xi1>, vector<64x128xf32>
    %jit3A_652 = arith.constant 3.800000e+01 : f32
    %broadcast_in_dim3A_653 = vector.broadcast %jit3A_652 : f32 to vector<64x128xf32>
    %select_n3A_654 = arith.select %gt3A_650, %broadcast_in_dim3A_653, %select_n3A_648 : vector<64x128xi1>, vector<64x128xf32>
    %slice3A_655 = vector.extract_strided_slice %dot_general3A_27 {offsets = [64, 4992], sizes = [64, 128], strides = [1, 1]} : vector<512x8192xf32> to vector<64x128xf32>
    %gt3A_656 = arith.cmpf ogt, %slice3A_655, %select_n3A_651 : vector<64x128xf32>
    %select_n3A_657 = arith.select %gt3A_656, %slice3A_655, %select_n3A_651 : vector<64x128xi1>, vector<64x128xf32>
    %jit3A_658 = arith.constant 3.900000e+01 : f32
    %broadcast_in_dim3A_659 = vector.broadcast %jit3A_658 : f32 to vector<64x128xf32>
    %select_n3A_660 = arith.select %gt3A_656, %broadcast_in_dim3A_659, %select_n3A_654 : vector<64x128xi1>, vector<64x128xf32>
    %slice3A_661 = vector.extract_strided_slice %dot_general3A_27 {offsets = [64, 5120], sizes = [64, 128], strides = [1, 1]} : vector<512x8192xf32> to vector<64x128xf32>
    %gt3A_662 = arith.cmpf ogt, %slice3A_661, %select_n3A_657 : vector<64x128xf32>
    %select_n3A_663 = arith.select %gt3A_662, %slice3A_661, %select_n3A_657 : vector<64x128xi1>, vector<64x128xf32>
    %jit3A_664 = arith.constant 4.000000e+01 : f32
    %broadcast_in_dim3A_665 = vector.broadcast %jit3A_664 : f32 to vector<64x128xf32>
    %select_n3A_666 = arith.select %gt3A_662, %broadcast_in_dim3A_665, %select_n3A_660 : vector<64x128xi1>, vector<64x128xf32>
    %slice3A_667 = vector.extract_strided_slice %dot_general3A_27 {offsets = [64, 5248], sizes = [64, 128], strides = [1, 1]} : vector<512x8192xf32> to vector<64x128xf32>
    %gt3A_668 = arith.cmpf ogt, %slice3A_667, %select_n3A_663 : vector<64x128xf32>
    %select_n3A_669 = arith.select %gt3A_668, %slice3A_667, %select_n3A_663 : vector<64x128xi1>, vector<64x128xf32>
    %jit3A_670 = arith.constant 4.100000e+01 : f32
    %broadcast_in_dim3A_671 = vector.broadcast %jit3A_670 : f32 to vector<64x128xf32>
    %select_n3A_672 = arith.select %gt3A_668, %broadcast_in_dim3A_671, %select_n3A_666 : vector<64x128xi1>, vector<64x128xf32>
    %slice3A_673 = vector.extract_strided_slice %dot_general3A_27 {offsets = [64, 5376], sizes = [64, 128], strides = [1, 1]} : vector<512x8192xf32> to vector<64x128xf32>
    %gt3A_674 = arith.cmpf ogt, %slice3A_673, %select_n3A_669 : vector<64x128xf32>
    %select_n3A_675 = arith.select %gt3A_674, %slice3A_673, %select_n3A_669 : vector<64x128xi1>, vector<64x128xf32>
    %jit3A_676 = arith.constant 4.200000e+01 : f32
    %broadcast_in_dim3A_677 = vector.broadcast %jit3A_676 : f32 to vector<64x128xf32>
    %select_n3A_678 = arith.select %gt3A_674, %broadcast_in_dim3A_677, %select_n3A_672 : vector<64x128xi1>, vector<64x128xf32>
    %slice3A_679 = vector.extract_strided_slice %dot_general3A_27 {offsets = [64, 5504], sizes = [64, 128], strides = [1, 1]} : vector<512x8192xf32> to vector<64x128xf32>
    %gt3A_680 = arith.cmpf ogt, %slice3A_679, %select_n3A_675 : vector<64x128xf32>
    %select_n3A_681 = arith.select %gt3A_680, %slice3A_679, %select_n3A_675 : vector<64x128xi1>, vector<64x128xf32>
    %jit3A_682 = arith.constant 4.300000e+01 : f32
    %broadcast_in_dim3A_683 = vector.broadcast %jit3A_682 : f32 to vector<64x128xf32>
    %select_n3A_684 = arith.select %gt3A_680, %broadcast_in_dim3A_683, %select_n3A_678 : vector<64x128xi1>, vector<64x128xf32>
    %slice3A_685 = vector.extract_strided_slice %dot_general3A_27 {offsets = [64, 5632], sizes = [64, 128], strides = [1, 1]} : vector<512x8192xf32> to vector<64x128xf32>
    %gt3A_686 = arith.cmpf ogt, %slice3A_685, %select_n3A_681 : vector<64x128xf32>
    %select_n3A_687 = arith.select %gt3A_686, %slice3A_685, %select_n3A_681 : vector<64x128xi1>, vector<64x128xf32>
    %jit3A_688 = arith.constant 4.400000e+01 : f32
    %broadcast_in_dim3A_689 = vector.broadcast %jit3A_688 : f32 to vector<64x128xf32>
    %select_n3A_690 = arith.select %gt3A_686, %broadcast_in_dim3A_689, %select_n3A_684 : vector<64x128xi1>, vector<64x128xf32>
    %slice3A_691 = vector.extract_strided_slice %dot_general3A_27 {offsets = [64, 5760], sizes = [64, 128], strides = [1, 1]} : vector<512x8192xf32> to vector<64x128xf32>
    %gt3A_692 = arith.cmpf ogt, %slice3A_691, %select_n3A_687 : vector<64x128xf32>
    %select_n3A_693 = arith.select %gt3A_692, %slice3A_691, %select_n3A_687 : vector<64x128xi1>, vector<64x128xf32>
    %jit3A_694 = arith.constant 4.500000e+01 : f32
    %broadcast_in_dim3A_695 = vector.broadcast %jit3A_694 : f32 to vector<64x128xf32>
    %select_n3A_696 = arith.select %gt3A_692, %broadcast_in_dim3A_695, %select_n3A_690 : vector<64x128xi1>, vector<64x128xf32>
    %slice3A_697 = vector.extract_strided_slice %dot_general3A_27 {offsets = [64, 5888], sizes = [64, 128], strides = [1, 1]} : vector<512x8192xf32> to vector<64x128xf32>
    %gt3A_698 = arith.cmpf ogt, %slice3A_697, %select_n3A_693 : vector<64x128xf32>
    %select_n3A_699 = arith.select %gt3A_698, %slice3A_697, %select_n3A_693 : vector<64x128xi1>, vector<64x128xf32>
    %jit3A_700 = arith.constant 4.600000e+01 : f32
    %broadcast_in_dim3A_701 = vector.broadcast %jit3A_700 : f32 to vector<64x128xf32>
    %select_n3A_702 = arith.select %gt3A_698, %broadcast_in_dim3A_701, %select_n3A_696 : vector<64x128xi1>, vector<64x128xf32>
    %slice3A_703 = vector.extract_strided_slice %dot_general3A_27 {offsets = [64, 6016], sizes = [64, 128], strides = [1, 1]} : vector<512x8192xf32> to vector<64x128xf32>
    %gt3A_704 = arith.cmpf ogt, %slice3A_703, %select_n3A_699 : vector<64x128xf32>
    %select_n3A_705 = arith.select %gt3A_704, %slice3A_703, %select_n3A_699 : vector<64x128xi1>, vector<64x128xf32>
    %jit3A_706 = arith.constant 4.700000e+01 : f32
    %broadcast_in_dim3A_707 = vector.broadcast %jit3A_706 : f32 to vector<64x128xf32>
    %select_n3A_708 = arith.select %gt3A_704, %broadcast_in_dim3A_707, %select_n3A_702 : vector<64x128xi1>, vector<64x128xf32>
    %slice3A_709 = vector.extract_strided_slice %dot_general3A_27 {offsets = [64, 6144], sizes = [64, 128], strides = [1, 1]} : vector<512x8192xf32> to vector<64x128xf32>
    %gt3A_710 = arith.cmpf ogt, %slice3A_709, %select_n3A_705 : vector<64x128xf32>
    %select_n3A_711 = arith.select %gt3A_710, %slice3A_709, %select_n3A_705 : vector<64x128xi1>, vector<64x128xf32>
    %jit3A_712 = arith.constant 4.800000e+01 : f32
    %broadcast_in_dim3A_713 = vector.broadcast %jit3A_712 : f32 to vector<64x128xf32>
    %select_n3A_714 = arith.select %gt3A_710, %broadcast_in_dim3A_713, %select_n3A_708 : vector<64x128xi1>, vector<64x128xf32>
    %slice3A_715 = vector.extract_strided_slice %dot_general3A_27 {offsets = [64, 6272], sizes = [64, 128], strides = [1, 1]} : vector<512x8192xf32> to vector<64x128xf32>
    %gt3A_716 = arith.cmpf ogt, %slice3A_715, %select_n3A_711 : vector<64x128xf32>
    %select_n3A_717 = arith.select %gt3A_716, %slice3A_715, %select_n3A_711 : vector<64x128xi1>, vector<64x128xf32>
    %jit3A_718 = arith.constant 4.900000e+01 : f32
    %broadcast_in_dim3A_719 = vector.broadcast %jit3A_718 : f32 to vector<64x128xf32>
    %select_n3A_720 = arith.select %gt3A_716, %broadcast_in_dim3A_719, %select_n3A_714 : vector<64x128xi1>, vector<64x128xf32>
    %slice3A_721 = vector.extract_strided_slice %dot_general3A_27 {offsets = [64, 6400], sizes = [64, 128], strides = [1, 1]} : vector<512x8192xf32> to vector<64x128xf32>
    %gt3A_722 = arith.cmpf ogt, %slice3A_721, %select_n3A_717 : vector<64x128xf32>
    %select_n3A_723 = arith.select %gt3A_722, %slice3A_721, %select_n3A_717 : vector<64x128xi1>, vector<64x128xf32>
    %jit3A_724 = arith.constant 5.000000e+01 : f32
    %broadcast_in_dim3A_725 = vector.broadcast %jit3A_724 : f32 to vector<64x128xf32>
    %select_n3A_726 = arith.select %gt3A_722, %broadcast_in_dim3A_725, %select_n3A_720 : vector<64x128xi1>, vector<64x128xf32>
    %slice3A_727 = vector.extract_strided_slice %dot_general3A_27 {offsets = [64, 6528], sizes = [64, 128], strides = [1, 1]} : vector<512x8192xf32> to vector<64x128xf32>
    %gt3A_728 = arith.cmpf ogt, %slice3A_727, %select_n3A_723 : vector<64x128xf32>
    %select_n3A_729 = arith.select %gt3A_728, %slice3A_727, %select_n3A_723 : vector<64x128xi1>, vector<64x128xf32>
    %jit3A_730 = arith.constant 5.100000e+01 : f32
    %broadcast_in_dim3A_731 = vector.broadcast %jit3A_730 : f32 to vector<64x128xf32>
    %select_n3A_732 = arith.select %gt3A_728, %broadcast_in_dim3A_731, %select_n3A_726 : vector<64x128xi1>, vector<64x128xf32>
    %slice3A_733 = vector.extract_strided_slice %dot_general3A_27 {offsets = [64, 6656], sizes = [64, 128], strides = [1, 1]} : vector<512x8192xf32> to vector<64x128xf32>
    %gt3A_734 = arith.cmpf ogt, %slice3A_733, %select_n3A_729 : vector<64x128xf32>
    %select_n3A_735 = arith.select %gt3A_734, %slice3A_733, %select_n3A_729 : vector<64x128xi1>, vector<64x128xf32>
    %jit3A_736 = arith.constant 5.200000e+01 : f32
    %broadcast_in_dim3A_737 = vector.broadcast %jit3A_736 : f32 to vector<64x128xf32>
    %select_n3A_738 = arith.select %gt3A_734, %broadcast_in_dim3A_737, %select_n3A_732 : vector<64x128xi1>, vector<64x128xf32>
    %slice3A_739 = vector.extract_strided_slice %dot_general3A_27 {offsets = [64, 6784], sizes = [64, 128], strides = [1, 1]} : vector<512x8192xf32> to vector<64x128xf32>
    %gt3A_740 = arith.cmpf ogt, %slice3A_739, %select_n3A_735 : vector<64x128xf32>
    %select_n3A_741 = arith.select %gt3A_740, %slice3A_739, %select_n3A_735 : vector<64x128xi1>, vector<64x128xf32>
    %jit3A_742 = arith.constant 5.300000e+01 : f32
    %broadcast_in_dim3A_743 = vector.broadcast %jit3A_742 : f32 to vector<64x128xf32>
    %select_n3A_744 = arith.select %gt3A_740, %broadcast_in_dim3A_743, %select_n3A_738 : vector<64x128xi1>, vector<64x128xf32>
    %slice3A_745 = vector.extract_strided_slice %dot_general3A_27 {offsets = [64, 6912], sizes = [64, 128], strides = [1, 1]} : vector<512x8192xf32> to vector<64x128xf32>
    %gt3A_746 = arith.cmpf ogt, %slice3A_745, %select_n3A_741 : vector<64x128xf32>
    %select_n3A_747 = arith.select %gt3A_746, %slice3A_745, %select_n3A_741 : vector<64x128xi1>, vector<64x128xf32>
    %jit3A_748 = arith.constant 5.400000e+01 : f32
    %broadcast_in_dim3A_749 = vector.broadcast %jit3A_748 : f32 to vector<64x128xf32>
    %select_n3A_750 = arith.select %gt3A_746, %broadcast_in_dim3A_749, %select_n3A_744 : vector<64x128xi1>, vector<64x128xf32>
    %slice3A_751 = vector.extract_strided_slice %dot_general3A_27 {offsets = [64, 7040], sizes = [64, 128], strides = [1, 1]} : vector<512x8192xf32> to vector<64x128xf32>
    %gt3A_752 = arith.cmpf ogt, %slice3A_751, %select_n3A_747 : vector<64x128xf32>
    %select_n3A_753 = arith.select %gt3A_752, %slice3A_751, %select_n3A_747 : vector<64x128xi1>, vector<64x128xf32>
    %jit3A_754 = arith.constant 5.500000e+01 : f32
    %broadcast_in_dim3A_755 = vector.broadcast %jit3A_754 : f32 to vector<64x128xf32>
    %select_n3A_756 = arith.select %gt3A_752, %broadcast_in_dim3A_755, %select_n3A_750 : vector<64x128xi1>, vector<64x128xf32>
    %slice3A_757 = vector.extract_strided_slice %dot_general3A_27 {offsets = [64, 7168], sizes = [64, 128], strides = [1, 1]} : vector<512x8192xf32> to vector<64x128xf32>
    %gt3A_758 = arith.cmpf ogt, %slice3A_757, %select_n3A_753 : vector<64x128xf32>
    %select_n3A_759 = arith.select %gt3A_758, %slice3A_757, %select_n3A_753 : vector<64x128xi1>, vector<64x128xf32>
    %jit3A_760 = arith.constant 5.600000e+01 : f32
    %broadcast_in_dim3A_761 = vector.broadcast %jit3A_760 : f32 to vector<64x128xf32>
    %select_n3A_762 = arith.select %gt3A_758, %broadcast_in_dim3A_761, %select_n3A_756 : vector<64x128xi1>, vector<64x128xf32>
    %slice3A_763 = vector.extract_strided_slice %dot_general3A_27 {offsets = [64, 7296], sizes = [64, 128], strides = [1, 1]} : vector<512x8192xf32> to vector<64x128xf32>
    %gt3A_764 = arith.cmpf ogt, %slice3A_763, %select_n3A_759 : vector<64x128xf32>
    %select_n3A_765 = arith.select %gt3A_764, %slice3A_763, %select_n3A_759 : vector<64x128xi1>, vector<64x128xf32>
    %jit3A_766 = arith.constant 5.700000e+01 : f32
    %broadcast_in_dim3A_767 = vector.broadcast %jit3A_766 : f32 to vector<64x128xf32>
    %select_n3A_768 = arith.select %gt3A_764, %broadcast_in_dim3A_767, %select_n3A_762 : vector<64x128xi1>, vector<64x128xf32>
    %slice3A_769 = vector.extract_strided_slice %dot_general3A_27 {offsets = [64, 7424], sizes = [64, 128], strides = [1, 1]} : vector<512x8192xf32> to vector<64x128xf32>
    %gt3A_770 = arith.cmpf ogt, %slice3A_769, %select_n3A_765 : vector<64x128xf32>
    %select_n3A_771 = arith.select %gt3A_770, %slice3A_769, %select_n3A_765 : vector<64x128xi1>, vector<64x128xf32>
    %jit3A_772 = arith.constant 5.800000e+01 : f32
    %broadcast_in_dim3A_773 = vector.broadcast %jit3A_772 : f32 to vector<64x128xf32>
    %select_n3A_774 = arith.select %gt3A_770, %broadcast_in_dim3A_773, %select_n3A_768 : vector<64x128xi1>, vector<64x128xf32>
    %slice3A_775 = vector.extract_strided_slice %dot_general3A_27 {offsets = [64, 7552], sizes = [64, 128], strides = [1, 1]} : vector<512x8192xf32> to vector<64x128xf32>
    %gt3A_776 = arith.cmpf ogt, %slice3A_775, %select_n3A_771 : vector<64x128xf32>
    %select_n3A_777 = arith.select %gt3A_776, %slice3A_775, %select_n3A_771 : vector<64x128xi1>, vector<64x128xf32>
    %jit3A_778 = arith.constant 5.900000e+01 : f32
    %broadcast_in_dim3A_779 = vector.broadcast %jit3A_778 : f32 to vector<64x128xf32>
    %select_n3A_780 = arith.select %gt3A_776, %broadcast_in_dim3A_779, %select_n3A_774 : vector<64x128xi1>, vector<64x128xf32>
    %slice3A_781 = vector.extract_strided_slice %dot_general3A_27 {offsets = [64, 7680], sizes = [64, 128], strides = [1, 1]} : vector<512x8192xf32> to vector<64x128xf32>
    %gt3A_782 = arith.cmpf ogt, %slice3A_781, %select_n3A_777 : vector<64x128xf32>
    %select_n3A_783 = arith.select %gt3A_782, %slice3A_781, %select_n3A_777 : vector<64x128xi1>, vector<64x128xf32>
    %jit3A_784 = arith.constant 6.000000e+01 : f32
    %broadcast_in_dim3A_785 = vector.broadcast %jit3A_784 : f32 to vector<64x128xf32>
    %select_n3A_786 = arith.select %gt3A_782, %broadcast_in_dim3A_785, %select_n3A_780 : vector<64x128xi1>, vector<64x128xf32>
    %slice3A_787 = vector.extract_strided_slice %dot_general3A_27 {offsets = [64, 7808], sizes = [64, 128], strides = [1, 1]} : vector<512x8192xf32> to vector<64x128xf32>
    %gt3A_788 = arith.cmpf ogt, %slice3A_787, %select_n3A_783 : vector<64x128xf32>
    %select_n3A_789 = arith.select %gt3A_788, %slice3A_787, %select_n3A_783 : vector<64x128xi1>, vector<64x128xf32>
    %jit3A_790 = arith.constant 6.100000e+01 : f32
    %broadcast_in_dim3A_791 = vector.broadcast %jit3A_790 : f32 to vector<64x128xf32>
    %select_n3A_792 = arith.select %gt3A_788, %broadcast_in_dim3A_791, %select_n3A_786 : vector<64x128xi1>, vector<64x128xf32>
    %slice3A_793 = vector.extract_strided_slice %dot_general3A_27 {offsets = [64, 7936], sizes = [64, 128], strides = [1, 1]} : vector<512x8192xf32> to vector<64x128xf32>
    %gt3A_794 = arith.cmpf ogt, %slice3A_793, %select_n3A_789 : vector<64x128xf32>
    %select_n3A_795 = arith.select %gt3A_794, %slice3A_793, %select_n3A_789 : vector<64x128xi1>, vector<64x128xf32>
    %jit3A_796 = arith.constant 6.200000e+01 : f32
    %broadcast_in_dim3A_797 = vector.broadcast %jit3A_796 : f32 to vector<64x128xf32>
    %select_n3A_798 = arith.select %gt3A_794, %broadcast_in_dim3A_797, %select_n3A_792 : vector<64x128xi1>, vector<64x128xf32>
    %slice3A_799 = vector.extract_strided_slice %dot_general3A_27 {offsets = [64, 8064], sizes = [64, 128], strides = [1, 1]} : vector<512x8192xf32> to vector<64x128xf32>
    %gt3A_800 = arith.cmpf ogt, %slice3A_799, %select_n3A_795 : vector<64x128xf32>
    %select_n3A_801 = arith.select %gt3A_800, %slice3A_799, %select_n3A_795 : vector<64x128xi1>, vector<64x128xf32>
    %jit3A_802 = arith.constant 6.300000e+01 : f32
    %broadcast_in_dim3A_803 = vector.broadcast %jit3A_802 : f32 to vector<64x128xf32>
    %select_n3A_804 = arith.select %gt3A_800, %broadcast_in_dim3A_803, %select_n3A_798 : vector<64x128xi1>, vector<64x128xf32>
    %mul3A_805 = arith.constant 1.280000e+02 : f32
    %mul3A_806 = vector.broadcast %mul3A_805 : f32 to vector<64x128xf32>
    %mul3A_807 = arith.mulf %select_n3A_804, %mul3A_806 : vector<64x128xf32>
    %get3A_808 = arith.constant 0 : index
    %get3A_809 = arith.constant 0 : index
    %get3A_810 = vector.load %arg6[%get3A_808, %get3A_809] : memref<1x8192xf32, #tpu.memory_space<vmem>>, vector<1x128xf32>
    %add3A_811 = vector.broadcast %get3A_810 : vector<1x128xf32> to vector<64x128xf32>
    %add3A_812 = arith.addf %mul3A_807, %add3A_811 : vector<64x128xf32>
    %reduce_max3A_813 = arith.constant dense<0xFF800000> : vector<64xf32>
    %reduce_max3A_814 = vector.multi_reduction <maximumf>, %select_n3A_801, %reduce_max3A_813 [1] : vector<64x128xf32> to vector<64xf32>
    %broadcast_in_dim3A_815 = vector.shape_cast %reduce_max3A_814 : vector<64xf32> to vector<64x1xf32>
    %eq3A_816 = vector.broadcast %broadcast_in_dim3A_815 : vector<64x1xf32> to vector<64x128xf32>
    %eq3A_817 = arith.cmpf oeq, %select_n3A_801, %eq3A_816 : vector<64x128xf32>
    %jit3A_818 = arith.constant 8.192000e+03 : f32
    %broadcast_in_dim3A_819 = vector.broadcast %jit3A_818 : f32 to vector<64x128xf32>
    %select_n3A_820 = arith.select %eq3A_817, %add3A_812, %broadcast_in_dim3A_819 : vector<64x128xi1>, vector<64x128xf32>
    %reduce_min3A_821 = arith.constant dense<0x7F800000> : vector<64xf32>
    %reduce_min3A_822 = vector.multi_reduction <minimumf>, %select_n3A_820, %reduce_min3A_821 [1] : vector<64x128xf32> to vector<64xf32>
    %min3A_823 = arith.constant 8.191000e+03 : f32
    %min3A_824 = vector.broadcast %min3A_823 : f32 to vector<64xf32>
    %min3A_825 = arith.minimumf %reduce_min3A_822, %min3A_824 : vector<64xf32>
    %convert_element_type3A_826 = arith.fptosi %min3A_825 : vector<64xf32> to vector<64xi32>
    %slice3A_827 = vector.extract_strided_slice %dot_general3A_27 {offsets = [128, 0], sizes = [64, 128], strides = [1, 1]} : vector<512x8192xf32> to vector<64x128xf32>
    %broadcast_in_dim3A_828 = arith.constant 0.000000e+00 : f32
    %broadcast_in_dim3A_829 = vector.broadcast %broadcast_in_dim3A_828 : f32 to vector<64x128xf32>
    %slice3A_830 = vector.extract_strided_slice %dot_general3A_27 {offsets = [128, 128], sizes = [64, 128], strides = [1, 1]} : vector<512x8192xf32> to vector<64x128xf32>
    %gt3A_831 = arith.cmpf ogt, %slice3A_830, %slice3A_827 : vector<64x128xf32>
    %select_n3A_832 = arith.select %gt3A_831, %slice3A_830, %slice3A_827 : vector<64x128xi1>, vector<64x128xf32>
    %jit3A_833 = arith.constant 1.000000e+00 : f32
    %broadcast_in_dim3A_834 = vector.broadcast %jit3A_833 : f32 to vector<64x128xf32>
    %select_n3A_835 = arith.select %gt3A_831, %broadcast_in_dim3A_834, %broadcast_in_dim3A_829 : vector<64x128xi1>, vector<64x128xf32>
    %slice3A_836 = vector.extract_strided_slice %dot_general3A_27 {offsets = [128, 256], sizes = [64, 128], strides = [1, 1]} : vector<512x8192xf32> to vector<64x128xf32>
    %gt3A_837 = arith.cmpf ogt, %slice3A_836, %select_n3A_832 : vector<64x128xf32>
    %select_n3A_838 = arith.select %gt3A_837, %slice3A_836, %select_n3A_832 : vector<64x128xi1>, vector<64x128xf32>
    %jit3A_839 = arith.constant 2.000000e+00 : f32
    %broadcast_in_dim3A_840 = vector.broadcast %jit3A_839 : f32 to vector<64x128xf32>
    %select_n3A_841 = arith.select %gt3A_837, %broadcast_in_dim3A_840, %select_n3A_835 : vector<64x128xi1>, vector<64x128xf32>
    %slice3A_842 = vector.extract_strided_slice %dot_general3A_27 {offsets = [128, 384], sizes = [64, 128], strides = [1, 1]} : vector<512x8192xf32> to vector<64x128xf32>
    %gt3A_843 = arith.cmpf ogt, %slice3A_842, %select_n3A_838 : vector<64x128xf32>
    %select_n3A_844 = arith.select %gt3A_843, %slice3A_842, %select_n3A_838 : vector<64x128xi1>, vector<64x128xf32>
    %jit3A_845 = arith.constant 3.000000e+00 : f32
    %broadcast_in_dim3A_846 = vector.broadcast %jit3A_845 : f32 to vector<64x128xf32>
    %select_n3A_847 = arith.select %gt3A_843, %broadcast_in_dim3A_846, %select_n3A_841 : vector<64x128xi1>, vector<64x128xf32>
    %slice3A_848 = vector.extract_strided_slice %dot_general3A_27 {offsets = [128, 512], sizes = [64, 128], strides = [1, 1]} : vector<512x8192xf32> to vector<64x128xf32>
    %gt3A_849 = arith.cmpf ogt, %slice3A_848, %select_n3A_844 : vector<64x128xf32>
    %select_n3A_850 = arith.select %gt3A_849, %slice3A_848, %select_n3A_844 : vector<64x128xi1>, vector<64x128xf32>
    %jit3A_851 = arith.constant 4.000000e+00 : f32
    %broadcast_in_dim3A_852 = vector.broadcast %jit3A_851 : f32 to vector<64x128xf32>
    %select_n3A_853 = arith.select %gt3A_849, %broadcast_in_dim3A_852, %select_n3A_847 : vector<64x128xi1>, vector<64x128xf32>
    %slice3A_854 = vector.extract_strided_slice %dot_general3A_27 {offsets = [128, 640], sizes = [64, 128], strides = [1, 1]} : vector<512x8192xf32> to vector<64x128xf32>
    %gt3A_855 = arith.cmpf ogt, %slice3A_854, %select_n3A_850 : vector<64x128xf32>
    %select_n3A_856 = arith.select %gt3A_855, %slice3A_854, %select_n3A_850 : vector<64x128xi1>, vector<64x128xf32>
    %jit3A_857 = arith.constant 5.000000e+00 : f32
    %broadcast_in_dim3A_858 = vector.broadcast %jit3A_857 : f32 to vector<64x128xf32>
    %select_n3A_859 = arith.select %gt3A_855, %broadcast_in_dim3A_858, %select_n3A_853 : vector<64x128xi1>, vector<64x128xf32>
    %slice3A_860 = vector.extract_strided_slice %dot_general3A_27 {offsets = [128, 768], sizes = [64, 128], strides = [1, 1]} : vector<512x8192xf32> to vector<64x128xf32>
    %gt3A_861 = arith.cmpf ogt, %slice3A_860, %select_n3A_856 : vector<64x128xf32>
    %select_n3A_862 = arith.select %gt3A_861, %slice3A_860, %select_n3A_856 : vector<64x128xi1>, vector<64x128xf32>
    %jit3A_863 = arith.constant 6.000000e+00 : f32
    %broadcast_in_dim3A_864 = vector.broadcast %jit3A_863 : f32 to vector<64x128xf32>
    %select_n3A_865 = arith.select %gt3A_861, %broadcast_in_dim3A_864, %select_n3A_859 : vector<64x128xi1>, vector<64x128xf32>
    %slice3A_866 = vector.extract_strided_slice %dot_general3A_27 {offsets = [128, 896], sizes = [64, 128], strides = [1, 1]} : vector<512x8192xf32> to vector<64x128xf32>
    %gt3A_867 = arith.cmpf ogt, %slice3A_866, %select_n3A_862 : vector<64x128xf32>
    %select_n3A_868 = arith.select %gt3A_867, %slice3A_866, %select_n3A_862 : vector<64x128xi1>, vector<64x128xf32>
    %jit3A_869 = arith.constant 7.000000e+00 : f32
    %broadcast_in_dim3A_870 = vector.broadcast %jit3A_869 : f32 to vector<64x128xf32>
    %select_n3A_871 = arith.select %gt3A_867, %broadcast_in_dim3A_870, %select_n3A_865 : vector<64x128xi1>, vector<64x128xf32>
    %slice3A_872 = vector.extract_strided_slice %dot_general3A_27 {offsets = [128, 1024], sizes = [64, 128], strides = [1, 1]} : vector<512x8192xf32> to vector<64x128xf32>
    %gt3A_873 = arith.cmpf ogt, %slice3A_872, %select_n3A_868 : vector<64x128xf32>
    %select_n3A_874 = arith.select %gt3A_873, %slice3A_872, %select_n3A_868 : vector<64x128xi1>, vector<64x128xf32>
    %jit3A_875 = arith.constant 8.000000e+00 : f32
    %broadcast_in_dim3A_876 = vector.broadcast %jit3A_875 : f32 to vector<64x128xf32>
    %select_n3A_877 = arith.select %gt3A_873, %broadcast_in_dim3A_876, %select_n3A_871 : vector<64x128xi1>, vector<64x128xf32>
    %slice3A_878 = vector.extract_strided_slice %dot_general3A_27 {offsets = [128, 1152], sizes = [64, 128], strides = [1, 1]} : vector<512x8192xf32> to vector<64x128xf32>
    %gt3A_879 = arith.cmpf ogt, %slice3A_878, %select_n3A_874 : vector<64x128xf32>
    %select_n3A_880 = arith.select %gt3A_879, %slice3A_878, %select_n3A_874 : vector<64x128xi1>, vector<64x128xf32>
    %jit3A_881 = arith.constant 9.000000e+00 : f32
    %broadcast_in_dim3A_882 = vector.broadcast %jit3A_881 : f32 to vector<64x128xf32>
    %select_n3A_883 = arith.select %gt3A_879, %broadcast_in_dim3A_882, %select_n3A_877 : vector<64x128xi1>, vector<64x128xf32>
    %slice3A_884 = vector.extract_strided_slice %dot_general3A_27 {offsets = [128, 1280], sizes = [64, 128], strides = [1, 1]} : vector<512x8192xf32> to vector<64x128xf32>
    %gt3A_885 = arith.cmpf ogt, %slice3A_884, %select_n3A_880 : vector<64x128xf32>
    %select_n3A_886 = arith.select %gt3A_885, %slice3A_884, %select_n3A_880 : vector<64x128xi1>, vector<64x128xf32>
    %jit3A_887 = arith.constant 1.000000e+01 : f32
    %broadcast_in_dim3A_888 = vector.broadcast %jit3A_887 : f32 to vector<64x128xf32>
    %select_n3A_889 = arith.select %gt3A_885, %broadcast_in_dim3A_888, %select_n3A_883 : vector<64x128xi1>, vector<64x128xf32>
    %slice3A_890 = vector.extract_strided_slice %dot_general3A_27 {offsets = [128, 1408], sizes = [64, 128], strides = [1, 1]} : vector<512x8192xf32> to vector<64x128xf32>
    %gt3A_891 = arith.cmpf ogt, %slice3A_890, %select_n3A_886 : vector<64x128xf32>
    %select_n3A_892 = arith.select %gt3A_891, %slice3A_890, %select_n3A_886 : vector<64x128xi1>, vector<64x128xf32>
    %jit3A_893 = arith.constant 1.100000e+01 : f32
    %broadcast_in_dim3A_894 = vector.broadcast %jit3A_893 : f32 to vector<64x128xf32>
    %select_n3A_895 = arith.select %gt3A_891, %broadcast_in_dim3A_894, %select_n3A_889 : vector<64x128xi1>, vector<64x128xf32>
    %slice3A_896 = vector.extract_strided_slice %dot_general3A_27 {offsets = [128, 1536], sizes = [64, 128], strides = [1, 1]} : vector<512x8192xf32> to vector<64x128xf32>
    %gt3A_897 = arith.cmpf ogt, %slice3A_896, %select_n3A_892 : vector<64x128xf32>
    %select_n3A_898 = arith.select %gt3A_897, %slice3A_896, %select_n3A_892 : vector<64x128xi1>, vector<64x128xf32>
    %jit3A_899 = arith.constant 1.200000e+01 : f32
    %broadcast_in_dim3A_900 = vector.broadcast %jit3A_899 : f32 to vector<64x128xf32>
    %select_n3A_901 = arith.select %gt3A_897, %broadcast_in_dim3A_900, %select_n3A_895 : vector<64x128xi1>, vector<64x128xf32>
    %slice3A_902 = vector.extract_strided_slice %dot_general3A_27 {offsets = [128, 1664], sizes = [64, 128], strides = [1, 1]} : vector<512x8192xf32> to vector<64x128xf32>
    %gt3A_903 = arith.cmpf ogt, %slice3A_902, %select_n3A_898 : vector<64x128xf32>
    %select_n3A_904 = arith.select %gt3A_903, %slice3A_902, %select_n3A_898 : vector<64x128xi1>, vector<64x128xf32>
    %jit3A_905 = arith.constant 1.300000e+01 : f32
    %broadcast_in_dim3A_906 = vector.broadcast %jit3A_905 : f32 to vector<64x128xf32>
    %select_n3A_907 = arith.select %gt3A_903, %broadcast_in_dim3A_906, %select_n3A_901 : vector<64x128xi1>, vector<64x128xf32>
    %slice3A_908 = vector.extract_strided_slice %dot_general3A_27 {offsets = [128, 1792], sizes = [64, 128], strides = [1, 1]} : vector<512x8192xf32> to vector<64x128xf32>
    %gt3A_909 = arith.cmpf ogt, %slice3A_908, %select_n3A_904 : vector<64x128xf32>
    %select_n3A_910 = arith.select %gt3A_909, %slice3A_908, %select_n3A_904 : vector<64x128xi1>, vector<64x128xf32>
    %jit3A_911 = arith.constant 1.400000e+01 : f32
    %broadcast_in_dim3A_912 = vector.broadcast %jit3A_911 : f32 to vector<64x128xf32>
    %select_n3A_913 = arith.select %gt3A_909, %broadcast_in_dim3A_912, %select_n3A_907 : vector<64x128xi1>, vector<64x128xf32>
    %slice3A_914 = vector.extract_strided_slice %dot_general3A_27 {offsets = [128, 1920], sizes = [64, 128], strides = [1, 1]} : vector<512x8192xf32> to vector<64x128xf32>
    %gt3A_915 = arith.cmpf ogt, %slice3A_914, %select_n3A_910 : vector<64x128xf32>
    %select_n3A_916 = arith.select %gt3A_915, %slice3A_914, %select_n3A_910 : vector<64x128xi1>, vector<64x128xf32>
    %jit3A_917 = arith.constant 1.500000e+01 : f32
    %broadcast_in_dim3A_918 = vector.broadcast %jit3A_917 : f32 to vector<64x128xf32>
    %select_n3A_919 = arith.select %gt3A_915, %broadcast_in_dim3A_918, %select_n3A_913 : vector<64x128xi1>, vector<64x128xf32>
    %slice3A_920 = vector.extract_strided_slice %dot_general3A_27 {offsets = [128, 2048], sizes = [64, 128], strides = [1, 1]} : vector<512x8192xf32> to vector<64x128xf32>
    %gt3A_921 = arith.cmpf ogt, %slice3A_920, %select_n3A_916 : vector<64x128xf32>
    %select_n3A_922 = arith.select %gt3A_921, %slice3A_920, %select_n3A_916 : vector<64x128xi1>, vector<64x128xf32>
    %jit3A_923 = arith.constant 1.600000e+01 : f32
    %broadcast_in_dim3A_924 = vector.broadcast %jit3A_923 : f32 to vector<64x128xf32>
    %select_n3A_925 = arith.select %gt3A_921, %broadcast_in_dim3A_924, %select_n3A_919 : vector<64x128xi1>, vector<64x128xf32>
    %slice3A_926 = vector.extract_strided_slice %dot_general3A_27 {offsets = [128, 2176], sizes = [64, 128], strides = [1, 1]} : vector<512x8192xf32> to vector<64x128xf32>
    %gt3A_927 = arith.cmpf ogt, %slice3A_926, %select_n3A_922 : vector<64x128xf32>
    %select_n3A_928 = arith.select %gt3A_927, %slice3A_926, %select_n3A_922 : vector<64x128xi1>, vector<64x128xf32>
    %jit3A_929 = arith.constant 1.700000e+01 : f32
    %broadcast_in_dim3A_930 = vector.broadcast %jit3A_929 : f32 to vector<64x128xf32>
    %select_n3A_931 = arith.select %gt3A_927, %broadcast_in_dim3A_930, %select_n3A_925 : vector<64x128xi1>, vector<64x128xf32>
    %slice3A_932 = vector.extract_strided_slice %dot_general3A_27 {offsets = [128, 2304], sizes = [64, 128], strides = [1, 1]} : vector<512x8192xf32> to vector<64x128xf32>
    %gt3A_933 = arith.cmpf ogt, %slice3A_932, %select_n3A_928 : vector<64x128xf32>
    %select_n3A_934 = arith.select %gt3A_933, %slice3A_932, %select_n3A_928 : vector<64x128xi1>, vector<64x128xf32>
    %jit3A_935 = arith.constant 1.800000e+01 : f32
    %broadcast_in_dim3A_936 = vector.broadcast %jit3A_935 : f32 to vector<64x128xf32>
    %select_n3A_937 = arith.select %gt3A_933, %broadcast_in_dim3A_936, %select_n3A_931 : vector<64x128xi1>, vector<64x128xf32>
    %slice3A_938 = vector.extract_strided_slice %dot_general3A_27 {offsets = [128, 2432], sizes = [64, 128], strides = [1, 1]} : vector<512x8192xf32> to vector<64x128xf32>
    %gt3A_939 = arith.cmpf ogt, %slice3A_938, %select_n3A_934 : vector<64x128xf32>
    %select_n3A_940 = arith.select %gt3A_939, %slice3A_938, %select_n3A_934 : vector<64x128xi1>, vector<64x128xf32>
    %jit3A_941 = arith.constant 1.900000e+01 : f32
    %broadcast_in_dim3A_942 = vector.broadcast %jit3A_941 : f32 to vector<64x128xf32>
    %select_n3A_943 = arith.select %gt3A_939, %broadcast_in_dim3A_942, %select_n3A_937 : vector<64x128xi1>, vector<64x128xf32>
    %slice3A_944 = vector.extract_strided_slice %dot_general3A_27 {offsets = [128, 2560], sizes = [64, 128], strides = [1, 1]} : vector<512x8192xf32> to vector<64x128xf32>
    %gt3A_945 = arith.cmpf ogt, %slice3A_944, %select_n3A_940 : vector<64x128xf32>
    %select_n3A_946 = arith.select %gt3A_945, %slice3A_944, %select_n3A_940 : vector<64x128xi1>, vector<64x128xf32>
    %jit3A_947 = arith.constant 2.000000e+01 : f32
    %broadcast_in_dim3A_948 = vector.broadcast %jit3A_947 : f32 to vector<64x128xf32>
    %select_n3A_949 = arith.select %gt3A_945, %broadcast_in_dim3A_948, %select_n3A_943 : vector<64x128xi1>, vector<64x128xf32>
    %slice3A_950 = vector.extract_strided_slice %dot_general3A_27 {offsets = [128, 2688], sizes = [64, 128], strides = [1, 1]} : vector<512x8192xf32> to vector<64x128xf32>
    %gt3A_951 = arith.cmpf ogt, %slice3A_950, %select_n3A_946 : vector<64x128xf32>
    %select_n3A_952 = arith.select %gt3A_951, %slice3A_950, %select_n3A_946 : vector<64x128xi1>, vector<64x128xf32>
    %jit3A_953 = arith.constant 2.100000e+01 : f32
    %broadcast_in_dim3A_954 = vector.broadcast %jit3A_953 : f32 to vector<64x128xf32>
    %select_n3A_955 = arith.select %gt3A_951, %broadcast_in_dim3A_954, %select_n3A_949 : vector<64x128xi1>, vector<64x128xf32>
    %slice3A_956 = vector.extract_strided_slice %dot_general3A_27 {offsets = [128, 2816], sizes = [64, 128], strides = [1, 1]} : vector<512x8192xf32> to vector<64x128xf32>
    %gt3A_957 = arith.cmpf ogt, %slice3A_956, %select_n3A_952 : vector<64x128xf32>
    %select_n3A_958 = arith.select %gt3A_957, %slice3A_956, %select_n3A_952 : vector<64x128xi1>, vector<64x128xf32>
    %jit3A_959 = arith.constant 2.200000e+01 : f32
    %broadcast_in_dim3A_960 = vector.broadcast %jit3A_959 : f32 to vector<64x128xf32>
    %select_n3A_961 = arith.select %gt3A_957, %broadcast_in_dim3A_960, %select_n3A_955 : vector<64x128xi1>, vector<64x128xf32>
    %slice3A_962 = vector.extract_strided_slice %dot_general3A_27 {offsets = [128, 2944], sizes = [64, 128], strides = [1, 1]} : vector<512x8192xf32> to vector<64x128xf32>
    %gt3A_963 = arith.cmpf ogt, %slice3A_962, %select_n3A_958 : vector<64x128xf32>
    %select_n3A_964 = arith.select %gt3A_963, %slice3A_962, %select_n3A_958 : vector<64x128xi1>, vector<64x128xf32>
    %jit3A_965 = arith.constant 2.300000e+01 : f32
    %broadcast_in_dim3A_966 = vector.broadcast %jit3A_965 : f32 to vector<64x128xf32>
    %select_n3A_967 = arith.select %gt3A_963, %broadcast_in_dim3A_966, %select_n3A_961 : vector<64x128xi1>, vector<64x128xf32>
    %slice3A_968 = vector.extract_strided_slice %dot_general3A_27 {offsets = [128, 3072], sizes = [64, 128], strides = [1, 1]} : vector<512x8192xf32> to vector<64x128xf32>
    %gt3A_969 = arith.cmpf ogt, %slice3A_968, %select_n3A_964 : vector<64x128xf32>
    %select_n3A_970 = arith.select %gt3A_969, %slice3A_968, %select_n3A_964 : vector<64x128xi1>, vector<64x128xf32>
    %jit3A_971 = arith.constant 2.400000e+01 : f32
    %broadcast_in_dim3A_972 = vector.broadcast %jit3A_971 : f32 to vector<64x128xf32>
    %select_n3A_973 = arith.select %gt3A_969, %broadcast_in_dim3A_972, %select_n3A_967 : vector<64x128xi1>, vector<64x128xf32>
    %slice3A_974 = vector.extract_strided_slice %dot_general3A_27 {offsets = [128, 3200], sizes = [64, 128], strides = [1, 1]} : vector<512x8192xf32> to vector<64x128xf32>
    %gt3A_975 = arith.cmpf ogt, %slice3A_974, %select_n3A_970 : vector<64x128xf32>
    %select_n3A_976 = arith.select %gt3A_975, %slice3A_974, %select_n3A_970 : vector<64x128xi1>, vector<64x128xf32>
    %jit3A_977 = arith.constant 2.500000e+01 : f32
    %broadcast_in_dim3A_978 = vector.broadcast %jit3A_977 : f32 to vector<64x128xf32>
    %select_n3A_979 = arith.select %gt3A_975, %broadcast_in_dim3A_978, %select_n3A_973 : vector<64x128xi1>, vector<64x128xf32>
    %slice3A_980 = vector.extract_strided_slice %dot_general3A_27 {offsets = [128, 3328], sizes = [64, 128], strides = [1, 1]} : vector<512x8192xf32> to vector<64x128xf32>
    %gt3A_981 = arith.cmpf ogt, %slice3A_980, %select_n3A_976 : vector<64x128xf32>
    %select_n3A_982 = arith.select %gt3A_981, %slice3A_980, %select_n3A_976 : vector<64x128xi1>, vector<64x128xf32>
    %jit3A_983 = arith.constant 2.600000e+01 : f32
    %broadcast_in_dim3A_984 = vector.broadcast %jit3A_983 : f32 to vector<64x128xf32>
    %select_n3A_985 = arith.select %gt3A_981, %broadcast_in_dim3A_984, %select_n3A_979 : vector<64x128xi1>, vector<64x128xf32>
    %slice3A_986 = vector.extract_strided_slice %dot_general3A_27 {offsets = [128, 3456], sizes = [64, 128], strides = [1, 1]} : vector<512x8192xf32> to vector<64x128xf32>
    %gt3A_987 = arith.cmpf ogt, %slice3A_986, %select_n3A_982 : vector<64x128xf32>
    %select_n3A_988 = arith.select %gt3A_987, %slice3A_986, %select_n3A_982 : vector<64x128xi1>, vector<64x128xf32>
    %jit3A_989 = arith.constant 2.700000e+01 : f32
    %broadcast_in_dim3A_990 = vector.broadcast %jit3A_989 : f32 to vector<64x128xf32>
    %select_n3A_991 = arith.select %gt3A_987, %broadcast_in_dim3A_990, %select_n3A_985 : vector<64x128xi1>, vector<64x128xf32>
    %slice3A_992 = vector.extract_strided_slice %dot_general3A_27 {offsets = [128, 3584], sizes = [64, 128], strides = [1, 1]} : vector<512x8192xf32> to vector<64x128xf32>
    %gt3A_993 = arith.cmpf ogt, %slice3A_992, %select_n3A_988 : vector<64x128xf32>
    %select_n3A_994 = arith.select %gt3A_993, %slice3A_992, %select_n3A_988 : vector<64x128xi1>, vector<64x128xf32>
    %jit3A_995 = arith.constant 2.800000e+01 : f32
    %broadcast_in_dim3A_996 = vector.broadcast %jit3A_995 : f32 to vector<64x128xf32>
    %select_n3A_997 = arith.select %gt3A_993, %broadcast_in_dim3A_996, %select_n3A_991 : vector<64x128xi1>, vector<64x128xf32>
    %slice3A_998 = vector.extract_strided_slice %dot_general3A_27 {offsets = [128, 3712], sizes = [64, 128], strides = [1, 1]} : vector<512x8192xf32> to vector<64x128xf32>
    %gt3A_999 = arith.cmpf ogt, %slice3A_998, %select_n3A_994 : vector<64x128xf32>
    %select_n3A_1000 = arith.select %gt3A_999, %slice3A_998, %select_n3A_994 : vector<64x128xi1>, vector<64x128xf32>
    %jit3A_1001 = arith.constant 2.900000e+01 : f32
    %broadcast_in_dim3A_1002 = vector.broadcast %jit3A_1001 : f32 to vector<64x128xf32>
    %select_n3A_1003 = arith.select %gt3A_999, %broadcast_in_dim3A_1002, %select_n3A_997 : vector<64x128xi1>, vector<64x128xf32>
    %slice3A_1004 = vector.extract_strided_slice %dot_general3A_27 {offsets = [128, 3840], sizes = [64, 128], strides = [1, 1]} : vector<512x8192xf32> to vector<64x128xf32>
    %gt3A_1005 = arith.cmpf ogt, %slice3A_1004, %select_n3A_1000 : vector<64x128xf32>
    %select_n3A_1006 = arith.select %gt3A_1005, %slice3A_1004, %select_n3A_1000 : vector<64x128xi1>, vector<64x128xf32>
    %jit3A_1007 = arith.constant 3.000000e+01 : f32
    %broadcast_in_dim3A_1008 = vector.broadcast %jit3A_1007 : f32 to vector<64x128xf32>
    %select_n3A_1009 = arith.select %gt3A_1005, %broadcast_in_dim3A_1008, %select_n3A_1003 : vector<64x128xi1>, vector<64x128xf32>
    %slice3A_1010 = vector.extract_strided_slice %dot_general3A_27 {offsets = [128, 3968], sizes = [64, 128], strides = [1, 1]} : vector<512x8192xf32> to vector<64x128xf32>
    %gt3A_1011 = arith.cmpf ogt, %slice3A_1010, %select_n3A_1006 : vector<64x128xf32>
    %select_n3A_1012 = arith.select %gt3A_1011, %slice3A_1010, %select_n3A_1006 : vector<64x128xi1>, vector<64x128xf32>
    %jit3A_1013 = arith.constant 3.100000e+01 : f32
    %broadcast_in_dim3A_1014 = vector.broadcast %jit3A_1013 : f32 to vector<64x128xf32>
    %select_n3A_1015 = arith.select %gt3A_1011, %broadcast_in_dim3A_1014, %select_n3A_1009 : vector<64x128xi1>, vector<64x128xf32>
    %slice3A_1016 = vector.extract_strided_slice %dot_general3A_27 {offsets = [128, 4096], sizes = [64, 128], strides = [1, 1]} : vector<512x8192xf32> to vector<64x128xf32>
    %gt3A_1017 = arith.cmpf ogt, %slice3A_1016, %select_n3A_1012 : vector<64x128xf32>
    %select_n3A_1018 = arith.select %gt3A_1017, %slice3A_1016, %select_n3A_1012 : vector<64x128xi1>, vector<64x128xf32>
    %jit3A_1019 = arith.constant 3.200000e+01 : f32
    %broadcast_in_dim3A_1020 = vector.broadcast %jit3A_1019 : f32 to vector<64x128xf32>
    %select_n3A_1021 = arith.select %gt3A_1017, %broadcast_in_dim3A_1020, %select_n3A_1015 : vector<64x128xi1>, vector<64x128xf32>
    %slice3A_1022 = vector.extract_strided_slice %dot_general3A_27 {offsets = [128, 4224], sizes = [64, 128], strides = [1, 1]} : vector<512x8192xf32> to vector<64x128xf32>
    %gt3A_1023 = arith.cmpf ogt, %slice3A_1022, %select_n3A_1018 : vector<64x128xf32>
    %select_n3A_1024 = arith.select %gt3A_1023, %slice3A_1022, %select_n3A_1018 : vector<64x128xi1>, vector<64x128xf32>
    %jit3A_1025 = arith.constant 3.300000e+01 : f32
    %broadcast_in_dim3A_1026 = vector.broadcast %jit3A_1025 : f32 to vector<64x128xf32>
    %select_n3A_1027 = arith.select %gt3A_1023, %broadcast_in_dim3A_1026, %select_n3A_1021 : vector<64x128xi1>, vector<64x128xf32>
    %slice3A_1028 = vector.extract_strided_slice %dot_general3A_27 {offsets = [128, 4352], sizes = [64, 128], strides = [1, 1]} : vector<512x8192xf32> to vector<64x128xf32>
    %gt3A_1029 = arith.cmpf ogt, %slice3A_1028, %select_n3A_1024 : vector<64x128xf32>
    %select_n3A_1030 = arith.select %gt3A_1029, %slice3A_1028, %select_n3A_1024 : vector<64x128xi1>, vector<64x128xf32>
    %jit3A_1031 = arith.constant 3.400000e+01 : f32
    %broadcast_in_dim3A_1032 = vector.broadcast %jit3A_1031 : f32 to vector<64x128xf32>
    %select_n3A_1033 = arith.select %gt3A_1029, %broadcast_in_dim3A_1032, %select_n3A_1027 : vector<64x128xi1>, vector<64x128xf32>
    %slice3A_1034 = vector.extract_strided_slice %dot_general3A_27 {offsets = [128, 4480], sizes = [64, 128], strides = [1, 1]} : vector<512x8192xf32> to vector<64x128xf32>
    %gt3A_1035 = arith.cmpf ogt, %slice3A_1034, %select_n3A_1030 : vector<64x128xf32>
    %select_n3A_1036 = arith.select %gt3A_1035, %slice3A_1034, %select_n3A_1030 : vector<64x128xi1>, vector<64x128xf32>
    %jit3A_1037 = arith.constant 3.500000e+01 : f32
    %broadcast_in_dim3A_1038 = vector.broadcast %jit3A_1037 : f32 to vector<64x128xf32>
    %select_n3A_1039 = arith.select %gt3A_1035, %broadcast_in_dim3A_1038, %select_n3A_1033 : vector<64x128xi1>, vector<64x128xf32>
    %slice3A_1040 = vector.extract_strided_slice %dot_general3A_27 {offsets = [128, 4608], sizes = [64, 128], strides = [1, 1]} : vector<512x8192xf32> to vector<64x128xf32>
    %gt3A_1041 = arith.cmpf ogt, %slice3A_1040, %select_n3A_1036 : vector<64x128xf32>
    %select_n3A_1042 = arith.select %gt3A_1041, %slice3A_1040, %select_n3A_1036 : vector<64x128xi1>, vector<64x128xf32>
    %jit3A_1043 = arith.constant 3.600000e+01 : f32
    %broadcast_in_dim3A_1044 = vector.broadcast %jit3A_1043 : f32 to vector<64x128xf32>
    %select_n3A_1045 = arith.select %gt3A_1041, %broadcast_in_dim3A_1044, %select_n3A_1039 : vector<64x128xi1>, vector<64x128xf32>
    %slice3A_1046 = vector.extract_strided_slice %dot_general3A_27 {offsets = [128, 4736], sizes = [64, 128], strides = [1, 1]} : vector<512x8192xf32> to vector<64x128xf32>
    %gt3A_1047 = arith.cmpf ogt, %slice3A_1046, %select_n3A_1042 : vector<64x128xf32>
    %select_n3A_1048 = arith.select %gt3A_1047, %slice3A_1046, %select_n3A_1042 : vector<64x128xi1>, vector<64x128xf32>
    %jit3A_1049 = arith.constant 3.700000e+01 : f32
    %broadcast_in_dim3A_1050 = vector.broadcast %jit3A_1049 : f32 to vector<64x128xf32>
    %select_n3A_1051 = arith.select %gt3A_1047, %broadcast_in_dim3A_1050, %select_n3A_1045 : vector<64x128xi1>, vector<64x128xf32>
    %slice3A_1052 = vector.extract_strided_slice %dot_general3A_27 {offsets = [128, 4864], sizes = [64, 128], strides = [1, 1]} : vector<512x8192xf32> to vector<64x128xf32>
    %gt3A_1053 = arith.cmpf ogt, %slice3A_1052, %select_n3A_1048 : vector<64x128xf32>
    %select_n3A_1054 = arith.select %gt3A_1053, %slice3A_1052, %select_n3A_1048 : vector<64x128xi1>, vector<64x128xf32>
    %jit3A_1055 = arith.constant 3.800000e+01 : f32
    %broadcast_in_dim3A_1056 = vector.broadcast %jit3A_1055 : f32 to vector<64x128xf32>
    %select_n3A_1057 = arith.select %gt3A_1053, %broadcast_in_dim3A_1056, %select_n3A_1051 : vector<64x128xi1>, vector<64x128xf32>
    %slice3A_1058 = vector.extract_strided_slice %dot_general3A_27 {offsets = [128, 4992], sizes = [64, 128], strides = [1, 1]} : vector<512x8192xf32> to vector<64x128xf32>
    %gt3A_1059 = arith.cmpf ogt, %slice3A_1058, %select_n3A_1054 : vector<64x128xf32>
    %select_n3A_1060 = arith.select %gt3A_1059, %slice3A_1058, %select_n3A_1054 : vector<64x128xi1>, vector<64x128xf32>
    %jit3A_1061 = arith.constant 3.900000e+01 : f32
    %broadcast_in_dim3A_1062 = vector.broadcast %jit3A_1061 : f32 to vector<64x128xf32>
    %select_n3A_1063 = arith.select %gt3A_1059, %broadcast_in_dim3A_1062, %select_n3A_1057 : vector<64x128xi1>, vector<64x128xf32>
    %slice3A_1064 = vector.extract_strided_slice %dot_general3A_27 {offsets = [128, 5120], sizes = [64, 128], strides = [1, 1]} : vector<512x8192xf32> to vector<64x128xf32>
    %gt3A_1065 = arith.cmpf ogt, %slice3A_1064, %select_n3A_1060 : vector<64x128xf32>
    %select_n3A_1066 = arith.select %gt3A_1065, %slice3A_1064, %select_n3A_1060 : vector<64x128xi1>, vector<64x128xf32>
    %jit3A_1067 = arith.constant 4.000000e+01 : f32
    %broadcast_in_dim3A_1068 = vector.broadcast %jit3A_1067 : f32 to vector<64x128xf32>
    %select_n3A_1069 = arith.select %gt3A_1065, %broadcast_in_dim3A_1068, %select_n3A_1063 : vector<64x128xi1>, vector<64x128xf32>
    %slice3A_1070 = vector.extract_strided_slice %dot_general3A_27 {offsets = [128, 5248], sizes = [64, 128], strides = [1, 1]} : vector<512x8192xf32> to vector<64x128xf32>
    %gt3A_1071 = arith.cmpf ogt, %slice3A_1070, %select_n3A_1066 : vector<64x128xf32>
    %select_n3A_1072 = arith.select %gt3A_1071, %slice3A_1070, %select_n3A_1066 : vector<64x128xi1>, vector<64x128xf32>
    %jit3A_1073 = arith.constant 4.100000e+01 : f32
    %broadcast_in_dim3A_1074 = vector.broadcast %jit3A_1073 : f32 to vector<64x128xf32>
    %select_n3A_1075 = arith.select %gt3A_1071, %broadcast_in_dim3A_1074, %select_n3A_1069 : vector<64x128xi1>, vector<64x128xf32>
    %slice3A_1076 = vector.extract_strided_slice %dot_general3A_27 {offsets = [128, 5376], sizes = [64, 128], strides = [1, 1]} : vector<512x8192xf32> to vector<64x128xf32>
    %gt3A_1077 = arith.cmpf ogt, %slice3A_1076, %select_n3A_1072 : vector<64x128xf32>
    %select_n3A_1078 = arith.select %gt3A_1077, %slice3A_1076, %select_n3A_1072 : vector<64x128xi1>, vector<64x128xf32>
    %jit3A_1079 = arith.constant 4.200000e+01 : f32
    %broadcast_in_dim3A_1080 = vector.broadcast %jit3A_1079 : f32 to vector<64x128xf32>
    %select_n3A_1081 = arith.select %gt3A_1077, %broadcast_in_dim3A_1080, %select_n3A_1075 : vector<64x128xi1>, vector<64x128xf32>
    %slice3A_1082 = vector.extract_strided_slice %dot_general3A_27 {offsets = [128, 5504], sizes = [64, 128], strides = [1, 1]} : vector<512x8192xf32> to vector<64x128xf32>
    %gt3A_1083 = arith.cmpf ogt, %slice3A_1082, %select_n3A_1078 : vector<64x128xf32>
    %select_n3A_1084 = arith.select %gt3A_1083, %slice3A_1082, %select_n3A_1078 : vector<64x128xi1>, vector<64x128xf32>
    %jit3A_1085 = arith.constant 4.300000e+01 : f32
    %broadcast_in_dim3A_1086 = vector.broadcast %jit3A_1085 : f32 to vector<64x128xf32>
    %select_n3A_1087 = arith.select %gt3A_1083, %broadcast_in_dim3A_1086, %select_n3A_1081 : vector<64x128xi1>, vector<64x128xf32>
    %slice3A_1088 = vector.extract_strided_slice %dot_general3A_27 {offsets = [128, 5632], sizes = [64, 128], strides = [1, 1]} : vector<512x8192xf32> to vector<64x128xf32>
    %gt3A_1089 = arith.cmpf ogt, %slice3A_1088, %select_n3A_1084 : vector<64x128xf32>
    %select_n3A_1090 = arith.select %gt3A_1089, %slice3A_1088, %select_n3A_1084 : vector<64x128xi1>, vector<64x128xf32>
    %jit3A_1091 = arith.constant 4.400000e+01 : f32
    %broadcast_in_dim3A_1092 = vector.broadcast %jit3A_1091 : f32 to vector<64x128xf32>
    %select_n3A_1093 = arith.select %gt3A_1089, %broadcast_in_dim3A_1092, %select_n3A_1087 : vector<64x128xi1>, vector<64x128xf32>
    %slice3A_1094 = vector.extract_strided_slice %dot_general3A_27 {offsets = [128, 5760], sizes = [64, 128], strides = [1, 1]} : vector<512x8192xf32> to vector<64x128xf32>
    %gt3A_1095 = arith.cmpf ogt, %slice3A_1094, %select_n3A_1090 : vector<64x128xf32>
    %select_n3A_1096 = arith.select %gt3A_1095, %slice3A_1094, %select_n3A_1090 : vector<64x128xi1>, vector<64x128xf32>
    %jit3A_1097 = arith.constant 4.500000e+01 : f32
    %broadcast_in_dim3A_1098 = vector.broadcast %jit3A_1097 : f32 to vector<64x128xf32>
    %select_n3A_1099 = arith.select %gt3A_1095, %broadcast_in_dim3A_1098, %select_n3A_1093 : vector<64x128xi1>, vector<64x128xf32>
    %slice3A_1100 = vector.extract_strided_slice %dot_general3A_27 {offsets = [128, 5888], sizes = [64, 128], strides = [1, 1]} : vector<512x8192xf32> to vector<64x128xf32>
    %gt3A_1101 = arith.cmpf ogt, %slice3A_1100, %select_n3A_1096 : vector<64x128xf32>
    %select_n3A_1102 = arith.select %gt3A_1101, %slice3A_1100, %select_n3A_1096 : vector<64x128xi1>, vector<64x128xf32>
    %jit3A_1103 = arith.constant 4.600000e+01 : f32
    %broadcast_in_dim3A_1104 = vector.broadcast %jit3A_1103 : f32 to vector<64x128xf32>
    %select_n3A_1105 = arith.select %gt3A_1101, %broadcast_in_dim3A_1104, %select_n3A_1099 : vector<64x128xi1>, vector<64x128xf32>
    %slice3A_1106 = vector.extract_strided_slice %dot_general3A_27 {offsets = [128, 6016], sizes = [64, 128], strides = [1, 1]} : vector<512x8192xf32> to vector<64x128xf32>
    %gt3A_1107 = arith.cmpf ogt, %slice3A_1106, %select_n3A_1102 : vector<64x128xf32>
    %select_n3A_1108 = arith.select %gt3A_1107, %slice3A_1106, %select_n3A_1102 : vector<64x128xi1>, vector<64x128xf32>
    %jit3A_1109 = arith.constant 4.700000e+01 : f32
    %broadcast_in_dim3A_1110 = vector.broadcast %jit3A_1109 : f32 to vector<64x128xf32>
    %select_n3A_1111 = arith.select %gt3A_1107, %broadcast_in_dim3A_1110, %select_n3A_1105 : vector<64x128xi1>, vector<64x128xf32>
    %slice3A_1112 = vector.extract_strided_slice %dot_general3A_27 {offsets = [128, 6144], sizes = [64, 128], strides = [1, 1]} : vector<512x8192xf32> to vector<64x128xf32>
    %gt3A_1113 = arith.cmpf ogt, %slice3A_1112, %select_n3A_1108 : vector<64x128xf32>
    %select_n3A_1114 = arith.select %gt3A_1113, %slice3A_1112, %select_n3A_1108 : vector<64x128xi1>, vector<64x128xf32>
    %jit3A_1115 = arith.constant 4.800000e+01 : f32
    %broadcast_in_dim3A_1116 = vector.broadcast %jit3A_1115 : f32 to vector<64x128xf32>
    %select_n3A_1117 = arith.select %gt3A_1113, %broadcast_in_dim3A_1116, %select_n3A_1111 : vector<64x128xi1>, vector<64x128xf32>
    %slice3A_1118 = vector.extract_strided_slice %dot_general3A_27 {offsets = [128, 6272], sizes = [64, 128], strides = [1, 1]} : vector<512x8192xf32> to vector<64x128xf32>
    %gt3A_1119 = arith.cmpf ogt, %slice3A_1118, %select_n3A_1114 : vector<64x128xf32>
    %select_n3A_1120 = arith.select %gt3A_1119, %slice3A_1118, %select_n3A_1114 : vector<64x128xi1>, vector<64x128xf32>
    %jit3A_1121 = arith.constant 4.900000e+01 : f32
    %broadcast_in_dim3A_1122 = vector.broadcast %jit3A_1121 : f32 to vector<64x128xf32>
    %select_n3A_1123 = arith.select %gt3A_1119, %broadcast_in_dim3A_1122, %select_n3A_1117 : vector<64x128xi1>, vector<64x128xf32>
    %slice3A_1124 = vector.extract_strided_slice %dot_general3A_27 {offsets = [128, 6400], sizes = [64, 128], strides = [1, 1]} : vector<512x8192xf32> to vector<64x128xf32>
    %gt3A_1125 = arith.cmpf ogt, %slice3A_1124, %select_n3A_1120 : vector<64x128xf32>
    %select_n3A_1126 = arith.select %gt3A_1125, %slice3A_1124, %select_n3A_1120 : vector<64x128xi1>, vector<64x128xf32>
    %jit3A_1127 = arith.constant 5.000000e+01 : f32
    %broadcast_in_dim3A_1128 = vector.broadcast %jit3A_1127 : f32 to vector<64x128xf32>
    %select_n3A_1129 = arith.select %gt3A_1125, %broadcast_in_dim3A_1128, %select_n3A_1123 : vector<64x128xi1>, vector<64x128xf32>
    %slice3A_1130 = vector.extract_strided_slice %dot_general3A_27 {offsets = [128, 6528], sizes = [64, 128], strides = [1, 1]} : vector<512x8192xf32> to vector<64x128xf32>
    %gt3A_1131 = arith.cmpf ogt, %slice3A_1130, %select_n3A_1126 : vector<64x128xf32>
    %select_n3A_1132 = arith.select %gt3A_1131, %slice3A_1130, %select_n3A_1126 : vector<64x128xi1>, vector<64x128xf32>
    %jit3A_1133 = arith.constant 5.100000e+01 : f32
    %broadcast_in_dim3A_1134 = vector.broadcast %jit3A_1133 : f32 to vector<64x128xf32>
    %select_n3A_1135 = arith.select %gt3A_1131, %broadcast_in_dim3A_1134, %select_n3A_1129 : vector<64x128xi1>, vector<64x128xf32>
    %slice3A_1136 = vector.extract_strided_slice %dot_general3A_27 {offsets = [128, 6656], sizes = [64, 128], strides = [1, 1]} : vector<512x8192xf32> to vector<64x128xf32>
    %gt3A_1137 = arith.cmpf ogt, %slice3A_1136, %select_n3A_1132 : vector<64x128xf32>
    %select_n3A_1138 = arith.select %gt3A_1137, %slice3A_1136, %select_n3A_1132 : vector<64x128xi1>, vector<64x128xf32>
    %jit3A_1139 = arith.constant 5.200000e+01 : f32
    %broadcast_in_dim3A_1140 = vector.broadcast %jit3A_1139 : f32 to vector<64x128xf32>
    %select_n3A_1141 = arith.select %gt3A_1137, %broadcast_in_dim3A_1140, %select_n3A_1135 : vector<64x128xi1>, vector<64x128xf32>
    %slice3A_1142 = vector.extract_strided_slice %dot_general3A_27 {offsets = [128, 6784], sizes = [64, 128], strides = [1, 1]} : vector<512x8192xf32> to vector<64x128xf32>
    %gt3A_1143 = arith.cmpf ogt, %slice3A_1142, %select_n3A_1138 : vector<64x128xf32>
    %select_n3A_1144 = arith.select %gt3A_1143, %slice3A_1142, %select_n3A_1138 : vector<64x128xi1>, vector<64x128xf32>
    %jit3A_1145 = arith.constant 5.300000e+01 : f32
    %broadcast_in_dim3A_1146 = vector.broadcast %jit3A_1145 : f32 to vector<64x128xf32>
    %select_n3A_1147 = arith.select %gt3A_1143, %broadcast_in_dim3A_1146, %select_n3A_1141 : vector<64x128xi1>, vector<64x128xf32>
    %slice3A_1148 = vector.extract_strided_slice %dot_general3A_27 {offsets = [128, 6912], sizes = [64, 128], strides = [1, 1]} : vector<512x8192xf32> to vector<64x128xf32>
    %gt3A_1149 = arith.cmpf ogt, %slice3A_1148, %select_n3A_1144 : vector<64x128xf32>
    %select_n3A_1150 = arith.select %gt3A_1149, %slice3A_1148, %select_n3A_1144 : vector<64x128xi1>, vector<64x128xf32>
    %jit3A_1151 = arith.constant 5.400000e+01 : f32
    %broadcast_in_dim3A_1152 = vector.broadcast %jit3A_1151 : f32 to vector<64x128xf32>
    %select_n3A_1153 = arith.select %gt3A_1149, %broadcast_in_dim3A_1152, %select_n3A_1147 : vector<64x128xi1>, vector<64x128xf32>
    %slice3A_1154 = vector.extract_strided_slice %dot_general3A_27 {offsets = [128, 7040], sizes = [64, 128], strides = [1, 1]} : vector<512x8192xf32> to vector<64x128xf32>
    %gt3A_1155 = arith.cmpf ogt, %slice3A_1154, %select_n3A_1150 : vector<64x128xf32>
    %select_n3A_1156 = arith.select %gt3A_1155, %slice3A_1154, %select_n3A_1150 : vector<64x128xi1>, vector<64x128xf32>
    %jit3A_1157 = arith.constant 5.500000e+01 : f32
    %broadcast_in_dim3A_1158 = vector.broadcast %jit3A_1157 : f32 to vector<64x128xf32>
    %select_n3A_1159 = arith.select %gt3A_1155, %broadcast_in_dim3A_1158, %select_n3A_1153 : vector<64x128xi1>, vector<64x128xf32>
    %slice3A_1160 = vector.extract_strided_slice %dot_general3A_27 {offsets = [128, 7168], sizes = [64, 128], strides = [1, 1]} : vector<512x8192xf32> to vector<64x128xf32>
    %gt3A_1161 = arith.cmpf ogt, %slice3A_1160, %select_n3A_1156 : vector<64x128xf32>
    %select_n3A_1162 = arith.select %gt3A_1161, %slice3A_1160, %select_n3A_1156 : vector<64x128xi1>, vector<64x128xf32>
    %jit3A_1163 = arith.constant 5.600000e+01 : f32
    %broadcast_in_dim3A_1164 = vector.broadcast %jit3A_1163 : f32 to vector<64x128xf32>
    %select_n3A_1165 = arith.select %gt3A_1161, %broadcast_in_dim3A_1164, %select_n3A_1159 : vector<64x128xi1>, vector<64x128xf32>
    %slice3A_1166 = vector.extract_strided_slice %dot_general3A_27 {offsets = [128, 7296], sizes = [64, 128], strides = [1, 1]} : vector<512x8192xf32> to vector<64x128xf32>
    %gt3A_1167 = arith.cmpf ogt, %slice3A_1166, %select_n3A_1162 : vector<64x128xf32>
    %select_n3A_1168 = arith.select %gt3A_1167, %slice3A_1166, %select_n3A_1162 : vector<64x128xi1>, vector<64x128xf32>
    %jit3A_1169 = arith.constant 5.700000e+01 : f32
    %broadcast_in_dim3A_1170 = vector.broadcast %jit3A_1169 : f32 to vector<64x128xf32>
    %select_n3A_1171 = arith.select %gt3A_1167, %broadcast_in_dim3A_1170, %select_n3A_1165 : vector<64x128xi1>, vector<64x128xf32>
    %slice3A_1172 = vector.extract_strided_slice %dot_general3A_27 {offsets = [128, 7424], sizes = [64, 128], strides = [1, 1]} : vector<512x8192xf32> to vector<64x128xf32>
    %gt3A_1173 = arith.cmpf ogt, %slice3A_1172, %select_n3A_1168 : vector<64x128xf32>
    %select_n3A_1174 = arith.select %gt3A_1173, %slice3A_1172, %select_n3A_1168 : vector<64x128xi1>, vector<64x128xf32>
    %jit3A_1175 = arith.constant 5.800000e+01 : f32
    %broadcast_in_dim3A_1176 = vector.broadcast %jit3A_1175 : f32 to vector<64x128xf32>
    %select_n3A_1177 = arith.select %gt3A_1173, %broadcast_in_dim3A_1176, %select_n3A_1171 : vector<64x128xi1>, vector<64x128xf32>
    %slice3A_1178 = vector.extract_strided_slice %dot_general3A_27 {offsets = [128, 7552], sizes = [64, 128], strides = [1, 1]} : vector<512x8192xf32> to vector<64x128xf32>
    %gt3A_1179 = arith.cmpf ogt, %slice3A_1178, %select_n3A_1174 : vector<64x128xf32>
    %select_n3A_1180 = arith.select %gt3A_1179, %slice3A_1178, %select_n3A_1174 : vector<64x128xi1>, vector<64x128xf32>
    %jit3A_1181 = arith.constant 5.900000e+01 : f32
    %broadcast_in_dim3A_1182 = vector.broadcast %jit3A_1181 : f32 to vector<64x128xf32>
    %select_n3A_1183 = arith.select %gt3A_1179, %broadcast_in_dim3A_1182, %select_n3A_1177 : vector<64x128xi1>, vector<64x128xf32>
    %slice3A_1184 = vector.extract_strided_slice %dot_general3A_27 {offsets = [128, 7680], sizes = [64, 128], strides = [1, 1]} : vector<512x8192xf32> to vector<64x128xf32>
    %gt3A_1185 = arith.cmpf ogt, %slice3A_1184, %select_n3A_1180 : vector<64x128xf32>
    %select_n3A_1186 = arith.select %gt3A_1185, %slice3A_1184, %select_n3A_1180 : vector<64x128xi1>, vector<64x128xf32>
    %jit3A_1187 = arith.constant 6.000000e+01 : f32
    %broadcast_in_dim3A_1188 = vector.broadcast %jit3A_1187 : f32 to vector<64x128xf32>
    %select_n3A_1189 = arith.select %gt3A_1185, %broadcast_in_dim3A_1188, %select_n3A_1183 : vector<64x128xi1>, vector<64x128xf32>
    %slice3A_1190 = vector.extract_strided_slice %dot_general3A_27 {offsets = [128, 7808], sizes = [64, 128], strides = [1, 1]} : vector<512x8192xf32> to vector<64x128xf32>
    %gt3A_1191 = arith.cmpf ogt, %slice3A_1190, %select_n3A_1186 : vector<64x128xf32>
    %select_n3A_1192 = arith.select %gt3A_1191, %slice3A_1190, %select_n3A_1186 : vector<64x128xi1>, vector<64x128xf32>
    %jit3A_1193 = arith.constant 6.100000e+01 : f32
    %broadcast_in_dim3A_1194 = vector.broadcast %jit3A_1193 : f32 to vector<64x128xf32>
    %select_n3A_1195 = arith.select %gt3A_1191, %broadcast_in_dim3A_1194, %select_n3A_1189 : vector<64x128xi1>, vector<64x128xf32>
    %slice3A_1196 = vector.extract_strided_slice %dot_general3A_27 {offsets = [128, 7936], sizes = [64, 128], strides = [1, 1]} : vector<512x8192xf32> to vector<64x128xf32>
    %gt3A_1197 = arith.cmpf ogt, %slice3A_1196, %select_n3A_1192 : vector<64x128xf32>
    %select_n3A_1198 = arith.select %gt3A_1197, %slice3A_1196, %select_n3A_1192 : vector<64x128xi1>, vector<64x128xf32>
    %jit3A_1199 = arith.constant 6.200000e+01 : f32
    %broadcast_in_dim3A_1200 = vector.broadcast %jit3A_1199 : f32 to vector<64x128xf32>
    %select_n3A_1201 = arith.select %gt3A_1197, %broadcast_in_dim3A_1200, %select_n3A_1195 : vector<64x128xi1>, vector<64x128xf32>
    %slice3A_1202 = vector.extract_strided_slice %dot_general3A_27 {offsets = [128, 8064], sizes = [64, 128], strides = [1, 1]} : vector<512x8192xf32> to vector<64x128xf32>
    %gt3A_1203 = arith.cmpf ogt, %slice3A_1202, %select_n3A_1198 : vector<64x128xf32>
    %select_n3A_1204 = arith.select %gt3A_1203, %slice3A_1202, %select_n3A_1198 : vector<64x128xi1>, vector<64x128xf32>
    %jit3A_1205 = arith.constant 6.300000e+01 : f32
    %broadcast_in_dim3A_1206 = vector.broadcast %jit3A_1205 : f32 to vector<64x128xf32>
    %select_n3A_1207 = arith.select %gt3A_1203, %broadcast_in_dim3A_1206, %select_n3A_1201 : vector<64x128xi1>, vector<64x128xf32>
    %mul3A_1208 = arith.constant 1.280000e+02 : f32
    %mul3A_1209 = vector.broadcast %mul3A_1208 : f32 to vector<64x128xf32>
    %mul3A_1210 = arith.mulf %select_n3A_1207, %mul3A_1209 : vector<64x128xf32>
    %get3A_1211 = arith.constant 0 : index
    %get3A_1212 = arith.constant 0 : index
    %get3A_1213 = vector.load %arg6[%get3A_1211, %get3A_1212] : memref<1x8192xf32, #tpu.memory_space<vmem>>, vector<1x128xf32>
    %add3A_1214 = vector.broadcast %get3A_1213 : vector<1x128xf32> to vector<64x128xf32>
    %add3A_1215 = arith.addf %mul3A_1210, %add3A_1214 : vector<64x128xf32>
    %reduce_max3A_1216 = arith.constant dense<0xFF800000> : vector<64xf32>
    %reduce_max3A_1217 = vector.multi_reduction <maximumf>, %select_n3A_1204, %reduce_max3A_1216 [1] : vector<64x128xf32> to vector<64xf32>
    %broadcast_in_dim3A_1218 = vector.shape_cast %reduce_max3A_1217 : vector<64xf32> to vector<64x1xf32>
    %eq3A_1219 = vector.broadcast %broadcast_in_dim3A_1218 : vector<64x1xf32> to vector<64x128xf32>
    %eq3A_1220 = arith.cmpf oeq, %select_n3A_1204, %eq3A_1219 : vector<64x128xf32>
    %jit3A_1221 = arith.constant 8.192000e+03 : f32
    %broadcast_in_dim3A_1222 = vector.broadcast %jit3A_1221 : f32 to vector<64x128xf32>
    %select_n3A_1223 = arith.select %eq3A_1220, %add3A_1215, %broadcast_in_dim3A_1222 : vector<64x128xi1>, vector<64x128xf32>
    %reduce_min3A_1224 = arith.constant dense<0x7F800000> : vector<64xf32>
    %reduce_min3A_1225 = vector.multi_reduction <minimumf>, %select_n3A_1223, %reduce_min3A_1224 [1] : vector<64x128xf32> to vector<64xf32>
    %min3A_1226 = arith.constant 8.191000e+03 : f32
    %min3A_1227 = vector.broadcast %min3A_1226 : f32 to vector<64xf32>
    %min3A_1228 = arith.minimumf %reduce_min3A_1225, %min3A_1227 : vector<64xf32>
    %convert_element_type3A_1229 = arith.fptosi %min3A_1228 : vector<64xf32> to vector<64xi32>
    %slice3A_1230 = vector.extract_strided_slice %dot_general3A_27 {offsets = [192, 0], sizes = [64, 128], strides = [1, 1]} : vector<512x8192xf32> to vector<64x128xf32>
    %broadcast_in_dim3A_1231 = arith.constant 0.000000e+00 : f32
    %broadcast_in_dim3A_1232 = vector.broadcast %broadcast_in_dim3A_1231 : f32 to vector<64x128xf32>
    %slice3A_1233 = vector.extract_strided_slice %dot_general3A_27 {offsets = [192, 128], sizes = [64, 128], strides = [1, 1]} : vector<512x8192xf32> to vector<64x128xf32>
    %gt3A_1234 = arith.cmpf ogt, %slice3A_1233, %slice3A_1230 : vector<64x128xf32>
    %select_n3A_1235 = arith.select %gt3A_1234, %slice3A_1233, %slice3A_1230 : vector<64x128xi1>, vector<64x128xf32>
    %jit3A_1236 = arith.constant 1.000000e+00 : f32
    %broadcast_in_dim3A_1237 = vector.broadcast %jit3A_1236 : f32 to vector<64x128xf32>
    %select_n3A_1238 = arith.select %gt3A_1234, %broadcast_in_dim3A_1237, %broadcast_in_dim3A_1232 : vector<64x128xi1>, vector<64x128xf32>
    %slice3A_1239 = vector.extract_strided_slice %dot_general3A_27 {offsets = [192, 256], sizes = [64, 128], strides = [1, 1]} : vector<512x8192xf32> to vector<64x128xf32>
    %gt3A_1240 = arith.cmpf ogt, %slice3A_1239, %select_n3A_1235 : vector<64x128xf32>
    %select_n3A_1241 = arith.select %gt3A_1240, %slice3A_1239, %select_n3A_1235 : vector<64x128xi1>, vector<64x128xf32>
    %jit3A_1242 = arith.constant 2.000000e+00 : f32
    %broadcast_in_dim3A_1243 = vector.broadcast %jit3A_1242 : f32 to vector<64x128xf32>
    %select_n3A_1244 = arith.select %gt3A_1240, %broadcast_in_dim3A_1243, %select_n3A_1238 : vector<64x128xi1>, vector<64x128xf32>
    %slice3A_1245 = vector.extract_strided_slice %dot_general3A_27 {offsets = [192, 384], sizes = [64, 128], strides = [1, 1]} : vector<512x8192xf32> to vector<64x128xf32>
    %gt3A_1246 = arith.cmpf ogt, %slice3A_1245, %select_n3A_1241 : vector<64x128xf32>
    %select_n3A_1247 = arith.select %gt3A_1246, %slice3A_1245, %select_n3A_1241 : vector<64x128xi1>, vector<64x128xf32>
    %jit3A_1248 = arith.constant 3.000000e+00 : f32
    %broadcast_in_dim3A_1249 = vector.broadcast %jit3A_1248 : f32 to vector<64x128xf32>
    %select_n3A_1250 = arith.select %gt3A_1246, %broadcast_in_dim3A_1249, %select_n3A_1244 : vector<64x128xi1>, vector<64x128xf32>
    %slice3A_1251 = vector.extract_strided_slice %dot_general3A_27 {offsets = [192, 512], sizes = [64, 128], strides = [1, 1]} : vector<512x8192xf32> to vector<64x128xf32>
    %gt3A_1252 = arith.cmpf ogt, %slice3A_1251, %select_n3A_1247 : vector<64x128xf32>
    %select_n3A_1253 = arith.select %gt3A_1252, %slice3A_1251, %select_n3A_1247 : vector<64x128xi1>, vector<64x128xf32>
    %jit3A_1254 = arith.constant 4.000000e+00 : f32
    %broadcast_in_dim3A_1255 = vector.broadcast %jit3A_1254 : f32 to vector<64x128xf32>
    %select_n3A_1256 = arith.select %gt3A_1252, %broadcast_in_dim3A_1255, %select_n3A_1250 : vector<64x128xi1>, vector<64x128xf32>
    %slice3A_1257 = vector.extract_strided_slice %dot_general3A_27 {offsets = [192, 640], sizes = [64, 128], strides = [1, 1]} : vector<512x8192xf32> to vector<64x128xf32>
    %gt3A_1258 = arith.cmpf ogt, %slice3A_1257, %select_n3A_1253 : vector<64x128xf32>
    %select_n3A_1259 = arith.select %gt3A_1258, %slice3A_1257, %select_n3A_1253 : vector<64x128xi1>, vector<64x128xf32>
    %jit3A_1260 = arith.constant 5.000000e+00 : f32
    %broadcast_in_dim3A_1261 = vector.broadcast %jit3A_1260 : f32 to vector<64x128xf32>
    %select_n3A_1262 = arith.select %gt3A_1258, %broadcast_in_dim3A_1261, %select_n3A_1256 : vector<64x128xi1>, vector<64x128xf32>
    %slice3A_1263 = vector.extract_strided_slice %dot_general3A_27 {offsets = [192, 768], sizes = [64, 128], strides = [1, 1]} : vector<512x8192xf32> to vector<64x128xf32>
    %gt3A_1264 = arith.cmpf ogt, %slice3A_1263, %select_n3A_1259 : vector<64x128xf32>
    %select_n3A_1265 = arith.select %gt3A_1264, %slice3A_1263, %select_n3A_1259 : vector<64x128xi1>, vector<64x128xf32>
    %jit3A_1266 = arith.constant 6.000000e+00 : f32
    %broadcast_in_dim3A_1267 = vector.broadcast %jit3A_1266 : f32 to vector<64x128xf32>
    %select_n3A_1268 = arith.select %gt3A_1264, %broadcast_in_dim3A_1267, %select_n3A_1262 : vector<64x128xi1>, vector<64x128xf32>
    %slice3A_1269 = vector.extract_strided_slice %dot_general3A_27 {offsets = [192, 896], sizes = [64, 128], strides = [1, 1]} : vector<512x8192xf32> to vector<64x128xf32>
    %gt3A_1270 = arith.cmpf ogt, %slice3A_1269, %select_n3A_1265 : vector<64x128xf32>
    %select_n3A_1271 = arith.select %gt3A_1270, %slice3A_1269, %select_n3A_1265 : vector<64x128xi1>, vector<64x128xf32>
    %jit3A_1272 = arith.constant 7.000000e+00 : f32
    %broadcast_in_dim3A_1273 = vector.broadcast %jit3A_1272 : f32 to vector<64x128xf32>
    %select_n3A_1274 = arith.select %gt3A_1270, %broadcast_in_dim3A_1273, %select_n3A_1268 : vector<64x128xi1>, vector<64x128xf32>
    %slice3A_1275 = vector.extract_strided_slice %dot_general3A_27 {offsets = [192, 1024], sizes = [64, 128], strides = [1, 1]} : vector<512x8192xf32> to vector<64x128xf32>
    %gt3A_1276 = arith.cmpf ogt, %slice3A_1275, %select_n3A_1271 : vector<64x128xf32>
    %select_n3A_1277 = arith.select %gt3A_1276, %slice3A_1275, %select_n3A_1271 : vector<64x128xi1>, vector<64x128xf32>
    %jit3A_1278 = arith.constant 8.000000e+00 : f32
    %broadcast_in_dim3A_1279 = vector.broadcast %jit3A_1278 : f32 to vector<64x128xf32>
    %select_n3A_1280 = arith.select %gt3A_1276, %broadcast_in_dim3A_1279, %select_n3A_1274 : vector<64x128xi1>, vector<64x128xf32>
    %slice3A_1281 = vector.extract_strided_slice %dot_general3A_27 {offsets = [192, 1152], sizes = [64, 128], strides = [1, 1]} : vector<512x8192xf32> to vector<64x128xf32>
    %gt3A_1282 = arith.cmpf ogt, %slice3A_1281, %select_n3A_1277 : vector<64x128xf32>
    %select_n3A_1283 = arith.select %gt3A_1282, %slice3A_1281, %select_n3A_1277 : vector<64x128xi1>, vector<64x128xf32>
    %jit3A_1284 = arith.constant 9.000000e+00 : f32
    %broadcast_in_dim3A_1285 = vector.broadcast %jit3A_1284 : f32 to vector<64x128xf32>
    %select_n3A_1286 = arith.select %gt3A_1282, %broadcast_in_dim3A_1285, %select_n3A_1280 : vector<64x128xi1>, vector<64x128xf32>
    %slice3A_1287 = vector.extract_strided_slice %dot_general3A_27 {offsets = [192, 1280], sizes = [64, 128], strides = [1, 1]} : vector<512x8192xf32> to vector<64x128xf32>
    %gt3A_1288 = arith.cmpf ogt, %slice3A_1287, %select_n3A_1283 : vector<64x128xf32>
    %select_n3A_1289 = arith.select %gt3A_1288, %slice3A_1287, %select_n3A_1283 : vector<64x128xi1>, vector<64x128xf32>
    %jit3A_1290 = arith.constant 1.000000e+01 : f32
    %broadcast_in_dim3A_1291 = vector.broadcast %jit3A_1290 : f32 to vector<64x128xf32>
    %select_n3A_1292 = arith.select %gt3A_1288, %broadcast_in_dim3A_1291, %select_n3A_1286 : vector<64x128xi1>, vector<64x128xf32>
    %slice3A_1293 = vector.extract_strided_slice %dot_general3A_27 {offsets = [192, 1408], sizes = [64, 128], strides = [1, 1]} : vector<512x8192xf32> to vector<64x128xf32>
    %gt3A_1294 = arith.cmpf ogt, %slice3A_1293, %select_n3A_1289 : vector<64x128xf32>
    %select_n3A_1295 = arith.select %gt3A_1294, %slice3A_1293, %select_n3A_1289 : vector<64x128xi1>, vector<64x128xf32>
    %jit3A_1296 = arith.constant 1.100000e+01 : f32
    %broadcast_in_dim3A_1297 = vector.broadcast %jit3A_1296 : f32 to vector<64x128xf32>
    %select_n3A_1298 = arith.select %gt3A_1294, %broadcast_in_dim3A_1297, %select_n3A_1292 : vector<64x128xi1>, vector<64x128xf32>
    %slice3A_1299 = vector.extract_strided_slice %dot_general3A_27 {offsets = [192, 1536], sizes = [64, 128], strides = [1, 1]} : vector<512x8192xf32> to vector<64x128xf32>
    %gt3A_1300 = arith.cmpf ogt, %slice3A_1299, %select_n3A_1295 : vector<64x128xf32>
    %select_n3A_1301 = arith.select %gt3A_1300, %slice3A_1299, %select_n3A_1295 : vector<64x128xi1>, vector<64x128xf32>
    %jit3A_1302 = arith.constant 1.200000e+01 : f32
    %broadcast_in_dim3A_1303 = vector.broadcast %jit3A_1302 : f32 to vector<64x128xf32>
    %select_n3A_1304 = arith.select %gt3A_1300, %broadcast_in_dim3A_1303, %select_n3A_1298 : vector<64x128xi1>, vector<64x128xf32>
    %slice3A_1305 = vector.extract_strided_slice %dot_general3A_27 {offsets = [192, 1664], sizes = [64, 128], strides = [1, 1]} : vector<512x8192xf32> to vector<64x128xf32>
    %gt3A_1306 = arith.cmpf ogt, %slice3A_1305, %select_n3A_1301 : vector<64x128xf32>
    %select_n3A_1307 = arith.select %gt3A_1306, %slice3A_1305, %select_n3A_1301 : vector<64x128xi1>, vector<64x128xf32>
    %jit3A_1308 = arith.constant 1.300000e+01 : f32
    %broadcast_in_dim3A_1309 = vector.broadcast %jit3A_1308 : f32 to vector<64x128xf32>
    %select_n3A_1310 = arith.select %gt3A_1306, %broadcast_in_dim3A_1309, %select_n3A_1304 : vector<64x128xi1>, vector<64x128xf32>
    %slice3A_1311 = vector.extract_strided_slice %dot_general3A_27 {offsets = [192, 1792], sizes = [64, 128], strides = [1, 1]} : vector<512x8192xf32> to vector<64x128xf32>
    %gt3A_1312 = arith.cmpf ogt, %slice3A_1311, %select_n3A_1307 : vector<64x128xf32>
    %select_n3A_1313 = arith.select %gt3A_1312, %slice3A_1311, %select_n3A_1307 : vector<64x128xi1>, vector<64x128xf32>
    %jit3A_1314 = arith.constant 1.400000e+01 : f32
    %broadcast_in_dim3A_1315 = vector.broadcast %jit3A_1314 : f32 to vector<64x128xf32>
    %select_n3A_1316 = arith.select %gt3A_1312, %broadcast_in_dim3A_1315, %select_n3A_1310 : vector<64x128xi1>, vector<64x128xf32>
    %slice3A_1317 = vector.extract_strided_slice %dot_general3A_27 {offsets = [192, 1920], sizes = [64, 128], strides = [1, 1]} : vector<512x8192xf32> to vector<64x128xf32>
    %gt3A_1318 = arith.cmpf ogt, %slice3A_1317, %select_n3A_1313 : vector<64x128xf32>
    %select_n3A_1319 = arith.select %gt3A_1318, %slice3A_1317, %select_n3A_1313 : vector<64x128xi1>, vector<64x128xf32>
    %jit3A_1320 = arith.constant 1.500000e+01 : f32
    %broadcast_in_dim3A_1321 = vector.broadcast %jit3A_1320 : f32 to vector<64x128xf32>
    %select_n3A_1322 = arith.select %gt3A_1318, %broadcast_in_dim3A_1321, %select_n3A_1316 : vector<64x128xi1>, vector<64x128xf32>
    %slice3A_1323 = vector.extract_strided_slice %dot_general3A_27 {offsets = [192, 2048], sizes = [64, 128], strides = [1, 1]} : vector<512x8192xf32> to vector<64x128xf32>
    %gt3A_1324 = arith.cmpf ogt, %slice3A_1323, %select_n3A_1319 : vector<64x128xf32>
    %select_n3A_1325 = arith.select %gt3A_1324, %slice3A_1323, %select_n3A_1319 : vector<64x128xi1>, vector<64x128xf32>
    %jit3A_1326 = arith.constant 1.600000e+01 : f32
    %broadcast_in_dim3A_1327 = vector.broadcast %jit3A_1326 : f32 to vector<64x128xf32>
    %select_n3A_1328 = arith.select %gt3A_1324, %broadcast_in_dim3A_1327, %select_n3A_1322 : vector<64x128xi1>, vector<64x128xf32>
    %slice3A_1329 = vector.extract_strided_slice %dot_general3A_27 {offsets = [192, 2176], sizes = [64, 128], strides = [1, 1]} : vector<512x8192xf32> to vector<64x128xf32>
    %gt3A_1330 = arith.cmpf ogt, %slice3A_1329, %select_n3A_1325 : vector<64x128xf32>
    %select_n3A_1331 = arith.select %gt3A_1330, %slice3A_1329, %select_n3A_1325 : vector<64x128xi1>, vector<64x128xf32>
    %jit3A_1332 = arith.constant 1.700000e+01 : f32
    %broadcast_in_dim3A_1333 = vector.broadcast %jit3A_1332 : f32 to vector<64x128xf32>
    %select_n3A_1334 = arith.select %gt3A_1330, %broadcast_in_dim3A_1333, %select_n3A_1328 : vector<64x128xi1>, vector<64x128xf32>
    %slice3A_1335 = vector.extract_strided_slice %dot_general3A_27 {offsets = [192, 2304], sizes = [64, 128], strides = [1, 1]} : vector<512x8192xf32> to vector<64x128xf32>
    %gt3A_1336 = arith.cmpf ogt, %slice3A_1335, %select_n3A_1331 : vector<64x128xf32>
    %select_n3A_1337 = arith.select %gt3A_1336, %slice3A_1335, %select_n3A_1331 : vector<64x128xi1>, vector<64x128xf32>
    %jit3A_1338 = arith.constant 1.800000e+01 : f32
    %broadcast_in_dim3A_1339 = vector.broadcast %jit3A_1338 : f32 to vector<64x128xf32>
    %select_n3A_1340 = arith.select %gt3A_1336, %broadcast_in_dim3A_1339, %select_n3A_1334 : vector<64x128xi1>, vector<64x128xf32>
    %slice3A_1341 = vector.extract_strided_slice %dot_general3A_27 {offsets = [192, 2432], sizes = [64, 128], strides = [1, 1]} : vector<512x8192xf32> to vector<64x128xf32>
    %gt3A_1342 = arith.cmpf ogt, %slice3A_1341, %select_n3A_1337 : vector<64x128xf32>
    %select_n3A_1343 = arith.select %gt3A_1342, %slice3A_1341, %select_n3A_1337 : vector<64x128xi1>, vector<64x128xf32>
    %jit3A_1344 = arith.constant 1.900000e+01 : f32
    %broadcast_in_dim3A_1345 = vector.broadcast %jit3A_1344 : f32 to vector<64x128xf32>
    %select_n3A_1346 = arith.select %gt3A_1342, %broadcast_in_dim3A_1345, %select_n3A_1340 : vector<64x128xi1>, vector<64x128xf32>
    %slice3A_1347 = vector.extract_strided_slice %dot_general3A_27 {offsets = [192, 2560], sizes = [64, 128], strides = [1, 1]} : vector<512x8192xf32> to vector<64x128xf32>
    %gt3A_1348 = arith.cmpf ogt, %slice3A_1347, %select_n3A_1343 : vector<64x128xf32>
    %select_n3A_1349 = arith.select %gt3A_1348, %slice3A_1347, %select_n3A_1343 : vector<64x128xi1>, vector<64x128xf32>
    %jit3A_1350 = arith.constant 2.000000e+01 : f32
    %broadcast_in_dim3A_1351 = vector.broadcast %jit3A_1350 : f32 to vector<64x128xf32>
    %select_n3A_1352 = arith.select %gt3A_1348, %broadcast_in_dim3A_1351, %select_n3A_1346 : vector<64x128xi1>, vector<64x128xf32>
    %slice3A_1353 = vector.extract_strided_slice %dot_general3A_27 {offsets = [192, 2688], sizes = [64, 128], strides = [1, 1]} : vector<512x8192xf32> to vector<64x128xf32>
    %gt3A_1354 = arith.cmpf ogt, %slice3A_1353, %select_n3A_1349 : vector<64x128xf32>
    %select_n3A_1355 = arith.select %gt3A_1354, %slice3A_1353, %select_n3A_1349 : vector<64x128xi1>, vector<64x128xf32>
    %jit3A_1356 = arith.constant 2.100000e+01 : f32
    %broadcast_in_dim3A_1357 = vector.broadcast %jit3A_1356 : f32 to vector<64x128xf32>
    %select_n3A_1358 = arith.select %gt3A_1354, %broadcast_in_dim3A_1357, %select_n3A_1352 : vector<64x128xi1>, vector<64x128xf32>
    %slice3A_1359 = vector.extract_strided_slice %dot_general3A_27 {offsets = [192, 2816], sizes = [64, 128], strides = [1, 1]} : vector<512x8192xf32> to vector<64x128xf32>
    %gt3A_1360 = arith.cmpf ogt, %slice3A_1359, %select_n3A_1355 : vector<64x128xf32>
    %select_n3A_1361 = arith.select %gt3A_1360, %slice3A_1359, %select_n3A_1355 : vector<64x128xi1>, vector<64x128xf32>
    %jit3A_1362 = arith.constant 2.200000e+01 : f32
    %broadcast_in_dim3A_1363 = vector.broadcast %jit3A_1362 : f32 to vector<64x128xf32>
    %select_n3A_1364 = arith.select %gt3A_1360, %broadcast_in_dim3A_1363, %select_n3A_1358 : vector<64x128xi1>, vector<64x128xf32>
    %slice3A_1365 = vector.extract_strided_slice %dot_general3A_27 {offsets = [192, 2944], sizes = [64, 128], strides = [1, 1]} : vector<512x8192xf32> to vector<64x128xf32>
    %gt3A_1366 = arith.cmpf ogt, %slice3A_1365, %select_n3A_1361 : vector<64x128xf32>
    %select_n3A_1367 = arith.select %gt3A_1366, %slice3A_1365, %select_n3A_1361 : vector<64x128xi1>, vector<64x128xf32>
    %jit3A_1368 = arith.constant 2.300000e+01 : f32
    %broadcast_in_dim3A_1369 = vector.broadcast %jit3A_1368 : f32 to vector<64x128xf32>
    %select_n3A_1370 = arith.select %gt3A_1366, %broadcast_in_dim3A_1369, %select_n3A_1364 : vector<64x128xi1>, vector<64x128xf32>
    %slice3A_1371 = vector.extract_strided_slice %dot_general3A_27 {offsets = [192, 3072], sizes = [64, 128], strides = [1, 1]} : vector<512x8192xf32> to vector<64x128xf32>
    %gt3A_1372 = arith.cmpf ogt, %slice3A_1371, %select_n3A_1367 : vector<64x128xf32>
    %select_n3A_1373 = arith.select %gt3A_1372, %slice3A_1371, %select_n3A_1367 : vector<64x128xi1>, vector<64x128xf32>
    %jit3A_1374 = arith.constant 2.400000e+01 : f32
    %broadcast_in_dim3A_1375 = vector.broadcast %jit3A_1374 : f32 to vector<64x128xf32>
    %select_n3A_1376 = arith.select %gt3A_1372, %broadcast_in_dim3A_1375, %select_n3A_1370 : vector<64x128xi1>, vector<64x128xf32>
    %slice3A_1377 = vector.extract_strided_slice %dot_general3A_27 {offsets = [192, 3200], sizes = [64, 128], strides = [1, 1]} : vector<512x8192xf32> to vector<64x128xf32>
    %gt3A_1378 = arith.cmpf ogt, %slice3A_1377, %select_n3A_1373 : vector<64x128xf32>
    %select_n3A_1379 = arith.select %gt3A_1378, %slice3A_1377, %select_n3A_1373 : vector<64x128xi1>, vector<64x128xf32>
    %jit3A_1380 = arith.constant 2.500000e+01 : f32
    %broadcast_in_dim3A_1381 = vector.broadcast %jit3A_1380 : f32 to vector<64x128xf32>
    %select_n3A_1382 = arith.select %gt3A_1378, %broadcast_in_dim3A_1381, %select_n3A_1376 : vector<64x128xi1>, vector<64x128xf32>
    %slice3A_1383 = vector.extract_strided_slice %dot_general3A_27 {offsets = [192, 3328], sizes = [64, 128], strides = [1, 1]} : vector<512x8192xf32> to vector<64x128xf32>
    %gt3A_1384 = arith.cmpf ogt, %slice3A_1383, %select_n3A_1379 : vector<64x128xf32>
    %select_n3A_1385 = arith.select %gt3A_1384, %slice3A_1383, %select_n3A_1379 : vector<64x128xi1>, vector<64x128xf32>
    %jit3A_1386 = arith.constant 2.600000e+01 : f32
    %broadcast_in_dim3A_1387 = vector.broadcast %jit3A_1386 : f32 to vector<64x128xf32>
    %select_n3A_1388 = arith.select %gt3A_1384, %broadcast_in_dim3A_1387, %select_n3A_1382 : vector<64x128xi1>, vector<64x128xf32>
    %slice3A_1389 = vector.extract_strided_slice %dot_general3A_27 {offsets = [192, 3456], sizes = [64, 128], strides = [1, 1]} : vector<512x8192xf32> to vector<64x128xf32>
    %gt3A_1390 = arith.cmpf ogt, %slice3A_1389, %select_n3A_1385 : vector<64x128xf32>
    %select_n3A_1391 = arith.select %gt3A_1390, %slice3A_1389, %select_n3A_1385 : vector<64x128xi1>, vector<64x128xf32>
    %jit3A_1392 = arith.constant 2.700000e+01 : f32
    %broadcast_in_dim3A_1393 = vector.broadcast %jit3A_1392 : f32 to vector<64x128xf32>
    %select_n3A_1394 = arith.select %gt3A_1390, %broadcast_in_dim3A_1393, %select_n3A_1388 : vector<64x128xi1>, vector<64x128xf32>
    %slice3A_1395 = vector.extract_strided_slice %dot_general3A_27 {offsets = [192, 3584], sizes = [64, 128], strides = [1, 1]} : vector<512x8192xf32> to vector<64x128xf32>
    %gt3A_1396 = arith.cmpf ogt, %slice3A_1395, %select_n3A_1391 : vector<64x128xf32>
    %select_n3A_1397 = arith.select %gt3A_1396, %slice3A_1395, %select_n3A_1391 : vector<64x128xi1>, vector<64x128xf32>
    %jit3A_1398 = arith.constant 2.800000e+01 : f32
    %broadcast_in_dim3A_1399 = vector.broadcast %jit3A_1398 : f32 to vector<64x128xf32>
    %select_n3A_1400 = arith.select %gt3A_1396, %broadcast_in_dim3A_1399, %select_n3A_1394 : vector<64x128xi1>, vector<64x128xf32>
    %slice3A_1401 = vector.extract_strided_slice %dot_general3A_27 {offsets = [192, 3712], sizes = [64, 128], strides = [1, 1]} : vector<512x8192xf32> to vector<64x128xf32>
    %gt3A_1402 = arith.cmpf ogt, %slice3A_1401, %select_n3A_1397 : vector<64x128xf32>
    %select_n3A_1403 = arith.select %gt3A_1402, %slice3A_1401, %select_n3A_1397 : vector<64x128xi1>, vector<64x128xf32>
    %jit3A_1404 = arith.constant 2.900000e+01 : f32
    %broadcast_in_dim3A_1405 = vector.broadcast %jit3A_1404 : f32 to vector<64x128xf32>
    %select_n3A_1406 = arith.select %gt3A_1402, %broadcast_in_dim3A_1405, %select_n3A_1400 : vector<64x128xi1>, vector<64x128xf32>
    %slice3A_1407 = vector.extract_strided_slice %dot_general3A_27 {offsets = [192, 3840], sizes = [64, 128], strides = [1, 1]} : vector<512x8192xf32> to vector<64x128xf32>
    %gt3A_1408 = arith.cmpf ogt, %slice3A_1407, %select_n3A_1403 : vector<64x128xf32>
    %select_n3A_1409 = arith.select %gt3A_1408, %slice3A_1407, %select_n3A_1403 : vector<64x128xi1>, vector<64x128xf32>
    %jit3A_1410 = arith.constant 3.000000e+01 : f32
    %broadcast_in_dim3A_1411 = vector.broadcast %jit3A_1410 : f32 to vector<64x128xf32>
    %select_n3A_1412 = arith.select %gt3A_1408, %broadcast_in_dim3A_1411, %select_n3A_1406 : vector<64x128xi1>, vector<64x128xf32>
    %slice3A_1413 = vector.extract_strided_slice %dot_general3A_27 {offsets = [192, 3968], sizes = [64, 128], strides = [1, 1]} : vector<512x8192xf32> to vector<64x128xf32>
    %gt3A_1414 = arith.cmpf ogt, %slice3A_1413, %select_n3A_1409 : vector<64x128xf32>
    %select_n3A_1415 = arith.select %gt3A_1414, %slice3A_1413, %select_n3A_1409 : vector<64x128xi1>, vector<64x128xf32>
    %jit3A_1416 = arith.constant 3.100000e+01 : f32
    %broadcast_in_dim3A_1417 = vector.broadcast %jit3A_1416 : f32 to vector<64x128xf32>
    %select_n3A_1418 = arith.select %gt3A_1414, %broadcast_in_dim3A_1417, %select_n3A_1412 : vector<64x128xi1>, vector<64x128xf32>
    %slice3A_1419 = vector.extract_strided_slice %dot_general3A_27 {offsets = [192, 4096], sizes = [64, 128], strides = [1, 1]} : vector<512x8192xf32> to vector<64x128xf32>
    %gt3A_1420 = arith.cmpf ogt, %slice3A_1419, %select_n3A_1415 : vector<64x128xf32>
    %select_n3A_1421 = arith.select %gt3A_1420, %slice3A_1419, %select_n3A_1415 : vector<64x128xi1>, vector<64x128xf32>
    %jit3A_1422 = arith.constant 3.200000e+01 : f32
    %broadcast_in_dim3A_1423 = vector.broadcast %jit3A_1422 : f32 to vector<64x128xf32>
    %select_n3A_1424 = arith.select %gt3A_1420, %broadcast_in_dim3A_1423, %select_n3A_1418 : vector<64x128xi1>, vector<64x128xf32>
    %slice3A_1425 = vector.extract_strided_slice %dot_general3A_27 {offsets = [192, 4224], sizes = [64, 128], strides = [1, 1]} : vector<512x8192xf32> to vector<64x128xf32>
    %gt3A_1426 = arith.cmpf ogt, %slice3A_1425, %select_n3A_1421 : vector<64x128xf32>
    %select_n3A_1427 = arith.select %gt3A_1426, %slice3A_1425, %select_n3A_1421 : vector<64x128xi1>, vector<64x128xf32>
    %jit3A_1428 = arith.constant 3.300000e+01 : f32
    %broadcast_in_dim3A_1429 = vector.broadcast %jit3A_1428 : f32 to vector<64x128xf32>
    %select_n3A_1430 = arith.select %gt3A_1426, %broadcast_in_dim3A_1429, %select_n3A_1424 : vector<64x128xi1>, vector<64x128xf32>
    %slice3A_1431 = vector.extract_strided_slice %dot_general3A_27 {offsets = [192, 4352], sizes = [64, 128], strides = [1, 1]} : vector<512x8192xf32> to vector<64x128xf32>
    %gt3A_1432 = arith.cmpf ogt, %slice3A_1431, %select_n3A_1427 : vector<64x128xf32>
    %select_n3A_1433 = arith.select %gt3A_1432, %slice3A_1431, %select_n3A_1427 : vector<64x128xi1>, vector<64x128xf32>
    %jit3A_1434 = arith.constant 3.400000e+01 : f32
    %broadcast_in_dim3A_1435 = vector.broadcast %jit3A_1434 : f32 to vector<64x128xf32>
    %select_n3A_1436 = arith.select %gt3A_1432, %broadcast_in_dim3A_1435, %select_n3A_1430 : vector<64x128xi1>, vector<64x128xf32>
    %slice3A_1437 = vector.extract_strided_slice %dot_general3A_27 {offsets = [192, 4480], sizes = [64, 128], strides = [1, 1]} : vector<512x8192xf32> to vector<64x128xf32>
    %gt3A_1438 = arith.cmpf ogt, %slice3A_1437, %select_n3A_1433 : vector<64x128xf32>
    %select_n3A_1439 = arith.select %gt3A_1438, %slice3A_1437, %select_n3A_1433 : vector<64x128xi1>, vector<64x128xf32>
    %jit3A_1440 = arith.constant 3.500000e+01 : f32
    %broadcast_in_dim3A_1441 = vector.broadcast %jit3A_1440 : f32 to vector<64x128xf32>
    %select_n3A_1442 = arith.select %gt3A_1438, %broadcast_in_dim3A_1441, %select_n3A_1436 : vector<64x128xi1>, vector<64x128xf32>
    %slice3A_1443 = vector.extract_strided_slice %dot_general3A_27 {offsets = [192, 4608], sizes = [64, 128], strides = [1, 1]} : vector<512x8192xf32> to vector<64x128xf32>
    %gt3A_1444 = arith.cmpf ogt, %slice3A_1443, %select_n3A_1439 : vector<64x128xf32>
    %select_n3A_1445 = arith.select %gt3A_1444, %slice3A_1443, %select_n3A_1439 : vector<64x128xi1>, vector<64x128xf32>
    %jit3A_1446 = arith.constant 3.600000e+01 : f32
    %broadcast_in_dim3A_1447 = vector.broadcast %jit3A_1446 : f32 to vector<64x128xf32>
    %select_n3A_1448 = arith.select %gt3A_1444, %broadcast_in_dim3A_1447, %select_n3A_1442 : vector<64x128xi1>, vector<64x128xf32>
    %slice3A_1449 = vector.extract_strided_slice %dot_general3A_27 {offsets = [192, 4736], sizes = [64, 128], strides = [1, 1]} : vector<512x8192xf32> to vector<64x128xf32>
    %gt3A_1450 = arith.cmpf ogt, %slice3A_1449, %select_n3A_1445 : vector<64x128xf32>
    %select_n3A_1451 = arith.select %gt3A_1450, %slice3A_1449, %select_n3A_1445 : vector<64x128xi1>, vector<64x128xf32>
    %jit3A_1452 = arith.constant 3.700000e+01 : f32
    %broadcast_in_dim3A_1453 = vector.broadcast %jit3A_1452 : f32 to vector<64x128xf32>
    %select_n3A_1454 = arith.select %gt3A_1450, %broadcast_in_dim3A_1453, %select_n3A_1448 : vector<64x128xi1>, vector<64x128xf32>
    %slice3A_1455 = vector.extract_strided_slice %dot_general3A_27 {offsets = [192, 4864], sizes = [64, 128], strides = [1, 1]} : vector<512x8192xf32> to vector<64x128xf32>
    %gt3A_1456 = arith.cmpf ogt, %slice3A_1455, %select_n3A_1451 : vector<64x128xf32>
    %select_n3A_1457 = arith.select %gt3A_1456, %slice3A_1455, %select_n3A_1451 : vector<64x128xi1>, vector<64x128xf32>
    %jit3A_1458 = arith.constant 3.800000e+01 : f32
    %broadcast_in_dim3A_1459 = vector.broadcast %jit3A_1458 : f32 to vector<64x128xf32>
    %select_n3A_1460 = arith.select %gt3A_1456, %broadcast_in_dim3A_1459, %select_n3A_1454 : vector<64x128xi1>, vector<64x128xf32>
    %slice3A_1461 = vector.extract_strided_slice %dot_general3A_27 {offsets = [192, 4992], sizes = [64, 128], strides = [1, 1]} : vector<512x8192xf32> to vector<64x128xf32>
    %gt3A_1462 = arith.cmpf ogt, %slice3A_1461, %select_n3A_1457 : vector<64x128xf32>
    %select_n3A_1463 = arith.select %gt3A_1462, %slice3A_1461, %select_n3A_1457 : vector<64x128xi1>, vector<64x128xf32>
    %jit3A_1464 = arith.constant 3.900000e+01 : f32
    %broadcast_in_dim3A_1465 = vector.broadcast %jit3A_1464 : f32 to vector<64x128xf32>
    %select_n3A_1466 = arith.select %gt3A_1462, %broadcast_in_dim3A_1465, %select_n3A_1460 : vector<64x128xi1>, vector<64x128xf32>
    %slice3A_1467 = vector.extract_strided_slice %dot_general3A_27 {offsets = [192, 5120], sizes = [64, 128], strides = [1, 1]} : vector<512x8192xf32> to vector<64x128xf32>
    %gt3A_1468 = arith.cmpf ogt, %slice3A_1467, %select_n3A_1463 : vector<64x128xf32>
    %select_n3A_1469 = arith.select %gt3A_1468, %slice3A_1467, %select_n3A_1463 : vector<64x128xi1>, vector<64x128xf32>
    %jit3A_1470 = arith.constant 4.000000e+01 : f32
    %broadcast_in_dim3A_1471 = vector.broadcast %jit3A_1470 : f32 to vector<64x128xf32>
    %select_n3A_1472 = arith.select %gt3A_1468, %broadcast_in_dim3A_1471, %select_n3A_1466 : vector<64x128xi1>, vector<64x128xf32>
    %slice3A_1473 = vector.extract_strided_slice %dot_general3A_27 {offsets = [192, 5248], sizes = [64, 128], strides = [1, 1]} : vector<512x8192xf32> to vector<64x128xf32>
    %gt3A_1474 = arith.cmpf ogt, %slice3A_1473, %select_n3A_1469 : vector<64x128xf32>
    %select_n3A_1475 = arith.select %gt3A_1474, %slice3A_1473, %select_n3A_1469 : vector<64x128xi1>, vector<64x128xf32>
    %jit3A_1476 = arith.constant 4.100000e+01 : f32
    %broadcast_in_dim3A_1477 = vector.broadcast %jit3A_1476 : f32 to vector<64x128xf32>
    %select_n3A_1478 = arith.select %gt3A_1474, %broadcast_in_dim3A_1477, %select_n3A_1472 : vector<64x128xi1>, vector<64x128xf32>
    %slice3A_1479 = vector.extract_strided_slice %dot_general3A_27 {offsets = [192, 5376], sizes = [64, 128], strides = [1, 1]} : vector<512x8192xf32> to vector<64x128xf32>
    %gt3A_1480 = arith.cmpf ogt, %slice3A_1479, %select_n3A_1475 : vector<64x128xf32>
    %select_n3A_1481 = arith.select %gt3A_1480, %slice3A_1479, %select_n3A_1475 : vector<64x128xi1>, vector<64x128xf32>
    %jit3A_1482 = arith.constant 4.200000e+01 : f32
    %broadcast_in_dim3A_1483 = vector.broadcast %jit3A_1482 : f32 to vector<64x128xf32>
    %select_n3A_1484 = arith.select %gt3A_1480, %broadcast_in_dim3A_1483, %select_n3A_1478 : vector<64x128xi1>, vector<64x128xf32>
    %slice3A_1485 = vector.extract_strided_slice %dot_general3A_27 {offsets = [192, 5504], sizes = [64, 128], strides = [1, 1]} : vector<512x8192xf32> to vector<64x128xf32>
    %gt3A_1486 = arith.cmpf ogt, %slice3A_1485, %select_n3A_1481 : vector<64x128xf32>
    %select_n3A_1487 = arith.select %gt3A_1486, %slice3A_1485, %select_n3A_1481 : vector<64x128xi1>, vector<64x128xf32>
    %jit3A_1488 = arith.constant 4.300000e+01 : f32
    %broadcast_in_dim3A_1489 = vector.broadcast %jit3A_1488 : f32 to vector<64x128xf32>
    %select_n3A_1490 = arith.select %gt3A_1486, %broadcast_in_dim3A_1489, %select_n3A_1484 : vector<64x128xi1>, vector<64x128xf32>
    %slice3A_1491 = vector.extract_strided_slice %dot_general3A_27 {offsets = [192, 5632], sizes = [64, 128], strides = [1, 1]} : vector<512x8192xf32> to vector<64x128xf32>
    %gt3A_1492 = arith.cmpf ogt, %slice3A_1491, %select_n3A_1487 : vector<64x128xf32>
    %select_n3A_1493 = arith.select %gt3A_1492, %slice3A_1491, %select_n3A_1487 : vector<64x128xi1>, vector<64x128xf32>
    %jit3A_1494 = arith.constant 4.400000e+01 : f32
    %broadcast_in_dim3A_1495 = vector.broadcast %jit3A_1494 : f32 to vector<64x128xf32>
    %select_n3A_1496 = arith.select %gt3A_1492, %broadcast_in_dim3A_1495, %select_n3A_1490 : vector<64x128xi1>, vector<64x128xf32>
    %slice3A_1497 = vector.extract_strided_slice %dot_general3A_27 {offsets = [192, 5760], sizes = [64, 128], strides = [1, 1]} : vector<512x8192xf32> to vector<64x128xf32>
    %gt3A_1498 = arith.cmpf ogt, %slice3A_1497, %select_n3A_1493 : vector<64x128xf32>
    %select_n3A_1499 = arith.select %gt3A_1498, %slice3A_1497, %select_n3A_1493 : vector<64x128xi1>, vector<64x128xf32>
    %jit3A_1500 = arith.constant 4.500000e+01 : f32
    %broadcast_in_dim3A_1501 = vector.broadcast %jit3A_1500 : f32 to vector<64x128xf32>
    %select_n3A_1502 = arith.select %gt3A_1498, %broadcast_in_dim3A_1501, %select_n3A_1496 : vector<64x128xi1>, vector<64x128xf32>
    %slice3A_1503 = vector.extract_strided_slice %dot_general3A_27 {offsets = [192, 5888], sizes = [64, 128], strides = [1, 1]} : vector<512x8192xf32> to vector<64x128xf32>
    %gt3A_1504 = arith.cmpf ogt, %slice3A_1503, %select_n3A_1499 : vector<64x128xf32>
    %select_n3A_1505 = arith.select %gt3A_1504, %slice3A_1503, %select_n3A_1499 : vector<64x128xi1>, vector<64x128xf32>
    %jit3A_1506 = arith.constant 4.600000e+01 : f32
    %broadcast_in_dim3A_1507 = vector.broadcast %jit3A_1506 : f32 to vector<64x128xf32>
    %select_n3A_1508 = arith.select %gt3A_1504, %broadcast_in_dim3A_1507, %select_n3A_1502 : vector<64x128xi1>, vector<64x128xf32>
    %slice3A_1509 = vector.extract_strided_slice %dot_general3A_27 {offsets = [192, 6016], sizes = [64, 128], strides = [1, 1]} : vector<512x8192xf32> to vector<64x128xf32>
    %gt3A_1510 = arith.cmpf ogt, %slice3A_1509, %select_n3A_1505 : vector<64x128xf32>
    %select_n3A_1511 = arith.select %gt3A_1510, %slice3A_1509, %select_n3A_1505 : vector<64x128xi1>, vector<64x128xf32>
    %jit3A_1512 = arith.constant 4.700000e+01 : f32
    %broadcast_in_dim3A_1513 = vector.broadcast %jit3A_1512 : f32 to vector<64x128xf32>
    %select_n3A_1514 = arith.select %gt3A_1510, %broadcast_in_dim3A_1513, %select_n3A_1508 : vector<64x128xi1>, vector<64x128xf32>
    %slice3A_1515 = vector.extract_strided_slice %dot_general3A_27 {offsets = [192, 6144], sizes = [64, 128], strides = [1, 1]} : vector<512x8192xf32> to vector<64x128xf32>
    %gt3A_1516 = arith.cmpf ogt, %slice3A_1515, %select_n3A_1511 : vector<64x128xf32>
    %select_n3A_1517 = arith.select %gt3A_1516, %slice3A_1515, %select_n3A_1511 : vector<64x128xi1>, vector<64x128xf32>
    %jit3A_1518 = arith.constant 4.800000e+01 : f32
    %broadcast_in_dim3A_1519 = vector.broadcast %jit3A_1518 : f32 to vector<64x128xf32>
    %select_n3A_1520 = arith.select %gt3A_1516, %broadcast_in_dim3A_1519, %select_n3A_1514 : vector<64x128xi1>, vector<64x128xf32>
    %slice3A_1521 = vector.extract_strided_slice %dot_general3A_27 {offsets = [192, 6272], sizes = [64, 128], strides = [1, 1]} : vector<512x8192xf32> to vector<64x128xf32>
    %gt3A_1522 = arith.cmpf ogt, %slice3A_1521, %select_n3A_1517 : vector<64x128xf32>
    %select_n3A_1523 = arith.select %gt3A_1522, %slice3A_1521, %select_n3A_1517 : vector<64x128xi1>, vector<64x128xf32>
    %jit3A_1524 = arith.constant 4.900000e+01 : f32
    %broadcast_in_dim3A_1525 = vector.broadcast %jit3A_1524 : f32 to vector<64x128xf32>
    %select_n3A_1526 = arith.select %gt3A_1522, %broadcast_in_dim3A_1525, %select_n3A_1520 : vector<64x128xi1>, vector<64x128xf32>
    %slice3A_1527 = vector.extract_strided_slice %dot_general3A_27 {offsets = [192, 6400], sizes = [64, 128], strides = [1, 1]} : vector<512x8192xf32> to vector<64x128xf32>
    %gt3A_1528 = arith.cmpf ogt, %slice3A_1527, %select_n3A_1523 : vector<64x128xf32>
    %select_n3A_1529 = arith.select %gt3A_1528, %slice3A_1527, %select_n3A_1523 : vector<64x128xi1>, vector<64x128xf32>
    %jit3A_1530 = arith.constant 5.000000e+01 : f32
    %broadcast_in_dim3A_1531 = vector.broadcast %jit3A_1530 : f32 to vector<64x128xf32>
    %select_n3A_1532 = arith.select %gt3A_1528, %broadcast_in_dim3A_1531, %select_n3A_1526 : vector<64x128xi1>, vector<64x128xf32>
    %slice3A_1533 = vector.extract_strided_slice %dot_general3A_27 {offsets = [192, 6528], sizes = [64, 128], strides = [1, 1]} : vector<512x8192xf32> to vector<64x128xf32>
    %gt3A_1534 = arith.cmpf ogt, %slice3A_1533, %select_n3A_1529 : vector<64x128xf32>
    %select_n3A_1535 = arith.select %gt3A_1534, %slice3A_1533, %select_n3A_1529 : vector<64x128xi1>, vector<64x128xf32>
    %jit3A_1536 = arith.constant 5.100000e+01 : f32
    %broadcast_in_dim3A_1537 = vector.broadcast %jit3A_1536 : f32 to vector<64x128xf32>
    %select_n3A_1538 = arith.select %gt3A_1534, %broadcast_in_dim3A_1537, %select_n3A_1532 : vector<64x128xi1>, vector<64x128xf32>
    %slice3A_1539 = vector.extract_strided_slice %dot_general3A_27 {offsets = [192, 6656], sizes = [64, 128], strides = [1, 1]} : vector<512x8192xf32> to vector<64x128xf32>
    %gt3A_1540 = arith.cmpf ogt, %slice3A_1539, %select_n3A_1535 : vector<64x128xf32>
    %select_n3A_1541 = arith.select %gt3A_1540, %slice3A_1539, %select_n3A_1535 : vector<64x128xi1>, vector<64x128xf32>
    %jit3A_1542 = arith.constant 5.200000e+01 : f32
    %broadcast_in_dim3A_1543 = vector.broadcast %jit3A_1542 : f32 to vector<64x128xf32>
    %select_n3A_1544 = arith.select %gt3A_1540, %broadcast_in_dim3A_1543, %select_n3A_1538 : vector<64x128xi1>, vector<64x128xf32>
    %slice3A_1545 = vector.extract_strided_slice %dot_general3A_27 {offsets = [192, 6784], sizes = [64, 128], strides = [1, 1]} : vector<512x8192xf32> to vector<64x128xf32>
    %gt3A_1546 = arith.cmpf ogt, %slice3A_1545, %select_n3A_1541 : vector<64x128xf32>
    %select_n3A_1547 = arith.select %gt3A_1546, %slice3A_1545, %select_n3A_1541 : vector<64x128xi1>, vector<64x128xf32>
    %jit3A_1548 = arith.constant 5.300000e+01 : f32
    %broadcast_in_dim3A_1549 = vector.broadcast %jit3A_1548 : f32 to vector<64x128xf32>
    %select_n3A_1550 = arith.select %gt3A_1546, %broadcast_in_dim3A_1549, %select_n3A_1544 : vector<64x128xi1>, vector<64x128xf32>
    %slice3A_1551 = vector.extract_strided_slice %dot_general3A_27 {offsets = [192, 6912], sizes = [64, 128], strides = [1, 1]} : vector<512x8192xf32> to vector<64x128xf32>
    %gt3A_1552 = arith.cmpf ogt, %slice3A_1551, %select_n3A_1547 : vector<64x128xf32>
    %select_n3A_1553 = arith.select %gt3A_1552, %slice3A_1551, %select_n3A_1547 : vector<64x128xi1>, vector<64x128xf32>
    %jit3A_1554 = arith.constant 5.400000e+01 : f32
    %broadcast_in_dim3A_1555 = vector.broadcast %jit3A_1554 : f32 to vector<64x128xf32>
    %select_n3A_1556 = arith.select %gt3A_1552, %broadcast_in_dim3A_1555, %select_n3A_1550 : vector<64x128xi1>, vector<64x128xf32>
    %slice3A_1557 = vector.extract_strided_slice %dot_general3A_27 {offsets = [192, 7040], sizes = [64, 128], strides = [1, 1]} : vector<512x8192xf32> to vector<64x128xf32>
    %gt3A_1558 = arith.cmpf ogt, %slice3A_1557, %select_n3A_1553 : vector<64x128xf32>
    %select_n3A_1559 = arith.select %gt3A_1558, %slice3A_1557, %select_n3A_1553 : vector<64x128xi1>, vector<64x128xf32>
    %jit3A_1560 = arith.constant 5.500000e+01 : f32
    %broadcast_in_dim3A_1561 = vector.broadcast %jit3A_1560 : f32 to vector<64x128xf32>
    %select_n3A_1562 = arith.select %gt3A_1558, %broadcast_in_dim3A_1561, %select_n3A_1556 : vector<64x128xi1>, vector<64x128xf32>
    %slice3A_1563 = vector.extract_strided_slice %dot_general3A_27 {offsets = [192, 7168], sizes = [64, 128], strides = [1, 1]} : vector<512x8192xf32> to vector<64x128xf32>
    %gt3A_1564 = arith.cmpf ogt, %slice3A_1563, %select_n3A_1559 : vector<64x128xf32>
    %select_n3A_1565 = arith.select %gt3A_1564, %slice3A_1563, %select_n3A_1559 : vector<64x128xi1>, vector<64x128xf32>
    %jit3A_1566 = arith.constant 5.600000e+01 : f32
    %broadcast_in_dim3A_1567 = vector.broadcast %jit3A_1566 : f32 to vector<64x128xf32>
    %select_n3A_1568 = arith.select %gt3A_1564, %broadcast_in_dim3A_1567, %select_n3A_1562 : vector<64x128xi1>, vector<64x128xf32>
    %slice3A_1569 = vector.extract_strided_slice %dot_general3A_27 {offsets = [192, 7296], sizes = [64, 128], strides = [1, 1]} : vector<512x8192xf32> to vector<64x128xf32>
    %gt3A_1570 = arith.cmpf ogt, %slice3A_1569, %select_n3A_1565 : vector<64x128xf32>
    %select_n3A_1571 = arith.select %gt3A_1570, %slice3A_1569, %select_n3A_1565 : vector<64x128xi1>, vector<64x128xf32>
    %jit3A_1572 = arith.constant 5.700000e+01 : f32
    %broadcast_in_dim3A_1573 = vector.broadcast %jit3A_1572 : f32 to vector<64x128xf32>
    %select_n3A_1574 = arith.select %gt3A_1570, %broadcast_in_dim3A_1573, %select_n3A_1568 : vector<64x128xi1>, vector<64x128xf32>
    %slice3A_1575 = vector.extract_strided_slice %dot_general3A_27 {offsets = [192, 7424], sizes = [64, 128], strides = [1, 1]} : vector<512x8192xf32> to vector<64x128xf32>
    %gt3A_1576 = arith.cmpf ogt, %slice3A_1575, %select_n3A_1571 : vector<64x128xf32>
    %select_n3A_1577 = arith.select %gt3A_1576, %slice3A_1575, %select_n3A_1571 : vector<64x128xi1>, vector<64x128xf32>
    %jit3A_1578 = arith.constant 5.800000e+01 : f32
    %broadcast_in_dim3A_1579 = vector.broadcast %jit3A_1578 : f32 to vector<64x128xf32>
    %select_n3A_1580 = arith.select %gt3A_1576, %broadcast_in_dim3A_1579, %select_n3A_1574 : vector<64x128xi1>, vector<64x128xf32>
    %slice3A_1581 = vector.extract_strided_slice %dot_general3A_27 {offsets = [192, 7552], sizes = [64, 128], strides = [1, 1]} : vector<512x8192xf32> to vector<64x128xf32>
    %gt3A_1582 = arith.cmpf ogt, %slice3A_1581, %select_n3A_1577 : vector<64x128xf32>
    %select_n3A_1583 = arith.select %gt3A_1582, %slice3A_1581, %select_n3A_1577 : vector<64x128xi1>, vector<64x128xf32>
    %jit3A_1584 = arith.constant 5.900000e+01 : f32
    %broadcast_in_dim3A_1585 = vector.broadcast %jit3A_1584 : f32 to vector<64x128xf32>
    %select_n3A_1586 = arith.select %gt3A_1582, %broadcast_in_dim3A_1585, %select_n3A_1580 : vector<64x128xi1>, vector<64x128xf32>
    %slice3A_1587 = vector.extract_strided_slice %dot_general3A_27 {offsets = [192, 7680], sizes = [64, 128], strides = [1, 1]} : vector<512x8192xf32> to vector<64x128xf32>
    %gt3A_1588 = arith.cmpf ogt, %slice3A_1587, %select_n3A_1583 : vector<64x128xf32>
    %select_n3A_1589 = arith.select %gt3A_1588, %slice3A_1587, %select_n3A_1583 : vector<64x128xi1>, vector<64x128xf32>
    %jit3A_1590 = arith.constant 6.000000e+01 : f32
    %broadcast_in_dim3A_1591 = vector.broadcast %jit3A_1590 : f32 to vector<64x128xf32>
    %select_n3A_1592 = arith.select %gt3A_1588, %broadcast_in_dim3A_1591, %select_n3A_1586 : vector<64x128xi1>, vector<64x128xf32>
    %slice3A_1593 = vector.extract_strided_slice %dot_general3A_27 {offsets = [192, 7808], sizes = [64, 128], strides = [1, 1]} : vector<512x8192xf32> to vector<64x128xf32>
    %gt3A_1594 = arith.cmpf ogt, %slice3A_1593, %select_n3A_1589 : vector<64x128xf32>
    %select_n3A_1595 = arith.select %gt3A_1594, %slice3A_1593, %select_n3A_1589 : vector<64x128xi1>, vector<64x128xf32>
    %jit3A_1596 = arith.constant 6.100000e+01 : f32
    %broadcast_in_dim3A_1597 = vector.broadcast %jit3A_1596 : f32 to vector<64x128xf32>
    %select_n3A_1598 = arith.select %gt3A_1594, %broadcast_in_dim3A_1597, %select_n3A_1592 : vector<64x128xi1>, vector<64x128xf32>
    %slice3A_1599 = vector.extract_strided_slice %dot_general3A_27 {offsets = [192, 7936], sizes = [64, 128], strides = [1, 1]} : vector<512x8192xf32> to vector<64x128xf32>
    %gt3A_1600 = arith.cmpf ogt, %slice3A_1599, %select_n3A_1595 : vector<64x128xf32>
    %select_n3A_1601 = arith.select %gt3A_1600, %slice3A_1599, %select_n3A_1595 : vector<64x128xi1>, vector<64x128xf32>
    %jit3A_1602 = arith.constant 6.200000e+01 : f32
    %broadcast_in_dim3A_1603 = vector.broadcast %jit3A_1602 : f32 to vector<64x128xf32>
    %select_n3A_1604 = arith.select %gt3A_1600, %broadcast_in_dim3A_1603, %select_n3A_1598 : vector<64x128xi1>, vector<64x128xf32>
    %slice3A_1605 = vector.extract_strided_slice %dot_general3A_27 {offsets = [192, 8064], sizes = [64, 128], strides = [1, 1]} : vector<512x8192xf32> to vector<64x128xf32>
    %gt3A_1606 = arith.cmpf ogt, %slice3A_1605, %select_n3A_1601 : vector<64x128xf32>
    %select_n3A_1607 = arith.select %gt3A_1606, %slice3A_1605, %select_n3A_1601 : vector<64x128xi1>, vector<64x128xf32>
    %jit3A_1608 = arith.constant 6.300000e+01 : f32
    %broadcast_in_dim3A_1609 = vector.broadcast %jit3A_1608 : f32 to vector<64x128xf32>
    %select_n3A_1610 = arith.select %gt3A_1606, %broadcast_in_dim3A_1609, %select_n3A_1604 : vector<64x128xi1>, vector<64x128xf32>
    %mul3A_1611 = arith.constant 1.280000e+02 : f32
    %mul3A_1612 = vector.broadcast %mul3A_1611 : f32 to vector<64x128xf32>
    %mul3A_1613 = arith.mulf %select_n3A_1610, %mul3A_1612 : vector<64x128xf32>
    %get3A_1614 = arith.constant 0 : index
    %get3A_1615 = arith.constant 0 : index
    %get3A_1616 = vector.load %arg6[%get3A_1614, %get3A_1615] : memref<1x8192xf32, #tpu.memory_space<vmem>>, vector<1x128xf32>
    %add3A_1617 = vector.broadcast %get3A_1616 : vector<1x128xf32> to vector<64x128xf32>
    %add3A_1618 = arith.addf %mul3A_1613, %add3A_1617 : vector<64x128xf32>
    %reduce_max3A_1619 = arith.constant dense<0xFF800000> : vector<64xf32>
    %reduce_max3A_1620 = vector.multi_reduction <maximumf>, %select_n3A_1607, %reduce_max3A_1619 [1] : vector<64x128xf32> to vector<64xf32>
    %broadcast_in_dim3A_1621 = vector.shape_cast %reduce_max3A_1620 : vector<64xf32> to vector<64x1xf32>
    %eq3A_1622 = vector.broadcast %broadcast_in_dim3A_1621 : vector<64x1xf32> to vector<64x128xf32>
    %eq3A_1623 = arith.cmpf oeq, %select_n3A_1607, %eq3A_1622 : vector<64x128xf32>
    %jit3A_1624 = arith.constant 8.192000e+03 : f32
    %broadcast_in_dim3A_1625 = vector.broadcast %jit3A_1624 : f32 to vector<64x128xf32>
    %select_n3A_1626 = arith.select %eq3A_1623, %add3A_1618, %broadcast_in_dim3A_1625 : vector<64x128xi1>, vector<64x128xf32>
    %reduce_min3A_1627 = arith.constant dense<0x7F800000> : vector<64xf32>
    %reduce_min3A_1628 = vector.multi_reduction <minimumf>, %select_n3A_1626, %reduce_min3A_1627 [1] : vector<64x128xf32> to vector<64xf32>
    %min3A_1629 = arith.constant 8.191000e+03 : f32
    %min3A_1630 = vector.broadcast %min3A_1629 : f32 to vector<64xf32>
    %min3A_1631 = arith.minimumf %reduce_min3A_1628, %min3A_1630 : vector<64xf32>
    %convert_element_type3A_1632 = arith.fptosi %min3A_1631 : vector<64xf32> to vector<64xi32>
    %slice3A_1633 = vector.extract_strided_slice %dot_general3A_27 {offsets = [256, 0], sizes = [64, 128], strides = [1, 1]} : vector<512x8192xf32> to vector<64x128xf32>
    %broadcast_in_dim3A_1634 = arith.constant 0.000000e+00 : f32
    %broadcast_in_dim3A_1635 = vector.broadcast %broadcast_in_dim3A_1634 : f32 to vector<64x128xf32>
    %slice3A_1636 = vector.extract_strided_slice %dot_general3A_27 {offsets = [256, 128], sizes = [64, 128], strides = [1, 1]} : vector<512x8192xf32> to vector<64x128xf32>
    %gt3A_1637 = arith.cmpf ogt, %slice3A_1636, %slice3A_1633 : vector<64x128xf32>
    %select_n3A_1638 = arith.select %gt3A_1637, %slice3A_1636, %slice3A_1633 : vector<64x128xi1>, vector<64x128xf32>
    %jit3A_1639 = arith.constant 1.000000e+00 : f32
    %broadcast_in_dim3A_1640 = vector.broadcast %jit3A_1639 : f32 to vector<64x128xf32>
    %select_n3A_1641 = arith.select %gt3A_1637, %broadcast_in_dim3A_1640, %broadcast_in_dim3A_1635 : vector<64x128xi1>, vector<64x128xf32>
    %slice3A_1642 = vector.extract_strided_slice %dot_general3A_27 {offsets = [256, 256], sizes = [64, 128], strides = [1, 1]} : vector<512x8192xf32> to vector<64x128xf32>
    %gt3A_1643 = arith.cmpf ogt, %slice3A_1642, %select_n3A_1638 : vector<64x128xf32>
    %select_n3A_1644 = arith.select %gt3A_1643, %slice3A_1642, %select_n3A_1638 : vector<64x128xi1>, vector<64x128xf32>
    %jit3A_1645 = arith.constant 2.000000e+00 : f32
    %broadcast_in_dim3A_1646 = vector.broadcast %jit3A_1645 : f32 to vector<64x128xf32>
    %select_n3A_1647 = arith.select %gt3A_1643, %broadcast_in_dim3A_1646, %select_n3A_1641 : vector<64x128xi1>, vector<64x128xf32>
    %slice3A_1648 = vector.extract_strided_slice %dot_general3A_27 {offsets = [256, 384], sizes = [64, 128], strides = [1, 1]} : vector<512x8192xf32> to vector<64x128xf32>
    %gt3A_1649 = arith.cmpf ogt, %slice3A_1648, %select_n3A_1644 : vector<64x128xf32>
    %select_n3A_1650 = arith.select %gt3A_1649, %slice3A_1648, %select_n3A_1644 : vector<64x128xi1>, vector<64x128xf32>
    %jit3A_1651 = arith.constant 3.000000e+00 : f32
    %broadcast_in_dim3A_1652 = vector.broadcast %jit3A_1651 : f32 to vector<64x128xf32>
    %select_n3A_1653 = arith.select %gt3A_1649, %broadcast_in_dim3A_1652, %select_n3A_1647 : vector<64x128xi1>, vector<64x128xf32>
    %slice3A_1654 = vector.extract_strided_slice %dot_general3A_27 {offsets = [256, 512], sizes = [64, 128], strides = [1, 1]} : vector<512x8192xf32> to vector<64x128xf32>
    %gt3A_1655 = arith.cmpf ogt, %slice3A_1654, %select_n3A_1650 : vector<64x128xf32>
    %select_n3A_1656 = arith.select %gt3A_1655, %slice3A_1654, %select_n3A_1650 : vector<64x128xi1>, vector<64x128xf32>
    %jit3A_1657 = arith.constant 4.000000e+00 : f32
    %broadcast_in_dim3A_1658 = vector.broadcast %jit3A_1657 : f32 to vector<64x128xf32>
    %select_n3A_1659 = arith.select %gt3A_1655, %broadcast_in_dim3A_1658, %select_n3A_1653 : vector<64x128xi1>, vector<64x128xf32>
    %slice3A_1660 = vector.extract_strided_slice %dot_general3A_27 {offsets = [256, 640], sizes = [64, 128], strides = [1, 1]} : vector<512x8192xf32> to vector<64x128xf32>
    %gt3A_1661 = arith.cmpf ogt, %slice3A_1660, %select_n3A_1656 : vector<64x128xf32>
    %select_n3A_1662 = arith.select %gt3A_1661, %slice3A_1660, %select_n3A_1656 : vector<64x128xi1>, vector<64x128xf32>
    %jit3A_1663 = arith.constant 5.000000e+00 : f32
    %broadcast_in_dim3A_1664 = vector.broadcast %jit3A_1663 : f32 to vector<64x128xf32>
    %select_n3A_1665 = arith.select %gt3A_1661, %broadcast_in_dim3A_1664, %select_n3A_1659 : vector<64x128xi1>, vector<64x128xf32>
    %slice3A_1666 = vector.extract_strided_slice %dot_general3A_27 {offsets = [256, 768], sizes = [64, 128], strides = [1, 1]} : vector<512x8192xf32> to vector<64x128xf32>
    %gt3A_1667 = arith.cmpf ogt, %slice3A_1666, %select_n3A_1662 : vector<64x128xf32>
    %select_n3A_1668 = arith.select %gt3A_1667, %slice3A_1666, %select_n3A_1662 : vector<64x128xi1>, vector<64x128xf32>
    %jit3A_1669 = arith.constant 6.000000e+00 : f32
    %broadcast_in_dim3A_1670 = vector.broadcast %jit3A_1669 : f32 to vector<64x128xf32>
    %select_n3A_1671 = arith.select %gt3A_1667, %broadcast_in_dim3A_1670, %select_n3A_1665 : vector<64x128xi1>, vector<64x128xf32>
    %slice3A_1672 = vector.extract_strided_slice %dot_general3A_27 {offsets = [256, 896], sizes = [64, 128], strides = [1, 1]} : vector<512x8192xf32> to vector<64x128xf32>
    %gt3A_1673 = arith.cmpf ogt, %slice3A_1672, %select_n3A_1668 : vector<64x128xf32>
    %select_n3A_1674 = arith.select %gt3A_1673, %slice3A_1672, %select_n3A_1668 : vector<64x128xi1>, vector<64x128xf32>
    %jit3A_1675 = arith.constant 7.000000e+00 : f32
    %broadcast_in_dim3A_1676 = vector.broadcast %jit3A_1675 : f32 to vector<64x128xf32>
    %select_n3A_1677 = arith.select %gt3A_1673, %broadcast_in_dim3A_1676, %select_n3A_1671 : vector<64x128xi1>, vector<64x128xf32>
    %slice3A_1678 = vector.extract_strided_slice %dot_general3A_27 {offsets = [256, 1024], sizes = [64, 128], strides = [1, 1]} : vector<512x8192xf32> to vector<64x128xf32>
    %gt3A_1679 = arith.cmpf ogt, %slice3A_1678, %select_n3A_1674 : vector<64x128xf32>
    %select_n3A_1680 = arith.select %gt3A_1679, %slice3A_1678, %select_n3A_1674 : vector<64x128xi1>, vector<64x128xf32>
    %jit3A_1681 = arith.constant 8.000000e+00 : f32
    %broadcast_in_dim3A_1682 = vector.broadcast %jit3A_1681 : f32 to vector<64x128xf32>
    %select_n3A_1683 = arith.select %gt3A_1679, %broadcast_in_dim3A_1682, %select_n3A_1677 : vector<64x128xi1>, vector<64x128xf32>
    %slice3A_1684 = vector.extract_strided_slice %dot_general3A_27 {offsets = [256, 1152], sizes = [64, 128], strides = [1, 1]} : vector<512x8192xf32> to vector<64x128xf32>
    %gt3A_1685 = arith.cmpf ogt, %slice3A_1684, %select_n3A_1680 : vector<64x128xf32>
    %select_n3A_1686 = arith.select %gt3A_1685, %slice3A_1684, %select_n3A_1680 : vector<64x128xi1>, vector<64x128xf32>
    %jit3A_1687 = arith.constant 9.000000e+00 : f32
    %broadcast_in_dim3A_1688 = vector.broadcast %jit3A_1687 : f32 to vector<64x128xf32>
    %select_n3A_1689 = arith.select %gt3A_1685, %broadcast_in_dim3A_1688, %select_n3A_1683 : vector<64x128xi1>, vector<64x128xf32>
    %slice3A_1690 = vector.extract_strided_slice %dot_general3A_27 {offsets = [256, 1280], sizes = [64, 128], strides = [1, 1]} : vector<512x8192xf32> to vector<64x128xf32>
    %gt3A_1691 = arith.cmpf ogt, %slice3A_1690, %select_n3A_1686 : vector<64x128xf32>
    %select_n3A_1692 = arith.select %gt3A_1691, %slice3A_1690, %select_n3A_1686 : vector<64x128xi1>, vector<64x128xf32>
    %jit3A_1693 = arith.constant 1.000000e+01 : f32
    %broadcast_in_dim3A_1694 = vector.broadcast %jit3A_1693 : f32 to vector<64x128xf32>
    %select_n3A_1695 = arith.select %gt3A_1691, %broadcast_in_dim3A_1694, %select_n3A_1689 : vector<64x128xi1>, vector<64x128xf32>
    %slice3A_1696 = vector.extract_strided_slice %dot_general3A_27 {offsets = [256, 1408], sizes = [64, 128], strides = [1, 1]} : vector<512x8192xf32> to vector<64x128xf32>
    %gt3A_1697 = arith.cmpf ogt, %slice3A_1696, %select_n3A_1692 : vector<64x128xf32>
    %select_n3A_1698 = arith.select %gt3A_1697, %slice3A_1696, %select_n3A_1692 : vector<64x128xi1>, vector<64x128xf32>
    %jit3A_1699 = arith.constant 1.100000e+01 : f32
    %broadcast_in_dim3A_1700 = vector.broadcast %jit3A_1699 : f32 to vector<64x128xf32>
    %select_n3A_1701 = arith.select %gt3A_1697, %broadcast_in_dim3A_1700, %select_n3A_1695 : vector<64x128xi1>, vector<64x128xf32>
    %slice3A_1702 = vector.extract_strided_slice %dot_general3A_27 {offsets = [256, 1536], sizes = [64, 128], strides = [1, 1]} : vector<512x8192xf32> to vector<64x128xf32>
    %gt3A_1703 = arith.cmpf ogt, %slice3A_1702, %select_n3A_1698 : vector<64x128xf32>
    %select_n3A_1704 = arith.select %gt3A_1703, %slice3A_1702, %select_n3A_1698 : vector<64x128xi1>, vector<64x128xf32>
    %jit3A_1705 = arith.constant 1.200000e+01 : f32
    %broadcast_in_dim3A_1706 = vector.broadcast %jit3A_1705 : f32 to vector<64x128xf32>
    %select_n3A_1707 = arith.select %gt3A_1703, %broadcast_in_dim3A_1706, %select_n3A_1701 : vector<64x128xi1>, vector<64x128xf32>
    %slice3A_1708 = vector.extract_strided_slice %dot_general3A_27 {offsets = [256, 1664], sizes = [64, 128], strides = [1, 1]} : vector<512x8192xf32> to vector<64x128xf32>
    %gt3A_1709 = arith.cmpf ogt, %slice3A_1708, %select_n3A_1704 : vector<64x128xf32>
    %select_n3A_1710 = arith.select %gt3A_1709, %slice3A_1708, %select_n3A_1704 : vector<64x128xi1>, vector<64x128xf32>
    %jit3A_1711 = arith.constant 1.300000e+01 : f32
    %broadcast_in_dim3A_1712 = vector.broadcast %jit3A_1711 : f32 to vector<64x128xf32>
    %select_n3A_1713 = arith.select %gt3A_1709, %broadcast_in_dim3A_1712, %select_n3A_1707 : vector<64x128xi1>, vector<64x128xf32>
    %slice3A_1714 = vector.extract_strided_slice %dot_general3A_27 {offsets = [256, 1792], sizes = [64, 128], strides = [1, 1]} : vector<512x8192xf32> to vector<64x128xf32>
    %gt3A_1715 = arith.cmpf ogt, %slice3A_1714, %select_n3A_1710 : vector<64x128xf32>
    %select_n3A_1716 = arith.select %gt3A_1715, %slice3A_1714, %select_n3A_1710 : vector<64x128xi1>, vector<64x128xf32>
    %jit3A_1717 = arith.constant 1.400000e+01 : f32
    %broadcast_in_dim3A_1718 = vector.broadcast %jit3A_1717 : f32 to vector<64x128xf32>
    %select_n3A_1719 = arith.select %gt3A_1715, %broadcast_in_dim3A_1718, %select_n3A_1713 : vector<64x128xi1>, vector<64x128xf32>
    %slice3A_1720 = vector.extract_strided_slice %dot_general3A_27 {offsets = [256, 1920], sizes = [64, 128], strides = [1, 1]} : vector<512x8192xf32> to vector<64x128xf32>
    %gt3A_1721 = arith.cmpf ogt, %slice3A_1720, %select_n3A_1716 : vector<64x128xf32>
    %select_n3A_1722 = arith.select %gt3A_1721, %slice3A_1720, %select_n3A_1716 : vector<64x128xi1>, vector<64x128xf32>
    %jit3A_1723 = arith.constant 1.500000e+01 : f32
    %broadcast_in_dim3A_1724 = vector.broadcast %jit3A_1723 : f32 to vector<64x128xf32>
    %select_n3A_1725 = arith.select %gt3A_1721, %broadcast_in_dim3A_1724, %select_n3A_1719 : vector<64x128xi1>, vector<64x128xf32>
    %slice3A_1726 = vector.extract_strided_slice %dot_general3A_27 {offsets = [256, 2048], sizes = [64, 128], strides = [1, 1]} : vector<512x8192xf32> to vector<64x128xf32>
    %gt3A_1727 = arith.cmpf ogt, %slice3A_1726, %select_n3A_1722 : vector<64x128xf32>
    %select_n3A_1728 = arith.select %gt3A_1727, %slice3A_1726, %select_n3A_1722 : vector<64x128xi1>, vector<64x128xf32>
    %jit3A_1729 = arith.constant 1.600000e+01 : f32
    %broadcast_in_dim3A_1730 = vector.broadcast %jit3A_1729 : f32 to vector<64x128xf32>
    %select_n3A_1731 = arith.select %gt3A_1727, %broadcast_in_dim3A_1730, %select_n3A_1725 : vector<64x128xi1>, vector<64x128xf32>
    %slice3A_1732 = vector.extract_strided_slice %dot_general3A_27 {offsets = [256, 2176], sizes = [64, 128], strides = [1, 1]} : vector<512x8192xf32> to vector<64x128xf32>
    %gt3A_1733 = arith.cmpf ogt, %slice3A_1732, %select_n3A_1728 : vector<64x128xf32>
    %select_n3A_1734 = arith.select %gt3A_1733, %slice3A_1732, %select_n3A_1728 : vector<64x128xi1>, vector<64x128xf32>
    %jit3A_1735 = arith.constant 1.700000e+01 : f32
    %broadcast_in_dim3A_1736 = vector.broadcast %jit3A_1735 : f32 to vector<64x128xf32>
    %select_n3A_1737 = arith.select %gt3A_1733, %broadcast_in_dim3A_1736, %select_n3A_1731 : vector<64x128xi1>, vector<64x128xf32>
    %slice3A_1738 = vector.extract_strided_slice %dot_general3A_27 {offsets = [256, 2304], sizes = [64, 128], strides = [1, 1]} : vector<512x8192xf32> to vector<64x128xf32>
    %gt3A_1739 = arith.cmpf ogt, %slice3A_1738, %select_n3A_1734 : vector<64x128xf32>
    %select_n3A_1740 = arith.select %gt3A_1739, %slice3A_1738, %select_n3A_1734 : vector<64x128xi1>, vector<64x128xf32>
    %jit3A_1741 = arith.constant 1.800000e+01 : f32
    %broadcast_in_dim3A_1742 = vector.broadcast %jit3A_1741 : f32 to vector<64x128xf32>
    %select_n3A_1743 = arith.select %gt3A_1739, %broadcast_in_dim3A_1742, %select_n3A_1737 : vector<64x128xi1>, vector<64x128xf32>
    %slice3A_1744 = vector.extract_strided_slice %dot_general3A_27 {offsets = [256, 2432], sizes = [64, 128], strides = [1, 1]} : vector<512x8192xf32> to vector<64x128xf32>
    %gt3A_1745 = arith.cmpf ogt, %slice3A_1744, %select_n3A_1740 : vector<64x128xf32>
    %select_n3A_1746 = arith.select %gt3A_1745, %slice3A_1744, %select_n3A_1740 : vector<64x128xi1>, vector<64x128xf32>
    %jit3A_1747 = arith.constant 1.900000e+01 : f32
    %broadcast_in_dim3A_1748 = vector.broadcast %jit3A_1747 : f32 to vector<64x128xf32>
    %select_n3A_1749 = arith.select %gt3A_1745, %broadcast_in_dim3A_1748, %select_n3A_1743 : vector<64x128xi1>, vector<64x128xf32>
    %slice3A_1750 = vector.extract_strided_slice %dot_general3A_27 {offsets = [256, 2560], sizes = [64, 128], strides = [1, 1]} : vector<512x8192xf32> to vector<64x128xf32>
    %gt3A_1751 = arith.cmpf ogt, %slice3A_1750, %select_n3A_1746 : vector<64x128xf32>
    %select_n3A_1752 = arith.select %gt3A_1751, %slice3A_1750, %select_n3A_1746 : vector<64x128xi1>, vector<64x128xf32>
    %jit3A_1753 = arith.constant 2.000000e+01 : f32
    %broadcast_in_dim3A_1754 = vector.broadcast %jit3A_1753 : f32 to vector<64x128xf32>
    %select_n3A_1755 = arith.select %gt3A_1751, %broadcast_in_dim3A_1754, %select_n3A_1749 : vector<64x128xi1>, vector<64x128xf32>
    %slice3A_1756 = vector.extract_strided_slice %dot_general3A_27 {offsets = [256, 2688], sizes = [64, 128], strides = [1, 1]} : vector<512x8192xf32> to vector<64x128xf32>
    %gt3A_1757 = arith.cmpf ogt, %slice3A_1756, %select_n3A_1752 : vector<64x128xf32>
    %select_n3A_1758 = arith.select %gt3A_1757, %slice3A_1756, %select_n3A_1752 : vector<64x128xi1>, vector<64x128xf32>
    %jit3A_1759 = arith.constant 2.100000e+01 : f32
    %broadcast_in_dim3A_1760 = vector.broadcast %jit3A_1759 : f32 to vector<64x128xf32>
    %select_n3A_1761 = arith.select %gt3A_1757, %broadcast_in_dim3A_1760, %select_n3A_1755 : vector<64x128xi1>, vector<64x128xf32>
    %slice3A_1762 = vector.extract_strided_slice %dot_general3A_27 {offsets = [256, 2816], sizes = [64, 128], strides = [1, 1]} : vector<512x8192xf32> to vector<64x128xf32>
    %gt3A_1763 = arith.cmpf ogt, %slice3A_1762, %select_n3A_1758 : vector<64x128xf32>
    %select_n3A_1764 = arith.select %gt3A_1763, %slice3A_1762, %select_n3A_1758 : vector<64x128xi1>, vector<64x128xf32>
    %jit3A_1765 = arith.constant 2.200000e+01 : f32
    %broadcast_in_dim3A_1766 = vector.broadcast %jit3A_1765 : f32 to vector<64x128xf32>
    %select_n3A_1767 = arith.select %gt3A_1763, %broadcast_in_dim3A_1766, %select_n3A_1761 : vector<64x128xi1>, vector<64x128xf32>
    %slice3A_1768 = vector.extract_strided_slice %dot_general3A_27 {offsets = [256, 2944], sizes = [64, 128], strides = [1, 1]} : vector<512x8192xf32> to vector<64x128xf32>
    %gt3A_1769 = arith.cmpf ogt, %slice3A_1768, %select_n3A_1764 : vector<64x128xf32>
    %select_n3A_1770 = arith.select %gt3A_1769, %slice3A_1768, %select_n3A_1764 : vector<64x128xi1>, vector<64x128xf32>
    %jit3A_1771 = arith.constant 2.300000e+01 : f32
    %broadcast_in_dim3A_1772 = vector.broadcast %jit3A_1771 : f32 to vector<64x128xf32>
    %select_n3A_1773 = arith.select %gt3A_1769, %broadcast_in_dim3A_1772, %select_n3A_1767 : vector<64x128xi1>, vector<64x128xf32>
    %slice3A_1774 = vector.extract_strided_slice %dot_general3A_27 {offsets = [256, 3072], sizes = [64, 128], strides = [1, 1]} : vector<512x8192xf32> to vector<64x128xf32>
    %gt3A_1775 = arith.cmpf ogt, %slice3A_1774, %select_n3A_1770 : vector<64x128xf32>
    %select_n3A_1776 = arith.select %gt3A_1775, %slice3A_1774, %select_n3A_1770 : vector<64x128xi1>, vector<64x128xf32>
    %jit3A_1777 = arith.constant 2.400000e+01 : f32
    %broadcast_in_dim3A_1778 = vector.broadcast %jit3A_1777 : f32 to vector<64x128xf32>
    %select_n3A_1779 = arith.select %gt3A_1775, %broadcast_in_dim3A_1778, %select_n3A_1773 : vector<64x128xi1>, vector<64x128xf32>
    %slice3A_1780 = vector.extract_strided_slice %dot_general3A_27 {offsets = [256, 3200], sizes = [64, 128], strides = [1, 1]} : vector<512x8192xf32> to vector<64x128xf32>
    %gt3A_1781 = arith.cmpf ogt, %slice3A_1780, %select_n3A_1776 : vector<64x128xf32>
    %select_n3A_1782 = arith.select %gt3A_1781, %slice3A_1780, %select_n3A_1776 : vector<64x128xi1>, vector<64x128xf32>
    %jit3A_1783 = arith.constant 2.500000e+01 : f32
    %broadcast_in_dim3A_1784 = vector.broadcast %jit3A_1783 : f32 to vector<64x128xf32>
    %select_n3A_1785 = arith.select %gt3A_1781, %broadcast_in_dim3A_1784, %select_n3A_1779 : vector<64x128xi1>, vector<64x128xf32>
    %slice3A_1786 = vector.extract_strided_slice %dot_general3A_27 {offsets = [256, 3328], sizes = [64, 128], strides = [1, 1]} : vector<512x8192xf32> to vector<64x128xf32>
    %gt3A_1787 = arith.cmpf ogt, %slice3A_1786, %select_n3A_1782 : vector<64x128xf32>
    %select_n3A_1788 = arith.select %gt3A_1787, %slice3A_1786, %select_n3A_1782 : vector<64x128xi1>, vector<64x128xf32>
    %jit3A_1789 = arith.constant 2.600000e+01 : f32
    %broadcast_in_dim3A_1790 = vector.broadcast %jit3A_1789 : f32 to vector<64x128xf32>
    %select_n3A_1791 = arith.select %gt3A_1787, %broadcast_in_dim3A_1790, %select_n3A_1785 : vector<64x128xi1>, vector<64x128xf32>
    %slice3A_1792 = vector.extract_strided_slice %dot_general3A_27 {offsets = [256, 3456], sizes = [64, 128], strides = [1, 1]} : vector<512x8192xf32> to vector<64x128xf32>
    %gt3A_1793 = arith.cmpf ogt, %slice3A_1792, %select_n3A_1788 : vector<64x128xf32>
    %select_n3A_1794 = arith.select %gt3A_1793, %slice3A_1792, %select_n3A_1788 : vector<64x128xi1>, vector<64x128xf32>
    %jit3A_1795 = arith.constant 2.700000e+01 : f32
    %broadcast_in_dim3A_1796 = vector.broadcast %jit3A_1795 : f32 to vector<64x128xf32>
    %select_n3A_1797 = arith.select %gt3A_1793, %broadcast_in_dim3A_1796, %select_n3A_1791 : vector<64x128xi1>, vector<64x128xf32>
    %slice3A_1798 = vector.extract_strided_slice %dot_general3A_27 {offsets = [256, 3584], sizes = [64, 128], strides = [1, 1]} : vector<512x8192xf32> to vector<64x128xf32>
    %gt3A_1799 = arith.cmpf ogt, %slice3A_1798, %select_n3A_1794 : vector<64x128xf32>
    %select_n3A_1800 = arith.select %gt3A_1799, %slice3A_1798, %select_n3A_1794 : vector<64x128xi1>, vector<64x128xf32>
    %jit3A_1801 = arith.constant 2.800000e+01 : f32
    %broadcast_in_dim3A_1802 = vector.broadcast %jit3A_1801 : f32 to vector<64x128xf32>
    %select_n3A_1803 = arith.select %gt3A_1799, %broadcast_in_dim3A_1802, %select_n3A_1797 : vector<64x128xi1>, vector<64x128xf32>
    %slice3A_1804 = vector.extract_strided_slice %dot_general3A_27 {offsets = [256, 3712], sizes = [64, 128], strides = [1, 1]} : vector<512x8192xf32> to vector<64x128xf32>
    %gt3A_1805 = arith.cmpf ogt, %slice3A_1804, %select_n3A_1800 : vector<64x128xf32>
    %select_n3A_1806 = arith.select %gt3A_1805, %slice3A_1804, %select_n3A_1800 : vector<64x128xi1>, vector<64x128xf32>
    %jit3A_1807 = arith.constant 2.900000e+01 : f32
    %broadcast_in_dim3A_1808 = vector.broadcast %jit3A_1807 : f32 to vector<64x128xf32>
    %select_n3A_1809 = arith.select %gt3A_1805, %broadcast_in_dim3A_1808, %select_n3A_1803 : vector<64x128xi1>, vector<64x128xf32>
    %slice3A_1810 = vector.extract_strided_slice %dot_general3A_27 {offsets = [256, 3840], sizes = [64, 128], strides = [1, 1]} : vector<512x8192xf32> to vector<64x128xf32>
    %gt3A_1811 = arith.cmpf ogt, %slice3A_1810, %select_n3A_1806 : vector<64x128xf32>
    %select_n3A_1812 = arith.select %gt3A_1811, %slice3A_1810, %select_n3A_1806 : vector<64x128xi1>, vector<64x128xf32>
    %jit3A_1813 = arith.constant 3.000000e+01 : f32
    %broadcast_in_dim3A_1814 = vector.broadcast %jit3A_1813 : f32 to vector<64x128xf32>
    %select_n3A_1815 = arith.select %gt3A_1811, %broadcast_in_dim3A_1814, %select_n3A_1809 : vector<64x128xi1>, vector<64x128xf32>
    %slice3A_1816 = vector.extract_strided_slice %dot_general3A_27 {offsets = [256, 3968], sizes = [64, 128], strides = [1, 1]} : vector<512x8192xf32> to vector<64x128xf32>
    %gt3A_1817 = arith.cmpf ogt, %slice3A_1816, %select_n3A_1812 : vector<64x128xf32>
    %select_n3A_1818 = arith.select %gt3A_1817, %slice3A_1816, %select_n3A_1812 : vector<64x128xi1>, vector<64x128xf32>
    %jit3A_1819 = arith.constant 3.100000e+01 : f32
    %broadcast_in_dim3A_1820 = vector.broadcast %jit3A_1819 : f32 to vector<64x128xf32>
    %select_n3A_1821 = arith.select %gt3A_1817, %broadcast_in_dim3A_1820, %select_n3A_1815 : vector<64x128xi1>, vector<64x128xf32>
    %slice3A_1822 = vector.extract_strided_slice %dot_general3A_27 {offsets = [256, 4096], sizes = [64, 128], strides = [1, 1]} : vector<512x8192xf32> to vector<64x128xf32>
    %gt3A_1823 = arith.cmpf ogt, %slice3A_1822, %select_n3A_1818 : vector<64x128xf32>
    %select_n3A_1824 = arith.select %gt3A_1823, %slice3A_1822, %select_n3A_1818 : vector<64x128xi1>, vector<64x128xf32>
    %jit3A_1825 = arith.constant 3.200000e+01 : f32
    %broadcast_in_dim3A_1826 = vector.broadcast %jit3A_1825 : f32 to vector<64x128xf32>
    %select_n3A_1827 = arith.select %gt3A_1823, %broadcast_in_dim3A_1826, %select_n3A_1821 : vector<64x128xi1>, vector<64x128xf32>
    %slice3A_1828 = vector.extract_strided_slice %dot_general3A_27 {offsets = [256, 4224], sizes = [64, 128], strides = [1, 1]} : vector<512x8192xf32> to vector<64x128xf32>
    %gt3A_1829 = arith.cmpf ogt, %slice3A_1828, %select_n3A_1824 : vector<64x128xf32>
    %select_n3A_1830 = arith.select %gt3A_1829, %slice3A_1828, %select_n3A_1824 : vector<64x128xi1>, vector<64x128xf32>
    %jit3A_1831 = arith.constant 3.300000e+01 : f32
    %broadcast_in_dim3A_1832 = vector.broadcast %jit3A_1831 : f32 to vector<64x128xf32>
    %select_n3A_1833 = arith.select %gt3A_1829, %broadcast_in_dim3A_1832, %select_n3A_1827 : vector<64x128xi1>, vector<64x128xf32>
    %slice3A_1834 = vector.extract_strided_slice %dot_general3A_27 {offsets = [256, 4352], sizes = [64, 128], strides = [1, 1]} : vector<512x8192xf32> to vector<64x128xf32>
    %gt3A_1835 = arith.cmpf ogt, %slice3A_1834, %select_n3A_1830 : vector<64x128xf32>
    %select_n3A_1836 = arith.select %gt3A_1835, %slice3A_1834, %select_n3A_1830 : vector<64x128xi1>, vector<64x128xf32>
    %jit3A_1837 = arith.constant 3.400000e+01 : f32
    %broadcast_in_dim3A_1838 = vector.broadcast %jit3A_1837 : f32 to vector<64x128xf32>
    %select_n3A_1839 = arith.select %gt3A_1835, %broadcast_in_dim3A_1838, %select_n3A_1833 : vector<64x128xi1>, vector<64x128xf32>
    %slice3A_1840 = vector.extract_strided_slice %dot_general3A_27 {offsets = [256, 4480], sizes = [64, 128], strides = [1, 1]} : vector<512x8192xf32> to vector<64x128xf32>
    %gt3A_1841 = arith.cmpf ogt, %slice3A_1840, %select_n3A_1836 : vector<64x128xf32>
    %select_n3A_1842 = arith.select %gt3A_1841, %slice3A_1840, %select_n3A_1836 : vector<64x128xi1>, vector<64x128xf32>
    %jit3A_1843 = arith.constant 3.500000e+01 : f32
    %broadcast_in_dim3A_1844 = vector.broadcast %jit3A_1843 : f32 to vector<64x128xf32>
    %select_n3A_1845 = arith.select %gt3A_1841, %broadcast_in_dim3A_1844, %select_n3A_1839 : vector<64x128xi1>, vector<64x128xf32>
    %slice3A_1846 = vector.extract_strided_slice %dot_general3A_27 {offsets = [256, 4608], sizes = [64, 128], strides = [1, 1]} : vector<512x8192xf32> to vector<64x128xf32>
    %gt3A_1847 = arith.cmpf ogt, %slice3A_1846, %select_n3A_1842 : vector<64x128xf32>
    %select_n3A_1848 = arith.select %gt3A_1847, %slice3A_1846, %select_n3A_1842 : vector<64x128xi1>, vector<64x128xf32>
    %jit3A_1849 = arith.constant 3.600000e+01 : f32
    %broadcast_in_dim3A_1850 = vector.broadcast %jit3A_1849 : f32 to vector<64x128xf32>
    %select_n3A_1851 = arith.select %gt3A_1847, %broadcast_in_dim3A_1850, %select_n3A_1845 : vector<64x128xi1>, vector<64x128xf32>
    %slice3A_1852 = vector.extract_strided_slice %dot_general3A_27 {offsets = [256, 4736], sizes = [64, 128], strides = [1, 1]} : vector<512x8192xf32> to vector<64x128xf32>
    %gt3A_1853 = arith.cmpf ogt, %slice3A_1852, %select_n3A_1848 : vector<64x128xf32>
    %select_n3A_1854 = arith.select %gt3A_1853, %slice3A_1852, %select_n3A_1848 : vector<64x128xi1>, vector<64x128xf32>
    %jit3A_1855 = arith.constant 3.700000e+01 : f32
    %broadcast_in_dim3A_1856 = vector.broadcast %jit3A_1855 : f32 to vector<64x128xf32>
    %select_n3A_1857 = arith.select %gt3A_1853, %broadcast_in_dim3A_1856, %select_n3A_1851 : vector<64x128xi1>, vector<64x128xf32>
    %slice3A_1858 = vector.extract_strided_slice %dot_general3A_27 {offsets = [256, 4864], sizes = [64, 128], strides = [1, 1]} : vector<512x8192xf32> to vector<64x128xf32>
    %gt3A_1859 = arith.cmpf ogt, %slice3A_1858, %select_n3A_1854 : vector<64x128xf32>
    %select_n3A_1860 = arith.select %gt3A_1859, %slice3A_1858, %select_n3A_1854 : vector<64x128xi1>, vector<64x128xf32>
    %jit3A_1861 = arith.constant 3.800000e+01 : f32
    %broadcast_in_dim3A_1862 = vector.broadcast %jit3A_1861 : f32 to vector<64x128xf32>
    %select_n3A_1863 = arith.select %gt3A_1859, %broadcast_in_dim3A_1862, %select_n3A_1857 : vector<64x128xi1>, vector<64x128xf32>
    %slice3A_1864 = vector.extract_strided_slice %dot_general3A_27 {offsets = [256, 4992], sizes = [64, 128], strides = [1, 1]} : vector<512x8192xf32> to vector<64x128xf32>
    %gt3A_1865 = arith.cmpf ogt, %slice3A_1864, %select_n3A_1860 : vector<64x128xf32>
    %select_n3A_1866 = arith.select %gt3A_1865, %slice3A_1864, %select_n3A_1860 : vector<64x128xi1>, vector<64x128xf32>
    %jit3A_1867 = arith.constant 3.900000e+01 : f32
    %broadcast_in_dim3A_1868 = vector.broadcast %jit3A_1867 : f32 to vector<64x128xf32>
    %select_n3A_1869 = arith.select %gt3A_1865, %broadcast_in_dim3A_1868, %select_n3A_1863 : vector<64x128xi1>, vector<64x128xf32>
    %slice3A_1870 = vector.extract_strided_slice %dot_general3A_27 {offsets = [256, 5120], sizes = [64, 128], strides = [1, 1]} : vector<512x8192xf32> to vector<64x128xf32>
    %gt3A_1871 = arith.cmpf ogt, %slice3A_1870, %select_n3A_1866 : vector<64x128xf32>
    %select_n3A_1872 = arith.select %gt3A_1871, %slice3A_1870, %select_n3A_1866 : vector<64x128xi1>, vector<64x128xf32>
    %jit3A_1873 = arith.constant 4.000000e+01 : f32
    %broadcast_in_dim3A_1874 = vector.broadcast %jit3A_1873 : f32 to vector<64x128xf32>
    %select_n3A_1875 = arith.select %gt3A_1871, %broadcast_in_dim3A_1874, %select_n3A_1869 : vector<64x128xi1>, vector<64x128xf32>
    %slice3A_1876 = vector.extract_strided_slice %dot_general3A_27 {offsets = [256, 5248], sizes = [64, 128], strides = [1, 1]} : vector<512x8192xf32> to vector<64x128xf32>
    %gt3A_1877 = arith.cmpf ogt, %slice3A_1876, %select_n3A_1872 : vector<64x128xf32>
    %select_n3A_1878 = arith.select %gt3A_1877, %slice3A_1876, %select_n3A_1872 : vector<64x128xi1>, vector<64x128xf32>
    %jit3A_1879 = arith.constant 4.100000e+01 : f32
    %broadcast_in_dim3A_1880 = vector.broadcast %jit3A_1879 : f32 to vector<64x128xf32>
    %select_n3A_1881 = arith.select %gt3A_1877, %broadcast_in_dim3A_1880, %select_n3A_1875 : vector<64x128xi1>, vector<64x128xf32>
    %slice3A_1882 = vector.extract_strided_slice %dot_general3A_27 {offsets = [256, 5376], sizes = [64, 128], strides = [1, 1]} : vector<512x8192xf32> to vector<64x128xf32>
    %gt3A_1883 = arith.cmpf ogt, %slice3A_1882, %select_n3A_1878 : vector<64x128xf32>
    %select_n3A_1884 = arith.select %gt3A_1883, %slice3A_1882, %select_n3A_1878 : vector<64x128xi1>, vector<64x128xf32>
    %jit3A_1885 = arith.constant 4.200000e+01 : f32
    %broadcast_in_dim3A_1886 = vector.broadcast %jit3A_1885 : f32 to vector<64x128xf32>
    %select_n3A_1887 = arith.select %gt3A_1883, %broadcast_in_dim3A_1886, %select_n3A_1881 : vector<64x128xi1>, vector<64x128xf32>
    %slice3A_1888 = vector.extract_strided_slice %dot_general3A_27 {offsets = [256, 5504], sizes = [64, 128], strides = [1, 1]} : vector<512x8192xf32> to vector<64x128xf32>
    %gt3A_1889 = arith.cmpf ogt, %slice3A_1888, %select_n3A_1884 : vector<64x128xf32>
    %select_n3A_1890 = arith.select %gt3A_1889, %slice3A_1888, %select_n3A_1884 : vector<64x128xi1>, vector<64x128xf32>
    %jit3A_1891 = arith.constant 4.300000e+01 : f32
    %broadcast_in_dim3A_1892 = vector.broadcast %jit3A_1891 : f32 to vector<64x128xf32>
    %select_n3A_1893 = arith.select %gt3A_1889, %broadcast_in_dim3A_1892, %select_n3A_1887 : vector<64x128xi1>, vector<64x128xf32>
    %slice3A_1894 = vector.extract_strided_slice %dot_general3A_27 {offsets = [256, 5632], sizes = [64, 128], strides = [1, 1]} : vector<512x8192xf32> to vector<64x128xf32>
    %gt3A_1895 = arith.cmpf ogt, %slice3A_1894, %select_n3A_1890 : vector<64x128xf32>
    %select_n3A_1896 = arith.select %gt3A_1895, %slice3A_1894, %select_n3A_1890 : vector<64x128xi1>, vector<64x128xf32>
    %jit3A_1897 = arith.constant 4.400000e+01 : f32
    %broadcast_in_dim3A_1898 = vector.broadcast %jit3A_1897 : f32 to vector<64x128xf32>
    %select_n3A_1899 = arith.select %gt3A_1895, %broadcast_in_dim3A_1898, %select_n3A_1893 : vector<64x128xi1>, vector<64x128xf32>
    %slice3A_1900 = vector.extract_strided_slice %dot_general3A_27 {offsets = [256, 5760], sizes = [64, 128], strides = [1, 1]} : vector<512x8192xf32> to vector<64x128xf32>
    %gt3A_1901 = arith.cmpf ogt, %slice3A_1900, %select_n3A_1896 : vector<64x128xf32>
    %select_n3A_1902 = arith.select %gt3A_1901, %slice3A_1900, %select_n3A_1896 : vector<64x128xi1>, vector<64x128xf32>
    %jit3A_1903 = arith.constant 4.500000e+01 : f32
    %broadcast_in_dim3A_1904 = vector.broadcast %jit3A_1903 : f32 to vector<64x128xf32>
    %select_n3A_1905 = arith.select %gt3A_1901, %broadcast_in_dim3A_1904, %select_n3A_1899 : vector<64x128xi1>, vector<64x128xf32>
    %slice3A_1906 = vector.extract_strided_slice %dot_general3A_27 {offsets = [256, 5888], sizes = [64, 128], strides = [1, 1]} : vector<512x8192xf32> to vector<64x128xf32>
    %gt3A_1907 = arith.cmpf ogt, %slice3A_1906, %select_n3A_1902 : vector<64x128xf32>
    %select_n3A_1908 = arith.select %gt3A_1907, %slice3A_1906, %select_n3A_1902 : vector<64x128xi1>, vector<64x128xf32>
    %jit3A_1909 = arith.constant 4.600000e+01 : f32
    %broadcast_in_dim3A_1910 = vector.broadcast %jit3A_1909 : f32 to vector<64x128xf32>
    %select_n3A_1911 = arith.select %gt3A_1907, %broadcast_in_dim3A_1910, %select_n3A_1905 : vector<64x128xi1>, vector<64x128xf32>
    %slice3A_1912 = vector.extract_strided_slice %dot_general3A_27 {offsets = [256, 6016], sizes = [64, 128], strides = [1, 1]} : vector<512x8192xf32> to vector<64x128xf32>
    %gt3A_1913 = arith.cmpf ogt, %slice3A_1912, %select_n3A_1908 : vector<64x128xf32>
    %select_n3A_1914 = arith.select %gt3A_1913, %slice3A_1912, %select_n3A_1908 : vector<64x128xi1>, vector<64x128xf32>
    %jit3A_1915 = arith.constant 4.700000e+01 : f32
    %broadcast_in_dim3A_1916 = vector.broadcast %jit3A_1915 : f32 to vector<64x128xf32>
    %select_n3A_1917 = arith.select %gt3A_1913, %broadcast_in_dim3A_1916, %select_n3A_1911 : vector<64x128xi1>, vector<64x128xf32>
    %slice3A_1918 = vector.extract_strided_slice %dot_general3A_27 {offsets = [256, 6144], sizes = [64, 128], strides = [1, 1]} : vector<512x8192xf32> to vector<64x128xf32>
    %gt3A_1919 = arith.cmpf ogt, %slice3A_1918, %select_n3A_1914 : vector<64x128xf32>
    %select_n3A_1920 = arith.select %gt3A_1919, %slice3A_1918, %select_n3A_1914 : vector<64x128xi1>, vector<64x128xf32>
    %jit3A_1921 = arith.constant 4.800000e+01 : f32
    %broadcast_in_dim3A_1922 = vector.broadcast %jit3A_1921 : f32 to vector<64x128xf32>
    %select_n3A_1923 = arith.select %gt3A_1919, %broadcast_in_dim3A_1922, %select_n3A_1917 : vector<64x128xi1>, vector<64x128xf32>
    %slice3A_1924 = vector.extract_strided_slice %dot_general3A_27 {offsets = [256, 6272], sizes = [64, 128], strides = [1, 1]} : vector<512x8192xf32> to vector<64x128xf32>
    %gt3A_1925 = arith.cmpf ogt, %slice3A_1924, %select_n3A_1920 : vector<64x128xf32>
    %select_n3A_1926 = arith.select %gt3A_1925, %slice3A_1924, %select_n3A_1920 : vector<64x128xi1>, vector<64x128xf32>
    %jit3A_1927 = arith.constant 4.900000e+01 : f32
    %broadcast_in_dim3A_1928 = vector.broadcast %jit3A_1927 : f32 to vector<64x128xf32>
    %select_n3A_1929 = arith.select %gt3A_1925, %broadcast_in_dim3A_1928, %select_n3A_1923 : vector<64x128xi1>, vector<64x128xf32>
    %slice3A_1930 = vector.extract_strided_slice %dot_general3A_27 {offsets = [256, 6400], sizes = [64, 128], strides = [1, 1]} : vector<512x8192xf32> to vector<64x128xf32>
    %gt3A_1931 = arith.cmpf ogt, %slice3A_1930, %select_n3A_1926 : vector<64x128xf32>
    %select_n3A_1932 = arith.select %gt3A_1931, %slice3A_1930, %select_n3A_1926 : vector<64x128xi1>, vector<64x128xf32>
    %jit3A_1933 = arith.constant 5.000000e+01 : f32
    %broadcast_in_dim3A_1934 = vector.broadcast %jit3A_1933 : f32 to vector<64x128xf32>
    %select_n3A_1935 = arith.select %gt3A_1931, %broadcast_in_dim3A_1934, %select_n3A_1929 : vector<64x128xi1>, vector<64x128xf32>
    %slice3A_1936 = vector.extract_strided_slice %dot_general3A_27 {offsets = [256, 6528], sizes = [64, 128], strides = [1, 1]} : vector<512x8192xf32> to vector<64x128xf32>
    %gt3A_1937 = arith.cmpf ogt, %slice3A_1936, %select_n3A_1932 : vector<64x128xf32>
    %select_n3A_1938 = arith.select %gt3A_1937, %slice3A_1936, %select_n3A_1932 : vector<64x128xi1>, vector<64x128xf32>
    %jit3A_1939 = arith.constant 5.100000e+01 : f32
    %broadcast_in_dim3A_1940 = vector.broadcast %jit3A_1939 : f32 to vector<64x128xf32>
    %select_n3A_1941 = arith.select %gt3A_1937, %broadcast_in_dim3A_1940, %select_n3A_1935 : vector<64x128xi1>, vector<64x128xf32>
    %slice3A_1942 = vector.extract_strided_slice %dot_general3A_27 {offsets = [256, 6656], sizes = [64, 128], strides = [1, 1]} : vector<512x8192xf32> to vector<64x128xf32>
    %gt3A_1943 = arith.cmpf ogt, %slice3A_1942, %select_n3A_1938 : vector<64x128xf32>
    %select_n3A_1944 = arith.select %gt3A_1943, %slice3A_1942, %select_n3A_1938 : vector<64x128xi1>, vector<64x128xf32>
    %jit3A_1945 = arith.constant 5.200000e+01 : f32
    %broadcast_in_dim3A_1946 = vector.broadcast %jit3A_1945 : f32 to vector<64x128xf32>
    %select_n3A_1947 = arith.select %gt3A_1943, %broadcast_in_dim3A_1946, %select_n3A_1941 : vector<64x128xi1>, vector<64x128xf32>
    %slice3A_1948 = vector.extract_strided_slice %dot_general3A_27 {offsets = [256, 6784], sizes = [64, 128], strides = [1, 1]} : vector<512x8192xf32> to vector<64x128xf32>
    %gt3A_1949 = arith.cmpf ogt, %slice3A_1948, %select_n3A_1944 : vector<64x128xf32>
    %select_n3A_1950 = arith.select %gt3A_1949, %slice3A_1948, %select_n3A_1944 : vector<64x128xi1>, vector<64x128xf32>
    %jit3A_1951 = arith.constant 5.300000e+01 : f32
    %broadcast_in_dim3A_1952 = vector.broadcast %jit3A_1951 : f32 to vector<64x128xf32>
    %select_n3A_1953 = arith.select %gt3A_1949, %broadcast_in_dim3A_1952, %select_n3A_1947 : vector<64x128xi1>, vector<64x128xf32>
    %slice3A_1954 = vector.extract_strided_slice %dot_general3A_27 {offsets = [256, 6912], sizes = [64, 128], strides = [1, 1]} : vector<512x8192xf32> to vector<64x128xf32>
    %gt3A_1955 = arith.cmpf ogt, %slice3A_1954, %select_n3A_1950 : vector<64x128xf32>
    %select_n3A_1956 = arith.select %gt3A_1955, %slice3A_1954, %select_n3A_1950 : vector<64x128xi1>, vector<64x128xf32>
    %jit3A_1957 = arith.constant 5.400000e+01 : f32
    %broadcast_in_dim3A_1958 = vector.broadcast %jit3A_1957 : f32 to vector<64x128xf32>
    %select_n3A_1959 = arith.select %gt3A_1955, %broadcast_in_dim3A_1958, %select_n3A_1953 : vector<64x128xi1>, vector<64x128xf32>
    %slice3A_1960 = vector.extract_strided_slice %dot_general3A_27 {offsets = [256, 7040], sizes = [64, 128], strides = [1, 1]} : vector<512x8192xf32> to vector<64x128xf32>
    %gt3A_1961 = arith.cmpf ogt, %slice3A_1960, %select_n3A_1956 : vector<64x128xf32>
    %select_n3A_1962 = arith.select %gt3A_1961, %slice3A_1960, %select_n3A_1956 : vector<64x128xi1>, vector<64x128xf32>
    %jit3A_1963 = arith.constant 5.500000e+01 : f32
    %broadcast_in_dim3A_1964 = vector.broadcast %jit3A_1963 : f32 to vector<64x128xf32>
    %select_n3A_1965 = arith.select %gt3A_1961, %broadcast_in_dim3A_1964, %select_n3A_1959 : vector<64x128xi1>, vector<64x128xf32>
    %slice3A_1966 = vector.extract_strided_slice %dot_general3A_27 {offsets = [256, 7168], sizes = [64, 128], strides = [1, 1]} : vector<512x8192xf32> to vector<64x128xf32>
    %gt3A_1967 = arith.cmpf ogt, %slice3A_1966, %select_n3A_1962 : vector<64x128xf32>
    %select_n3A_1968 = arith.select %gt3A_1967, %slice3A_1966, %select_n3A_1962 : vector<64x128xi1>, vector<64x128xf32>
    %jit3A_1969 = arith.constant 5.600000e+01 : f32
    %broadcast_in_dim3A_1970 = vector.broadcast %jit3A_1969 : f32 to vector<64x128xf32>
    %select_n3A_1971 = arith.select %gt3A_1967, %broadcast_in_dim3A_1970, %select_n3A_1965 : vector<64x128xi1>, vector<64x128xf32>
    %slice3A_1972 = vector.extract_strided_slice %dot_general3A_27 {offsets = [256, 7296], sizes = [64, 128], strides = [1, 1]} : vector<512x8192xf32> to vector<64x128xf32>
    %gt3A_1973 = arith.cmpf ogt, %slice3A_1972, %select_n3A_1968 : vector<64x128xf32>
    %select_n3A_1974 = arith.select %gt3A_1973, %slice3A_1972, %select_n3A_1968 : vector<64x128xi1>, vector<64x128xf32>
    %jit3A_1975 = arith.constant 5.700000e+01 : f32
    %broadcast_in_dim3A_1976 = vector.broadcast %jit3A_1975 : f32 to vector<64x128xf32>
    %select_n3A_1977 = arith.select %gt3A_1973, %broadcast_in_dim3A_1976, %select_n3A_1971 : vector<64x128xi1>, vector<64x128xf32>
    %slice3A_1978 = vector.extract_strided_slice %dot_general3A_27 {offsets = [256, 7424], sizes = [64, 128], strides = [1, 1]} : vector<512x8192xf32> to vector<64x128xf32>
    %gt3A_1979 = arith.cmpf ogt, %slice3A_1978, %select_n3A_1974 : vector<64x128xf32>
    %select_n3A_1980 = arith.select %gt3A_1979, %slice3A_1978, %select_n3A_1974 : vector<64x128xi1>, vector<64x128xf32>
    %jit3A_1981 = arith.constant 5.800000e+01 : f32
    %broadcast_in_dim3A_1982 = vector.broadcast %jit3A_1981 : f32 to vector<64x128xf32>
    %select_n3A_1983 = arith.select %gt3A_1979, %broadcast_in_dim3A_1982, %select_n3A_1977 : vector<64x128xi1>, vector<64x128xf32>
    %slice3A_1984 = vector.extract_strided_slice %dot_general3A_27 {offsets = [256, 7552], sizes = [64, 128], strides = [1, 1]} : vector<512x8192xf32> to vector<64x128xf32>
    %gt3A_1985 = arith.cmpf ogt, %slice3A_1984, %select_n3A_1980 : vector<64x128xf32>
    %select_n3A_1986 = arith.select %gt3A_1985, %slice3A_1984, %select_n3A_1980 : vector<64x128xi1>, vector<64x128xf32>
    %jit3A_1987 = arith.constant 5.900000e+01 : f32
    %broadcast_in_dim3A_1988 = vector.broadcast %jit3A_1987 : f32 to vector<64x128xf32>
    %select_n3A_1989 = arith.select %gt3A_1985, %broadcast_in_dim3A_1988, %select_n3A_1983 : vector<64x128xi1>, vector<64x128xf32>
    %slice3A_1990 = vector.extract_strided_slice %dot_general3A_27 {offsets = [256, 7680], sizes = [64, 128], strides = [1, 1]} : vector<512x8192xf32> to vector<64x128xf32>
    %gt3A_1991 = arith.cmpf ogt, %slice3A_1990, %select_n3A_1986 : vector<64x128xf32>
    %select_n3A_1992 = arith.select %gt3A_1991, %slice3A_1990, %select_n3A_1986 : vector<64x128xi1>, vector<64x128xf32>
    %jit3A_1993 = arith.constant 6.000000e+01 : f32
    %broadcast_in_dim3A_1994 = vector.broadcast %jit3A_1993 : f32 to vector<64x128xf32>
    %select_n3A_1995 = arith.select %gt3A_1991, %broadcast_in_dim3A_1994, %select_n3A_1989 : vector<64x128xi1>, vector<64x128xf32>
    %slice3A_1996 = vector.extract_strided_slice %dot_general3A_27 {offsets = [256, 7808], sizes = [64, 128], strides = [1, 1]} : vector<512x8192xf32> to vector<64x128xf32>
    %gt3A_1997 = arith.cmpf ogt, %slice3A_1996, %select_n3A_1992 : vector<64x128xf32>
    %select_n3A_1998 = arith.select %gt3A_1997, %slice3A_1996, %select_n3A_1992 : vector<64x128xi1>, vector<64x128xf32>
    %jit3A_1999 = arith.constant 6.100000e+01 : f32
    %broadcast_in_dim3A_2000 = vector.broadcast %jit3A_1999 : f32 to vector<64x128xf32>
    %select_n3A_2001 = arith.select %gt3A_1997, %broadcast_in_dim3A_2000, %select_n3A_1995 : vector<64x128xi1>, vector<64x128xf32>
    %slice3A_2002 = vector.extract_strided_slice %dot_general3A_27 {offsets = [256, 7936], sizes = [64, 128], strides = [1, 1]} : vector<512x8192xf32> to vector<64x128xf32>
    %gt3A_2003 = arith.cmpf ogt, %slice3A_2002, %select_n3A_1998 : vector<64x128xf32>
    %select_n3A_2004 = arith.select %gt3A_2003, %slice3A_2002, %select_n3A_1998 : vector<64x128xi1>, vector<64x128xf32>
    %jit3A_2005 = arith.constant 6.200000e+01 : f32
    %broadcast_in_dim3A_2006 = vector.broadcast %jit3A_2005 : f32 to vector<64x128xf32>
    %select_n3A_2007 = arith.select %gt3A_2003, %broadcast_in_dim3A_2006, %select_n3A_2001 : vector<64x128xi1>, vector<64x128xf32>
    %slice3A_2008 = vector.extract_strided_slice %dot_general3A_27 {offsets = [256, 8064], sizes = [64, 128], strides = [1, 1]} : vector<512x8192xf32> to vector<64x128xf32>
    %gt3A_2009 = arith.cmpf ogt, %slice3A_2008, %select_n3A_2004 : vector<64x128xf32>
    %select_n3A_2010 = arith.select %gt3A_2009, %slice3A_2008, %select_n3A_2004 : vector<64x128xi1>, vector<64x128xf32>
    %jit3A_2011 = arith.constant 6.300000e+01 : f32
    %broadcast_in_dim3A_2012 = vector.broadcast %jit3A_2011 : f32 to vector<64x128xf32>
    %select_n3A_2013 = arith.select %gt3A_2009, %broadcast_in_dim3A_2012, %select_n3A_2007 : vector<64x128xi1>, vector<64x128xf32>
    %mul3A_2014 = arith.constant 1.280000e+02 : f32
    %mul3A_2015 = vector.broadcast %mul3A_2014 : f32 to vector<64x128xf32>
    %mul3A_2016 = arith.mulf %select_n3A_2013, %mul3A_2015 : vector<64x128xf32>
    %get3A_2017 = arith.constant 0 : index
    %get3A_2018 = arith.constant 0 : index
    %get3A_2019 = vector.load %arg6[%get3A_2017, %get3A_2018] : memref<1x8192xf32, #tpu.memory_space<vmem>>, vector<1x128xf32>
    %add3A_2020 = vector.broadcast %get3A_2019 : vector<1x128xf32> to vector<64x128xf32>
    %add3A_2021 = arith.addf %mul3A_2016, %add3A_2020 : vector<64x128xf32>
    %reduce_max3A_2022 = arith.constant dense<0xFF800000> : vector<64xf32>
    %reduce_max3A_2023 = vector.multi_reduction <maximumf>, %select_n3A_2010, %reduce_max3A_2022 [1] : vector<64x128xf32> to vector<64xf32>
    %broadcast_in_dim3A_2024 = vector.shape_cast %reduce_max3A_2023 : vector<64xf32> to vector<64x1xf32>
    %eq3A_2025 = vector.broadcast %broadcast_in_dim3A_2024 : vector<64x1xf32> to vector<64x128xf32>
    %eq3A_2026 = arith.cmpf oeq, %select_n3A_2010, %eq3A_2025 : vector<64x128xf32>
    %jit3A_2027 = arith.constant 8.192000e+03 : f32
    %broadcast_in_dim3A_2028 = vector.broadcast %jit3A_2027 : f32 to vector<64x128xf32>
    %select_n3A_2029 = arith.select %eq3A_2026, %add3A_2021, %broadcast_in_dim3A_2028 : vector<64x128xi1>, vector<64x128xf32>
    %reduce_min3A_2030 = arith.constant dense<0x7F800000> : vector<64xf32>
    %reduce_min3A_2031 = vector.multi_reduction <minimumf>, %select_n3A_2029, %reduce_min3A_2030 [1] : vector<64x128xf32> to vector<64xf32>
    %min3A_2032 = arith.constant 8.191000e+03 : f32
    %min3A_2033 = vector.broadcast %min3A_2032 : f32 to vector<64xf32>
    %min3A_2034 = arith.minimumf %reduce_min3A_2031, %min3A_2033 : vector<64xf32>
    %convert_element_type3A_2035 = arith.fptosi %min3A_2034 : vector<64xf32> to vector<64xi32>
    %slice3A_2036 = vector.extract_strided_slice %dot_general3A_27 {offsets = [320, 0], sizes = [64, 128], strides = [1, 1]} : vector<512x8192xf32> to vector<64x128xf32>
    %broadcast_in_dim3A_2037 = arith.constant 0.000000e+00 : f32
    %broadcast_in_dim3A_2038 = vector.broadcast %broadcast_in_dim3A_2037 : f32 to vector<64x128xf32>
    %slice3A_2039 = vector.extract_strided_slice %dot_general3A_27 {offsets = [320, 128], sizes = [64, 128], strides = [1, 1]} : vector<512x8192xf32> to vector<64x128xf32>
    %gt3A_2040 = arith.cmpf ogt, %slice3A_2039, %slice3A_2036 : vector<64x128xf32>
    %select_n3A_2041 = arith.select %gt3A_2040, %slice3A_2039, %slice3A_2036 : vector<64x128xi1>, vector<64x128xf32>
    %jit3A_2042 = arith.constant 1.000000e+00 : f32
    %broadcast_in_dim3A_2043 = vector.broadcast %jit3A_2042 : f32 to vector<64x128xf32>
    %select_n3A_2044 = arith.select %gt3A_2040, %broadcast_in_dim3A_2043, %broadcast_in_dim3A_2038 : vector<64x128xi1>, vector<64x128xf32>
    %slice3A_2045 = vector.extract_strided_slice %dot_general3A_27 {offsets = [320, 256], sizes = [64, 128], strides = [1, 1]} : vector<512x8192xf32> to vector<64x128xf32>
    %gt3A_2046 = arith.cmpf ogt, %slice3A_2045, %select_n3A_2041 : vector<64x128xf32>
    %select_n3A_2047 = arith.select %gt3A_2046, %slice3A_2045, %select_n3A_2041 : vector<64x128xi1>, vector<64x128xf32>
    %jit3A_2048 = arith.constant 2.000000e+00 : f32
    %broadcast_in_dim3A_2049 = vector.broadcast %jit3A_2048 : f32 to vector<64x128xf32>
    %select_n3A_2050 = arith.select %gt3A_2046, %broadcast_in_dim3A_2049, %select_n3A_2044 : vector<64x128xi1>, vector<64x128xf32>
    %slice3A_2051 = vector.extract_strided_slice %dot_general3A_27 {offsets = [320, 384], sizes = [64, 128], strides = [1, 1]} : vector<512x8192xf32> to vector<64x128xf32>
    %gt3A_2052 = arith.cmpf ogt, %slice3A_2051, %select_n3A_2047 : vector<64x128xf32>
    %select_n3A_2053 = arith.select %gt3A_2052, %slice3A_2051, %select_n3A_2047 : vector<64x128xi1>, vector<64x128xf32>
    %jit3A_2054 = arith.constant 3.000000e+00 : f32
    %broadcast_in_dim3A_2055 = vector.broadcast %jit3A_2054 : f32 to vector<64x128xf32>
    %select_n3A_2056 = arith.select %gt3A_2052, %broadcast_in_dim3A_2055, %select_n3A_2050 : vector<64x128xi1>, vector<64x128xf32>
    %slice3A_2057 = vector.extract_strided_slice %dot_general3A_27 {offsets = [320, 512], sizes = [64, 128], strides = [1, 1]} : vector<512x8192xf32> to vector<64x128xf32>
    %gt3A_2058 = arith.cmpf ogt, %slice3A_2057, %select_n3A_2053 : vector<64x128xf32>
    %select_n3A_2059 = arith.select %gt3A_2058, %slice3A_2057, %select_n3A_2053 : vector<64x128xi1>, vector<64x128xf32>
    %jit3A_2060 = arith.constant 4.000000e+00 : f32
    %broadcast_in_dim3A_2061 = vector.broadcast %jit3A_2060 : f32 to vector<64x128xf32>
    %select_n3A_2062 = arith.select %gt3A_2058, %broadcast_in_dim3A_2061, %select_n3A_2056 : vector<64x128xi1>, vector<64x128xf32>
    %slice3A_2063 = vector.extract_strided_slice %dot_general3A_27 {offsets = [320, 640], sizes = [64, 128], strides = [1, 1]} : vector<512x8192xf32> to vector<64x128xf32>
    %gt3A_2064 = arith.cmpf ogt, %slice3A_2063, %select_n3A_2059 : vector<64x128xf32>
    %select_n3A_2065 = arith.select %gt3A_2064, %slice3A_2063, %select_n3A_2059 : vector<64x128xi1>, vector<64x128xf32>
    %jit3A_2066 = arith.constant 5.000000e+00 : f32
    %broadcast_in_dim3A_2067 = vector.broadcast %jit3A_2066 : f32 to vector<64x128xf32>
    %select_n3A_2068 = arith.select %gt3A_2064, %broadcast_in_dim3A_2067, %select_n3A_2062 : vector<64x128xi1>, vector<64x128xf32>
    %slice3A_2069 = vector.extract_strided_slice %dot_general3A_27 {offsets = [320, 768], sizes = [64, 128], strides = [1, 1]} : vector<512x8192xf32> to vector<64x128xf32>
    %gt3A_2070 = arith.cmpf ogt, %slice3A_2069, %select_n3A_2065 : vector<64x128xf32>
    %select_n3A_2071 = arith.select %gt3A_2070, %slice3A_2069, %select_n3A_2065 : vector<64x128xi1>, vector<64x128xf32>
    %jit3A_2072 = arith.constant 6.000000e+00 : f32
    %broadcast_in_dim3A_2073 = vector.broadcast %jit3A_2072 : f32 to vector<64x128xf32>
    %select_n3A_2074 = arith.select %gt3A_2070, %broadcast_in_dim3A_2073, %select_n3A_2068 : vector<64x128xi1>, vector<64x128xf32>
    %slice3A_2075 = vector.extract_strided_slice %dot_general3A_27 {offsets = [320, 896], sizes = [64, 128], strides = [1, 1]} : vector<512x8192xf32> to vector<64x128xf32>
    %gt3A_2076 = arith.cmpf ogt, %slice3A_2075, %select_n3A_2071 : vector<64x128xf32>
    %select_n3A_2077 = arith.select %gt3A_2076, %slice3A_2075, %select_n3A_2071 : vector<64x128xi1>, vector<64x128xf32>
    %jit3A_2078 = arith.constant 7.000000e+00 : f32
    %broadcast_in_dim3A_2079 = vector.broadcast %jit3A_2078 : f32 to vector<64x128xf32>
    %select_n3A_2080 = arith.select %gt3A_2076, %broadcast_in_dim3A_2079, %select_n3A_2074 : vector<64x128xi1>, vector<64x128xf32>
    %slice3A_2081 = vector.extract_strided_slice %dot_general3A_27 {offsets = [320, 1024], sizes = [64, 128], strides = [1, 1]} : vector<512x8192xf32> to vector<64x128xf32>
    %gt3A_2082 = arith.cmpf ogt, %slice3A_2081, %select_n3A_2077 : vector<64x128xf32>
    %select_n3A_2083 = arith.select %gt3A_2082, %slice3A_2081, %select_n3A_2077 : vector<64x128xi1>, vector<64x128xf32>
    %jit3A_2084 = arith.constant 8.000000e+00 : f32
    %broadcast_in_dim3A_2085 = vector.broadcast %jit3A_2084 : f32 to vector<64x128xf32>
    %select_n3A_2086 = arith.select %gt3A_2082, %broadcast_in_dim3A_2085, %select_n3A_2080 : vector<64x128xi1>, vector<64x128xf32>
    %slice3A_2087 = vector.extract_strided_slice %dot_general3A_27 {offsets = [320, 1152], sizes = [64, 128], strides = [1, 1]} : vector<512x8192xf32> to vector<64x128xf32>
    %gt3A_2088 = arith.cmpf ogt, %slice3A_2087, %select_n3A_2083 : vector<64x128xf32>
    %select_n3A_2089 = arith.select %gt3A_2088, %slice3A_2087, %select_n3A_2083 : vector<64x128xi1>, vector<64x128xf32>
    %jit3A_2090 = arith.constant 9.000000e+00 : f32
    %broadcast_in_dim3A_2091 = vector.broadcast %jit3A_2090 : f32 to vector<64x128xf32>
    %select_n3A_2092 = arith.select %gt3A_2088, %broadcast_in_dim3A_2091, %select_n3A_2086 : vector<64x128xi1>, vector<64x128xf32>
    %slice3A_2093 = vector.extract_strided_slice %dot_general3A_27 {offsets = [320, 1280], sizes = [64, 128], strides = [1, 1]} : vector<512x8192xf32> to vector<64x128xf32>
    %gt3A_2094 = arith.cmpf ogt, %slice3A_2093, %select_n3A_2089 : vector<64x128xf32>
    %select_n3A_2095 = arith.select %gt3A_2094, %slice3A_2093, %select_n3A_2089 : vector<64x128xi1>, vector<64x128xf32>
    %jit3A_2096 = arith.constant 1.000000e+01 : f32
    %broadcast_in_dim3A_2097 = vector.broadcast %jit3A_2096 : f32 to vector<64x128xf32>
    %select_n3A_2098 = arith.select %gt3A_2094, %broadcast_in_dim3A_2097, %select_n3A_2092 : vector<64x128xi1>, vector<64x128xf32>
    %slice3A_2099 = vector.extract_strided_slice %dot_general3A_27 {offsets = [320, 1408], sizes = [64, 128], strides = [1, 1]} : vector<512x8192xf32> to vector<64x128xf32>
    %gt3A_2100 = arith.cmpf ogt, %slice3A_2099, %select_n3A_2095 : vector<64x128xf32>
    %select_n3A_2101 = arith.select %gt3A_2100, %slice3A_2099, %select_n3A_2095 : vector<64x128xi1>, vector<64x128xf32>
    %jit3A_2102 = arith.constant 1.100000e+01 : f32
    %broadcast_in_dim3A_2103 = vector.broadcast %jit3A_2102 : f32 to vector<64x128xf32>
    %select_n3A_2104 = arith.select %gt3A_2100, %broadcast_in_dim3A_2103, %select_n3A_2098 : vector<64x128xi1>, vector<64x128xf32>
    %slice3A_2105 = vector.extract_strided_slice %dot_general3A_27 {offsets = [320, 1536], sizes = [64, 128], strides = [1, 1]} : vector<512x8192xf32> to vector<64x128xf32>
    %gt3A_2106 = arith.cmpf ogt, %slice3A_2105, %select_n3A_2101 : vector<64x128xf32>
    %select_n3A_2107 = arith.select %gt3A_2106, %slice3A_2105, %select_n3A_2101 : vector<64x128xi1>, vector<64x128xf32>
    %jit3A_2108 = arith.constant 1.200000e+01 : f32
    %broadcast_in_dim3A_2109 = vector.broadcast %jit3A_2108 : f32 to vector<64x128xf32>
    %select_n3A_2110 = arith.select %gt3A_2106, %broadcast_in_dim3A_2109, %select_n3A_2104 : vector<64x128xi1>, vector<64x128xf32>
    %slice3A_2111 = vector.extract_strided_slice %dot_general3A_27 {offsets = [320, 1664], sizes = [64, 128], strides = [1, 1]} : vector<512x8192xf32> to vector<64x128xf32>
    %gt3A_2112 = arith.cmpf ogt, %slice3A_2111, %select_n3A_2107 : vector<64x128xf32>
    %select_n3A_2113 = arith.select %gt3A_2112, %slice3A_2111, %select_n3A_2107 : vector<64x128xi1>, vector<64x128xf32>
    %jit3A_2114 = arith.constant 1.300000e+01 : f32
    %broadcast_in_dim3A_2115 = vector.broadcast %jit3A_2114 : f32 to vector<64x128xf32>
    %select_n3A_2116 = arith.select %gt3A_2112, %broadcast_in_dim3A_2115, %select_n3A_2110 : vector<64x128xi1>, vector<64x128xf32>
    %slice3A_2117 = vector.extract_strided_slice %dot_general3A_27 {offsets = [320, 1792], sizes = [64, 128], strides = [1, 1]} : vector<512x8192xf32> to vector<64x128xf32>
    %gt3A_2118 = arith.cmpf ogt, %slice3A_2117, %select_n3A_2113 : vector<64x128xf32>
    %select_n3A_2119 = arith.select %gt3A_2118, %slice3A_2117, %select_n3A_2113 : vector<64x128xi1>, vector<64x128xf32>
    %jit3A_2120 = arith.constant 1.400000e+01 : f32
    %broadcast_in_dim3A_2121 = vector.broadcast %jit3A_2120 : f32 to vector<64x128xf32>
    %select_n3A_2122 = arith.select %gt3A_2118, %broadcast_in_dim3A_2121, %select_n3A_2116 : vector<64x128xi1>, vector<64x128xf32>
    %slice3A_2123 = vector.extract_strided_slice %dot_general3A_27 {offsets = [320, 1920], sizes = [64, 128], strides = [1, 1]} : vector<512x8192xf32> to vector<64x128xf32>
    %gt3A_2124 = arith.cmpf ogt, %slice3A_2123, %select_n3A_2119 : vector<64x128xf32>
    %select_n3A_2125 = arith.select %gt3A_2124, %slice3A_2123, %select_n3A_2119 : vector<64x128xi1>, vector<64x128xf32>
    %jit3A_2126 = arith.constant 1.500000e+01 : f32
    %broadcast_in_dim3A_2127 = vector.broadcast %jit3A_2126 : f32 to vector<64x128xf32>
    %select_n3A_2128 = arith.select %gt3A_2124, %broadcast_in_dim3A_2127, %select_n3A_2122 : vector<64x128xi1>, vector<64x128xf32>
    %slice3A_2129 = vector.extract_strided_slice %dot_general3A_27 {offsets = [320, 2048], sizes = [64, 128], strides = [1, 1]} : vector<512x8192xf32> to vector<64x128xf32>
    %gt3A_2130 = arith.cmpf ogt, %slice3A_2129, %select_n3A_2125 : vector<64x128xf32>
    %select_n3A_2131 = arith.select %gt3A_2130, %slice3A_2129, %select_n3A_2125 : vector<64x128xi1>, vector<64x128xf32>
    %jit3A_2132 = arith.constant 1.600000e+01 : f32
    %broadcast_in_dim3A_2133 = vector.broadcast %jit3A_2132 : f32 to vector<64x128xf32>
    %select_n3A_2134 = arith.select %gt3A_2130, %broadcast_in_dim3A_2133, %select_n3A_2128 : vector<64x128xi1>, vector<64x128xf32>
    %slice3A_2135 = vector.extract_strided_slice %dot_general3A_27 {offsets = [320, 2176], sizes = [64, 128], strides = [1, 1]} : vector<512x8192xf32> to vector<64x128xf32>
    %gt3A_2136 = arith.cmpf ogt, %slice3A_2135, %select_n3A_2131 : vector<64x128xf32>
    %select_n3A_2137 = arith.select %gt3A_2136, %slice3A_2135, %select_n3A_2131 : vector<64x128xi1>, vector<64x128xf32>
    %jit3A_2138 = arith.constant 1.700000e+01 : f32
    %broadcast_in_dim3A_2139 = vector.broadcast %jit3A_2138 : f32 to vector<64x128xf32>
    %select_n3A_2140 = arith.select %gt3A_2136, %broadcast_in_dim3A_2139, %select_n3A_2134 : vector<64x128xi1>, vector<64x128xf32>
    %slice3A_2141 = vector.extract_strided_slice %dot_general3A_27 {offsets = [320, 2304], sizes = [64, 128], strides = [1, 1]} : vector<512x8192xf32> to vector<64x128xf32>
    %gt3A_2142 = arith.cmpf ogt, %slice3A_2141, %select_n3A_2137 : vector<64x128xf32>
    %select_n3A_2143 = arith.select %gt3A_2142, %slice3A_2141, %select_n3A_2137 : vector<64x128xi1>, vector<64x128xf32>
    %jit3A_2144 = arith.constant 1.800000e+01 : f32
    %broadcast_in_dim3A_2145 = vector.broadcast %jit3A_2144 : f32 to vector<64x128xf32>
    %select_n3A_2146 = arith.select %gt3A_2142, %broadcast_in_dim3A_2145, %select_n3A_2140 : vector<64x128xi1>, vector<64x128xf32>
    %slice3A_2147 = vector.extract_strided_slice %dot_general3A_27 {offsets = [320, 2432], sizes = [64, 128], strides = [1, 1]} : vector<512x8192xf32> to vector<64x128xf32>
    %gt3A_2148 = arith.cmpf ogt, %slice3A_2147, %select_n3A_2143 : vector<64x128xf32>
    %select_n3A_2149 = arith.select %gt3A_2148, %slice3A_2147, %select_n3A_2143 : vector<64x128xi1>, vector<64x128xf32>
    %jit3A_2150 = arith.constant 1.900000e+01 : f32
    %broadcast_in_dim3A_2151 = vector.broadcast %jit3A_2150 : f32 to vector<64x128xf32>
    %select_n3A_2152 = arith.select %gt3A_2148, %broadcast_in_dim3A_2151, %select_n3A_2146 : vector<64x128xi1>, vector<64x128xf32>
    %slice3A_2153 = vector.extract_strided_slice %dot_general3A_27 {offsets = [320, 2560], sizes = [64, 128], strides = [1, 1]} : vector<512x8192xf32> to vector<64x128xf32>
    %gt3A_2154 = arith.cmpf ogt, %slice3A_2153, %select_n3A_2149 : vector<64x128xf32>
    %select_n3A_2155 = arith.select %gt3A_2154, %slice3A_2153, %select_n3A_2149 : vector<64x128xi1>, vector<64x128xf32>
    %jit3A_2156 = arith.constant 2.000000e+01 : f32
    %broadcast_in_dim3A_2157 = vector.broadcast %jit3A_2156 : f32 to vector<64x128xf32>
    %select_n3A_2158 = arith.select %gt3A_2154, %broadcast_in_dim3A_2157, %select_n3A_2152 : vector<64x128xi1>, vector<64x128xf32>
    %slice3A_2159 = vector.extract_strided_slice %dot_general3A_27 {offsets = [320, 2688], sizes = [64, 128], strides = [1, 1]} : vector<512x8192xf32> to vector<64x128xf32>
    %gt3A_2160 = arith.cmpf ogt, %slice3A_2159, %select_n3A_2155 : vector<64x128xf32>
    %select_n3A_2161 = arith.select %gt3A_2160, %slice3A_2159, %select_n3A_2155 : vector<64x128xi1>, vector<64x128xf32>
    %jit3A_2162 = arith.constant 2.100000e+01 : f32
    %broadcast_in_dim3A_2163 = vector.broadcast %jit3A_2162 : f32 to vector<64x128xf32>
    %select_n3A_2164 = arith.select %gt3A_2160, %broadcast_in_dim3A_2163, %select_n3A_2158 : vector<64x128xi1>, vector<64x128xf32>
    %slice3A_2165 = vector.extract_strided_slice %dot_general3A_27 {offsets = [320, 2816], sizes = [64, 128], strides = [1, 1]} : vector<512x8192xf32> to vector<64x128xf32>
    %gt3A_2166 = arith.cmpf ogt, %slice3A_2165, %select_n3A_2161 : vector<64x128xf32>
    %select_n3A_2167 = arith.select %gt3A_2166, %slice3A_2165, %select_n3A_2161 : vector<64x128xi1>, vector<64x128xf32>
    %jit3A_2168 = arith.constant 2.200000e+01 : f32
    %broadcast_in_dim3A_2169 = vector.broadcast %jit3A_2168 : f32 to vector<64x128xf32>
    %select_n3A_2170 = arith.select %gt3A_2166, %broadcast_in_dim3A_2169, %select_n3A_2164 : vector<64x128xi1>, vector<64x128xf32>
    %slice3A_2171 = vector.extract_strided_slice %dot_general3A_27 {offsets = [320, 2944], sizes = [64, 128], strides = [1, 1]} : vector<512x8192xf32> to vector<64x128xf32>
    %gt3A_2172 = arith.cmpf ogt, %slice3A_2171, %select_n3A_2167 : vector<64x128xf32>
    %select_n3A_2173 = arith.select %gt3A_2172, %slice3A_2171, %select_n3A_2167 : vector<64x128xi1>, vector<64x128xf32>
    %jit3A_2174 = arith.constant 2.300000e+01 : f32
    %broadcast_in_dim3A_2175 = vector.broadcast %jit3A_2174 : f32 to vector<64x128xf32>
    %select_n3A_2176 = arith.select %gt3A_2172, %broadcast_in_dim3A_2175, %select_n3A_2170 : vector<64x128xi1>, vector<64x128xf32>
    %slice3A_2177 = vector.extract_strided_slice %dot_general3A_27 {offsets = [320, 3072], sizes = [64, 128], strides = [1, 1]} : vector<512x8192xf32> to vector<64x128xf32>
    %gt3A_2178 = arith.cmpf ogt, %slice3A_2177, %select_n3A_2173 : vector<64x128xf32>
    %select_n3A_2179 = arith.select %gt3A_2178, %slice3A_2177, %select_n3A_2173 : vector<64x128xi1>, vector<64x128xf32>
    %jit3A_2180 = arith.constant 2.400000e+01 : f32
    %broadcast_in_dim3A_2181 = vector.broadcast %jit3A_2180 : f32 to vector<64x128xf32>
    %select_n3A_2182 = arith.select %gt3A_2178, %broadcast_in_dim3A_2181, %select_n3A_2176 : vector<64x128xi1>, vector<64x128xf32>
    %slice3A_2183 = vector.extract_strided_slice %dot_general3A_27 {offsets = [320, 3200], sizes = [64, 128], strides = [1, 1]} : vector<512x8192xf32> to vector<64x128xf32>
    %gt3A_2184 = arith.cmpf ogt, %slice3A_2183, %select_n3A_2179 : vector<64x128xf32>
    %select_n3A_2185 = arith.select %gt3A_2184, %slice3A_2183, %select_n3A_2179 : vector<64x128xi1>, vector<64x128xf32>
    %jit3A_2186 = arith.constant 2.500000e+01 : f32
    %broadcast_in_dim3A_2187 = vector.broadcast %jit3A_2186 : f32 to vector<64x128xf32>
    %select_n3A_2188 = arith.select %gt3A_2184, %broadcast_in_dim3A_2187, %select_n3A_2182 : vector<64x128xi1>, vector<64x128xf32>
    %slice3A_2189 = vector.extract_strided_slice %dot_general3A_27 {offsets = [320, 3328], sizes = [64, 128], strides = [1, 1]} : vector<512x8192xf32> to vector<64x128xf32>
    %gt3A_2190 = arith.cmpf ogt, %slice3A_2189, %select_n3A_2185 : vector<64x128xf32>
    %select_n3A_2191 = arith.select %gt3A_2190, %slice3A_2189, %select_n3A_2185 : vector<64x128xi1>, vector<64x128xf32>
    %jit3A_2192 = arith.constant 2.600000e+01 : f32
    %broadcast_in_dim3A_2193 = vector.broadcast %jit3A_2192 : f32 to vector<64x128xf32>
    %select_n3A_2194 = arith.select %gt3A_2190, %broadcast_in_dim3A_2193, %select_n3A_2188 : vector<64x128xi1>, vector<64x128xf32>
    %slice3A_2195 = vector.extract_strided_slice %dot_general3A_27 {offsets = [320, 3456], sizes = [64, 128], strides = [1, 1]} : vector<512x8192xf32> to vector<64x128xf32>
    %gt3A_2196 = arith.cmpf ogt, %slice3A_2195, %select_n3A_2191 : vector<64x128xf32>
    %select_n3A_2197 = arith.select %gt3A_2196, %slice3A_2195, %select_n3A_2191 : vector<64x128xi1>, vector<64x128xf32>
    %jit3A_2198 = arith.constant 2.700000e+01 : f32
    %broadcast_in_dim3A_2199 = vector.broadcast %jit3A_2198 : f32 to vector<64x128xf32>
    %select_n3A_2200 = arith.select %gt3A_2196, %broadcast_in_dim3A_2199, %select_n3A_2194 : vector<64x128xi1>, vector<64x128xf32>
    %slice3A_2201 = vector.extract_strided_slice %dot_general3A_27 {offsets = [320, 3584], sizes = [64, 128], strides = [1, 1]} : vector<512x8192xf32> to vector<64x128xf32>
    %gt3A_2202 = arith.cmpf ogt, %slice3A_2201, %select_n3A_2197 : vector<64x128xf32>
    %select_n3A_2203 = arith.select %gt3A_2202, %slice3A_2201, %select_n3A_2197 : vector<64x128xi1>, vector<64x128xf32>
    %jit3A_2204 = arith.constant 2.800000e+01 : f32
    %broadcast_in_dim3A_2205 = vector.broadcast %jit3A_2204 : f32 to vector<64x128xf32>
    %select_n3A_2206 = arith.select %gt3A_2202, %broadcast_in_dim3A_2205, %select_n3A_2200 : vector<64x128xi1>, vector<64x128xf32>
    %slice3A_2207 = vector.extract_strided_slice %dot_general3A_27 {offsets = [320, 3712], sizes = [64, 128], strides = [1, 1]} : vector<512x8192xf32> to vector<64x128xf32>
    %gt3A_2208 = arith.cmpf ogt, %slice3A_2207, %select_n3A_2203 : vector<64x128xf32>
    %select_n3A_2209 = arith.select %gt3A_2208, %slice3A_2207, %select_n3A_2203 : vector<64x128xi1>, vector<64x128xf32>
    %jit3A_2210 = arith.constant 2.900000e+01 : f32
    %broadcast_in_dim3A_2211 = vector.broadcast %jit3A_2210 : f32 to vector<64x128xf32>
    %select_n3A_2212 = arith.select %gt3A_2208, %broadcast_in_dim3A_2211, %select_n3A_2206 : vector<64x128xi1>, vector<64x128xf32>
    %slice3A_2213 = vector.extract_strided_slice %dot_general3A_27 {offsets = [320, 3840], sizes = [64, 128], strides = [1, 1]} : vector<512x8192xf32> to vector<64x128xf32>
    %gt3A_2214 = arith.cmpf ogt, %slice3A_2213, %select_n3A_2209 : vector<64x128xf32>
    %select_n3A_2215 = arith.select %gt3A_2214, %slice3A_2213, %select_n3A_2209 : vector<64x128xi1>, vector<64x128xf32>
    %jit3A_2216 = arith.constant 3.000000e+01 : f32
    %broadcast_in_dim3A_2217 = vector.broadcast %jit3A_2216 : f32 to vector<64x128xf32>
    %select_n3A_2218 = arith.select %gt3A_2214, %broadcast_in_dim3A_2217, %select_n3A_2212 : vector<64x128xi1>, vector<64x128xf32>
    %slice3A_2219 = vector.extract_strided_slice %dot_general3A_27 {offsets = [320, 3968], sizes = [64, 128], strides = [1, 1]} : vector<512x8192xf32> to vector<64x128xf32>
    %gt3A_2220 = arith.cmpf ogt, %slice3A_2219, %select_n3A_2215 : vector<64x128xf32>
    %select_n3A_2221 = arith.select %gt3A_2220, %slice3A_2219, %select_n3A_2215 : vector<64x128xi1>, vector<64x128xf32>
    %jit3A_2222 = arith.constant 3.100000e+01 : f32
    %broadcast_in_dim3A_2223 = vector.broadcast %jit3A_2222 : f32 to vector<64x128xf32>
    %select_n3A_2224 = arith.select %gt3A_2220, %broadcast_in_dim3A_2223, %select_n3A_2218 : vector<64x128xi1>, vector<64x128xf32>
    %slice3A_2225 = vector.extract_strided_slice %dot_general3A_27 {offsets = [320, 4096], sizes = [64, 128], strides = [1, 1]} : vector<512x8192xf32> to vector<64x128xf32>
    %gt3A_2226 = arith.cmpf ogt, %slice3A_2225, %select_n3A_2221 : vector<64x128xf32>
    %select_n3A_2227 = arith.select %gt3A_2226, %slice3A_2225, %select_n3A_2221 : vector<64x128xi1>, vector<64x128xf32>
    %jit3A_2228 = arith.constant 3.200000e+01 : f32
    %broadcast_in_dim3A_2229 = vector.broadcast %jit3A_2228 : f32 to vector<64x128xf32>
    %select_n3A_2230 = arith.select %gt3A_2226, %broadcast_in_dim3A_2229, %select_n3A_2224 : vector<64x128xi1>, vector<64x128xf32>
    %slice3A_2231 = vector.extract_strided_slice %dot_general3A_27 {offsets = [320, 4224], sizes = [64, 128], strides = [1, 1]} : vector<512x8192xf32> to vector<64x128xf32>
    %gt3A_2232 = arith.cmpf ogt, %slice3A_2231, %select_n3A_2227 : vector<64x128xf32>
    %select_n3A_2233 = arith.select %gt3A_2232, %slice3A_2231, %select_n3A_2227 : vector<64x128xi1>, vector<64x128xf32>
    %jit3A_2234 = arith.constant 3.300000e+01 : f32
    %broadcast_in_dim3A_2235 = vector.broadcast %jit3A_2234 : f32 to vector<64x128xf32>
    %select_n3A_2236 = arith.select %gt3A_2232, %broadcast_in_dim3A_2235, %select_n3A_2230 : vector<64x128xi1>, vector<64x128xf32>
    %slice3A_2237 = vector.extract_strided_slice %dot_general3A_27 {offsets = [320, 4352], sizes = [64, 128], strides = [1, 1]} : vector<512x8192xf32> to vector<64x128xf32>
    %gt3A_2238 = arith.cmpf ogt, %slice3A_2237, %select_n3A_2233 : vector<64x128xf32>
    %select_n3A_2239 = arith.select %gt3A_2238, %slice3A_2237, %select_n3A_2233 : vector<64x128xi1>, vector<64x128xf32>
    %jit3A_2240 = arith.constant 3.400000e+01 : f32
    %broadcast_in_dim3A_2241 = vector.broadcast %jit3A_2240 : f32 to vector<64x128xf32>
    %select_n3A_2242 = arith.select %gt3A_2238, %broadcast_in_dim3A_2241, %select_n3A_2236 : vector<64x128xi1>, vector<64x128xf32>
    %slice3A_2243 = vector.extract_strided_slice %dot_general3A_27 {offsets = [320, 4480], sizes = [64, 128], strides = [1, 1]} : vector<512x8192xf32> to vector<64x128xf32>
    %gt3A_2244 = arith.cmpf ogt, %slice3A_2243, %select_n3A_2239 : vector<64x128xf32>
    %select_n3A_2245 = arith.select %gt3A_2244, %slice3A_2243, %select_n3A_2239 : vector<64x128xi1>, vector<64x128xf32>
    %jit3A_2246 = arith.constant 3.500000e+01 : f32
    %broadcast_in_dim3A_2247 = vector.broadcast %jit3A_2246 : f32 to vector<64x128xf32>
    %select_n3A_2248 = arith.select %gt3A_2244, %broadcast_in_dim3A_2247, %select_n3A_2242 : vector<64x128xi1>, vector<64x128xf32>
    %slice3A_2249 = vector.extract_strided_slice %dot_general3A_27 {offsets = [320, 4608], sizes = [64, 128], strides = [1, 1]} : vector<512x8192xf32> to vector<64x128xf32>
    %gt3A_2250 = arith.cmpf ogt, %slice3A_2249, %select_n3A_2245 : vector<64x128xf32>
    %select_n3A_2251 = arith.select %gt3A_2250, %slice3A_2249, %select_n3A_2245 : vector<64x128xi1>, vector<64x128xf32>
    %jit3A_2252 = arith.constant 3.600000e+01 : f32
    %broadcast_in_dim3A_2253 = vector.broadcast %jit3A_2252 : f32 to vector<64x128xf32>
    %select_n3A_2254 = arith.select %gt3A_2250, %broadcast_in_dim3A_2253, %select_n3A_2248 : vector<64x128xi1>, vector<64x128xf32>
    %slice3A_2255 = vector.extract_strided_slice %dot_general3A_27 {offsets = [320, 4736], sizes = [64, 128], strides = [1, 1]} : vector<512x8192xf32> to vector<64x128xf32>
    %gt3A_2256 = arith.cmpf ogt, %slice3A_2255, %select_n3A_2251 : vector<64x128xf32>
    %select_n3A_2257 = arith.select %gt3A_2256, %slice3A_2255, %select_n3A_2251 : vector<64x128xi1>, vector<64x128xf32>
    %jit3A_2258 = arith.constant 3.700000e+01 : f32
    %broadcast_in_dim3A_2259 = vector.broadcast %jit3A_2258 : f32 to vector<64x128xf32>
    %select_n3A_2260 = arith.select %gt3A_2256, %broadcast_in_dim3A_2259, %select_n3A_2254 : vector<64x128xi1>, vector<64x128xf32>
    %slice3A_2261 = vector.extract_strided_slice %dot_general3A_27 {offsets = [320, 4864], sizes = [64, 128], strides = [1, 1]} : vector<512x8192xf32> to vector<64x128xf32>
    %gt3A_2262 = arith.cmpf ogt, %slice3A_2261, %select_n3A_2257 : vector<64x128xf32>
    %select_n3A_2263 = arith.select %gt3A_2262, %slice3A_2261, %select_n3A_2257 : vector<64x128xi1>, vector<64x128xf32>
    %jit3A_2264 = arith.constant 3.800000e+01 : f32
    %broadcast_in_dim3A_2265 = vector.broadcast %jit3A_2264 : f32 to vector<64x128xf32>
    %select_n3A_2266 = arith.select %gt3A_2262, %broadcast_in_dim3A_2265, %select_n3A_2260 : vector<64x128xi1>, vector<64x128xf32>
    %slice3A_2267 = vector.extract_strided_slice %dot_general3A_27 {offsets = [320, 4992], sizes = [64, 128], strides = [1, 1]} : vector<512x8192xf32> to vector<64x128xf32>
    %gt3A_2268 = arith.cmpf ogt, %slice3A_2267, %select_n3A_2263 : vector<64x128xf32>
    %select_n3A_2269 = arith.select %gt3A_2268, %slice3A_2267, %select_n3A_2263 : vector<64x128xi1>, vector<64x128xf32>
    %jit3A_2270 = arith.constant 3.900000e+01 : f32
    %broadcast_in_dim3A_2271 = vector.broadcast %jit3A_2270 : f32 to vector<64x128xf32>
    %select_n3A_2272 = arith.select %gt3A_2268, %broadcast_in_dim3A_2271, %select_n3A_2266 : vector<64x128xi1>, vector<64x128xf32>
    %slice3A_2273 = vector.extract_strided_slice %dot_general3A_27 {offsets = [320, 5120], sizes = [64, 128], strides = [1, 1]} : vector<512x8192xf32> to vector<64x128xf32>
    %gt3A_2274 = arith.cmpf ogt, %slice3A_2273, %select_n3A_2269 : vector<64x128xf32>
    %select_n3A_2275 = arith.select %gt3A_2274, %slice3A_2273, %select_n3A_2269 : vector<64x128xi1>, vector<64x128xf32>
    %jit3A_2276 = arith.constant 4.000000e+01 : f32
    %broadcast_in_dim3A_2277 = vector.broadcast %jit3A_2276 : f32 to vector<64x128xf32>
    %select_n3A_2278 = arith.select %gt3A_2274, %broadcast_in_dim3A_2277, %select_n3A_2272 : vector<64x128xi1>, vector<64x128xf32>
    %slice3A_2279 = vector.extract_strided_slice %dot_general3A_27 {offsets = [320, 5248], sizes = [64, 128], strides = [1, 1]} : vector<512x8192xf32> to vector<64x128xf32>
    %gt3A_2280 = arith.cmpf ogt, %slice3A_2279, %select_n3A_2275 : vector<64x128xf32>
    %select_n3A_2281 = arith.select %gt3A_2280, %slice3A_2279, %select_n3A_2275 : vector<64x128xi1>, vector<64x128xf32>
    %jit3A_2282 = arith.constant 4.100000e+01 : f32
    %broadcast_in_dim3A_2283 = vector.broadcast %jit3A_2282 : f32 to vector<64x128xf32>
    %select_n3A_2284 = arith.select %gt3A_2280, %broadcast_in_dim3A_2283, %select_n3A_2278 : vector<64x128xi1>, vector<64x128xf32>
    %slice3A_2285 = vector.extract_strided_slice %dot_general3A_27 {offsets = [320, 5376], sizes = [64, 128], strides = [1, 1]} : vector<512x8192xf32> to vector<64x128xf32>
    %gt3A_2286 = arith.cmpf ogt, %slice3A_2285, %select_n3A_2281 : vector<64x128xf32>
    %select_n3A_2287 = arith.select %gt3A_2286, %slice3A_2285, %select_n3A_2281 : vector<64x128xi1>, vector<64x128xf32>
    %jit3A_2288 = arith.constant 4.200000e+01 : f32
    %broadcast_in_dim3A_2289 = vector.broadcast %jit3A_2288 : f32 to vector<64x128xf32>
    %select_n3A_2290 = arith.select %gt3A_2286, %broadcast_in_dim3A_2289, %select_n3A_2284 : vector<64x128xi1>, vector<64x128xf32>
    %slice3A_2291 = vector.extract_strided_slice %dot_general3A_27 {offsets = [320, 5504], sizes = [64, 128], strides = [1, 1]} : vector<512x8192xf32> to vector<64x128xf32>
    %gt3A_2292 = arith.cmpf ogt, %slice3A_2291, %select_n3A_2287 : vector<64x128xf32>
    %select_n3A_2293 = arith.select %gt3A_2292, %slice3A_2291, %select_n3A_2287 : vector<64x128xi1>, vector<64x128xf32>
    %jit3A_2294 = arith.constant 4.300000e+01 : f32
    %broadcast_in_dim3A_2295 = vector.broadcast %jit3A_2294 : f32 to vector<64x128xf32>
    %select_n3A_2296 = arith.select %gt3A_2292, %broadcast_in_dim3A_2295, %select_n3A_2290 : vector<64x128xi1>, vector<64x128xf32>
    %slice3A_2297 = vector.extract_strided_slice %dot_general3A_27 {offsets = [320, 5632], sizes = [64, 128], strides = [1, 1]} : vector<512x8192xf32> to vector<64x128xf32>
    %gt3A_2298 = arith.cmpf ogt, %slice3A_2297, %select_n3A_2293 : vector<64x128xf32>
    %select_n3A_2299 = arith.select %gt3A_2298, %slice3A_2297, %select_n3A_2293 : vector<64x128xi1>, vector<64x128xf32>
    %jit3A_2300 = arith.constant 4.400000e+01 : f32
    %broadcast_in_dim3A_2301 = vector.broadcast %jit3A_2300 : f32 to vector<64x128xf32>
    %select_n3A_2302 = arith.select %gt3A_2298, %broadcast_in_dim3A_2301, %select_n3A_2296 : vector<64x128xi1>, vector<64x128xf32>
    %slice3A_2303 = vector.extract_strided_slice %dot_general3A_27 {offsets = [320, 5760], sizes = [64, 128], strides = [1, 1]} : vector<512x8192xf32> to vector<64x128xf32>
    %gt3A_2304 = arith.cmpf ogt, %slice3A_2303, %select_n3A_2299 : vector<64x128xf32>
    %select_n3A_2305 = arith.select %gt3A_2304, %slice3A_2303, %select_n3A_2299 : vector<64x128xi1>, vector<64x128xf32>
    %jit3A_2306 = arith.constant 4.500000e+01 : f32
    %broadcast_in_dim3A_2307 = vector.broadcast %jit3A_2306 : f32 to vector<64x128xf32>
    %select_n3A_2308 = arith.select %gt3A_2304, %broadcast_in_dim3A_2307, %select_n3A_2302 : vector<64x128xi1>, vector<64x128xf32>
    %slice3A_2309 = vector.extract_strided_slice %dot_general3A_27 {offsets = [320, 5888], sizes = [64, 128], strides = [1, 1]} : vector<512x8192xf32> to vector<64x128xf32>
    %gt3A_2310 = arith.cmpf ogt, %slice3A_2309, %select_n3A_2305 : vector<64x128xf32>
    %select_n3A_2311 = arith.select %gt3A_2310, %slice3A_2309, %select_n3A_2305 : vector<64x128xi1>, vector<64x128xf32>
    %jit3A_2312 = arith.constant 4.600000e+01 : f32
    %broadcast_in_dim3A_2313 = vector.broadcast %jit3A_2312 : f32 to vector<64x128xf32>
    %select_n3A_2314 = arith.select %gt3A_2310, %broadcast_in_dim3A_2313, %select_n3A_2308 : vector<64x128xi1>, vector<64x128xf32>
    %slice3A_2315 = vector.extract_strided_slice %dot_general3A_27 {offsets = [320, 6016], sizes = [64, 128], strides = [1, 1]} : vector<512x8192xf32> to vector<64x128xf32>
    %gt3A_2316 = arith.cmpf ogt, %slice3A_2315, %select_n3A_2311 : vector<64x128xf32>
    %select_n3A_2317 = arith.select %gt3A_2316, %slice3A_2315, %select_n3A_2311 : vector<64x128xi1>, vector<64x128xf32>
    %jit3A_2318 = arith.constant 4.700000e+01 : f32
    %broadcast_in_dim3A_2319 = vector.broadcast %jit3A_2318 : f32 to vector<64x128xf32>
    %select_n3A_2320 = arith.select %gt3A_2316, %broadcast_in_dim3A_2319, %select_n3A_2314 : vector<64x128xi1>, vector<64x128xf32>
    %slice3A_2321 = vector.extract_strided_slice %dot_general3A_27 {offsets = [320, 6144], sizes = [64, 128], strides = [1, 1]} : vector<512x8192xf32> to vector<64x128xf32>
    %gt3A_2322 = arith.cmpf ogt, %slice3A_2321, %select_n3A_2317 : vector<64x128xf32>
    %select_n3A_2323 = arith.select %gt3A_2322, %slice3A_2321, %select_n3A_2317 : vector<64x128xi1>, vector<64x128xf32>
    %jit3A_2324 = arith.constant 4.800000e+01 : f32
    %broadcast_in_dim3A_2325 = vector.broadcast %jit3A_2324 : f32 to vector<64x128xf32>
    %select_n3A_2326 = arith.select %gt3A_2322, %broadcast_in_dim3A_2325, %select_n3A_2320 : vector<64x128xi1>, vector<64x128xf32>
    %slice3A_2327 = vector.extract_strided_slice %dot_general3A_27 {offsets = [320, 6272], sizes = [64, 128], strides = [1, 1]} : vector<512x8192xf32> to vector<64x128xf32>
    %gt3A_2328 = arith.cmpf ogt, %slice3A_2327, %select_n3A_2323 : vector<64x128xf32>
    %select_n3A_2329 = arith.select %gt3A_2328, %slice3A_2327, %select_n3A_2323 : vector<64x128xi1>, vector<64x128xf32>
    %jit3A_2330 = arith.constant 4.900000e+01 : f32
    %broadcast_in_dim3A_2331 = vector.broadcast %jit3A_2330 : f32 to vector<64x128xf32>
    %select_n3A_2332 = arith.select %gt3A_2328, %broadcast_in_dim3A_2331, %select_n3A_2326 : vector<64x128xi1>, vector<64x128xf32>
    %slice3A_2333 = vector.extract_strided_slice %dot_general3A_27 {offsets = [320, 6400], sizes = [64, 128], strides = [1, 1]} : vector<512x8192xf32> to vector<64x128xf32>
    %gt3A_2334 = arith.cmpf ogt, %slice3A_2333, %select_n3A_2329 : vector<64x128xf32>
    %select_n3A_2335 = arith.select %gt3A_2334, %slice3A_2333, %select_n3A_2329 : vector<64x128xi1>, vector<64x128xf32>
    %jit3A_2336 = arith.constant 5.000000e+01 : f32
    %broadcast_in_dim3A_2337 = vector.broadcast %jit3A_2336 : f32 to vector<64x128xf32>
    %select_n3A_2338 = arith.select %gt3A_2334, %broadcast_in_dim3A_2337, %select_n3A_2332 : vector<64x128xi1>, vector<64x128xf32>
    %slice3A_2339 = vector.extract_strided_slice %dot_general3A_27 {offsets = [320, 6528], sizes = [64, 128], strides = [1, 1]} : vector<512x8192xf32> to vector<64x128xf32>
    %gt3A_2340 = arith.cmpf ogt, %slice3A_2339, %select_n3A_2335 : vector<64x128xf32>
    %select_n3A_2341 = arith.select %gt3A_2340, %slice3A_2339, %select_n3A_2335 : vector<64x128xi1>, vector<64x128xf32>
    %jit3A_2342 = arith.constant 5.100000e+01 : f32
    %broadcast_in_dim3A_2343 = vector.broadcast %jit3A_2342 : f32 to vector<64x128xf32>
    %select_n3A_2344 = arith.select %gt3A_2340, %broadcast_in_dim3A_2343, %select_n3A_2338 : vector<64x128xi1>, vector<64x128xf32>
    %slice3A_2345 = vector.extract_strided_slice %dot_general3A_27 {offsets = [320, 6656], sizes = [64, 128], strides = [1, 1]} : vector<512x8192xf32> to vector<64x128xf32>
    %gt3A_2346 = arith.cmpf ogt, %slice3A_2345, %select_n3A_2341 : vector<64x128xf32>
    %select_n3A_2347 = arith.select %gt3A_2346, %slice3A_2345, %select_n3A_2341 : vector<64x128xi1>, vector<64x128xf32>
    %jit3A_2348 = arith.constant 5.200000e+01 : f32
    %broadcast_in_dim3A_2349 = vector.broadcast %jit3A_2348 : f32 to vector<64x128xf32>
    %select_n3A_2350 = arith.select %gt3A_2346, %broadcast_in_dim3A_2349, %select_n3A_2344 : vector<64x128xi1>, vector<64x128xf32>
    %slice3A_2351 = vector.extract_strided_slice %dot_general3A_27 {offsets = [320, 6784], sizes = [64, 128], strides = [1, 1]} : vector<512x8192xf32> to vector<64x128xf32>
    %gt3A_2352 = arith.cmpf ogt, %slice3A_2351, %select_n3A_2347 : vector<64x128xf32>
    %select_n3A_2353 = arith.select %gt3A_2352, %slice3A_2351, %select_n3A_2347 : vector<64x128xi1>, vector<64x128xf32>
    %jit3A_2354 = arith.constant 5.300000e+01 : f32
    %broadcast_in_dim3A_2355 = vector.broadcast %jit3A_2354 : f32 to vector<64x128xf32>
    %select_n3A_2356 = arith.select %gt3A_2352, %broadcast_in_dim3A_2355, %select_n3A_2350 : vector<64x128xi1>, vector<64x128xf32>
    %slice3A_2357 = vector.extract_strided_slice %dot_general3A_27 {offsets = [320, 6912], sizes = [64, 128], strides = [1, 1]} : vector<512x8192xf32> to vector<64x128xf32>
    %gt3A_2358 = arith.cmpf ogt, %slice3A_2357, %select_n3A_2353 : vector<64x128xf32>
    %select_n3A_2359 = arith.select %gt3A_2358, %slice3A_2357, %select_n3A_2353 : vector<64x128xi1>, vector<64x128xf32>
    %jit3A_2360 = arith.constant 5.400000e+01 : f32
    %broadcast_in_dim3A_2361 = vector.broadcast %jit3A_2360 : f32 to vector<64x128xf32>
    %select_n3A_2362 = arith.select %gt3A_2358, %broadcast_in_dim3A_2361, %select_n3A_2356 : vector<64x128xi1>, vector<64x128xf32>
    %slice3A_2363 = vector.extract_strided_slice %dot_general3A_27 {offsets = [320, 7040], sizes = [64, 128], strides = [1, 1]} : vector<512x8192xf32> to vector<64x128xf32>
    %gt3A_2364 = arith.cmpf ogt, %slice3A_2363, %select_n3A_2359 : vector<64x128xf32>
    %select_n3A_2365 = arith.select %gt3A_2364, %slice3A_2363, %select_n3A_2359 : vector<64x128xi1>, vector<64x128xf32>
    %jit3A_2366 = arith.constant 5.500000e+01 : f32
    %broadcast_in_dim3A_2367 = vector.broadcast %jit3A_2366 : f32 to vector<64x128xf32>
    %select_n3A_2368 = arith.select %gt3A_2364, %broadcast_in_dim3A_2367, %select_n3A_2362 : vector<64x128xi1>, vector<64x128xf32>
    %slice3A_2369 = vector.extract_strided_slice %dot_general3A_27 {offsets = [320, 7168], sizes = [64, 128], strides = [1, 1]} : vector<512x8192xf32> to vector<64x128xf32>
    %gt3A_2370 = arith.cmpf ogt, %slice3A_2369, %select_n3A_2365 : vector<64x128xf32>
    %select_n3A_2371 = arith.select %gt3A_2370, %slice3A_2369, %select_n3A_2365 : vector<64x128xi1>, vector<64x128xf32>
    %jit3A_2372 = arith.constant 5.600000e+01 : f32
    %broadcast_in_dim3A_2373 = vector.broadcast %jit3A_2372 : f32 to vector<64x128xf32>
    %select_n3A_2374 = arith.select %gt3A_2370, %broadcast_in_dim3A_2373, %select_n3A_2368 : vector<64x128xi1>, vector<64x128xf32>
    %slice3A_2375 = vector.extract_strided_slice %dot_general3A_27 {offsets = [320, 7296], sizes = [64, 128], strides = [1, 1]} : vector<512x8192xf32> to vector<64x128xf32>
    %gt3A_2376 = arith.cmpf ogt, %slice3A_2375, %select_n3A_2371 : vector<64x128xf32>
    %select_n3A_2377 = arith.select %gt3A_2376, %slice3A_2375, %select_n3A_2371 : vector<64x128xi1>, vector<64x128xf32>
    %jit3A_2378 = arith.constant 5.700000e+01 : f32
    %broadcast_in_dim3A_2379 = vector.broadcast %jit3A_2378 : f32 to vector<64x128xf32>
    %select_n3A_2380 = arith.select %gt3A_2376, %broadcast_in_dim3A_2379, %select_n3A_2374 : vector<64x128xi1>, vector<64x128xf32>
    %slice3A_2381 = vector.extract_strided_slice %dot_general3A_27 {offsets = [320, 7424], sizes = [64, 128], strides = [1, 1]} : vector<512x8192xf32> to vector<64x128xf32>
    %gt3A_2382 = arith.cmpf ogt, %slice3A_2381, %select_n3A_2377 : vector<64x128xf32>
    %select_n3A_2383 = arith.select %gt3A_2382, %slice3A_2381, %select_n3A_2377 : vector<64x128xi1>, vector<64x128xf32>
    %jit3A_2384 = arith.constant 5.800000e+01 : f32
    %broadcast_in_dim3A_2385 = vector.broadcast %jit3A_2384 : f32 to vector<64x128xf32>
    %select_n3A_2386 = arith.select %gt3A_2382, %broadcast_in_dim3A_2385, %select_n3A_2380 : vector<64x128xi1>, vector<64x128xf32>
    %slice3A_2387 = vector.extract_strided_slice %dot_general3A_27 {offsets = [320, 7552], sizes = [64, 128], strides = [1, 1]} : vector<512x8192xf32> to vector<64x128xf32>
    %gt3A_2388 = arith.cmpf ogt, %slice3A_2387, %select_n3A_2383 : vector<64x128xf32>
    %select_n3A_2389 = arith.select %gt3A_2388, %slice3A_2387, %select_n3A_2383 : vector<64x128xi1>, vector<64x128xf32>
    %jit3A_2390 = arith.constant 5.900000e+01 : f32
    %broadcast_in_dim3A_2391 = vector.broadcast %jit3A_2390 : f32 to vector<64x128xf32>
    %select_n3A_2392 = arith.select %gt3A_2388, %broadcast_in_dim3A_2391, %select_n3A_2386 : vector<64x128xi1>, vector<64x128xf32>
    %slice3A_2393 = vector.extract_strided_slice %dot_general3A_27 {offsets = [320, 7680], sizes = [64, 128], strides = [1, 1]} : vector<512x8192xf32> to vector<64x128xf32>
    %gt3A_2394 = arith.cmpf ogt, %slice3A_2393, %select_n3A_2389 : vector<64x128xf32>
    %select_n3A_2395 = arith.select %gt3A_2394, %slice3A_2393, %select_n3A_2389 : vector<64x128xi1>, vector<64x128xf32>
    %jit3A_2396 = arith.constant 6.000000e+01 : f32
    %broadcast_in_dim3A_2397 = vector.broadcast %jit3A_2396 : f32 to vector<64x128xf32>
    %select_n3A_2398 = arith.select %gt3A_2394, %broadcast_in_dim3A_2397, %select_n3A_2392 : vector<64x128xi1>, vector<64x128xf32>
    %slice3A_2399 = vector.extract_strided_slice %dot_general3A_27 {offsets = [320, 7808], sizes = [64, 128], strides = [1, 1]} : vector<512x8192xf32> to vector<64x128xf32>
    %gt3A_2400 = arith.cmpf ogt, %slice3A_2399, %select_n3A_2395 : vector<64x128xf32>
    %select_n3A_2401 = arith.select %gt3A_2400, %slice3A_2399, %select_n3A_2395 : vector<64x128xi1>, vector<64x128xf32>
    %jit3A_2402 = arith.constant 6.100000e+01 : f32
    %broadcast_in_dim3A_2403 = vector.broadcast %jit3A_2402 : f32 to vector<64x128xf32>
    %select_n3A_2404 = arith.select %gt3A_2400, %broadcast_in_dim3A_2403, %select_n3A_2398 : vector<64x128xi1>, vector<64x128xf32>
    %slice3A_2405 = vector.extract_strided_slice %dot_general3A_27 {offsets = [320, 7936], sizes = [64, 128], strides = [1, 1]} : vector<512x8192xf32> to vector<64x128xf32>
    %gt3A_2406 = arith.cmpf ogt, %slice3A_2405, %select_n3A_2401 : vector<64x128xf32>
    %select_n3A_2407 = arith.select %gt3A_2406, %slice3A_2405, %select_n3A_2401 : vector<64x128xi1>, vector<64x128xf32>
    %jit3A_2408 = arith.constant 6.200000e+01 : f32
    %broadcast_in_dim3A_2409 = vector.broadcast %jit3A_2408 : f32 to vector<64x128xf32>
    %select_n3A_2410 = arith.select %gt3A_2406, %broadcast_in_dim3A_2409, %select_n3A_2404 : vector<64x128xi1>, vector<64x128xf32>
    %slice3A_2411 = vector.extract_strided_slice %dot_general3A_27 {offsets = [320, 8064], sizes = [64, 128], strides = [1, 1]} : vector<512x8192xf32> to vector<64x128xf32>
    %gt3A_2412 = arith.cmpf ogt, %slice3A_2411, %select_n3A_2407 : vector<64x128xf32>
    %select_n3A_2413 = arith.select %gt3A_2412, %slice3A_2411, %select_n3A_2407 : vector<64x128xi1>, vector<64x128xf32>
    %jit3A_2414 = arith.constant 6.300000e+01 : f32
    %broadcast_in_dim3A_2415 = vector.broadcast %jit3A_2414 : f32 to vector<64x128xf32>
    %select_n3A_2416 = arith.select %gt3A_2412, %broadcast_in_dim3A_2415, %select_n3A_2410 : vector<64x128xi1>, vector<64x128xf32>
    %mul3A_2417 = arith.constant 1.280000e+02 : f32
    %mul3A_2418 = vector.broadcast %mul3A_2417 : f32 to vector<64x128xf32>
    %mul3A_2419 = arith.mulf %select_n3A_2416, %mul3A_2418 : vector<64x128xf32>
    %get3A_2420 = arith.constant 0 : index
    %get3A_2421 = arith.constant 0 : index
    %get3A_2422 = vector.load %arg6[%get3A_2420, %get3A_2421] : memref<1x8192xf32, #tpu.memory_space<vmem>>, vector<1x128xf32>
    %add3A_2423 = vector.broadcast %get3A_2422 : vector<1x128xf32> to vector<64x128xf32>
    %add3A_2424 = arith.addf %mul3A_2419, %add3A_2423 : vector<64x128xf32>
    %reduce_max3A_2425 = arith.constant dense<0xFF800000> : vector<64xf32>
    %reduce_max3A_2426 = vector.multi_reduction <maximumf>, %select_n3A_2413, %reduce_max3A_2425 [1] : vector<64x128xf32> to vector<64xf32>
    %broadcast_in_dim3A_2427 = vector.shape_cast %reduce_max3A_2426 : vector<64xf32> to vector<64x1xf32>
    %eq3A_2428 = vector.broadcast %broadcast_in_dim3A_2427 : vector<64x1xf32> to vector<64x128xf32>
    %eq3A_2429 = arith.cmpf oeq, %select_n3A_2413, %eq3A_2428 : vector<64x128xf32>
    %jit3A_2430 = arith.constant 8.192000e+03 : f32
    %broadcast_in_dim3A_2431 = vector.broadcast %jit3A_2430 : f32 to vector<64x128xf32>
    %select_n3A_2432 = arith.select %eq3A_2429, %add3A_2424, %broadcast_in_dim3A_2431 : vector<64x128xi1>, vector<64x128xf32>
    %reduce_min3A_2433 = arith.constant dense<0x7F800000> : vector<64xf32>
    %reduce_min3A_2434 = vector.multi_reduction <minimumf>, %select_n3A_2432, %reduce_min3A_2433 [1] : vector<64x128xf32> to vector<64xf32>
    %min3A_2435 = arith.constant 8.191000e+03 : f32
    %min3A_2436 = vector.broadcast %min3A_2435 : f32 to vector<64xf32>
    %min3A_2437 = arith.minimumf %reduce_min3A_2434, %min3A_2436 : vector<64xf32>
    %convert_element_type3A_2438 = arith.fptosi %min3A_2437 : vector<64xf32> to vector<64xi32>
    %slice3A_2439 = vector.extract_strided_slice %dot_general3A_27 {offsets = [384, 0], sizes = [64, 128], strides = [1, 1]} : vector<512x8192xf32> to vector<64x128xf32>
    %broadcast_in_dim3A_2440 = arith.constant 0.000000e+00 : f32
    %broadcast_in_dim3A_2441 = vector.broadcast %broadcast_in_dim3A_2440 : f32 to vector<64x128xf32>
    %slice3A_2442 = vector.extract_strided_slice %dot_general3A_27 {offsets = [384, 128], sizes = [64, 128], strides = [1, 1]} : vector<512x8192xf32> to vector<64x128xf32>
    %gt3A_2443 = arith.cmpf ogt, %slice3A_2442, %slice3A_2439 : vector<64x128xf32>
    %select_n3A_2444 = arith.select %gt3A_2443, %slice3A_2442, %slice3A_2439 : vector<64x128xi1>, vector<64x128xf32>
    %jit3A_2445 = arith.constant 1.000000e+00 : f32
    %broadcast_in_dim3A_2446 = vector.broadcast %jit3A_2445 : f32 to vector<64x128xf32>
    %select_n3A_2447 = arith.select %gt3A_2443, %broadcast_in_dim3A_2446, %broadcast_in_dim3A_2441 : vector<64x128xi1>, vector<64x128xf32>
    %slice3A_2448 = vector.extract_strided_slice %dot_general3A_27 {offsets = [384, 256], sizes = [64, 128], strides = [1, 1]} : vector<512x8192xf32> to vector<64x128xf32>
    %gt3A_2449 = arith.cmpf ogt, %slice3A_2448, %select_n3A_2444 : vector<64x128xf32>
    %select_n3A_2450 = arith.select %gt3A_2449, %slice3A_2448, %select_n3A_2444 : vector<64x128xi1>, vector<64x128xf32>
    %jit3A_2451 = arith.constant 2.000000e+00 : f32
    %broadcast_in_dim3A_2452 = vector.broadcast %jit3A_2451 : f32 to vector<64x128xf32>
    %select_n3A_2453 = arith.select %gt3A_2449, %broadcast_in_dim3A_2452, %select_n3A_2447 : vector<64x128xi1>, vector<64x128xf32>
    %slice3A_2454 = vector.extract_strided_slice %dot_general3A_27 {offsets = [384, 384], sizes = [64, 128], strides = [1, 1]} : vector<512x8192xf32> to vector<64x128xf32>
    %gt3A_2455 = arith.cmpf ogt, %slice3A_2454, %select_n3A_2450 : vector<64x128xf32>
    %select_n3A_2456 = arith.select %gt3A_2455, %slice3A_2454, %select_n3A_2450 : vector<64x128xi1>, vector<64x128xf32>
    %jit3A_2457 = arith.constant 3.000000e+00 : f32
    %broadcast_in_dim3A_2458 = vector.broadcast %jit3A_2457 : f32 to vector<64x128xf32>
    %select_n3A_2459 = arith.select %gt3A_2455, %broadcast_in_dim3A_2458, %select_n3A_2453 : vector<64x128xi1>, vector<64x128xf32>
    %slice3A_2460 = vector.extract_strided_slice %dot_general3A_27 {offsets = [384, 512], sizes = [64, 128], strides = [1, 1]} : vector<512x8192xf32> to vector<64x128xf32>
    %gt3A_2461 = arith.cmpf ogt, %slice3A_2460, %select_n3A_2456 : vector<64x128xf32>
    %select_n3A_2462 = arith.select %gt3A_2461, %slice3A_2460, %select_n3A_2456 : vector<64x128xi1>, vector<64x128xf32>
    %jit3A_2463 = arith.constant 4.000000e+00 : f32
    %broadcast_in_dim3A_2464 = vector.broadcast %jit3A_2463 : f32 to vector<64x128xf32>
    %select_n3A_2465 = arith.select %gt3A_2461, %broadcast_in_dim3A_2464, %select_n3A_2459 : vector<64x128xi1>, vector<64x128xf32>
    %slice3A_2466 = vector.extract_strided_slice %dot_general3A_27 {offsets = [384, 640], sizes = [64, 128], strides = [1, 1]} : vector<512x8192xf32> to vector<64x128xf32>
    %gt3A_2467 = arith.cmpf ogt, %slice3A_2466, %select_n3A_2462 : vector<64x128xf32>
    %select_n3A_2468 = arith.select %gt3A_2467, %slice3A_2466, %select_n3A_2462 : vector<64x128xi1>, vector<64x128xf32>
    %jit3A_2469 = arith.constant 5.000000e+00 : f32
    %broadcast_in_dim3A_2470 = vector.broadcast %jit3A_2469 : f32 to vector<64x128xf32>
    %select_n3A_2471 = arith.select %gt3A_2467, %broadcast_in_dim3A_2470, %select_n3A_2465 : vector<64x128xi1>, vector<64x128xf32>
    %slice3A_2472 = vector.extract_strided_slice %dot_general3A_27 {offsets = [384, 768], sizes = [64, 128], strides = [1, 1]} : vector<512x8192xf32> to vector<64x128xf32>
    %gt3A_2473 = arith.cmpf ogt, %slice3A_2472, %select_n3A_2468 : vector<64x128xf32>
    %select_n3A_2474 = arith.select %gt3A_2473, %slice3A_2472, %select_n3A_2468 : vector<64x128xi1>, vector<64x128xf32>
    %jit3A_2475 = arith.constant 6.000000e+00 : f32
    %broadcast_in_dim3A_2476 = vector.broadcast %jit3A_2475 : f32 to vector<64x128xf32>
    %select_n3A_2477 = arith.select %gt3A_2473, %broadcast_in_dim3A_2476, %select_n3A_2471 : vector<64x128xi1>, vector<64x128xf32>
    %slice3A_2478 = vector.extract_strided_slice %dot_general3A_27 {offsets = [384, 896], sizes = [64, 128], strides = [1, 1]} : vector<512x8192xf32> to vector<64x128xf32>
    %gt3A_2479 = arith.cmpf ogt, %slice3A_2478, %select_n3A_2474 : vector<64x128xf32>
    %select_n3A_2480 = arith.select %gt3A_2479, %slice3A_2478, %select_n3A_2474 : vector<64x128xi1>, vector<64x128xf32>
    %jit3A_2481 = arith.constant 7.000000e+00 : f32
    %broadcast_in_dim3A_2482 = vector.broadcast %jit3A_2481 : f32 to vector<64x128xf32>
    %select_n3A_2483 = arith.select %gt3A_2479, %broadcast_in_dim3A_2482, %select_n3A_2477 : vector<64x128xi1>, vector<64x128xf32>
    %slice3A_2484 = vector.extract_strided_slice %dot_general3A_27 {offsets = [384, 1024], sizes = [64, 128], strides = [1, 1]} : vector<512x8192xf32> to vector<64x128xf32>
    %gt3A_2485 = arith.cmpf ogt, %slice3A_2484, %select_n3A_2480 : vector<64x128xf32>
    %select_n3A_2486 = arith.select %gt3A_2485, %slice3A_2484, %select_n3A_2480 : vector<64x128xi1>, vector<64x128xf32>
    %jit3A_2487 = arith.constant 8.000000e+00 : f32
    %broadcast_in_dim3A_2488 = vector.broadcast %jit3A_2487 : f32 to vector<64x128xf32>
    %select_n3A_2489 = arith.select %gt3A_2485, %broadcast_in_dim3A_2488, %select_n3A_2483 : vector<64x128xi1>, vector<64x128xf32>
    %slice3A_2490 = vector.extract_strided_slice %dot_general3A_27 {offsets = [384, 1152], sizes = [64, 128], strides = [1, 1]} : vector<512x8192xf32> to vector<64x128xf32>
    %gt3A_2491 = arith.cmpf ogt, %slice3A_2490, %select_n3A_2486 : vector<64x128xf32>
    %select_n3A_2492 = arith.select %gt3A_2491, %slice3A_2490, %select_n3A_2486 : vector<64x128xi1>, vector<64x128xf32>
    %jit3A_2493 = arith.constant 9.000000e+00 : f32
    %broadcast_in_dim3A_2494 = vector.broadcast %jit3A_2493 : f32 to vector<64x128xf32>
    %select_n3A_2495 = arith.select %gt3A_2491, %broadcast_in_dim3A_2494, %select_n3A_2489 : vector<64x128xi1>, vector<64x128xf32>
    %slice3A_2496 = vector.extract_strided_slice %dot_general3A_27 {offsets = [384, 1280], sizes = [64, 128], strides = [1, 1]} : vector<512x8192xf32> to vector<64x128xf32>
    %gt3A_2497 = arith.cmpf ogt, %slice3A_2496, %select_n3A_2492 : vector<64x128xf32>
    %select_n3A_2498 = arith.select %gt3A_2497, %slice3A_2496, %select_n3A_2492 : vector<64x128xi1>, vector<64x128xf32>
    %jit3A_2499 = arith.constant 1.000000e+01 : f32
    %broadcast_in_dim3A_2500 = vector.broadcast %jit3A_2499 : f32 to vector<64x128xf32>
    %select_n3A_2501 = arith.select %gt3A_2497, %broadcast_in_dim3A_2500, %select_n3A_2495 : vector<64x128xi1>, vector<64x128xf32>
    %slice3A_2502 = vector.extract_strided_slice %dot_general3A_27 {offsets = [384, 1408], sizes = [64, 128], strides = [1, 1]} : vector<512x8192xf32> to vector<64x128xf32>
    %gt3A_2503 = arith.cmpf ogt, %slice3A_2502, %select_n3A_2498 : vector<64x128xf32>
    %select_n3A_2504 = arith.select %gt3A_2503, %slice3A_2502, %select_n3A_2498 : vector<64x128xi1>, vector<64x128xf32>
    %jit3A_2505 = arith.constant 1.100000e+01 : f32
    %broadcast_in_dim3A_2506 = vector.broadcast %jit3A_2505 : f32 to vector<64x128xf32>
    %select_n3A_2507 = arith.select %gt3A_2503, %broadcast_in_dim3A_2506, %select_n3A_2501 : vector<64x128xi1>, vector<64x128xf32>
    %slice3A_2508 = vector.extract_strided_slice %dot_general3A_27 {offsets = [384, 1536], sizes = [64, 128], strides = [1, 1]} : vector<512x8192xf32> to vector<64x128xf32>
    %gt3A_2509 = arith.cmpf ogt, %slice3A_2508, %select_n3A_2504 : vector<64x128xf32>
    %select_n3A_2510 = arith.select %gt3A_2509, %slice3A_2508, %select_n3A_2504 : vector<64x128xi1>, vector<64x128xf32>
    %jit3A_2511 = arith.constant 1.200000e+01 : f32
    %broadcast_in_dim3A_2512 = vector.broadcast %jit3A_2511 : f32 to vector<64x128xf32>
    %select_n3A_2513 = arith.select %gt3A_2509, %broadcast_in_dim3A_2512, %select_n3A_2507 : vector<64x128xi1>, vector<64x128xf32>
    %slice3A_2514 = vector.extract_strided_slice %dot_general3A_27 {offsets = [384, 1664], sizes = [64, 128], strides = [1, 1]} : vector<512x8192xf32> to vector<64x128xf32>
    %gt3A_2515 = arith.cmpf ogt, %slice3A_2514, %select_n3A_2510 : vector<64x128xf32>
    %select_n3A_2516 = arith.select %gt3A_2515, %slice3A_2514, %select_n3A_2510 : vector<64x128xi1>, vector<64x128xf32>
    %jit3A_2517 = arith.constant 1.300000e+01 : f32
    %broadcast_in_dim3A_2518 = vector.broadcast %jit3A_2517 : f32 to vector<64x128xf32>
    %select_n3A_2519 = arith.select %gt3A_2515, %broadcast_in_dim3A_2518, %select_n3A_2513 : vector<64x128xi1>, vector<64x128xf32>
    %slice3A_2520 = vector.extract_strided_slice %dot_general3A_27 {offsets = [384, 1792], sizes = [64, 128], strides = [1, 1]} : vector<512x8192xf32> to vector<64x128xf32>
    %gt3A_2521 = arith.cmpf ogt, %slice3A_2520, %select_n3A_2516 : vector<64x128xf32>
    %select_n3A_2522 = arith.select %gt3A_2521, %slice3A_2520, %select_n3A_2516 : vector<64x128xi1>, vector<64x128xf32>
    %jit3A_2523 = arith.constant 1.400000e+01 : f32
    %broadcast_in_dim3A_2524 = vector.broadcast %jit3A_2523 : f32 to vector<64x128xf32>
    %select_n3A_2525 = arith.select %gt3A_2521, %broadcast_in_dim3A_2524, %select_n3A_2519 : vector<64x128xi1>, vector<64x128xf32>
    %slice3A_2526 = vector.extract_strided_slice %dot_general3A_27 {offsets = [384, 1920], sizes = [64, 128], strides = [1, 1]} : vector<512x8192xf32> to vector<64x128xf32>
    %gt3A_2527 = arith.cmpf ogt, %slice3A_2526, %select_n3A_2522 : vector<64x128xf32>
    %select_n3A_2528 = arith.select %gt3A_2527, %slice3A_2526, %select_n3A_2522 : vector<64x128xi1>, vector<64x128xf32>
    %jit3A_2529 = arith.constant 1.500000e+01 : f32
    %broadcast_in_dim3A_2530 = vector.broadcast %jit3A_2529 : f32 to vector<64x128xf32>
    %select_n3A_2531 = arith.select %gt3A_2527, %broadcast_in_dim3A_2530, %select_n3A_2525 : vector<64x128xi1>, vector<64x128xf32>
    %slice3A_2532 = vector.extract_strided_slice %dot_general3A_27 {offsets = [384, 2048], sizes = [64, 128], strides = [1, 1]} : vector<512x8192xf32> to vector<64x128xf32>
    %gt3A_2533 = arith.cmpf ogt, %slice3A_2532, %select_n3A_2528 : vector<64x128xf32>
    %select_n3A_2534 = arith.select %gt3A_2533, %slice3A_2532, %select_n3A_2528 : vector<64x128xi1>, vector<64x128xf32>
    %jit3A_2535 = arith.constant 1.600000e+01 : f32
    %broadcast_in_dim3A_2536 = vector.broadcast %jit3A_2535 : f32 to vector<64x128xf32>
    %select_n3A_2537 = arith.select %gt3A_2533, %broadcast_in_dim3A_2536, %select_n3A_2531 : vector<64x128xi1>, vector<64x128xf32>
    %slice3A_2538 = vector.extract_strided_slice %dot_general3A_27 {offsets = [384, 2176], sizes = [64, 128], strides = [1, 1]} : vector<512x8192xf32> to vector<64x128xf32>
    %gt3A_2539 = arith.cmpf ogt, %slice3A_2538, %select_n3A_2534 : vector<64x128xf32>
    %select_n3A_2540 = arith.select %gt3A_2539, %slice3A_2538, %select_n3A_2534 : vector<64x128xi1>, vector<64x128xf32>
    %jit3A_2541 = arith.constant 1.700000e+01 : f32
    %broadcast_in_dim3A_2542 = vector.broadcast %jit3A_2541 : f32 to vector<64x128xf32>
    %select_n3A_2543 = arith.select %gt3A_2539, %broadcast_in_dim3A_2542, %select_n3A_2537 : vector<64x128xi1>, vector<64x128xf32>
    %slice3A_2544 = vector.extract_strided_slice %dot_general3A_27 {offsets = [384, 2304], sizes = [64, 128], strides = [1, 1]} : vector<512x8192xf32> to vector<64x128xf32>
    %gt3A_2545 = arith.cmpf ogt, %slice3A_2544, %select_n3A_2540 : vector<64x128xf32>
    %select_n3A_2546 = arith.select %gt3A_2545, %slice3A_2544, %select_n3A_2540 : vector<64x128xi1>, vector<64x128xf32>
    %jit3A_2547 = arith.constant 1.800000e+01 : f32
    %broadcast_in_dim3A_2548 = vector.broadcast %jit3A_2547 : f32 to vector<64x128xf32>
    %select_n3A_2549 = arith.select %gt3A_2545, %broadcast_in_dim3A_2548, %select_n3A_2543 : vector<64x128xi1>, vector<64x128xf32>
    %slice3A_2550 = vector.extract_strided_slice %dot_general3A_27 {offsets = [384, 2432], sizes = [64, 128], strides = [1, 1]} : vector<512x8192xf32> to vector<64x128xf32>
    %gt3A_2551 = arith.cmpf ogt, %slice3A_2550, %select_n3A_2546 : vector<64x128xf32>
    %select_n3A_2552 = arith.select %gt3A_2551, %slice3A_2550, %select_n3A_2546 : vector<64x128xi1>, vector<64x128xf32>
    %jit3A_2553 = arith.constant 1.900000e+01 : f32
    %broadcast_in_dim3A_2554 = vector.broadcast %jit3A_2553 : f32 to vector<64x128xf32>
    %select_n3A_2555 = arith.select %gt3A_2551, %broadcast_in_dim3A_2554, %select_n3A_2549 : vector<64x128xi1>, vector<64x128xf32>
    %slice3A_2556 = vector.extract_strided_slice %dot_general3A_27 {offsets = [384, 2560], sizes = [64, 128], strides = [1, 1]} : vector<512x8192xf32> to vector<64x128xf32>
    %gt3A_2557 = arith.cmpf ogt, %slice3A_2556, %select_n3A_2552 : vector<64x128xf32>
    %select_n3A_2558 = arith.select %gt3A_2557, %slice3A_2556, %select_n3A_2552 : vector<64x128xi1>, vector<64x128xf32>
    %jit3A_2559 = arith.constant 2.000000e+01 : f32
    %broadcast_in_dim3A_2560 = vector.broadcast %jit3A_2559 : f32 to vector<64x128xf32>
    %select_n3A_2561 = arith.select %gt3A_2557, %broadcast_in_dim3A_2560, %select_n3A_2555 : vector<64x128xi1>, vector<64x128xf32>
    %slice3A_2562 = vector.extract_strided_slice %dot_general3A_27 {offsets = [384, 2688], sizes = [64, 128], strides = [1, 1]} : vector<512x8192xf32> to vector<64x128xf32>
    %gt3A_2563 = arith.cmpf ogt, %slice3A_2562, %select_n3A_2558 : vector<64x128xf32>
    %select_n3A_2564 = arith.select %gt3A_2563, %slice3A_2562, %select_n3A_2558 : vector<64x128xi1>, vector<64x128xf32>
    %jit3A_2565 = arith.constant 2.100000e+01 : f32
    %broadcast_in_dim3A_2566 = vector.broadcast %jit3A_2565 : f32 to vector<64x128xf32>
    %select_n3A_2567 = arith.select %gt3A_2563, %broadcast_in_dim3A_2566, %select_n3A_2561 : vector<64x128xi1>, vector<64x128xf32>
    %slice3A_2568 = vector.extract_strided_slice %dot_general3A_27 {offsets = [384, 2816], sizes = [64, 128], strides = [1, 1]} : vector<512x8192xf32> to vector<64x128xf32>
    %gt3A_2569 = arith.cmpf ogt, %slice3A_2568, %select_n3A_2564 : vector<64x128xf32>
    %select_n3A_2570 = arith.select %gt3A_2569, %slice3A_2568, %select_n3A_2564 : vector<64x128xi1>, vector<64x128xf32>
    %jit3A_2571 = arith.constant 2.200000e+01 : f32
    %broadcast_in_dim3A_2572 = vector.broadcast %jit3A_2571 : f32 to vector<64x128xf32>
    %select_n3A_2573 = arith.select %gt3A_2569, %broadcast_in_dim3A_2572, %select_n3A_2567 : vector<64x128xi1>, vector<64x128xf32>
    %slice3A_2574 = vector.extract_strided_slice %dot_general3A_27 {offsets = [384, 2944], sizes = [64, 128], strides = [1, 1]} : vector<512x8192xf32> to vector<64x128xf32>
    %gt3A_2575 = arith.cmpf ogt, %slice3A_2574, %select_n3A_2570 : vector<64x128xf32>
    %select_n3A_2576 = arith.select %gt3A_2575, %slice3A_2574, %select_n3A_2570 : vector<64x128xi1>, vector<64x128xf32>
    %jit3A_2577 = arith.constant 2.300000e+01 : f32
    %broadcast_in_dim3A_2578 = vector.broadcast %jit3A_2577 : f32 to vector<64x128xf32>
    %select_n3A_2579 = arith.select %gt3A_2575, %broadcast_in_dim3A_2578, %select_n3A_2573 : vector<64x128xi1>, vector<64x128xf32>
    %slice3A_2580 = vector.extract_strided_slice %dot_general3A_27 {offsets = [384, 3072], sizes = [64, 128], strides = [1, 1]} : vector<512x8192xf32> to vector<64x128xf32>
    %gt3A_2581 = arith.cmpf ogt, %slice3A_2580, %select_n3A_2576 : vector<64x128xf32>
    %select_n3A_2582 = arith.select %gt3A_2581, %slice3A_2580, %select_n3A_2576 : vector<64x128xi1>, vector<64x128xf32>
    %jit3A_2583 = arith.constant 2.400000e+01 : f32
    %broadcast_in_dim3A_2584 = vector.broadcast %jit3A_2583 : f32 to vector<64x128xf32>
    %select_n3A_2585 = arith.select %gt3A_2581, %broadcast_in_dim3A_2584, %select_n3A_2579 : vector<64x128xi1>, vector<64x128xf32>
    %slice3A_2586 = vector.extract_strided_slice %dot_general3A_27 {offsets = [384, 3200], sizes = [64, 128], strides = [1, 1]} : vector<512x8192xf32> to vector<64x128xf32>
    %gt3A_2587 = arith.cmpf ogt, %slice3A_2586, %select_n3A_2582 : vector<64x128xf32>
    %select_n3A_2588 = arith.select %gt3A_2587, %slice3A_2586, %select_n3A_2582 : vector<64x128xi1>, vector<64x128xf32>
    %jit3A_2589 = arith.constant 2.500000e+01 : f32
    %broadcast_in_dim3A_2590 = vector.broadcast %jit3A_2589 : f32 to vector<64x128xf32>
    %select_n3A_2591 = arith.select %gt3A_2587, %broadcast_in_dim3A_2590, %select_n3A_2585 : vector<64x128xi1>, vector<64x128xf32>
    %slice3A_2592 = vector.extract_strided_slice %dot_general3A_27 {offsets = [384, 3328], sizes = [64, 128], strides = [1, 1]} : vector<512x8192xf32> to vector<64x128xf32>
    %gt3A_2593 = arith.cmpf ogt, %slice3A_2592, %select_n3A_2588 : vector<64x128xf32>
    %select_n3A_2594 = arith.select %gt3A_2593, %slice3A_2592, %select_n3A_2588 : vector<64x128xi1>, vector<64x128xf32>
    %jit3A_2595 = arith.constant 2.600000e+01 : f32
    %broadcast_in_dim3A_2596 = vector.broadcast %jit3A_2595 : f32 to vector<64x128xf32>
    %select_n3A_2597 = arith.select %gt3A_2593, %broadcast_in_dim3A_2596, %select_n3A_2591 : vector<64x128xi1>, vector<64x128xf32>
    %slice3A_2598 = vector.extract_strided_slice %dot_general3A_27 {offsets = [384, 3456], sizes = [64, 128], strides = [1, 1]} : vector<512x8192xf32> to vector<64x128xf32>
    %gt3A_2599 = arith.cmpf ogt, %slice3A_2598, %select_n3A_2594 : vector<64x128xf32>
    %select_n3A_2600 = arith.select %gt3A_2599, %slice3A_2598, %select_n3A_2594 : vector<64x128xi1>, vector<64x128xf32>
    %jit3A_2601 = arith.constant 2.700000e+01 : f32
    %broadcast_in_dim3A_2602 = vector.broadcast %jit3A_2601 : f32 to vector<64x128xf32>
    %select_n3A_2603 = arith.select %gt3A_2599, %broadcast_in_dim3A_2602, %select_n3A_2597 : vector<64x128xi1>, vector<64x128xf32>
    %slice3A_2604 = vector.extract_strided_slice %dot_general3A_27 {offsets = [384, 3584], sizes = [64, 128], strides = [1, 1]} : vector<512x8192xf32> to vector<64x128xf32>
    %gt3A_2605 = arith.cmpf ogt, %slice3A_2604, %select_n3A_2600 : vector<64x128xf32>
    %select_n3A_2606 = arith.select %gt3A_2605, %slice3A_2604, %select_n3A_2600 : vector<64x128xi1>, vector<64x128xf32>
    %jit3A_2607 = arith.constant 2.800000e+01 : f32
    %broadcast_in_dim3A_2608 = vector.broadcast %jit3A_2607 : f32 to vector<64x128xf32>
    %select_n3A_2609 = arith.select %gt3A_2605, %broadcast_in_dim3A_2608, %select_n3A_2603 : vector<64x128xi1>, vector<64x128xf32>
    %slice3A_2610 = vector.extract_strided_slice %dot_general3A_27 {offsets = [384, 3712], sizes = [64, 128], strides = [1, 1]} : vector<512x8192xf32> to vector<64x128xf32>
    %gt3A_2611 = arith.cmpf ogt, %slice3A_2610, %select_n3A_2606 : vector<64x128xf32>
    %select_n3A_2612 = arith.select %gt3A_2611, %slice3A_2610, %select_n3A_2606 : vector<64x128xi1>, vector<64x128xf32>
    %jit3A_2613 = arith.constant 2.900000e+01 : f32
    %broadcast_in_dim3A_2614 = vector.broadcast %jit3A_2613 : f32 to vector<64x128xf32>
    %select_n3A_2615 = arith.select %gt3A_2611, %broadcast_in_dim3A_2614, %select_n3A_2609 : vector<64x128xi1>, vector<64x128xf32>
    %slice3A_2616 = vector.extract_strided_slice %dot_general3A_27 {offsets = [384, 3840], sizes = [64, 128], strides = [1, 1]} : vector<512x8192xf32> to vector<64x128xf32>
    %gt3A_2617 = arith.cmpf ogt, %slice3A_2616, %select_n3A_2612 : vector<64x128xf32>
    %select_n3A_2618 = arith.select %gt3A_2617, %slice3A_2616, %select_n3A_2612 : vector<64x128xi1>, vector<64x128xf32>
    %jit3A_2619 = arith.constant 3.000000e+01 : f32
    %broadcast_in_dim3A_2620 = vector.broadcast %jit3A_2619 : f32 to vector<64x128xf32>
    %select_n3A_2621 = arith.select %gt3A_2617, %broadcast_in_dim3A_2620, %select_n3A_2615 : vector<64x128xi1>, vector<64x128xf32>
    %slice3A_2622 = vector.extract_strided_slice %dot_general3A_27 {offsets = [384, 3968], sizes = [64, 128], strides = [1, 1]} : vector<512x8192xf32> to vector<64x128xf32>
    %gt3A_2623 = arith.cmpf ogt, %slice3A_2622, %select_n3A_2618 : vector<64x128xf32>
    %select_n3A_2624 = arith.select %gt3A_2623, %slice3A_2622, %select_n3A_2618 : vector<64x128xi1>, vector<64x128xf32>
    %jit3A_2625 = arith.constant 3.100000e+01 : f32
    %broadcast_in_dim3A_2626 = vector.broadcast %jit3A_2625 : f32 to vector<64x128xf32>
    %select_n3A_2627 = arith.select %gt3A_2623, %broadcast_in_dim3A_2626, %select_n3A_2621 : vector<64x128xi1>, vector<64x128xf32>
    %slice3A_2628 = vector.extract_strided_slice %dot_general3A_27 {offsets = [384, 4096], sizes = [64, 128], strides = [1, 1]} : vector<512x8192xf32> to vector<64x128xf32>
    %gt3A_2629 = arith.cmpf ogt, %slice3A_2628, %select_n3A_2624 : vector<64x128xf32>
    %select_n3A_2630 = arith.select %gt3A_2629, %slice3A_2628, %select_n3A_2624 : vector<64x128xi1>, vector<64x128xf32>
    %jit3A_2631 = arith.constant 3.200000e+01 : f32
    %broadcast_in_dim3A_2632 = vector.broadcast %jit3A_2631 : f32 to vector<64x128xf32>
    %select_n3A_2633 = arith.select %gt3A_2629, %broadcast_in_dim3A_2632, %select_n3A_2627 : vector<64x128xi1>, vector<64x128xf32>
    %slice3A_2634 = vector.extract_strided_slice %dot_general3A_27 {offsets = [384, 4224], sizes = [64, 128], strides = [1, 1]} : vector<512x8192xf32> to vector<64x128xf32>
    %gt3A_2635 = arith.cmpf ogt, %slice3A_2634, %select_n3A_2630 : vector<64x128xf32>
    %select_n3A_2636 = arith.select %gt3A_2635, %slice3A_2634, %select_n3A_2630 : vector<64x128xi1>, vector<64x128xf32>
    %jit3A_2637 = arith.constant 3.300000e+01 : f32
    %broadcast_in_dim3A_2638 = vector.broadcast %jit3A_2637 : f32 to vector<64x128xf32>
    %select_n3A_2639 = arith.select %gt3A_2635, %broadcast_in_dim3A_2638, %select_n3A_2633 : vector<64x128xi1>, vector<64x128xf32>
    %slice3A_2640 = vector.extract_strided_slice %dot_general3A_27 {offsets = [384, 4352], sizes = [64, 128], strides = [1, 1]} : vector<512x8192xf32> to vector<64x128xf32>
    %gt3A_2641 = arith.cmpf ogt, %slice3A_2640, %select_n3A_2636 : vector<64x128xf32>
    %select_n3A_2642 = arith.select %gt3A_2641, %slice3A_2640, %select_n3A_2636 : vector<64x128xi1>, vector<64x128xf32>
    %jit3A_2643 = arith.constant 3.400000e+01 : f32
    %broadcast_in_dim3A_2644 = vector.broadcast %jit3A_2643 : f32 to vector<64x128xf32>
    %select_n3A_2645 = arith.select %gt3A_2641, %broadcast_in_dim3A_2644, %select_n3A_2639 : vector<64x128xi1>, vector<64x128xf32>
    %slice3A_2646 = vector.extract_strided_slice %dot_general3A_27 {offsets = [384, 4480], sizes = [64, 128], strides = [1, 1]} : vector<512x8192xf32> to vector<64x128xf32>
    %gt3A_2647 = arith.cmpf ogt, %slice3A_2646, %select_n3A_2642 : vector<64x128xf32>
    %select_n3A_2648 = arith.select %gt3A_2647, %slice3A_2646, %select_n3A_2642 : vector<64x128xi1>, vector<64x128xf32>
    %jit3A_2649 = arith.constant 3.500000e+01 : f32
    %broadcast_in_dim3A_2650 = vector.broadcast %jit3A_2649 : f32 to vector<64x128xf32>
    %select_n3A_2651 = arith.select %gt3A_2647, %broadcast_in_dim3A_2650, %select_n3A_2645 : vector<64x128xi1>, vector<64x128xf32>
    %slice3A_2652 = vector.extract_strided_slice %dot_general3A_27 {offsets = [384, 4608], sizes = [64, 128], strides = [1, 1]} : vector<512x8192xf32> to vector<64x128xf32>
    %gt3A_2653 = arith.cmpf ogt, %slice3A_2652, %select_n3A_2648 : vector<64x128xf32>
    %select_n3A_2654 = arith.select %gt3A_2653, %slice3A_2652, %select_n3A_2648 : vector<64x128xi1>, vector<64x128xf32>
    %jit3A_2655 = arith.constant 3.600000e+01 : f32
    %broadcast_in_dim3A_2656 = vector.broadcast %jit3A_2655 : f32 to vector<64x128xf32>
    %select_n3A_2657 = arith.select %gt3A_2653, %broadcast_in_dim3A_2656, %select_n3A_2651 : vector<64x128xi1>, vector<64x128xf32>
    %slice3A_2658 = vector.extract_strided_slice %dot_general3A_27 {offsets = [384, 4736], sizes = [64, 128], strides = [1, 1]} : vector<512x8192xf32> to vector<64x128xf32>
    %gt3A_2659 = arith.cmpf ogt, %slice3A_2658, %select_n3A_2654 : vector<64x128xf32>
    %select_n3A_2660 = arith.select %gt3A_2659, %slice3A_2658, %select_n3A_2654 : vector<64x128xi1>, vector<64x128xf32>
    %jit3A_2661 = arith.constant 3.700000e+01 : f32
    %broadcast_in_dim3A_2662 = vector.broadcast %jit3A_2661 : f32 to vector<64x128xf32>
    %select_n3A_2663 = arith.select %gt3A_2659, %broadcast_in_dim3A_2662, %select_n3A_2657 : vector<64x128xi1>, vector<64x128xf32>
    %slice3A_2664 = vector.extract_strided_slice %dot_general3A_27 {offsets = [384, 4864], sizes = [64, 128], strides = [1, 1]} : vector<512x8192xf32> to vector<64x128xf32>
    %gt3A_2665 = arith.cmpf ogt, %slice3A_2664, %select_n3A_2660 : vector<64x128xf32>
    %select_n3A_2666 = arith.select %gt3A_2665, %slice3A_2664, %select_n3A_2660 : vector<64x128xi1>, vector<64x128xf32>
    %jit3A_2667 = arith.constant 3.800000e+01 : f32
    %broadcast_in_dim3A_2668 = vector.broadcast %jit3A_2667 : f32 to vector<64x128xf32>
    %select_n3A_2669 = arith.select %gt3A_2665, %broadcast_in_dim3A_2668, %select_n3A_2663 : vector<64x128xi1>, vector<64x128xf32>
    %slice3A_2670 = vector.extract_strided_slice %dot_general3A_27 {offsets = [384, 4992], sizes = [64, 128], strides = [1, 1]} : vector<512x8192xf32> to vector<64x128xf32>
    %gt3A_2671 = arith.cmpf ogt, %slice3A_2670, %select_n3A_2666 : vector<64x128xf32>
    %select_n3A_2672 = arith.select %gt3A_2671, %slice3A_2670, %select_n3A_2666 : vector<64x128xi1>, vector<64x128xf32>
    %jit3A_2673 = arith.constant 3.900000e+01 : f32
    %broadcast_in_dim3A_2674 = vector.broadcast %jit3A_2673 : f32 to vector<64x128xf32>
    %select_n3A_2675 = arith.select %gt3A_2671, %broadcast_in_dim3A_2674, %select_n3A_2669 : vector<64x128xi1>, vector<64x128xf32>
    %slice3A_2676 = vector.extract_strided_slice %dot_general3A_27 {offsets = [384, 5120], sizes = [64, 128], strides = [1, 1]} : vector<512x8192xf32> to vector<64x128xf32>
    %gt3A_2677 = arith.cmpf ogt, %slice3A_2676, %select_n3A_2672 : vector<64x128xf32>
    %select_n3A_2678 = arith.select %gt3A_2677, %slice3A_2676, %select_n3A_2672 : vector<64x128xi1>, vector<64x128xf32>
    %jit3A_2679 = arith.constant 4.000000e+01 : f32
    %broadcast_in_dim3A_2680 = vector.broadcast %jit3A_2679 : f32 to vector<64x128xf32>
    %select_n3A_2681 = arith.select %gt3A_2677, %broadcast_in_dim3A_2680, %select_n3A_2675 : vector<64x128xi1>, vector<64x128xf32>
    %slice3A_2682 = vector.extract_strided_slice %dot_general3A_27 {offsets = [384, 5248], sizes = [64, 128], strides = [1, 1]} : vector<512x8192xf32> to vector<64x128xf32>
    %gt3A_2683 = arith.cmpf ogt, %slice3A_2682, %select_n3A_2678 : vector<64x128xf32>
    %select_n3A_2684 = arith.select %gt3A_2683, %slice3A_2682, %select_n3A_2678 : vector<64x128xi1>, vector<64x128xf32>
    %jit3A_2685 = arith.constant 4.100000e+01 : f32
    %broadcast_in_dim3A_2686 = vector.broadcast %jit3A_2685 : f32 to vector<64x128xf32>
    %select_n3A_2687 = arith.select %gt3A_2683, %broadcast_in_dim3A_2686, %select_n3A_2681 : vector<64x128xi1>, vector<64x128xf32>
    %slice3A_2688 = vector.extract_strided_slice %dot_general3A_27 {offsets = [384, 5376], sizes = [64, 128], strides = [1, 1]} : vector<512x8192xf32> to vector<64x128xf32>
    %gt3A_2689 = arith.cmpf ogt, %slice3A_2688, %select_n3A_2684 : vector<64x128xf32>
    %select_n3A_2690 = arith.select %gt3A_2689, %slice3A_2688, %select_n3A_2684 : vector<64x128xi1>, vector<64x128xf32>
    %jit3A_2691 = arith.constant 4.200000e+01 : f32
    %broadcast_in_dim3A_2692 = vector.broadcast %jit3A_2691 : f32 to vector<64x128xf32>
    %select_n3A_2693 = arith.select %gt3A_2689, %broadcast_in_dim3A_2692, %select_n3A_2687 : vector<64x128xi1>, vector<64x128xf32>
    %slice3A_2694 = vector.extract_strided_slice %dot_general3A_27 {offsets = [384, 5504], sizes = [64, 128], strides = [1, 1]} : vector<512x8192xf32> to vector<64x128xf32>
    %gt3A_2695 = arith.cmpf ogt, %slice3A_2694, %select_n3A_2690 : vector<64x128xf32>
    %select_n3A_2696 = arith.select %gt3A_2695, %slice3A_2694, %select_n3A_2690 : vector<64x128xi1>, vector<64x128xf32>
    %jit3A_2697 = arith.constant 4.300000e+01 : f32
    %broadcast_in_dim3A_2698 = vector.broadcast %jit3A_2697 : f32 to vector<64x128xf32>
    %select_n3A_2699 = arith.select %gt3A_2695, %broadcast_in_dim3A_2698, %select_n3A_2693 : vector<64x128xi1>, vector<64x128xf32>
    %slice3A_2700 = vector.extract_strided_slice %dot_general3A_27 {offsets = [384, 5632], sizes = [64, 128], strides = [1, 1]} : vector<512x8192xf32> to vector<64x128xf32>
    %gt3A_2701 = arith.cmpf ogt, %slice3A_2700, %select_n3A_2696 : vector<64x128xf32>
    %select_n3A_2702 = arith.select %gt3A_2701, %slice3A_2700, %select_n3A_2696 : vector<64x128xi1>, vector<64x128xf32>
    %jit3A_2703 = arith.constant 4.400000e+01 : f32
    %broadcast_in_dim3A_2704 = vector.broadcast %jit3A_2703 : f32 to vector<64x128xf32>
    %select_n3A_2705 = arith.select %gt3A_2701, %broadcast_in_dim3A_2704, %select_n3A_2699 : vector<64x128xi1>, vector<64x128xf32>
    %slice3A_2706 = vector.extract_strided_slice %dot_general3A_27 {offsets = [384, 5760], sizes = [64, 128], strides = [1, 1]} : vector<512x8192xf32> to vector<64x128xf32>
    %gt3A_2707 = arith.cmpf ogt, %slice3A_2706, %select_n3A_2702 : vector<64x128xf32>
    %select_n3A_2708 = arith.select %gt3A_2707, %slice3A_2706, %select_n3A_2702 : vector<64x128xi1>, vector<64x128xf32>
    %jit3A_2709 = arith.constant 4.500000e+01 : f32
    %broadcast_in_dim3A_2710 = vector.broadcast %jit3A_2709 : f32 to vector<64x128xf32>
    %select_n3A_2711 = arith.select %gt3A_2707, %broadcast_in_dim3A_2710, %select_n3A_2705 : vector<64x128xi1>, vector<64x128xf32>
    %slice3A_2712 = vector.extract_strided_slice %dot_general3A_27 {offsets = [384, 5888], sizes = [64, 128], strides = [1, 1]} : vector<512x8192xf32> to vector<64x128xf32>
    %gt3A_2713 = arith.cmpf ogt, %slice3A_2712, %select_n3A_2708 : vector<64x128xf32>
    %select_n3A_2714 = arith.select %gt3A_2713, %slice3A_2712, %select_n3A_2708 : vector<64x128xi1>, vector<64x128xf32>
    %jit3A_2715 = arith.constant 4.600000e+01 : f32
    %broadcast_in_dim3A_2716 = vector.broadcast %jit3A_2715 : f32 to vector<64x128xf32>
    %select_n3A_2717 = arith.select %gt3A_2713, %broadcast_in_dim3A_2716, %select_n3A_2711 : vector<64x128xi1>, vector<64x128xf32>
    %slice3A_2718 = vector.extract_strided_slice %dot_general3A_27 {offsets = [384, 6016], sizes = [64, 128], strides = [1, 1]} : vector<512x8192xf32> to vector<64x128xf32>
    %gt3A_2719 = arith.cmpf ogt, %slice3A_2718, %select_n3A_2714 : vector<64x128xf32>
    %select_n3A_2720 = arith.select %gt3A_2719, %slice3A_2718, %select_n3A_2714 : vector<64x128xi1>, vector<64x128xf32>
    %jit3A_2721 = arith.constant 4.700000e+01 : f32
    %broadcast_in_dim3A_2722 = vector.broadcast %jit3A_2721 : f32 to vector<64x128xf32>
    %select_n3A_2723 = arith.select %gt3A_2719, %broadcast_in_dim3A_2722, %select_n3A_2717 : vector<64x128xi1>, vector<64x128xf32>
    %slice3A_2724 = vector.extract_strided_slice %dot_general3A_27 {offsets = [384, 6144], sizes = [64, 128], strides = [1, 1]} : vector<512x8192xf32> to vector<64x128xf32>
    %gt3A_2725 = arith.cmpf ogt, %slice3A_2724, %select_n3A_2720 : vector<64x128xf32>
    %select_n3A_2726 = arith.select %gt3A_2725, %slice3A_2724, %select_n3A_2720 : vector<64x128xi1>, vector<64x128xf32>
    %jit3A_2727 = arith.constant 4.800000e+01 : f32
    %broadcast_in_dim3A_2728 = vector.broadcast %jit3A_2727 : f32 to vector<64x128xf32>
    %select_n3A_2729 = arith.select %gt3A_2725, %broadcast_in_dim3A_2728, %select_n3A_2723 : vector<64x128xi1>, vector<64x128xf32>
    %slice3A_2730 = vector.extract_strided_slice %dot_general3A_27 {offsets = [384, 6272], sizes = [64, 128], strides = [1, 1]} : vector<512x8192xf32> to vector<64x128xf32>
    %gt3A_2731 = arith.cmpf ogt, %slice3A_2730, %select_n3A_2726 : vector<64x128xf32>
    %select_n3A_2732 = arith.select %gt3A_2731, %slice3A_2730, %select_n3A_2726 : vector<64x128xi1>, vector<64x128xf32>
    %jit3A_2733 = arith.constant 4.900000e+01 : f32
    %broadcast_in_dim3A_2734 = vector.broadcast %jit3A_2733 : f32 to vector<64x128xf32>
    %select_n3A_2735 = arith.select %gt3A_2731, %broadcast_in_dim3A_2734, %select_n3A_2729 : vector<64x128xi1>, vector<64x128xf32>
    %slice3A_2736 = vector.extract_strided_slice %dot_general3A_27 {offsets = [384, 6400], sizes = [64, 128], strides = [1, 1]} : vector<512x8192xf32> to vector<64x128xf32>
    %gt3A_2737 = arith.cmpf ogt, %slice3A_2736, %select_n3A_2732 : vector<64x128xf32>
    %select_n3A_2738 = arith.select %gt3A_2737, %slice3A_2736, %select_n3A_2732 : vector<64x128xi1>, vector<64x128xf32>
    %jit3A_2739 = arith.constant 5.000000e+01 : f32
    %broadcast_in_dim3A_2740 = vector.broadcast %jit3A_2739 : f32 to vector<64x128xf32>
    %select_n3A_2741 = arith.select %gt3A_2737, %broadcast_in_dim3A_2740, %select_n3A_2735 : vector<64x128xi1>, vector<64x128xf32>
    %slice3A_2742 = vector.extract_strided_slice %dot_general3A_27 {offsets = [384, 6528], sizes = [64, 128], strides = [1, 1]} : vector<512x8192xf32> to vector<64x128xf32>
    %gt3A_2743 = arith.cmpf ogt, %slice3A_2742, %select_n3A_2738 : vector<64x128xf32>
    %select_n3A_2744 = arith.select %gt3A_2743, %slice3A_2742, %select_n3A_2738 : vector<64x128xi1>, vector<64x128xf32>
    %jit3A_2745 = arith.constant 5.100000e+01 : f32
    %broadcast_in_dim3A_2746 = vector.broadcast %jit3A_2745 : f32 to vector<64x128xf32>
    %select_n3A_2747 = arith.select %gt3A_2743, %broadcast_in_dim3A_2746, %select_n3A_2741 : vector<64x128xi1>, vector<64x128xf32>
    %slice3A_2748 = vector.extract_strided_slice %dot_general3A_27 {offsets = [384, 6656], sizes = [64, 128], strides = [1, 1]} : vector<512x8192xf32> to vector<64x128xf32>
    %gt3A_2749 = arith.cmpf ogt, %slice3A_2748, %select_n3A_2744 : vector<64x128xf32>
    %select_n3A_2750 = arith.select %gt3A_2749, %slice3A_2748, %select_n3A_2744 : vector<64x128xi1>, vector<64x128xf32>
    %jit3A_2751 = arith.constant 5.200000e+01 : f32
    %broadcast_in_dim3A_2752 = vector.broadcast %jit3A_2751 : f32 to vector<64x128xf32>
    %select_n3A_2753 = arith.select %gt3A_2749, %broadcast_in_dim3A_2752, %select_n3A_2747 : vector<64x128xi1>, vector<64x128xf32>
    %slice3A_2754 = vector.extract_strided_slice %dot_general3A_27 {offsets = [384, 6784], sizes = [64, 128], strides = [1, 1]} : vector<512x8192xf32> to vector<64x128xf32>
    %gt3A_2755 = arith.cmpf ogt, %slice3A_2754, %select_n3A_2750 : vector<64x128xf32>
    %select_n3A_2756 = arith.select %gt3A_2755, %slice3A_2754, %select_n3A_2750 : vector<64x128xi1>, vector<64x128xf32>
    %jit3A_2757 = arith.constant 5.300000e+01 : f32
    %broadcast_in_dim3A_2758 = vector.broadcast %jit3A_2757 : f32 to vector<64x128xf32>
    %select_n3A_2759 = arith.select %gt3A_2755, %broadcast_in_dim3A_2758, %select_n3A_2753 : vector<64x128xi1>, vector<64x128xf32>
    %slice3A_2760 = vector.extract_strided_slice %dot_general3A_27 {offsets = [384, 6912], sizes = [64, 128], strides = [1, 1]} : vector<512x8192xf32> to vector<64x128xf32>
    %gt3A_2761 = arith.cmpf ogt, %slice3A_2760, %select_n3A_2756 : vector<64x128xf32>
    %select_n3A_2762 = arith.select %gt3A_2761, %slice3A_2760, %select_n3A_2756 : vector<64x128xi1>, vector<64x128xf32>
    %jit3A_2763 = arith.constant 5.400000e+01 : f32
    %broadcast_in_dim3A_2764 = vector.broadcast %jit3A_2763 : f32 to vector<64x128xf32>
    %select_n3A_2765 = arith.select %gt3A_2761, %broadcast_in_dim3A_2764, %select_n3A_2759 : vector<64x128xi1>, vector<64x128xf32>
    %slice3A_2766 = vector.extract_strided_slice %dot_general3A_27 {offsets = [384, 7040], sizes = [64, 128], strides = [1, 1]} : vector<512x8192xf32> to vector<64x128xf32>
    %gt3A_2767 = arith.cmpf ogt, %slice3A_2766, %select_n3A_2762 : vector<64x128xf32>
    %select_n3A_2768 = arith.select %gt3A_2767, %slice3A_2766, %select_n3A_2762 : vector<64x128xi1>, vector<64x128xf32>
    %jit3A_2769 = arith.constant 5.500000e+01 : f32
    %broadcast_in_dim3A_2770 = vector.broadcast %jit3A_2769 : f32 to vector<64x128xf32>
    %select_n3A_2771 = arith.select %gt3A_2767, %broadcast_in_dim3A_2770, %select_n3A_2765 : vector<64x128xi1>, vector<64x128xf32>
    %slice3A_2772 = vector.extract_strided_slice %dot_general3A_27 {offsets = [384, 7168], sizes = [64, 128], strides = [1, 1]} : vector<512x8192xf32> to vector<64x128xf32>
    %gt3A_2773 = arith.cmpf ogt, %slice3A_2772, %select_n3A_2768 : vector<64x128xf32>
    %select_n3A_2774 = arith.select %gt3A_2773, %slice3A_2772, %select_n3A_2768 : vector<64x128xi1>, vector<64x128xf32>
    %jit3A_2775 = arith.constant 5.600000e+01 : f32
    %broadcast_in_dim3A_2776 = vector.broadcast %jit3A_2775 : f32 to vector<64x128xf32>
    %select_n3A_2777 = arith.select %gt3A_2773, %broadcast_in_dim3A_2776, %select_n3A_2771 : vector<64x128xi1>, vector<64x128xf32>
    %slice3A_2778 = vector.extract_strided_slice %dot_general3A_27 {offsets = [384, 7296], sizes = [64, 128], strides = [1, 1]} : vector<512x8192xf32> to vector<64x128xf32>
    %gt3A_2779 = arith.cmpf ogt, %slice3A_2778, %select_n3A_2774 : vector<64x128xf32>
    %select_n3A_2780 = arith.select %gt3A_2779, %slice3A_2778, %select_n3A_2774 : vector<64x128xi1>, vector<64x128xf32>
    %jit3A_2781 = arith.constant 5.700000e+01 : f32
    %broadcast_in_dim3A_2782 = vector.broadcast %jit3A_2781 : f32 to vector<64x128xf32>
    %select_n3A_2783 = arith.select %gt3A_2779, %broadcast_in_dim3A_2782, %select_n3A_2777 : vector<64x128xi1>, vector<64x128xf32>
    %slice3A_2784 = vector.extract_strided_slice %dot_general3A_27 {offsets = [384, 7424], sizes = [64, 128], strides = [1, 1]} : vector<512x8192xf32> to vector<64x128xf32>
    %gt3A_2785 = arith.cmpf ogt, %slice3A_2784, %select_n3A_2780 : vector<64x128xf32>
    %select_n3A_2786 = arith.select %gt3A_2785, %slice3A_2784, %select_n3A_2780 : vector<64x128xi1>, vector<64x128xf32>
    %jit3A_2787 = arith.constant 5.800000e+01 : f32
    %broadcast_in_dim3A_2788 = vector.broadcast %jit3A_2787 : f32 to vector<64x128xf32>
    %select_n3A_2789 = arith.select %gt3A_2785, %broadcast_in_dim3A_2788, %select_n3A_2783 : vector<64x128xi1>, vector<64x128xf32>
    %slice3A_2790 = vector.extract_strided_slice %dot_general3A_27 {offsets = [384, 7552], sizes = [64, 128], strides = [1, 1]} : vector<512x8192xf32> to vector<64x128xf32>
    %gt3A_2791 = arith.cmpf ogt, %slice3A_2790, %select_n3A_2786 : vector<64x128xf32>
    %select_n3A_2792 = arith.select %gt3A_2791, %slice3A_2790, %select_n3A_2786 : vector<64x128xi1>, vector<64x128xf32>
    %jit3A_2793 = arith.constant 5.900000e+01 : f32
    %broadcast_in_dim3A_2794 = vector.broadcast %jit3A_2793 : f32 to vector<64x128xf32>
    %select_n3A_2795 = arith.select %gt3A_2791, %broadcast_in_dim3A_2794, %select_n3A_2789 : vector<64x128xi1>, vector<64x128xf32>
    %slice3A_2796 = vector.extract_strided_slice %dot_general3A_27 {offsets = [384, 7680], sizes = [64, 128], strides = [1, 1]} : vector<512x8192xf32> to vector<64x128xf32>
    %gt3A_2797 = arith.cmpf ogt, %slice3A_2796, %select_n3A_2792 : vector<64x128xf32>
    %select_n3A_2798 = arith.select %gt3A_2797, %slice3A_2796, %select_n3A_2792 : vector<64x128xi1>, vector<64x128xf32>
    %jit3A_2799 = arith.constant 6.000000e+01 : f32
    %broadcast_in_dim3A_2800 = vector.broadcast %jit3A_2799 : f32 to vector<64x128xf32>
    %select_n3A_2801 = arith.select %gt3A_2797, %broadcast_in_dim3A_2800, %select_n3A_2795 : vector<64x128xi1>, vector<64x128xf32>
    %slice3A_2802 = vector.extract_strided_slice %dot_general3A_27 {offsets = [384, 7808], sizes = [64, 128], strides = [1, 1]} : vector<512x8192xf32> to vector<64x128xf32>
    %gt3A_2803 = arith.cmpf ogt, %slice3A_2802, %select_n3A_2798 : vector<64x128xf32>
    %select_n3A_2804 = arith.select %gt3A_2803, %slice3A_2802, %select_n3A_2798 : vector<64x128xi1>, vector<64x128xf32>
    %jit3A_2805 = arith.constant 6.100000e+01 : f32
    %broadcast_in_dim3A_2806 = vector.broadcast %jit3A_2805 : f32 to vector<64x128xf32>
    %select_n3A_2807 = arith.select %gt3A_2803, %broadcast_in_dim3A_2806, %select_n3A_2801 : vector<64x128xi1>, vector<64x128xf32>
    %slice3A_2808 = vector.extract_strided_slice %dot_general3A_27 {offsets = [384, 7936], sizes = [64, 128], strides = [1, 1]} : vector<512x8192xf32> to vector<64x128xf32>
    %gt3A_2809 = arith.cmpf ogt, %slice3A_2808, %select_n3A_2804 : vector<64x128xf32>
    %select_n3A_2810 = arith.select %gt3A_2809, %slice3A_2808, %select_n3A_2804 : vector<64x128xi1>, vector<64x128xf32>
    %jit3A_2811 = arith.constant 6.200000e+01 : f32
    %broadcast_in_dim3A_2812 = vector.broadcast %jit3A_2811 : f32 to vector<64x128xf32>
    %select_n3A_2813 = arith.select %gt3A_2809, %broadcast_in_dim3A_2812, %select_n3A_2807 : vector<64x128xi1>, vector<64x128xf32>
    %slice3A_2814 = vector.extract_strided_slice %dot_general3A_27 {offsets = [384, 8064], sizes = [64, 128], strides = [1, 1]} : vector<512x8192xf32> to vector<64x128xf32>
    %gt3A_2815 = arith.cmpf ogt, %slice3A_2814, %select_n3A_2810 : vector<64x128xf32>
    %select_n3A_2816 = arith.select %gt3A_2815, %slice3A_2814, %select_n3A_2810 : vector<64x128xi1>, vector<64x128xf32>
    %jit3A_2817 = arith.constant 6.300000e+01 : f32
    %broadcast_in_dim3A_2818 = vector.broadcast %jit3A_2817 : f32 to vector<64x128xf32>
    %select_n3A_2819 = arith.select %gt3A_2815, %broadcast_in_dim3A_2818, %select_n3A_2813 : vector<64x128xi1>, vector<64x128xf32>
    %mul3A_2820 = arith.constant 1.280000e+02 : f32
    %mul3A_2821 = vector.broadcast %mul3A_2820 : f32 to vector<64x128xf32>
    %mul3A_2822 = arith.mulf %select_n3A_2819, %mul3A_2821 : vector<64x128xf32>
    %get3A_2823 = arith.constant 0 : index
    %get3A_2824 = arith.constant 0 : index
    %get3A_2825 = vector.load %arg6[%get3A_2823, %get3A_2824] : memref<1x8192xf32, #tpu.memory_space<vmem>>, vector<1x128xf32>
    %add3A_2826 = vector.broadcast %get3A_2825 : vector<1x128xf32> to vector<64x128xf32>
    %add3A_2827 = arith.addf %mul3A_2822, %add3A_2826 : vector<64x128xf32>
    %reduce_max3A_2828 = arith.constant dense<0xFF800000> : vector<64xf32>
    %reduce_max3A_2829 = vector.multi_reduction <maximumf>, %select_n3A_2816, %reduce_max3A_2828 [1] : vector<64x128xf32> to vector<64xf32>
    %broadcast_in_dim3A_2830 = vector.shape_cast %reduce_max3A_2829 : vector<64xf32> to vector<64x1xf32>
    %eq3A_2831 = vector.broadcast %broadcast_in_dim3A_2830 : vector<64x1xf32> to vector<64x128xf32>
    %eq3A_2832 = arith.cmpf oeq, %select_n3A_2816, %eq3A_2831 : vector<64x128xf32>
    %jit3A_2833 = arith.constant 8.192000e+03 : f32
    %broadcast_in_dim3A_2834 = vector.broadcast %jit3A_2833 : f32 to vector<64x128xf32>
    %select_n3A_2835 = arith.select %eq3A_2832, %add3A_2827, %broadcast_in_dim3A_2834 : vector<64x128xi1>, vector<64x128xf32>
    %reduce_min3A_2836 = arith.constant dense<0x7F800000> : vector<64xf32>
    %reduce_min3A_2837 = vector.multi_reduction <minimumf>, %select_n3A_2835, %reduce_min3A_2836 [1] : vector<64x128xf32> to vector<64xf32>
    %min3A_2838 = arith.constant 8.191000e+03 : f32
    %min3A_2839 = vector.broadcast %min3A_2838 : f32 to vector<64xf32>
    %min3A_2840 = arith.minimumf %reduce_min3A_2837, %min3A_2839 : vector<64xf32>
    %convert_element_type3A_2841 = arith.fptosi %min3A_2840 : vector<64xf32> to vector<64xi32>
    %slice3A_2842 = vector.extract_strided_slice %dot_general3A_27 {offsets = [448, 0], sizes = [64, 128], strides = [1, 1]} : vector<512x8192xf32> to vector<64x128xf32>
    %broadcast_in_dim3A_2843 = arith.constant 0.000000e+00 : f32
    %broadcast_in_dim3A_2844 = vector.broadcast %broadcast_in_dim3A_2843 : f32 to vector<64x128xf32>
    %slice3A_2845 = vector.extract_strided_slice %dot_general3A_27 {offsets = [448, 128], sizes = [64, 128], strides = [1, 1]} : vector<512x8192xf32> to vector<64x128xf32>
    %gt3A_2846 = arith.cmpf ogt, %slice3A_2845, %slice3A_2842 : vector<64x128xf32>
    %select_n3A_2847 = arith.select %gt3A_2846, %slice3A_2845, %slice3A_2842 : vector<64x128xi1>, vector<64x128xf32>
    %jit3A_2848 = arith.constant 1.000000e+00 : f32
    %broadcast_in_dim3A_2849 = vector.broadcast %jit3A_2848 : f32 to vector<64x128xf32>
    %select_n3A_2850 = arith.select %gt3A_2846, %broadcast_in_dim3A_2849, %broadcast_in_dim3A_2844 : vector<64x128xi1>, vector<64x128xf32>
    %slice3A_2851 = vector.extract_strided_slice %dot_general3A_27 {offsets = [448, 256], sizes = [64, 128], strides = [1, 1]} : vector<512x8192xf32> to vector<64x128xf32>
    %gt3A_2852 = arith.cmpf ogt, %slice3A_2851, %select_n3A_2847 : vector<64x128xf32>
    %select_n3A_2853 = arith.select %gt3A_2852, %slice3A_2851, %select_n3A_2847 : vector<64x128xi1>, vector<64x128xf32>
    %jit3A_2854 = arith.constant 2.000000e+00 : f32
    %broadcast_in_dim3A_2855 = vector.broadcast %jit3A_2854 : f32 to vector<64x128xf32>
    %select_n3A_2856 = arith.select %gt3A_2852, %broadcast_in_dim3A_2855, %select_n3A_2850 : vector<64x128xi1>, vector<64x128xf32>
    %slice3A_2857 = vector.extract_strided_slice %dot_general3A_27 {offsets = [448, 384], sizes = [64, 128], strides = [1, 1]} : vector<512x8192xf32> to vector<64x128xf32>
    %gt3A_2858 = arith.cmpf ogt, %slice3A_2857, %select_n3A_2853 : vector<64x128xf32>
    %select_n3A_2859 = arith.select %gt3A_2858, %slice3A_2857, %select_n3A_2853 : vector<64x128xi1>, vector<64x128xf32>
    %jit3A_2860 = arith.constant 3.000000e+00 : f32
    %broadcast_in_dim3A_2861 = vector.broadcast %jit3A_2860 : f32 to vector<64x128xf32>
    %select_n3A_2862 = arith.select %gt3A_2858, %broadcast_in_dim3A_2861, %select_n3A_2856 : vector<64x128xi1>, vector<64x128xf32>
    %slice3A_2863 = vector.extract_strided_slice %dot_general3A_27 {offsets = [448, 512], sizes = [64, 128], strides = [1, 1]} : vector<512x8192xf32> to vector<64x128xf32>
    %gt3A_2864 = arith.cmpf ogt, %slice3A_2863, %select_n3A_2859 : vector<64x128xf32>
    %select_n3A_2865 = arith.select %gt3A_2864, %slice3A_2863, %select_n3A_2859 : vector<64x128xi1>, vector<64x128xf32>
    %jit3A_2866 = arith.constant 4.000000e+00 : f32
    %broadcast_in_dim3A_2867 = vector.broadcast %jit3A_2866 : f32 to vector<64x128xf32>
    %select_n3A_2868 = arith.select %gt3A_2864, %broadcast_in_dim3A_2867, %select_n3A_2862 : vector<64x128xi1>, vector<64x128xf32>
    %slice3A_2869 = vector.extract_strided_slice %dot_general3A_27 {offsets = [448, 640], sizes = [64, 128], strides = [1, 1]} : vector<512x8192xf32> to vector<64x128xf32>
    %gt3A_2870 = arith.cmpf ogt, %slice3A_2869, %select_n3A_2865 : vector<64x128xf32>
    %select_n3A_2871 = arith.select %gt3A_2870, %slice3A_2869, %select_n3A_2865 : vector<64x128xi1>, vector<64x128xf32>
    %jit3A_2872 = arith.constant 5.000000e+00 : f32
    %broadcast_in_dim3A_2873 = vector.broadcast %jit3A_2872 : f32 to vector<64x128xf32>
    %select_n3A_2874 = arith.select %gt3A_2870, %broadcast_in_dim3A_2873, %select_n3A_2868 : vector<64x128xi1>, vector<64x128xf32>
    %slice3A_2875 = vector.extract_strided_slice %dot_general3A_27 {offsets = [448, 768], sizes = [64, 128], strides = [1, 1]} : vector<512x8192xf32> to vector<64x128xf32>
    %gt3A_2876 = arith.cmpf ogt, %slice3A_2875, %select_n3A_2871 : vector<64x128xf32>
    %select_n3A_2877 = arith.select %gt3A_2876, %slice3A_2875, %select_n3A_2871 : vector<64x128xi1>, vector<64x128xf32>
    %jit3A_2878 = arith.constant 6.000000e+00 : f32
    %broadcast_in_dim3A_2879 = vector.broadcast %jit3A_2878 : f32 to vector<64x128xf32>
    %select_n3A_2880 = arith.select %gt3A_2876, %broadcast_in_dim3A_2879, %select_n3A_2874 : vector<64x128xi1>, vector<64x128xf32>
    %slice3A_2881 = vector.extract_strided_slice %dot_general3A_27 {offsets = [448, 896], sizes = [64, 128], strides = [1, 1]} : vector<512x8192xf32> to vector<64x128xf32>
    %gt3A_2882 = arith.cmpf ogt, %slice3A_2881, %select_n3A_2877 : vector<64x128xf32>
    %select_n3A_2883 = arith.select %gt3A_2882, %slice3A_2881, %select_n3A_2877 : vector<64x128xi1>, vector<64x128xf32>
    %jit3A_2884 = arith.constant 7.000000e+00 : f32
    %broadcast_in_dim3A_2885 = vector.broadcast %jit3A_2884 : f32 to vector<64x128xf32>
    %select_n3A_2886 = arith.select %gt3A_2882, %broadcast_in_dim3A_2885, %select_n3A_2880 : vector<64x128xi1>, vector<64x128xf32>
    %slice3A_2887 = vector.extract_strided_slice %dot_general3A_27 {offsets = [448, 1024], sizes = [64, 128], strides = [1, 1]} : vector<512x8192xf32> to vector<64x128xf32>
    %gt3A_2888 = arith.cmpf ogt, %slice3A_2887, %select_n3A_2883 : vector<64x128xf32>
    %select_n3A_2889 = arith.select %gt3A_2888, %slice3A_2887, %select_n3A_2883 : vector<64x128xi1>, vector<64x128xf32>
    %jit3A_2890 = arith.constant 8.000000e+00 : f32
    %broadcast_in_dim3A_2891 = vector.broadcast %jit3A_2890 : f32 to vector<64x128xf32>
    %select_n3A_2892 = arith.select %gt3A_2888, %broadcast_in_dim3A_2891, %select_n3A_2886 : vector<64x128xi1>, vector<64x128xf32>
    %slice3A_2893 = vector.extract_strided_slice %dot_general3A_27 {offsets = [448, 1152], sizes = [64, 128], strides = [1, 1]} : vector<512x8192xf32> to vector<64x128xf32>
    %gt3A_2894 = arith.cmpf ogt, %slice3A_2893, %select_n3A_2889 : vector<64x128xf32>
    %select_n3A_2895 = arith.select %gt3A_2894, %slice3A_2893, %select_n3A_2889 : vector<64x128xi1>, vector<64x128xf32>
    %jit3A_2896 = arith.constant 9.000000e+00 : f32
    %broadcast_in_dim3A_2897 = vector.broadcast %jit3A_2896 : f32 to vector<64x128xf32>
    %select_n3A_2898 = arith.select %gt3A_2894, %broadcast_in_dim3A_2897, %select_n3A_2892 : vector<64x128xi1>, vector<64x128xf32>
    %slice3A_2899 = vector.extract_strided_slice %dot_general3A_27 {offsets = [448, 1280], sizes = [64, 128], strides = [1, 1]} : vector<512x8192xf32> to vector<64x128xf32>
    %gt3A_2900 = arith.cmpf ogt, %slice3A_2899, %select_n3A_2895 : vector<64x128xf32>
    %select_n3A_2901 = arith.select %gt3A_2900, %slice3A_2899, %select_n3A_2895 : vector<64x128xi1>, vector<64x128xf32>
    %jit3A_2902 = arith.constant 1.000000e+01 : f32
    %broadcast_in_dim3A_2903 = vector.broadcast %jit3A_2902 : f32 to vector<64x128xf32>
    %select_n3A_2904 = arith.select %gt3A_2900, %broadcast_in_dim3A_2903, %select_n3A_2898 : vector<64x128xi1>, vector<64x128xf32>
    %slice3A_2905 = vector.extract_strided_slice %dot_general3A_27 {offsets = [448, 1408], sizes = [64, 128], strides = [1, 1]} : vector<512x8192xf32> to vector<64x128xf32>
    %gt3A_2906 = arith.cmpf ogt, %slice3A_2905, %select_n3A_2901 : vector<64x128xf32>
    %select_n3A_2907 = arith.select %gt3A_2906, %slice3A_2905, %select_n3A_2901 : vector<64x128xi1>, vector<64x128xf32>
    %jit3A_2908 = arith.constant 1.100000e+01 : f32
    %broadcast_in_dim3A_2909 = vector.broadcast %jit3A_2908 : f32 to vector<64x128xf32>
    %select_n3A_2910 = arith.select %gt3A_2906, %broadcast_in_dim3A_2909, %select_n3A_2904 : vector<64x128xi1>, vector<64x128xf32>
    %slice3A_2911 = vector.extract_strided_slice %dot_general3A_27 {offsets = [448, 1536], sizes = [64, 128], strides = [1, 1]} : vector<512x8192xf32> to vector<64x128xf32>
    %gt3A_2912 = arith.cmpf ogt, %slice3A_2911, %select_n3A_2907 : vector<64x128xf32>
    %select_n3A_2913 = arith.select %gt3A_2912, %slice3A_2911, %select_n3A_2907 : vector<64x128xi1>, vector<64x128xf32>
    %jit3A_2914 = arith.constant 1.200000e+01 : f32
    %broadcast_in_dim3A_2915 = vector.broadcast %jit3A_2914 : f32 to vector<64x128xf32>
    %select_n3A_2916 = arith.select %gt3A_2912, %broadcast_in_dim3A_2915, %select_n3A_2910 : vector<64x128xi1>, vector<64x128xf32>
    %slice3A_2917 = vector.extract_strided_slice %dot_general3A_27 {offsets = [448, 1664], sizes = [64, 128], strides = [1, 1]} : vector<512x8192xf32> to vector<64x128xf32>
    %gt3A_2918 = arith.cmpf ogt, %slice3A_2917, %select_n3A_2913 : vector<64x128xf32>
    %select_n3A_2919 = arith.select %gt3A_2918, %slice3A_2917, %select_n3A_2913 : vector<64x128xi1>, vector<64x128xf32>
    %jit3A_2920 = arith.constant 1.300000e+01 : f32
    %broadcast_in_dim3A_2921 = vector.broadcast %jit3A_2920 : f32 to vector<64x128xf32>
    %select_n3A_2922 = arith.select %gt3A_2918, %broadcast_in_dim3A_2921, %select_n3A_2916 : vector<64x128xi1>, vector<64x128xf32>
    %slice3A_2923 = vector.extract_strided_slice %dot_general3A_27 {offsets = [448, 1792], sizes = [64, 128], strides = [1, 1]} : vector<512x8192xf32> to vector<64x128xf32>
    %gt3A_2924 = arith.cmpf ogt, %slice3A_2923, %select_n3A_2919 : vector<64x128xf32>
    %select_n3A_2925 = arith.select %gt3A_2924, %slice3A_2923, %select_n3A_2919 : vector<64x128xi1>, vector<64x128xf32>
    %jit3A_2926 = arith.constant 1.400000e+01 : f32
    %broadcast_in_dim3A_2927 = vector.broadcast %jit3A_2926 : f32 to vector<64x128xf32>
    %select_n3A_2928 = arith.select %gt3A_2924, %broadcast_in_dim3A_2927, %select_n3A_2922 : vector<64x128xi1>, vector<64x128xf32>
    %slice3A_2929 = vector.extract_strided_slice %dot_general3A_27 {offsets = [448, 1920], sizes = [64, 128], strides = [1, 1]} : vector<512x8192xf32> to vector<64x128xf32>
    %gt3A_2930 = arith.cmpf ogt, %slice3A_2929, %select_n3A_2925 : vector<64x128xf32>
    %select_n3A_2931 = arith.select %gt3A_2930, %slice3A_2929, %select_n3A_2925 : vector<64x128xi1>, vector<64x128xf32>
    %jit3A_2932 = arith.constant 1.500000e+01 : f32
    %broadcast_in_dim3A_2933 = vector.broadcast %jit3A_2932 : f32 to vector<64x128xf32>
    %select_n3A_2934 = arith.select %gt3A_2930, %broadcast_in_dim3A_2933, %select_n3A_2928 : vector<64x128xi1>, vector<64x128xf32>
    %slice3A_2935 = vector.extract_strided_slice %dot_general3A_27 {offsets = [448, 2048], sizes = [64, 128], strides = [1, 1]} : vector<512x8192xf32> to vector<64x128xf32>
    %gt3A_2936 = arith.cmpf ogt, %slice3A_2935, %select_n3A_2931 : vector<64x128xf32>
    %select_n3A_2937 = arith.select %gt3A_2936, %slice3A_2935, %select_n3A_2931 : vector<64x128xi1>, vector<64x128xf32>
    %jit3A_2938 = arith.constant 1.600000e+01 : f32
    %broadcast_in_dim3A_2939 = vector.broadcast %jit3A_2938 : f32 to vector<64x128xf32>
    %select_n3A_2940 = arith.select %gt3A_2936, %broadcast_in_dim3A_2939, %select_n3A_2934 : vector<64x128xi1>, vector<64x128xf32>
    %slice3A_2941 = vector.extract_strided_slice %dot_general3A_27 {offsets = [448, 2176], sizes = [64, 128], strides = [1, 1]} : vector<512x8192xf32> to vector<64x128xf32>
    %gt3A_2942 = arith.cmpf ogt, %slice3A_2941, %select_n3A_2937 : vector<64x128xf32>
    %select_n3A_2943 = arith.select %gt3A_2942, %slice3A_2941, %select_n3A_2937 : vector<64x128xi1>, vector<64x128xf32>
    %jit3A_2944 = arith.constant 1.700000e+01 : f32
    %broadcast_in_dim3A_2945 = vector.broadcast %jit3A_2944 : f32 to vector<64x128xf32>
    %select_n3A_2946 = arith.select %gt3A_2942, %broadcast_in_dim3A_2945, %select_n3A_2940 : vector<64x128xi1>, vector<64x128xf32>
    %slice3A_2947 = vector.extract_strided_slice %dot_general3A_27 {offsets = [448, 2304], sizes = [64, 128], strides = [1, 1]} : vector<512x8192xf32> to vector<64x128xf32>
    %gt3A_2948 = arith.cmpf ogt, %slice3A_2947, %select_n3A_2943 : vector<64x128xf32>
    %select_n3A_2949 = arith.select %gt3A_2948, %slice3A_2947, %select_n3A_2943 : vector<64x128xi1>, vector<64x128xf32>
    %jit3A_2950 = arith.constant 1.800000e+01 : f32
    %broadcast_in_dim3A_2951 = vector.broadcast %jit3A_2950 : f32 to vector<64x128xf32>
    %select_n3A_2952 = arith.select %gt3A_2948, %broadcast_in_dim3A_2951, %select_n3A_2946 : vector<64x128xi1>, vector<64x128xf32>
    %slice3A_2953 = vector.extract_strided_slice %dot_general3A_27 {offsets = [448, 2432], sizes = [64, 128], strides = [1, 1]} : vector<512x8192xf32> to vector<64x128xf32>
    %gt3A_2954 = arith.cmpf ogt, %slice3A_2953, %select_n3A_2949 : vector<64x128xf32>
    %select_n3A_2955 = arith.select %gt3A_2954, %slice3A_2953, %select_n3A_2949 : vector<64x128xi1>, vector<64x128xf32>
    %jit3A_2956 = arith.constant 1.900000e+01 : f32
    %broadcast_in_dim3A_2957 = vector.broadcast %jit3A_2956 : f32 to vector<64x128xf32>
    %select_n3A_2958 = arith.select %gt3A_2954, %broadcast_in_dim3A_2957, %select_n3A_2952 : vector<64x128xi1>, vector<64x128xf32>
    %slice3A_2959 = vector.extract_strided_slice %dot_general3A_27 {offsets = [448, 2560], sizes = [64, 128], strides = [1, 1]} : vector<512x8192xf32> to vector<64x128xf32>
    %gt3A_2960 = arith.cmpf ogt, %slice3A_2959, %select_n3A_2955 : vector<64x128xf32>
    %select_n3A_2961 = arith.select %gt3A_2960, %slice3A_2959, %select_n3A_2955 : vector<64x128xi1>, vector<64x128xf32>
    %jit3A_2962 = arith.constant 2.000000e+01 : f32
    %broadcast_in_dim3A_2963 = vector.broadcast %jit3A_2962 : f32 to vector<64x128xf32>
    %select_n3A_2964 = arith.select %gt3A_2960, %broadcast_in_dim3A_2963, %select_n3A_2958 : vector<64x128xi1>, vector<64x128xf32>
    %slice3A_2965 = vector.extract_strided_slice %dot_general3A_27 {offsets = [448, 2688], sizes = [64, 128], strides = [1, 1]} : vector<512x8192xf32> to vector<64x128xf32>
    %gt3A_2966 = arith.cmpf ogt, %slice3A_2965, %select_n3A_2961 : vector<64x128xf32>
    %select_n3A_2967 = arith.select %gt3A_2966, %slice3A_2965, %select_n3A_2961 : vector<64x128xi1>, vector<64x128xf32>
    %jit3A_2968 = arith.constant 2.100000e+01 : f32
    %broadcast_in_dim3A_2969 = vector.broadcast %jit3A_2968 : f32 to vector<64x128xf32>
    %select_n3A_2970 = arith.select %gt3A_2966, %broadcast_in_dim3A_2969, %select_n3A_2964 : vector<64x128xi1>, vector<64x128xf32>
    %slice3A_2971 = vector.extract_strided_slice %dot_general3A_27 {offsets = [448, 2816], sizes = [64, 128], strides = [1, 1]} : vector<512x8192xf32> to vector<64x128xf32>
    %gt3A_2972 = arith.cmpf ogt, %slice3A_2971, %select_n3A_2967 : vector<64x128xf32>
    %select_n3A_2973 = arith.select %gt3A_2972, %slice3A_2971, %select_n3A_2967 : vector<64x128xi1>, vector<64x128xf32>
    %jit3A_2974 = arith.constant 2.200000e+01 : f32
    %broadcast_in_dim3A_2975 = vector.broadcast %jit3A_2974 : f32 to vector<64x128xf32>
    %select_n3A_2976 = arith.select %gt3A_2972, %broadcast_in_dim3A_2975, %select_n3A_2970 : vector<64x128xi1>, vector<64x128xf32>
    %slice3A_2977 = vector.extract_strided_slice %dot_general3A_27 {offsets = [448, 2944], sizes = [64, 128], strides = [1, 1]} : vector<512x8192xf32> to vector<64x128xf32>
    %gt3A_2978 = arith.cmpf ogt, %slice3A_2977, %select_n3A_2973 : vector<64x128xf32>
    %select_n3A_2979 = arith.select %gt3A_2978, %slice3A_2977, %select_n3A_2973 : vector<64x128xi1>, vector<64x128xf32>
    %jit3A_2980 = arith.constant 2.300000e+01 : f32
    %broadcast_in_dim3A_2981 = vector.broadcast %jit3A_2980 : f32 to vector<64x128xf32>
    %select_n3A_2982 = arith.select %gt3A_2978, %broadcast_in_dim3A_2981, %select_n3A_2976 : vector<64x128xi1>, vector<64x128xf32>
    %slice3A_2983 = vector.extract_strided_slice %dot_general3A_27 {offsets = [448, 3072], sizes = [64, 128], strides = [1, 1]} : vector<512x8192xf32> to vector<64x128xf32>
    %gt3A_2984 = arith.cmpf ogt, %slice3A_2983, %select_n3A_2979 : vector<64x128xf32>
    %select_n3A_2985 = arith.select %gt3A_2984, %slice3A_2983, %select_n3A_2979 : vector<64x128xi1>, vector<64x128xf32>
    %jit3A_2986 = arith.constant 2.400000e+01 : f32
    %broadcast_in_dim3A_2987 = vector.broadcast %jit3A_2986 : f32 to vector<64x128xf32>
    %select_n3A_2988 = arith.select %gt3A_2984, %broadcast_in_dim3A_2987, %select_n3A_2982 : vector<64x128xi1>, vector<64x128xf32>
    %slice3A_2989 = vector.extract_strided_slice %dot_general3A_27 {offsets = [448, 3200], sizes = [64, 128], strides = [1, 1]} : vector<512x8192xf32> to vector<64x128xf32>
    %gt3A_2990 = arith.cmpf ogt, %slice3A_2989, %select_n3A_2985 : vector<64x128xf32>
    %select_n3A_2991 = arith.select %gt3A_2990, %slice3A_2989, %select_n3A_2985 : vector<64x128xi1>, vector<64x128xf32>
    %jit3A_2992 = arith.constant 2.500000e+01 : f32
    %broadcast_in_dim3A_2993 = vector.broadcast %jit3A_2992 : f32 to vector<64x128xf32>
    %select_n3A_2994 = arith.select %gt3A_2990, %broadcast_in_dim3A_2993, %select_n3A_2988 : vector<64x128xi1>, vector<64x128xf32>
    %slice3A_2995 = vector.extract_strided_slice %dot_general3A_27 {offsets = [448, 3328], sizes = [64, 128], strides = [1, 1]} : vector<512x8192xf32> to vector<64x128xf32>
    %gt3A_2996 = arith.cmpf ogt, %slice3A_2995, %select_n3A_2991 : vector<64x128xf32>
    %select_n3A_2997 = arith.select %gt3A_2996, %slice3A_2995, %select_n3A_2991 : vector<64x128xi1>, vector<64x128xf32>
    %jit3A_2998 = arith.constant 2.600000e+01 : f32
    %broadcast_in_dim3A_2999 = vector.broadcast %jit3A_2998 : f32 to vector<64x128xf32>
    %select_n3A_3000 = arith.select %gt3A_2996, %broadcast_in_dim3A_2999, %select_n3A_2994 : vector<64x128xi1>, vector<64x128xf32>
    %slice3A_3001 = vector.extract_strided_slice %dot_general3A_27 {offsets = [448, 3456], sizes = [64, 128], strides = [1, 1]} : vector<512x8192xf32> to vector<64x128xf32>
    %gt3A_3002 = arith.cmpf ogt, %slice3A_3001, %select_n3A_2997 : vector<64x128xf32>
    %select_n3A_3003 = arith.select %gt3A_3002, %slice3A_3001, %select_n3A_2997 : vector<64x128xi1>, vector<64x128xf32>
    %jit3A_3004 = arith.constant 2.700000e+01 : f32
    %broadcast_in_dim3A_3005 = vector.broadcast %jit3A_3004 : f32 to vector<64x128xf32>
    %select_n3A_3006 = arith.select %gt3A_3002, %broadcast_in_dim3A_3005, %select_n3A_3000 : vector<64x128xi1>, vector<64x128xf32>
    %slice3A_3007 = vector.extract_strided_slice %dot_general3A_27 {offsets = [448, 3584], sizes = [64, 128], strides = [1, 1]} : vector<512x8192xf32> to vector<64x128xf32>
    %gt3A_3008 = arith.cmpf ogt, %slice3A_3007, %select_n3A_3003 : vector<64x128xf32>
    %select_n3A_3009 = arith.select %gt3A_3008, %slice3A_3007, %select_n3A_3003 : vector<64x128xi1>, vector<64x128xf32>
    %jit3A_3010 = arith.constant 2.800000e+01 : f32
    %broadcast_in_dim3A_3011 = vector.broadcast %jit3A_3010 : f32 to vector<64x128xf32>
    %select_n3A_3012 = arith.select %gt3A_3008, %broadcast_in_dim3A_3011, %select_n3A_3006 : vector<64x128xi1>, vector<64x128xf32>
    %slice3A_3013 = vector.extract_strided_slice %dot_general3A_27 {offsets = [448, 3712], sizes = [64, 128], strides = [1, 1]} : vector<512x8192xf32> to vector<64x128xf32>
    %gt3A_3014 = arith.cmpf ogt, %slice3A_3013, %select_n3A_3009 : vector<64x128xf32>
    %select_n3A_3015 = arith.select %gt3A_3014, %slice3A_3013, %select_n3A_3009 : vector<64x128xi1>, vector<64x128xf32>
    %jit3A_3016 = arith.constant 2.900000e+01 : f32
    %broadcast_in_dim3A_3017 = vector.broadcast %jit3A_3016 : f32 to vector<64x128xf32>
    %select_n3A_3018 = arith.select %gt3A_3014, %broadcast_in_dim3A_3017, %select_n3A_3012 : vector<64x128xi1>, vector<64x128xf32>
    %slice3A_3019 = vector.extract_strided_slice %dot_general3A_27 {offsets = [448, 3840], sizes = [64, 128], strides = [1, 1]} : vector<512x8192xf32> to vector<64x128xf32>
    %gt3A_3020 = arith.cmpf ogt, %slice3A_3019, %select_n3A_3015 : vector<64x128xf32>
    %select_n3A_3021 = arith.select %gt3A_3020, %slice3A_3019, %select_n3A_3015 : vector<64x128xi1>, vector<64x128xf32>
    %jit3A_3022 = arith.constant 3.000000e+01 : f32
    %broadcast_in_dim3A_3023 = vector.broadcast %jit3A_3022 : f32 to vector<64x128xf32>
    %select_n3A_3024 = arith.select %gt3A_3020, %broadcast_in_dim3A_3023, %select_n3A_3018 : vector<64x128xi1>, vector<64x128xf32>
    %slice3A_3025 = vector.extract_strided_slice %dot_general3A_27 {offsets = [448, 3968], sizes = [64, 128], strides = [1, 1]} : vector<512x8192xf32> to vector<64x128xf32>
    %gt3A_3026 = arith.cmpf ogt, %slice3A_3025, %select_n3A_3021 : vector<64x128xf32>
    %select_n3A_3027 = arith.select %gt3A_3026, %slice3A_3025, %select_n3A_3021 : vector<64x128xi1>, vector<64x128xf32>
    %jit3A_3028 = arith.constant 3.100000e+01 : f32
    %broadcast_in_dim3A_3029 = vector.broadcast %jit3A_3028 : f32 to vector<64x128xf32>
    %select_n3A_3030 = arith.select %gt3A_3026, %broadcast_in_dim3A_3029, %select_n3A_3024 : vector<64x128xi1>, vector<64x128xf32>
    %slice3A_3031 = vector.extract_strided_slice %dot_general3A_27 {offsets = [448, 4096], sizes = [64, 128], strides = [1, 1]} : vector<512x8192xf32> to vector<64x128xf32>
    %gt3A_3032 = arith.cmpf ogt, %slice3A_3031, %select_n3A_3027 : vector<64x128xf32>
    %select_n3A_3033 = arith.select %gt3A_3032, %slice3A_3031, %select_n3A_3027 : vector<64x128xi1>, vector<64x128xf32>
    %jit3A_3034 = arith.constant 3.200000e+01 : f32
    %broadcast_in_dim3A_3035 = vector.broadcast %jit3A_3034 : f32 to vector<64x128xf32>
    %select_n3A_3036 = arith.select %gt3A_3032, %broadcast_in_dim3A_3035, %select_n3A_3030 : vector<64x128xi1>, vector<64x128xf32>
    %slice3A_3037 = vector.extract_strided_slice %dot_general3A_27 {offsets = [448, 4224], sizes = [64, 128], strides = [1, 1]} : vector<512x8192xf32> to vector<64x128xf32>
    %gt3A_3038 = arith.cmpf ogt, %slice3A_3037, %select_n3A_3033 : vector<64x128xf32>
    %select_n3A_3039 = arith.select %gt3A_3038, %slice3A_3037, %select_n3A_3033 : vector<64x128xi1>, vector<64x128xf32>
    %jit3A_3040 = arith.constant 3.300000e+01 : f32
    %broadcast_in_dim3A_3041 = vector.broadcast %jit3A_3040 : f32 to vector<64x128xf32>
    %select_n3A_3042 = arith.select %gt3A_3038, %broadcast_in_dim3A_3041, %select_n3A_3036 : vector<64x128xi1>, vector<64x128xf32>
    %slice3A_3043 = vector.extract_strided_slice %dot_general3A_27 {offsets = [448, 4352], sizes = [64, 128], strides = [1, 1]} : vector<512x8192xf32> to vector<64x128xf32>
    %gt3A_3044 = arith.cmpf ogt, %slice3A_3043, %select_n3A_3039 : vector<64x128xf32>
    %select_n3A_3045 = arith.select %gt3A_3044, %slice3A_3043, %select_n3A_3039 : vector<64x128xi1>, vector<64x128xf32>
    %jit3A_3046 = arith.constant 3.400000e+01 : f32
    %broadcast_in_dim3A_3047 = vector.broadcast %jit3A_3046 : f32 to vector<64x128xf32>
    %select_n3A_3048 = arith.select %gt3A_3044, %broadcast_in_dim3A_3047, %select_n3A_3042 : vector<64x128xi1>, vector<64x128xf32>
    %slice3A_3049 = vector.extract_strided_slice %dot_general3A_27 {offsets = [448, 4480], sizes = [64, 128], strides = [1, 1]} : vector<512x8192xf32> to vector<64x128xf32>
    %gt3A_3050 = arith.cmpf ogt, %slice3A_3049, %select_n3A_3045 : vector<64x128xf32>
    %select_n3A_3051 = arith.select %gt3A_3050, %slice3A_3049, %select_n3A_3045 : vector<64x128xi1>, vector<64x128xf32>
    %jit3A_3052 = arith.constant 3.500000e+01 : f32
    %broadcast_in_dim3A_3053 = vector.broadcast %jit3A_3052 : f32 to vector<64x128xf32>
    %select_n3A_3054 = arith.select %gt3A_3050, %broadcast_in_dim3A_3053, %select_n3A_3048 : vector<64x128xi1>, vector<64x128xf32>
    %slice3A_3055 = vector.extract_strided_slice %dot_general3A_27 {offsets = [448, 4608], sizes = [64, 128], strides = [1, 1]} : vector<512x8192xf32> to vector<64x128xf32>
    %gt3A_3056 = arith.cmpf ogt, %slice3A_3055, %select_n3A_3051 : vector<64x128xf32>
    %select_n3A_3057 = arith.select %gt3A_3056, %slice3A_3055, %select_n3A_3051 : vector<64x128xi1>, vector<64x128xf32>
    %jit3A_3058 = arith.constant 3.600000e+01 : f32
    %broadcast_in_dim3A_3059 = vector.broadcast %jit3A_3058 : f32 to vector<64x128xf32>
    %select_n3A_3060 = arith.select %gt3A_3056, %broadcast_in_dim3A_3059, %select_n3A_3054 : vector<64x128xi1>, vector<64x128xf32>
    %slice3A_3061 = vector.extract_strided_slice %dot_general3A_27 {offsets = [448, 4736], sizes = [64, 128], strides = [1, 1]} : vector<512x8192xf32> to vector<64x128xf32>
    %gt3A_3062 = arith.cmpf ogt, %slice3A_3061, %select_n3A_3057 : vector<64x128xf32>
    %select_n3A_3063 = arith.select %gt3A_3062, %slice3A_3061, %select_n3A_3057 : vector<64x128xi1>, vector<64x128xf32>
    %jit3A_3064 = arith.constant 3.700000e+01 : f32
    %broadcast_in_dim3A_3065 = vector.broadcast %jit3A_3064 : f32 to vector<64x128xf32>
    %select_n3A_3066 = arith.select %gt3A_3062, %broadcast_in_dim3A_3065, %select_n3A_3060 : vector<64x128xi1>, vector<64x128xf32>
    %slice3A_3067 = vector.extract_strided_slice %dot_general3A_27 {offsets = [448, 4864], sizes = [64, 128], strides = [1, 1]} : vector<512x8192xf32> to vector<64x128xf32>
    %gt3A_3068 = arith.cmpf ogt, %slice3A_3067, %select_n3A_3063 : vector<64x128xf32>
    %select_n3A_3069 = arith.select %gt3A_3068, %slice3A_3067, %select_n3A_3063 : vector<64x128xi1>, vector<64x128xf32>
    %jit3A_3070 = arith.constant 3.800000e+01 : f32
    %broadcast_in_dim3A_3071 = vector.broadcast %jit3A_3070 : f32 to vector<64x128xf32>
    %select_n3A_3072 = arith.select %gt3A_3068, %broadcast_in_dim3A_3071, %select_n3A_3066 : vector<64x128xi1>, vector<64x128xf32>
    %slice3A_3073 = vector.extract_strided_slice %dot_general3A_27 {offsets = [448, 4992], sizes = [64, 128], strides = [1, 1]} : vector<512x8192xf32> to vector<64x128xf32>
    %gt3A_3074 = arith.cmpf ogt, %slice3A_3073, %select_n3A_3069 : vector<64x128xf32>
    %select_n3A_3075 = arith.select %gt3A_3074, %slice3A_3073, %select_n3A_3069 : vector<64x128xi1>, vector<64x128xf32>
    %jit3A_3076 = arith.constant 3.900000e+01 : f32
    %broadcast_in_dim3A_3077 = vector.broadcast %jit3A_3076 : f32 to vector<64x128xf32>
    %select_n3A_3078 = arith.select %gt3A_3074, %broadcast_in_dim3A_3077, %select_n3A_3072 : vector<64x128xi1>, vector<64x128xf32>
    %slice3A_3079 = vector.extract_strided_slice %dot_general3A_27 {offsets = [448, 5120], sizes = [64, 128], strides = [1, 1]} : vector<512x8192xf32> to vector<64x128xf32>
    %gt3A_3080 = arith.cmpf ogt, %slice3A_3079, %select_n3A_3075 : vector<64x128xf32>
    %select_n3A_3081 = arith.select %gt3A_3080, %slice3A_3079, %select_n3A_3075 : vector<64x128xi1>, vector<64x128xf32>
    %jit3A_3082 = arith.constant 4.000000e+01 : f32
    %broadcast_in_dim3A_3083 = vector.broadcast %jit3A_3082 : f32 to vector<64x128xf32>
    %select_n3A_3084 = arith.select %gt3A_3080, %broadcast_in_dim3A_3083, %select_n3A_3078 : vector<64x128xi1>, vector<64x128xf32>
    %slice3A_3085 = vector.extract_strided_slice %dot_general3A_27 {offsets = [448, 5248], sizes = [64, 128], strides = [1, 1]} : vector<512x8192xf32> to vector<64x128xf32>
    %gt3A_3086 = arith.cmpf ogt, %slice3A_3085, %select_n3A_3081 : vector<64x128xf32>
    %select_n3A_3087 = arith.select %gt3A_3086, %slice3A_3085, %select_n3A_3081 : vector<64x128xi1>, vector<64x128xf32>
    %jit3A_3088 = arith.constant 4.100000e+01 : f32
    %broadcast_in_dim3A_3089 = vector.broadcast %jit3A_3088 : f32 to vector<64x128xf32>
    %select_n3A_3090 = arith.select %gt3A_3086, %broadcast_in_dim3A_3089, %select_n3A_3084 : vector<64x128xi1>, vector<64x128xf32>
    %slice3A_3091 = vector.extract_strided_slice %dot_general3A_27 {offsets = [448, 5376], sizes = [64, 128], strides = [1, 1]} : vector<512x8192xf32> to vector<64x128xf32>
    %gt3A_3092 = arith.cmpf ogt, %slice3A_3091, %select_n3A_3087 : vector<64x128xf32>
    %select_n3A_3093 = arith.select %gt3A_3092, %slice3A_3091, %select_n3A_3087 : vector<64x128xi1>, vector<64x128xf32>
    %jit3A_3094 = arith.constant 4.200000e+01 : f32
    %broadcast_in_dim3A_3095 = vector.broadcast %jit3A_3094 : f32 to vector<64x128xf32>
    %select_n3A_3096 = arith.select %gt3A_3092, %broadcast_in_dim3A_3095, %select_n3A_3090 : vector<64x128xi1>, vector<64x128xf32>
    %slice3A_3097 = vector.extract_strided_slice %dot_general3A_27 {offsets = [448, 5504], sizes = [64, 128], strides = [1, 1]} : vector<512x8192xf32> to vector<64x128xf32>
    %gt3A_3098 = arith.cmpf ogt, %slice3A_3097, %select_n3A_3093 : vector<64x128xf32>
    %select_n3A_3099 = arith.select %gt3A_3098, %slice3A_3097, %select_n3A_3093 : vector<64x128xi1>, vector<64x128xf32>
    %jit3A_3100 = arith.constant 4.300000e+01 : f32
    %broadcast_in_dim3A_3101 = vector.broadcast %jit3A_3100 : f32 to vector<64x128xf32>
    %select_n3A_3102 = arith.select %gt3A_3098, %broadcast_in_dim3A_3101, %select_n3A_3096 : vector<64x128xi1>, vector<64x128xf32>
    %slice3A_3103 = vector.extract_strided_slice %dot_general3A_27 {offsets = [448, 5632], sizes = [64, 128], strides = [1, 1]} : vector<512x8192xf32> to vector<64x128xf32>
    %gt3A_3104 = arith.cmpf ogt, %slice3A_3103, %select_n3A_3099 : vector<64x128xf32>
    %select_n3A_3105 = arith.select %gt3A_3104, %slice3A_3103, %select_n3A_3099 : vector<64x128xi1>, vector<64x128xf32>
    %jit3A_3106 = arith.constant 4.400000e+01 : f32
    %broadcast_in_dim3A_3107 = vector.broadcast %jit3A_3106 : f32 to vector<64x128xf32>
    %select_n3A_3108 = arith.select %gt3A_3104, %broadcast_in_dim3A_3107, %select_n3A_3102 : vector<64x128xi1>, vector<64x128xf32>
    %slice3A_3109 = vector.extract_strided_slice %dot_general3A_27 {offsets = [448, 5760], sizes = [64, 128], strides = [1, 1]} : vector<512x8192xf32> to vector<64x128xf32>
    %gt3A_3110 = arith.cmpf ogt, %slice3A_3109, %select_n3A_3105 : vector<64x128xf32>
    %select_n3A_3111 = arith.select %gt3A_3110, %slice3A_3109, %select_n3A_3105 : vector<64x128xi1>, vector<64x128xf32>
    %jit3A_3112 = arith.constant 4.500000e+01 : f32
    %broadcast_in_dim3A_3113 = vector.broadcast %jit3A_3112 : f32 to vector<64x128xf32>
    %select_n3A_3114 = arith.select %gt3A_3110, %broadcast_in_dim3A_3113, %select_n3A_3108 : vector<64x128xi1>, vector<64x128xf32>
    %slice3A_3115 = vector.extract_strided_slice %dot_general3A_27 {offsets = [448, 5888], sizes = [64, 128], strides = [1, 1]} : vector<512x8192xf32> to vector<64x128xf32>
    %gt3A_3116 = arith.cmpf ogt, %slice3A_3115, %select_n3A_3111 : vector<64x128xf32>
    %select_n3A_3117 = arith.select %gt3A_3116, %slice3A_3115, %select_n3A_3111 : vector<64x128xi1>, vector<64x128xf32>
    %jit3A_3118 = arith.constant 4.600000e+01 : f32
    %broadcast_in_dim3A_3119 = vector.broadcast %jit3A_3118 : f32 to vector<64x128xf32>
    %select_n3A_3120 = arith.select %gt3A_3116, %broadcast_in_dim3A_3119, %select_n3A_3114 : vector<64x128xi1>, vector<64x128xf32>
    %slice3A_3121 = vector.extract_strided_slice %dot_general3A_27 {offsets = [448, 6016], sizes = [64, 128], strides = [1, 1]} : vector<512x8192xf32> to vector<64x128xf32>
    %gt3A_3122 = arith.cmpf ogt, %slice3A_3121, %select_n3A_3117 : vector<64x128xf32>
    %select_n3A_3123 = arith.select %gt3A_3122, %slice3A_3121, %select_n3A_3117 : vector<64x128xi1>, vector<64x128xf32>
    %jit3A_3124 = arith.constant 4.700000e+01 : f32
    %broadcast_in_dim3A_3125 = vector.broadcast %jit3A_3124 : f32 to vector<64x128xf32>
    %select_n3A_3126 = arith.select %gt3A_3122, %broadcast_in_dim3A_3125, %select_n3A_3120 : vector<64x128xi1>, vector<64x128xf32>
    %slice3A_3127 = vector.extract_strided_slice %dot_general3A_27 {offsets = [448, 6144], sizes = [64, 128], strides = [1, 1]} : vector<512x8192xf32> to vector<64x128xf32>
    %gt3A_3128 = arith.cmpf ogt, %slice3A_3127, %select_n3A_3123 : vector<64x128xf32>
    %select_n3A_3129 = arith.select %gt3A_3128, %slice3A_3127, %select_n3A_3123 : vector<64x128xi1>, vector<64x128xf32>
    %jit3A_3130 = arith.constant 4.800000e+01 : f32
    %broadcast_in_dim3A_3131 = vector.broadcast %jit3A_3130 : f32 to vector<64x128xf32>
    %select_n3A_3132 = arith.select %gt3A_3128, %broadcast_in_dim3A_3131, %select_n3A_3126 : vector<64x128xi1>, vector<64x128xf32>
    %slice3A_3133 = vector.extract_strided_slice %dot_general3A_27 {offsets = [448, 6272], sizes = [64, 128], strides = [1, 1]} : vector<512x8192xf32> to vector<64x128xf32>
    %gt3A_3134 = arith.cmpf ogt, %slice3A_3133, %select_n3A_3129 : vector<64x128xf32>
    %select_n3A_3135 = arith.select %gt3A_3134, %slice3A_3133, %select_n3A_3129 : vector<64x128xi1>, vector<64x128xf32>
    %jit3A_3136 = arith.constant 4.900000e+01 : f32
    %broadcast_in_dim3A_3137 = vector.broadcast %jit3A_3136 : f32 to vector<64x128xf32>
    %select_n3A_3138 = arith.select %gt3A_3134, %broadcast_in_dim3A_3137, %select_n3A_3132 : vector<64x128xi1>, vector<64x128xf32>
    %slice3A_3139 = vector.extract_strided_slice %dot_general3A_27 {offsets = [448, 6400], sizes = [64, 128], strides = [1, 1]} : vector<512x8192xf32> to vector<64x128xf32>
    %gt3A_3140 = arith.cmpf ogt, %slice3A_3139, %select_n3A_3135 : vector<64x128xf32>
    %select_n3A_3141 = arith.select %gt3A_3140, %slice3A_3139, %select_n3A_3135 : vector<64x128xi1>, vector<64x128xf32>
    %jit3A_3142 = arith.constant 5.000000e+01 : f32
    %broadcast_in_dim3A_3143 = vector.broadcast %jit3A_3142 : f32 to vector<64x128xf32>
    %select_n3A_3144 = arith.select %gt3A_3140, %broadcast_in_dim3A_3143, %select_n3A_3138 : vector<64x128xi1>, vector<64x128xf32>
    %slice3A_3145 = vector.extract_strided_slice %dot_general3A_27 {offsets = [448, 6528], sizes = [64, 128], strides = [1, 1]} : vector<512x8192xf32> to vector<64x128xf32>
    %gt3A_3146 = arith.cmpf ogt, %slice3A_3145, %select_n3A_3141 : vector<64x128xf32>
    %select_n3A_3147 = arith.select %gt3A_3146, %slice3A_3145, %select_n3A_3141 : vector<64x128xi1>, vector<64x128xf32>
    %jit3A_3148 = arith.constant 5.100000e+01 : f32
    %broadcast_in_dim3A_3149 = vector.broadcast %jit3A_3148 : f32 to vector<64x128xf32>
    %select_n3A_3150 = arith.select %gt3A_3146, %broadcast_in_dim3A_3149, %select_n3A_3144 : vector<64x128xi1>, vector<64x128xf32>
    %slice3A_3151 = vector.extract_strided_slice %dot_general3A_27 {offsets = [448, 6656], sizes = [64, 128], strides = [1, 1]} : vector<512x8192xf32> to vector<64x128xf32>
    %gt3A_3152 = arith.cmpf ogt, %slice3A_3151, %select_n3A_3147 : vector<64x128xf32>
    %select_n3A_3153 = arith.select %gt3A_3152, %slice3A_3151, %select_n3A_3147 : vector<64x128xi1>, vector<64x128xf32>
    %jit3A_3154 = arith.constant 5.200000e+01 : f32
    %broadcast_in_dim3A_3155 = vector.broadcast %jit3A_3154 : f32 to vector<64x128xf32>
    %select_n3A_3156 = arith.select %gt3A_3152, %broadcast_in_dim3A_3155, %select_n3A_3150 : vector<64x128xi1>, vector<64x128xf32>
    %slice3A_3157 = vector.extract_strided_slice %dot_general3A_27 {offsets = [448, 6784], sizes = [64, 128], strides = [1, 1]} : vector<512x8192xf32> to vector<64x128xf32>
    %gt3A_3158 = arith.cmpf ogt, %slice3A_3157, %select_n3A_3153 : vector<64x128xf32>
    %select_n3A_3159 = arith.select %gt3A_3158, %slice3A_3157, %select_n3A_3153 : vector<64x128xi1>, vector<64x128xf32>
    %jit3A_3160 = arith.constant 5.300000e+01 : f32
    %broadcast_in_dim3A_3161 = vector.broadcast %jit3A_3160 : f32 to vector<64x128xf32>
    %select_n3A_3162 = arith.select %gt3A_3158, %broadcast_in_dim3A_3161, %select_n3A_3156 : vector<64x128xi1>, vector<64x128xf32>
    %slice3A_3163 = vector.extract_strided_slice %dot_general3A_27 {offsets = [448, 6912], sizes = [64, 128], strides = [1, 1]} : vector<512x8192xf32> to vector<64x128xf32>
    %gt3A_3164 = arith.cmpf ogt, %slice3A_3163, %select_n3A_3159 : vector<64x128xf32>
    %select_n3A_3165 = arith.select %gt3A_3164, %slice3A_3163, %select_n3A_3159 : vector<64x128xi1>, vector<64x128xf32>
    %jit3A_3166 = arith.constant 5.400000e+01 : f32
    %broadcast_in_dim3A_3167 = vector.broadcast %jit3A_3166 : f32 to vector<64x128xf32>
    %select_n3A_3168 = arith.select %gt3A_3164, %broadcast_in_dim3A_3167, %select_n3A_3162 : vector<64x128xi1>, vector<64x128xf32>
    %slice3A_3169 = vector.extract_strided_slice %dot_general3A_27 {offsets = [448, 7040], sizes = [64, 128], strides = [1, 1]} : vector<512x8192xf32> to vector<64x128xf32>
    %gt3A_3170 = arith.cmpf ogt, %slice3A_3169, %select_n3A_3165 : vector<64x128xf32>
    %select_n3A_3171 = arith.select %gt3A_3170, %slice3A_3169, %select_n3A_3165 : vector<64x128xi1>, vector<64x128xf32>
    %jit3A_3172 = arith.constant 5.500000e+01 : f32
    %broadcast_in_dim3A_3173 = vector.broadcast %jit3A_3172 : f32 to vector<64x128xf32>
    %select_n3A_3174 = arith.select %gt3A_3170, %broadcast_in_dim3A_3173, %select_n3A_3168 : vector<64x128xi1>, vector<64x128xf32>
    %slice3A_3175 = vector.extract_strided_slice %dot_general3A_27 {offsets = [448, 7168], sizes = [64, 128], strides = [1, 1]} : vector<512x8192xf32> to vector<64x128xf32>
    %gt3A_3176 = arith.cmpf ogt, %slice3A_3175, %select_n3A_3171 : vector<64x128xf32>
    %select_n3A_3177 = arith.select %gt3A_3176, %slice3A_3175, %select_n3A_3171 : vector<64x128xi1>, vector<64x128xf32>
    %jit3A_3178 = arith.constant 5.600000e+01 : f32
    %broadcast_in_dim3A_3179 = vector.broadcast %jit3A_3178 : f32 to vector<64x128xf32>
    %select_n3A_3180 = arith.select %gt3A_3176, %broadcast_in_dim3A_3179, %select_n3A_3174 : vector<64x128xi1>, vector<64x128xf32>
    %slice3A_3181 = vector.extract_strided_slice %dot_general3A_27 {offsets = [448, 7296], sizes = [64, 128], strides = [1, 1]} : vector<512x8192xf32> to vector<64x128xf32>
    %gt3A_3182 = arith.cmpf ogt, %slice3A_3181, %select_n3A_3177 : vector<64x128xf32>
    %select_n3A_3183 = arith.select %gt3A_3182, %slice3A_3181, %select_n3A_3177 : vector<64x128xi1>, vector<64x128xf32>
    %jit3A_3184 = arith.constant 5.700000e+01 : f32
    %broadcast_in_dim3A_3185 = vector.broadcast %jit3A_3184 : f32 to vector<64x128xf32>
    %select_n3A_3186 = arith.select %gt3A_3182, %broadcast_in_dim3A_3185, %select_n3A_3180 : vector<64x128xi1>, vector<64x128xf32>
    %slice3A_3187 = vector.extract_strided_slice %dot_general3A_27 {offsets = [448, 7424], sizes = [64, 128], strides = [1, 1]} : vector<512x8192xf32> to vector<64x128xf32>
    %gt3A_3188 = arith.cmpf ogt, %slice3A_3187, %select_n3A_3183 : vector<64x128xf32>
    %select_n3A_3189 = arith.select %gt3A_3188, %slice3A_3187, %select_n3A_3183 : vector<64x128xi1>, vector<64x128xf32>
    %jit3A_3190 = arith.constant 5.800000e+01 : f32
    %broadcast_in_dim3A_3191 = vector.broadcast %jit3A_3190 : f32 to vector<64x128xf32>
    %select_n3A_3192 = arith.select %gt3A_3188, %broadcast_in_dim3A_3191, %select_n3A_3186 : vector<64x128xi1>, vector<64x128xf32>
    %slice3A_3193 = vector.extract_strided_slice %dot_general3A_27 {offsets = [448, 7552], sizes = [64, 128], strides = [1, 1]} : vector<512x8192xf32> to vector<64x128xf32>
    %gt3A_3194 = arith.cmpf ogt, %slice3A_3193, %select_n3A_3189 : vector<64x128xf32>
    %select_n3A_3195 = arith.select %gt3A_3194, %slice3A_3193, %select_n3A_3189 : vector<64x128xi1>, vector<64x128xf32>
    %jit3A_3196 = arith.constant 5.900000e+01 : f32
    %broadcast_in_dim3A_3197 = vector.broadcast %jit3A_3196 : f32 to vector<64x128xf32>
    %select_n3A_3198 = arith.select %gt3A_3194, %broadcast_in_dim3A_3197, %select_n3A_3192 : vector<64x128xi1>, vector<64x128xf32>
    %slice3A_3199 = vector.extract_strided_slice %dot_general3A_27 {offsets = [448, 7680], sizes = [64, 128], strides = [1, 1]} : vector<512x8192xf32> to vector<64x128xf32>
    %gt3A_3200 = arith.cmpf ogt, %slice3A_3199, %select_n3A_3195 : vector<64x128xf32>
    %select_n3A_3201 = arith.select %gt3A_3200, %slice3A_3199, %select_n3A_3195 : vector<64x128xi1>, vector<64x128xf32>
    %jit3A_3202 = arith.constant 6.000000e+01 : f32
    %broadcast_in_dim3A_3203 = vector.broadcast %jit3A_3202 : f32 to vector<64x128xf32>
    %select_n3A_3204 = arith.select %gt3A_3200, %broadcast_in_dim3A_3203, %select_n3A_3198 : vector<64x128xi1>, vector<64x128xf32>
    %slice3A_3205 = vector.extract_strided_slice %dot_general3A_27 {offsets = [448, 7808], sizes = [64, 128], strides = [1, 1]} : vector<512x8192xf32> to vector<64x128xf32>
    %gt3A_3206 = arith.cmpf ogt, %slice3A_3205, %select_n3A_3201 : vector<64x128xf32>
    %select_n3A_3207 = arith.select %gt3A_3206, %slice3A_3205, %select_n3A_3201 : vector<64x128xi1>, vector<64x128xf32>
    %jit3A_3208 = arith.constant 6.100000e+01 : f32
    %broadcast_in_dim3A_3209 = vector.broadcast %jit3A_3208 : f32 to vector<64x128xf32>
    %select_n3A_3210 = arith.select %gt3A_3206, %broadcast_in_dim3A_3209, %select_n3A_3204 : vector<64x128xi1>, vector<64x128xf32>
    %slice3A_3211 = vector.extract_strided_slice %dot_general3A_27 {offsets = [448, 7936], sizes = [64, 128], strides = [1, 1]} : vector<512x8192xf32> to vector<64x128xf32>
    %gt3A_3212 = arith.cmpf ogt, %slice3A_3211, %select_n3A_3207 : vector<64x128xf32>
    %select_n3A_3213 = arith.select %gt3A_3212, %slice3A_3211, %select_n3A_3207 : vector<64x128xi1>, vector<64x128xf32>
    %jit3A_3214 = arith.constant 6.200000e+01 : f32
    %broadcast_in_dim3A_3215 = vector.broadcast %jit3A_3214 : f32 to vector<64x128xf32>
    %select_n3A_3216 = arith.select %gt3A_3212, %broadcast_in_dim3A_3215, %select_n3A_3210 : vector<64x128xi1>, vector<64x128xf32>
    %slice3A_3217 = vector.extract_strided_slice %dot_general3A_27 {offsets = [448, 8064], sizes = [64, 128], strides = [1, 1]} : vector<512x8192xf32> to vector<64x128xf32>
    %gt3A_3218 = arith.cmpf ogt, %slice3A_3217, %select_n3A_3213 : vector<64x128xf32>
    %select_n3A_3219 = arith.select %gt3A_3218, %slice3A_3217, %select_n3A_3213 : vector<64x128xi1>, vector<64x128xf32>
    %jit3A_3220 = arith.constant 6.300000e+01 : f32
    %broadcast_in_dim3A_3221 = vector.broadcast %jit3A_3220 : f32 to vector<64x128xf32>
    %select_n3A_3222 = arith.select %gt3A_3218, %broadcast_in_dim3A_3221, %select_n3A_3216 : vector<64x128xi1>, vector<64x128xf32>
    %mul3A_3223 = arith.constant 1.280000e+02 : f32
    %mul3A_3224 = vector.broadcast %mul3A_3223 : f32 to vector<64x128xf32>
    %mul3A_3225 = arith.mulf %select_n3A_3222, %mul3A_3224 : vector<64x128xf32>
    %get3A_3226 = arith.constant 0 : index
    %get3A_3227 = arith.constant 0 : index
    %get3A_3228 = vector.load %arg6[%get3A_3226, %get3A_3227] : memref<1x8192xf32, #tpu.memory_space<vmem>>, vector<1x128xf32>
    %add3A_3229 = vector.broadcast %get3A_3228 : vector<1x128xf32> to vector<64x128xf32>
    %add3A_3230 = arith.addf %mul3A_3225, %add3A_3229 : vector<64x128xf32>
    %reduce_max3A_3231 = arith.constant dense<0xFF800000> : vector<64xf32>
    %reduce_max3A_3232 = vector.multi_reduction <maximumf>, %select_n3A_3219, %reduce_max3A_3231 [1] : vector<64x128xf32> to vector<64xf32>
    %broadcast_in_dim3A_3233 = vector.shape_cast %reduce_max3A_3232 : vector<64xf32> to vector<64x1xf32>
    %eq3A_3234 = vector.broadcast %broadcast_in_dim3A_3233 : vector<64x1xf32> to vector<64x128xf32>
    %eq3A_3235 = arith.cmpf oeq, %select_n3A_3219, %eq3A_3234 : vector<64x128xf32>
    %jit3A_3236 = arith.constant 8.192000e+03 : f32
    %broadcast_in_dim3A_3237 = vector.broadcast %jit3A_3236 : f32 to vector<64x128xf32>
    %select_n3A_3238 = arith.select %eq3A_3235, %add3A_3230, %broadcast_in_dim3A_3237 : vector<64x128xi1>, vector<64x128xf32>
    %reduce_min3A_3239 = arith.constant dense<0x7F800000> : vector<64xf32>
    %reduce_min3A_3240 = vector.multi_reduction <minimumf>, %select_n3A_3238, %reduce_min3A_3239 [1] : vector<64x128xf32> to vector<64xf32>
    %min3A_3241 = arith.constant 8.191000e+03 : f32
    %min3A_3242 = vector.broadcast %min3A_3241 : f32 to vector<64xf32>
    %min3A_3243 = arith.minimumf %reduce_min3A_3240, %min3A_3242 : vector<64xf32>
    %convert_element_type3A_3244 = arith.fptosi %min3A_3243 : vector<64xf32> to vector<64xi32>
    %concatenate3A = tpu.concatenate %convert_element_type3A_423, %convert_element_type3A_826, %convert_element_type3A_1229, %convert_element_type3A_1632, %convert_element_type3A_2035, %convert_element_type3A_2438, %convert_element_type3A_2841, %convert_element_type3A_3244 in 0 : vector<64xi32>, vector<64xi32>, vector<64xi32>, vector<64xi32>, vector<64xi32>, vector<64xi32>, vector<64xi32>, vector<64xi32> -> vector<512xi32>
    %swap3A_3245 = arith.constant 0 : index
    %swap3A_3246 = vector.load %arg4[%swap3A_3245] : memref<512xi32, #tpu.memory_space<vmem>>, vector<512xi32>
    tpu.vector_store %arg4[%swap3A_3245], %concatenate3A {strides = array<i32>} : memref<512xi32, #tpu.memory_space<vmem>>, vector<512xi32>,
    return
  }
  func.func @transform_0(%arg0: i32) -> (i32, i32) {
    %c0_i32 = arith.constant 0 : i32
    %c0_i32_0 = arith.constant 0 : i32
    return %arg0, %c0_i32 : i32, i32
  }
  func.func @transform_1(%arg0: i32) -> (i32, i32) {
    %c0_i32 = arith.constant 0 : i32
    %c0_i32_0 = arith.constant 0 : i32
    %c0_i32_1 = arith.constant 0 : i32
    return %c0_i32, %c0_i32_0 : i32, i32
  }
  func.func @transform_2(%arg0: i32) -> (i32, i32) {
    %c0_i32 = arith.constant 0 : i32
    %c0_i32_0 = arith.constant 0 : i32
    return %arg0, %c0_i32 : i32, i32
  }
  func.func @transform_3(%arg0: i32) -> i32 {
    %c0_i32 = arith.constant 0 : i32
    return %arg0 : i32
  }
}

</mosaic_0001>

<sc_bundles>
// kernel: kernel.4.cloned.1.call-start
scs
__scs_entry_jumppad:
0x0: {  	(pc) =	sbr.rel $0x88, $3  }
0x1: {  	(tag) =	ssettag $0x0;
	lr =	simm.s32 $0x1  }
0x2: {  	[smem:$0x3F9F] =	sst lr;
	_ =	strace $0xD0000000  }
0x3: {  	_ = 	snop  }
0x4: {  	_ = 	snop  }
0x5: {  	_ = 	snop  }
0x6: {  	_ = 	snop  }
0x7: {  	_ = 	snop  }
__scs_overlays_trampoline_lowered:
0x8: {  	[smem:$0x3FAE] =	sst s0  }
0x9: {  	[smem:$0x3FAF] =	sst s1  }
0xa: {  	[smem:$0x3FB0] =	sst s2  }
0xb: {  	[smem:$0x3FB1] =	sst s3  }
0xc: {  	[smem:$0x3FB2] =	sst s4  }
0xd: {  	[smem:$0x3FB3] =	sst s5  }
0xe: {  	[smem:$0x3FB4] =	sst s6  }
0xf: {  	[smem:$0x3FB5] =	sst s7  }
0x10: {  	[smem:$0x3FB6] =	sst s8  }
0x11: {  	[smem:$0x3FB7] =	sst s9;
	s0 =	simm.s32 @!p0 $0x0  }
0x12: {  	s1 =	sld [smem:$0x3F9D];
	s0 =	simm.s32 @p0 $0x1  }
0x13: {  	[smem:$0x3FB8] =	sst s0;
	s0 =	simm.s32 @!p1 $0x0  }
0x14: {  	s2 =	sld [smem:$0x3F9C];
	s0 =	simm.s32 @p1 $0x1  }
0x15: {  	[smem:$0x3FB9] =	sst s0;
	s0 =	simm.s32 @!p2 $0x0  }
0x16: {  	s3 =	sld [smem:$0x3FDB];
	s0 =	simm.s32 @p2 $0x1  }
0x17: {  	s4 =	simm.s32 $0x1BF5;
	[smem:$0x3FBB] =	sst s0  }
0x18: {  	s0 =	sld [smem:$0x3F9E];
	_ =	swait.ge [sflag:s4], $0x0  }
0x19: {  	s7 =	sld [smem:$0x3F9F]  }
0x1a: {  	s8 =	sadd.s32 $0xFFFFE003, lr  }
0x1b: {  	s9 =	sadd.s32 $0xFFFFFEF7, lr;
	s5 =	simm.s32 $0xFFFFFFFF;
	p2 =	slt.u32 s8, $0xFFFFF086  }
0x1c: {  	p1 =	slt.u32 s9, $0xF7A;
	s5 =	simm.s32 @!p2 $0x0  }
0x1d: {  	s5 =	simm.s32 @p1 $0x1;
	p0 =	seq.s32 s7, s2  }
0x1e: {  	s7 =	smul.u32 @!p0 $0xF7A, s2;
	p2 =	seq.s32 @!p0 s5, $0x0  }
0x1f: {  	s9 =	smul.u32 $0xF7A, s1;
	s8 =	simm.s32 @!p0 $0x1BF5;
	p2 =	por !p2, p0  }
0x20: {  	[sflag:s8] =	ssyncset.s32 @!p0 $0xFFFFF086;
	s6 =	sadd.s32 @!p0 s3, s7;
	s7 =	simm.s32 @!p0 $0x108  }
0x21: {  	s3 =	sadd.s32 s3, s9;
	s6 =	sadd.s32 @!p0 $0x88, s6;
	s7 =	simm.s32 @p2 $0x1082  }
0x22: {  	[simem:s7], [sflag:s8] =	dma.local @!p0 [hbm:s6], $0xF7A  }
0x23: {  	s9 =	sor.u32 $0xD0000000, s2;
	s6 =	simm.s32 $0x108;
	_ =	swait.ge @!p0 [sflag:s8], $0x0  }
0x24: {  	s3 =	sadd.s32 $0x88, s3;
	s6 =	simm.s32 @!p1 $0x1082;
	[sflag:s4] =	ssyncset.s32 $0xFFFFF086  }
0x25: {  	[simem:s6], [sflag:s4] =	dma.local [hbm:s3], $0xF7A  }
0x26: {  	[smem:$0x3F9F] =	sst s1;
	(tag) =	ssettag s2;
	_ =	strace s9  }
0x27: {  	s1 =	sld [smem:$0x3FAF]  }
0x28: {  	s2 =	sld [smem:$0x3FB0]  }
0x29: {  	s4 =	sld [smem:$0x3FB2]  }
0x2a: {  	p0 =	seq.s32 s5, $0x0;
	s5 =	sld [smem:$0x3FB3]  }
0x2b: {  	s6 =	sld [smem:$0x3FB4]  }
0x2c: {  	s7 =	sld [smem:$0x3FB5]  }
0x2d: {  	s3 =	simm.s32 $0x108;
	s8 =	sld [smem:$0x3FB6]  }
0x2e: {  	s3 =	simm.s32 @!p0 $0x1082;
	s9 =	sld [smem:$0x3FB7]  }
0x2f: {  	lr =	sadd.s32 s0, s3;
	s0 =	sld [smem:$0x3FAE]  }
0x30: {  	s3 =	sld [smem:$0x3FB1]  }
0x31: {  	[smem:$0x3FBA] =	sst s10  }
0x32: {  	s10 =	sld [smem:$0x3FB8];
	_ =	sdelay $0x3  }
0x33: {  	p0 =	seq.s32 s10, $0x1;
	s10 =	sld [smem:$0x3FBA];
	_ =	sdelay $0x3  }
0x34: {  	[smem:$0x3FBA] =	sst s10  }
0x35: {  	s10 =	sld [smem:$0x3FB9];
	_ =	sdelay $0x3  }
0x36: {  	p1 =	seq.s32 s10, $0x1;
	s10 =	sld [smem:$0x3FBA];
	_ =	sdelay $0x3  }
0x37: {  	[smem:$0x3FBA] =	sst s10  }
0x38: {  	s10 =	sld [smem:$0x3FBB]  }
0x39: {  	_ = 	snop;
	(pc) =	sbr.ind lr, $3  }
0x3a: {  	_ = 	snop  }
0x3b: {  	_ = 	snop  }
0x3c: {  	p2 =	seq.s32 s10, $0x1;
	s10 =	sld [smem:$0x3FBA]  }
0x3d: {  	_ =	shalt  }
0x3e: {  	_ =	shalt  }
0x3f: {  	_ =	shalt  }
0x40: {  	_ =	shalt  }
0x41: {  	_ =	shalt  }
0x42: {  	_ =	shalt  }
0x43: {  	_ =	shalt  }
0x44: {  	_ =	shalt  }
0x45: {  	_ =	shalt  }
0x46: {  	_ =	shalt  }
0x47: {  	_ =	shalt  }
0x48: {  	_ =	shalt  }
0x49: {  	_ =	shalt  }
0x4a: {  	_ =	shalt  }
0x4b: {  	_ =	shalt  }
0x4c: {  	_ =	shalt  }
0x4d: {  	_ =	shalt  }
0x4e: {  	_ =	shalt  }
0x4f: {  	_ =	shalt  }
0x50: {  	_ =	shalt  }
0x51: {  	_ =	shalt  }
0x52: {  	_ =	shalt  }
0x53: {  	_ =	shalt  }
0x54: {  	_ =	shalt  }
0x55: {  	_ =	shalt  }
0x56: {  	_ =	shalt  }
0x57: {  	_ =	shalt  }
0x58: {  	_ =	shalt  }
0x59: {  	_ =	shalt  }
0x5a: {  	_ =	shalt  }
0x5b: {  	_ =	shalt  }
0x5c: {  	_ =	shalt  }
0x5d: {  	_ =	shalt  }
0x5e: {  	_ =	shalt  }
0x5f: {  	_ =	shalt  }
0x60: {  	_ =	shalt  }
0x61: {  	_ =	shalt  }
0x62: {  	_ =	shalt  }
0x63: {  	_ =	shalt  }
0x64: {  	_ =	shalt  }
0x65: {  	_ =	shalt  }
0x66: {  	_ =	shalt  }
0x67: {  	_ =	shalt  }
0x68: {  	_ =	shalt  }
0x69: {  	_ =	shalt  }
0x6a: {  	_ =	shalt  }
0x6b: {  	_ =	shalt  }
0x6c: {  	_ =	shalt  }
0x6d: {  	_ =	shalt  }
0x6e: {  	_ =	shalt  }
0x6f: {  	_ =	shalt  }
0x70: {  	_ =	shalt  }
0x71: {  	_ =	shalt  }
0x72: {  	_ =	shalt  }
0x73: {  	_ =	shalt  }
0x74: {  	_ =	shalt  }
0x75: {  	_ =	shalt  }
0x76: {  	_ =	shalt  }
0x77: {  	_ =	shalt  }
0x78: {  	_ =	shalt  }
0x79: {  	_ =	shalt  }
0x7a: {  	_ =	shalt  }
0x7b: {  	_ =	shalt  }
0x7c: {  	_ =	shalt  }
0x7d: {  	_ =	shalt  }
0x7e: {  	_ =	shalt  }
0x7f: {  	_ =	shalt  }
0x80: {  	_ =	shalt  }
0x81: {  	_ =	shalt  }
0x82: {  	_ =	shalt  }
0x83: {  	_ =	shalt  }
0x84: {  	_ =	shalt  }
0x85: {  	_ =	shalt  }
0x86: {  	_ =	shalt  }
0x87: {  	_ =	shalt  }
.Lfunc_end0:
.L_simem_size_0:
called_computation_lowered:
.L_overlay_start_0:
0x88: {  	s2 =	sld [smem:$0x3FD9]  }
0x89: {  	s3 =	sld [smem:$0x3FFE];
	_ =	sdelay $0x1  }
0x8a: {  	s1 =	srdreg.scid  }
0x8b: {  	s0 =	sand.u32 $0x1, s1  }
0x8c: {  	s15 =	sshll.u32 s0, $0xA;
	s2 =	sadd.s32 s3, s2  }
0x8d: {  	s2 =	sadd.s32 s2, s15  }
0x8e: {  	[smem:$0x3FC6] =	sst s2  }
0x8f: {  	_ = 	snop  }
0x90: {  	s2 =	sld [smem:$0x3FD0];
	_ =	sdelay $0x2  }
0x91: {  	s16 =	simm.s32 $0xA;
	s4 =	simm.s32 $0x10  }
0x92: {  	[smem:s4], [sflag:s16] =	dma.local [hbm:s2], $0x1  }
0x93: {  	_ =	swait.eq [sflag:s16], $0x1  }
0x94: {  	s17 =	sld [smem:$0x10];
	[sflag:s16] =	ssyncset.done $0x0  }
0x95: {  	s18 =	sld [smem:$0x11];
	[sflag:s16] =	ssyncadd.s32 $0xFFFFFFFF  }
0x96: {  	s19 =	sld [smem:$0x13];
	(tm) =	ssettm $0x1  }
0x97: {  	s5 =	sld [smem:$0x3FFB];
	_ =	sdelay $0x3  }
0x98: {  	_ =	strace s5  }
0x99: {  	s5 =	sld [smem:$0x3FFC];
	_ =	sdelay $0x3  }
0x9a: {  	_ =	strace s5  }
0x9b: {  	s5 =	sld [smem:$0x3FFD];
	_ =	sdelay $0x3  }
0x9c: {  	_ =	strace s5  }
0x9d: {  	_ =	strace $0x8FFFFFFF  }
0x9e: {  	s20 =	sld [smem:$0x3FDB];
	_ =	sdelay $0x1  }
0x9f: {  	s6 =	simm.s32 $_scs_section_size  }
0xa0: {  	s7 =	simm.s32 $_size__tile_overlayer_lowered;
	s8 =	simm.s32 $_tile_overlayer_lowered  }
0xa1: {  	s23 =	simm.s32 $0x1BFF;
	s22 =	sshll.u32 s8, $0x1;
	s5 =	sadd.s32 s6, s20  }
0xa2: {  	s9 =	simm.s32 $0x0;
	s21 =	sshll.u32 s7, $0x1;
	s7 =	sadd.s32 s22, s5  }
0xa3: {  	[timem:s9], [sflag:s23] =	dma.local [hbm:s7], s21  }
0xa4: {  	_ =	swait.ge [sflag:s23], s21  }
0xa5: {  	s6 =	ssub.s32 $0x0, s21;
	[sflag:s23] =	ssyncset.done $0x0  }
0xa6: {  	[sflag:s23] =	ssyncadd.s32 s6;
	_ =	sdelay $0x1  }
0xa7: {  	s24 =	simm.s32 $0x1B8B  }
0xa8: {  	_ =	swait.ge [sflag:s24], $0x1  }
0xa9: {  	[sflag:s24] =	ssyncset.done $0x0  }
0xaa: {  	s25 =	simm.s32 $0x1B8E;
	[sflag:s24] =	ssyncadd.s32 $0xFFFFFFFF  }
0xab: {  	s26 =	simm.s32 $execute0_lowered;
	[smem:$0x3FD2] =	sst s25  }
0xac: {  	s6 =	sshll.u32 s26, $0x1;
	_ =	strace $0x80000046;
	[dreg:$0x1] =	wrdreg $0xFFFFFFFF  }
0xad: {  	s28 =	simm.s32 $_size_execute0_lowered;
	s5 =	sadd.s32 s5, s6;
	[dreg:$0x0] =	wrdreg $0x0  }
0xae: {  	s6 =	sshll.u32 s28, $0x1;
	[dreg:$0x2] =	wrdreg s5  }
0xaf: {  	[dreg:$0x3] =	wrdreg s6  }
0xb0: {  	[dreg:$0x4] =	wrdreg $0xC0  }
0xb1: {  	_ =	task [dreg:s9], $0x5FFFF  }
0xb2: {  	[dreg:$0x1] =	wrdreg $0xFFFFFFFF  }
0xb3: {  	[dreg:$0x0] =	wrdreg $0x60  }
0xb4: {  	[dreg:$0x2] =	wrdreg s17  }
0xb5: {  	[dreg:$0x3] =	wrdreg s19  }
0xb6: {  	[dreg:$0x4] =	wrdreg s18  }
0xb7: {  	[dreg:$0x5] =	wrdreg $0x9  }
0xb8: {  	_ =	task.clear_ibuf [dreg:s9], $0x6FFFF;
	_ =	strace $0x90000046  }
0xb9: {  	s29 =	simm.s32 $0x9;
	_ =	strace $0x80000048  }
0xba: {  	_ =	swait.ge [sflag:s29], $0x1  }
0xbb: {  	[sflag:s29] =	ssyncadd.s32 $0xFFFFFFFF  }
0xbc: {  	_ =	strace $0x90000048  }
0xbd: {  	_ =	sfence  }
0xbe: {  	s30 =	sld [smem:$0x0];
	_ =	sdelay $0x2  }
0xbf: {  	s31 =	sshll.u32 s1, $0xD;
	s1 =	sshrl.u32 s1, $0x2  }
0xc0: {  	s3 =	sand.u32 $0x4000, s31;
	s1 =	sadd.s32 s1, s30  }
0xc1: {  	s0 =	sor.u32 s3, s0;
	s1 =	sshll.u32 s1, $0x11  }
0xc2: {  	s0 =	sor.u32 s1, s0  }
0xc3: {  	s0 =	sadd.s32 $0x8F2B, s0  }
0xc4: {  	[sflag:s0] =	ssyncadd.remote.s32 $0x1  }
0xc5: {  	_ =	sfence.sel $0xFFFF  }
0xc6: {  	[dreg:$0x0] =	wrdreg $0xFFFFFFFF;
	(pc) =	sbr.abs _section_cstart, $3  }
0xc7: {  	[dreg:$0x1] =	wrdreg $0xFFFFFFFF  }
0xc8: {  	_ =	task.clear_ibuf [dreg:s9], $0x2FFFF;
	_ =	strace $0x9FFFFFFF  }
0xc9: {  	(tm) =	ssettm $0x7FFFFFFF  }
tec
execute0_lowered:
.L_overlay_start_1:
0x0: {  	(tag) =	ssettag $0x1  }
0x1: {  	s1 =	rddreg [dreg:$0x0];
	s2 =	srdreg.scid  }
0x2: {  	s4 =	rddreg [dreg:$0x1];
	s0 =	stileid.u32;
	s23 =	sand.u32 $0x1, s2  }
0x3: {  	s22 =	rddreg [dreg:$0x2];
	s5 =	sshll.u32 s0, $0xB;
	s6 =	sshll.u32 s23, $0xA  }
0x4: {  	s3 =	simm.s32 $0x0;
	s2 =	rddreg [dreg:$0x3];
	s24 =	sor.u32 s6, s5  }
0x5: {  	[smem:$0x7FF] =	sst s3;
	s5 =	sshrl.u32 s24, $0x3  }
0x6: {  	_ =	strace $0x80000047;
	s5 =	sadd.s32 s4, s5;
	s4 =	simm.s32 $0x2  }
0x7: {  	[tilespmem:s3], [sflag:$0x2] =	stream.linear.gather [hbm4b:s5+s3], $0x400, $0x38;
	[tilespmem:$0x8400] =	vst v63  }
0x8: {  	_ =	swait.ge [sflag:s4], $0x400  }
0x9: {  	[sflag:s4] =	ssyncset.done $0x0  }
0xa: {  	s7 =	simm.s32 $0x400;
	s6 =	simm.s32 $0x80;
	[sflag:s4] =	ssyncadd.s32 $0xFFFFFC00  }
0xb: {  	[tilespmem:s7], [sflag:$0x1] =	stream.indirect.gather [hbm4b:s1+s6], $0x20, s3, s6, $0xb8;
	[tilespmem:$0x8400] =	vst v63  }
0xc: {  	s8 =	simm.s32 $0x1400  }
0xd: {  	[tilespmem:s8], [sflag:$0x1] =	stream.indirect.gather [hbm4b:s1+s6], $0x20, s6, s6, $0xb8;
	[tilespmem:$0x8400] =	vst v63  }
0xe: {  	s9 =	simm.s32 $0x100;
	s10 =	simm.s32 $0x2400  }
0xf: {  	[tilespmem:s10], [sflag:$0x1] =	stream.indirect.gather [hbm4b:s1+s6], $0x20, s9, s6, $0xb8;
	[tilespmem:$0x8400] =	vst v63  }
0x10: {  	s11 =	simm.s32 $0x180;
	s12 =	simm.s32 $0x3400  }
0x11: {  	[tilespmem:s12], [sflag:$0x1] =	stream.indirect.gather [hbm4b:s1+s6], $0x20, s11, s6, $0xb8;
	[tilespmem:$0x8400] =	vst v63  }
0x12: {  	s13 =	simm.s32 $0x200;
	s14 =	simm.s32 $0x4400  }
0x13: {  	[tilespmem:s14], [sflag:$0x1] =	stream.indirect.gather [hbm4b:s1+s6], $0x20, s13, s6, $0xb8;
	[tilespmem:$0x8400] =	vst v63  }
0x14: {  	s15 =	simm.s32 $0x280;
	s16 =	simm.s32 $0x5400  }
0x15: {  	[tilespmem:s16], [sflag:$0x1] =	stream.indirect.gather [hbm4b:s1+s6], $0x20, s15, s6, $0xb8;
	[tilespmem:$0x8400] =	vst v63  }
0x16: {  	s17 =	simm.s32 $0x300;
	s18 =	simm.s32 $0x6400  }
0x17: {  	[tilespmem:s18], [sflag:$0x1] =	stream.indirect.gather [hbm4b:s1+s6], $0x20, s17, s6, $0xb8;
	[tilespmem:$0x8400] =	vst v63  }
0x18: {  	s19 =	simm.s32 $0x380;
	s20 =	simm.s32 $0x7400;
	s21 =	simm.s32 $0x1  }
0x19: {  	[tilespmem:s20], [sflag:$0x1] =	stream.indirect.gather [hbm4b:s1+s6], $0x20, s19, s6, $0xb8;
	[tilespmem:$0x8400] =	vst v63  }
0x1a: {  	_ =	swait.ge [sflag:s21], $0x1000  }
0x1b: {  	[sflag:s21] =	ssyncset.done $0x0  }
0x1c: {  	[sflag:s21] =	ssyncadd.s32 $0xFFFFF000  }
0x1d: {  	_ =	swait.ge [sflag:s21], $0x1000  }
0x1e: {  	[sflag:s21] =	ssyncset.done $0x0  }
0x1f: {  	[sflag:s21] =	ssyncadd.s32 $0xFFFFF000  }
0x20: {  	_ =	swait.ge [sflag:s21], $0x1000  }
0x21: {  	[sflag:s21] =	ssyncset.done $0x0  }
0x22: {  	[sflag:s21] =	ssyncadd.s32 $0xFFFFF000  }
0x23: {  	_ =	swait.ge [sflag:s21], $0x1000  }
0x24: {  	[sflag:s21] =	ssyncset.done $0x0  }
0x25: {  	[sflag:s21] =	ssyncadd.s32 $0xFFFFF000  }
0x26: {  	_ =	swait.ge [sflag:s21], $0x1000  }
0x27: {  	[sflag:s21] =	ssyncset.done $0x0  }
0x28: {  	[sflag:s21] =	ssyncadd.s32 $0xFFFFF000  }
0x29: {  	_ =	swait.ge [sflag:s21], $0x1000  }
0x2a: {  	[sflag:s21] =	ssyncset.done $0x0  }
0x2b: {  	s23 =	ssub.s32 $0x2, s23;
	[sflag:s21] =	ssyncadd.s32 $0xFFFFF000  }
0x2c: {  	s25 =	sshrl.u32 s23, $0x1;
	_ =	swait.ge [sflag:s21], $0x1000  }
0x2d: {  	s23 =	ssub.s32 s23, s25;
	[sflag:s21] =	ssyncset.done $0x0  }
0x2e: {  	s23 =	smax.u32 s23, $0x1;
	[sflag:s21] =	ssyncadd.s32 $0xFFFFF000  }
0x2f: {  	p0 =	sne.s32 s23, $0x1;
	_ =	swait.ge [sflag:s21], $0x1000  }
.Ltmp0:
0x30: {  	s24 =	sshll.u32 s24, $0x2;
	[sflag:s21] =	ssyncset.done $0x0;
	(pc) =	sbr.rel @!p0 .LBB2_2-.Ltmp0, $4  }
0x31: {  	s22 =	sadd.s32 s22, s24;
	[sflag:s21] =	ssyncadd.s32 $0xFFFFF000  }
0x32: {  	[hbm4b:s22+s3] =	stream.linear.scatter [tilespmem:s7], [sflag:$0x2], $0x8000, $0x38;
	[tilespmem:$0x8400] =	vst v63  }
0x33: {  	_ =	swait.ge [sflag:s4], $0x8000  }
0x34: {  	s23 =	sadd.s32 $0xFFFFFFFF, s23;
	[sflag:s4] =	ssyncset.done $0x0  }
.LBB2_1:
0x35: {  	p0 =	sne.s32 s23, $0x1;
	s23 =	sadd.s32 $0xFFFFFFFF, s23;
	[sflag:s4] =	ssyncadd.s32 $0xFFFF8000  }
0x36: {  	[tilespmem:s3], [sflag:$0x2] =	stream.linear.gather [hbm4b:s5+s3], $0x400, $0x38;
	[tilespmem:$0x8400] =	vst v63  }
0x37: {  	_ =	swait.ge [sflag:s4], $0x400  }
0x38: {  	[sflag:s4] =	ssyncset.done $0x0  }
0x39: {  	[sflag:s4] =	ssyncadd.s32 $0xFFFFFC00  }
0x3a: {  	[tilespmem:s7], [sflag:$0x1] =	stream.indirect.gather [hbm4b:s1+s6], $0x20, s3, s6, $0xb8;
	[tilespmem:$0x8400] =	vst v63  }
0x3b: {  	_ = 	snop  }
0x3c: {  	[tilespmem:s8], [sflag:$0x1] =	stream.indirect.gather [hbm4b:s1+s6], $0x20, s6, s6, $0xb8;
	[tilespmem:$0x8400] =	vst v63  }
0x3d: {  	_ = 	snop  }
0x3e: {  	[tilespmem:s10], [sflag:$0x1] =	stream.indirect.gather [hbm4b:s1+s6], $0x20, s9, s6, $0xb8;
	[tilespmem:$0x8400] =	vst v63  }
0x3f: {  	_ = 	snop  }
0x40: {  	[tilespmem:s12], [sflag:$0x1] =	stream.indirect.gather [hbm4b:s1+s6], $0x20, s11, s6, $0xb8;
	[tilespmem:$0x8400] =	vst v63  }
0x41: {  	_ = 	snop  }
0x42: {  	[tilespmem:s14], [sflag:$0x1] =	stream.indirect.gather [hbm4b:s1+s6], $0x20, s13, s6, $0xb8;
	[tilespmem:$0x8400] =	vst v63  }
0x43: {  	_ = 	snop  }
0x44: {  	[tilespmem:s16], [sflag:$0x1] =	stream.indirect.gather [hbm4b:s1+s6], $0x20, s15, s6, $0xb8;
	[tilespmem:$0x8400] =	vst v63  }
0x45: {  	_ = 	snop  }
0x46: {  	[tilespmem:s18], [sflag:$0x1] =	stream.indirect.gather [hbm4b:s1+s6], $0x20, s17, s6, $0xb8;
	[tilespmem:$0x8400] =	vst v63  }
0x47: {  	_ = 	snop  }
0x48: {  	[tilespmem:s20], [sflag:$0x1] =	stream.indirect.gather [hbm4b:s1+s6], $0x20, s19, s6, $0xb8;
	[tilespmem:$0x8400] =	vst v63  }
0x49: {  	_ =	swait.ge [sflag:s21], $0x1000  }
0x4a: {  	[sflag:s21] =	ssyncset.done $0x0  }
0x4b: {  	[sflag:s21] =	ssyncadd.s32 $0xFFFFF000  }
0x4c: {  	_ =	swait.ge [sflag:s21], $0x1000  }
0x4d: {  	[sflag:s21] =	ssyncset.done $0x0  }
0x4e: {  	[sflag:s21] =	ssyncadd.s32 $0xFFFFF000  }
0x4f: {  	_ =	swait.ge [sflag:s21], $0x1000  }
0x50: {  	[sflag:s21] =	ssyncset.done $0x0  }
0x51: {  	[sflag:s21] =	ssyncadd.s32 $0xFFFFF000  }
0x52: {  	_ =	swait.ge [sflag:s21], $0x1000  }
0x53: {  	[sflag:s21] =	ssyncset.done $0x0  }
0x54: {  	[sflag:s21] =	ssyncadd.s32 $0xFFFFF000  }
0x55: {  	_ =	swait.ge [sflag:s21], $0x1000  }
0x56: {  	[sflag:s21] =	ssyncset.done $0x0  }
0x57: {  	[sflag:s21] =	ssyncadd.s32 $0xFFFFF000  }
0x58: {  	_ =	swait.ge [sflag:s21], $0x1000  }
0x59: {  	[sflag:s21] =	ssyncset.done $0x0  }
0x5a: {  	[sflag:s21] =	ssyncadd.s32 $0xFFFFF000  }
0x5b: {  	_ =	swait.ge [sflag:s21], $0x1000  }
0x5c: {  	[sflag:s21] =	ssyncset.done $0x0  }
0x5d: {  	[sflag:s21] =	ssyncadd.s32 $0xFFFFF000  }
0x5e: {  	_ =	swait.ge [sflag:s21], $0x1000  }
.Ltmp1:
0x5f: {  	[sflag:s21] =	ssyncset.done $0x0;
	(pc) =	sbr.rel @p0 .LBB2_1-.Ltmp1, $4  }
0x60: {  	[sflag:s21] =	ssyncadd.s32 $0xFFFFF000  }
0x61: {  	[hbm4b:s22+s3] =	stream.linear.scatter [tilespmem:s7], [sflag:$0x2], $0x8000, $0x38;
	[tilespmem:$0x8400] =	vst v63  }
0x62: {  	_ =	swait.ge [sflag:s4], $0x8000  }
0x63: {  	[sflag:s4] =	ssyncset.done $0x0  }
.LBB2_2:
0x64: {  	[sflag:s4] =	ssyncadd.s32 $0xFFFF8000  }
0x65: {  	_ =	sfence.sel $0x180000  }
0x66: {  	[bflag:$0x0] =	sbarrier.arrive $0xFFFF  }
0x67: {  	p0 =	sne.s32 s0, $0x0;
	_ =	strace $0x90000047  }
0x68: {  	s0 =	sadd.s32 @!p0 $0x100000, s2;
	[bflag:$0x2] =	sbarrier.arrive $0xFFFF  }
0x69: {  	[sflag:s0] =	ssyncadd.tile.s32 @!p0 $0x1;
	_ =	shalt  }
.Lfunc_end2:
_tile_overlayer_lowered:
.L_overlay_start_2:
0x6a: {  	(tag) =	ssettag $0x2  }
0x6b: {  	s0 =	rddreg [dreg:$0x0];
	s2 =	stileid.u32  }
0x6c: {  	s1 =	rddreg [dreg:$0x1];
	p0 =	sne.s32 s2, $0x0  }
0x6d: {  	s3 =	rddreg [dreg:$0x2];
	[bflag:$0x3] =	sbarrier.arrive $0xFFFF;
	s2 =	simm.s32 @!p0 $0x1C02  }
0x6e: {  	[timem:s3], [sflag:s2] =	dma.local @!p0 [hbm:s0], s1  }
0x6f: {  	s0 =	simm.s32 @!p0 $0x2  }
0x70: {  	_ =	swait.ge @!p0 [sflag:s0], s1  }
0x71: {  	s1 =	ssub.s32 @!p0 $0x0, s1;
	[sflag:s0] =	ssyncset.done @!p0 $0x0  }
0x72: {  	[sflag:s0] =	ssyncadd.s32 @!p0 s1  }
0x73: {  	[bflag:$0x3] =	sbarrier.arrive $0xFFFF  }
0x74: {  	_ =	shalt  }

</sc_bundles>
